<compile_context>
chip_gen: v7x
topology: tpu7x:2x2x1
jax: 0.10.2.dev20260603
libtpu: 0.0.44.dev20260713+nightly
codegen_flags: <defaults>
</compile_context>

<pallas_src>
import functools

import jax
import jax.numpy as jnp
from jax import lax
from jax.experimental import pallas as pl
from jax.experimental.pallas import tpu as pltpu
from jax.experimental.pallas import tpu_sc as plsc

N = 10000
E = 320000
DH = 64
NC = 2
NS = 16
L = 16
F = 4
C = 2000
EH = E // NC
EP1 = E // (NC * NS)
RB = 8000

_F32 = jnp.float32


def _dot(a, b):
    return lax.dot_general(a, b, (((1,), (0,)), ((), ())),
                           preferred_element_type=_F32)


def _dot11(a, b):
    return lax.dot_general(a, b, (((1,), (1,)), ((), ())),
                           preferred_element_type=_F32)



def _sc_body(layer1, *refs):
    if layer1:
        (src_h, dst_h, ea0_h, ea1_h, ea2_h, ae_h, as_h, ad_h, xpt_h,
         p_h, dnp_h, rows_h, dsp_h, *scr) = refs
    else:
        (src_h, dst_h, ae_h, as_h, ad_h, xpt_h,
         p_h, dnp_h, rows_h, *scr) = refs
        ea0_h = ea1_h = ea2_h = dsp_h = None
    (asrc_v, adst_v, xc_v, acc_v, src_v, dst_v, f0_v, f1_v, f2_v, f3_v,
     f4_v, srcb_v, dstb_v, f0b_v, sem) = scr

    c = lax.axis_index("c")
    s = lax.axis_index("s")
    tid = c * NS + s

    pltpu.sync_copy(as_h, asrc_v)
    pltpu.sync_copy(ad_h, adst_v)
    zeros16 = jnp.zeros((L,), _F32)
    ones16 = jnp.ones((L,), _F32)

    def _z1(i, _):
        for u in range(5):
            xc_v[pl.ds(i * 5 * L + u * L, L)] = zeros16
        return 0

    lax.fori_loop(0, N // (5 * L), _z1, 0)
    if layer1:
        def _z4(i, _):
            for u in range(5):
                acc_v[pl.ds(i * 5 * L + u * L, L)] = zeros16
            return 0

        lax.fori_loop(0, F * N // (5 * L), _z4, 0)

    base1 = c * EH + s * EP1
    P1C = EP1 // C
    p1bufs = ((src_v, dst_v, f4_v), (srcb_v, dstb_v, f0b_v))

    def _p1_issue(k, sv, dv, av):
        cb = base1 + k * C
        pltpu.async_copy(src_h.at[pl.ds(cb, C)], sv, sem)
        pltpu.async_copy(dst_h.at[pl.ds(cb, C)], dv, sem)
        pltpu.async_copy(ae_h.at[pl.ds(cb, C)], av, sem)

    def _p1_drain(k, sv, dv, av):
        cb = base1 + k * C
        pltpu.make_async_copy(src_h.at[pl.ds(cb, C)], sv, sem).wait()
        pltpu.make_async_copy(dst_h.at[pl.ds(cb, C)], dv, sem).wait()
        pltpu.make_async_copy(ae_h.at[pl.ds(cb, C)], av, sem).wait()

    def _p1_proc(k, sv, dv, av):
        cb = base1 + k * C
        if layer1:
            pltpu.sync_copy(ea0_h.at[pl.ds(cb, C)], f0_v)
            pltpu.sync_copy(ea1_h.at[pl.ds(cb, C)], f1_v)
            pltpu.sync_copy(ea2_h.at[pl.ds(cb, C)], f2_v)

        def _grp(j, _):
            for u in range(5):
                sl = pl.ds((j * 5 + u) * L, L)
                si = sv[sl]
                di = dv[sl]
                ae = av[sl]
                al = (plsc.load_gather(asrc_v, [si])
                      + plsc.load_gather(adst_v, [di]) + ae)
                p = jnp.exp(jnp.maximum(al, 0.2 * al))
                f3_v[sl] = p
                plsc.addupdate_scatter(xc_v, [di], p)
                if layer1:
                    plsc.addupdate_scatter(acc_v, [di], ones16)
                    plsc.addupdate_scatter(acc_v, [di + N], f0_v[sl])
                    plsc.addupdate_scatter(acc_v, [di + 2 * N], f1_v[sl])
                    plsc.addupdate_scatter(acc_v, [di + 3 * N], f2_v[sl])
            return 0

        lax.fori_loop(0, C // L // 5, _grp, 0)
        pltpu.sync_copy(f3_v, p_h.at[pl.ds(cb, C)])

    _p1_issue(0, *p1bufs[0])

    def _p1_pair(kk, _):
        k0 = 2 * kk

        @pl.when(k0 + 1 < P1C)
        def _():
            _p1_issue(k0 + 1, *p1bufs[1])

        _p1_drain(k0, *p1bufs[0])
        _p1_proc(k0, *p1bufs[0])

        @pl.when(k0 + 2 < P1C)
        def _():
            _p1_issue(k0 + 2, *p1bufs[0])

        @pl.when(k0 + 1 < P1C)
        def _():
            _p1_drain(k0 + 1, *p1bufs[1])
            _p1_proc(k0 + 1, *p1bufs[1])

        return 0

    lax.fori_loop(0, (P1C + 1) // 2, _p1_pair, 0)

    pltpu.sync_copy(xc_v.at[pl.ds(0, N)], dnp_h.at[pl.ds(tid * N, N)])
    if layer1:
        for r in range(4):
            pltpu.sync_copy(acc_v.at[pl.ds(r * N, N)],
                            dsp_h.at[pl.ds((tid * 4 + r) * N, N)])

    plsc.subcore_barrier()

    for f in range(F):
        pltpu.sync_copy(xpt_h.at[pl.ds((F * s + f) * N, N)],
                        xc_v.at[pl.ds(f * N, N)])

    def _z4b(i, _):
        for u in range(5):
            acc_v[pl.ds(i * 5 * L + u * L, L)] = zeros16
        return 0

    lax.fori_loop(0, F * N // (5 * L), _z4b, 0)

    NCH = EH // C
    bufs = ((src_v, dst_v, f0_v), (srcb_v, dstb_v, f0b_v))

    def _issue(k, sv, dv, pv):
        cb = c * EH + k * C
        pltpu.async_copy(src_h.at[pl.ds(cb, C)], sv, sem)
        pltpu.async_copy(dst_h.at[pl.ds(cb, C)], dv, sem)
        pltpu.async_copy(p_h.at[pl.ds(cb, C)], pv, sem)

    def _drain(k, sv, dv, pv):
        cb = c * EH + k * C
        pltpu.make_async_copy(src_h.at[pl.ds(cb, C)], sv, sem).wait()
        pltpu.make_async_copy(dst_h.at[pl.ds(cb, C)], dv, sem).wait()
        pltpu.make_async_copy(p_h.at[pl.ds(cb, C)], pv, sem).wait()

    def _process(sv, dv, pv):
        def _grp(j, _):
            sl = pl.ds(j * L, L)
            si = sv[sl]
            di = dv[sl]
            p = pv[sl]
            for f in range(F):
                sif = si if f == 0 else si + f * N
                dif = di if f == 0 else di + f * N
                plsc.addupdate_scatter(acc_v, [dif],
                                       plsc.load_gather(xc_v, [sif]) * p)
            return 0

        lax.fori_loop(0, C // L, _grp, 0)

    _issue(0, *bufs[0])

    def _p2_pair(kk, _):
        k0 = 2 * kk
        _issue(k0 + 1, *bufs[1])
        _drain(k0, *bufs[0])
        _process(*bufs[0])

        @pl.when(k0 + 2 < NCH)
        def _():
            _issue(k0 + 2, *bufs[0])

        _drain(k0 + 1, *bufs[1])
        _process(*bufs[1])
        return 0

    lax.fori_loop(0, NCH // 2, _p2_pair, 0)

    for f in range(F):
        pltpu.sync_copy(acc_v.at[pl.ds(f * N, N)],
                        rows_h.at[pl.ds(((c * DH) + F * s + f) * N, N)])


@functools.lru_cache(maxsize=None)
def _make_sc(layer1):
    mesh = plsc.VectorSubcoreMesh(core_axis_name="c", subcore_axis_name="s",
                                  num_cores=NC, num_subcores=NS)
    out_type = [
        jax.ShapeDtypeStruct((E,), _F32),
        jax.ShapeDtypeStruct((NC * NS * N,), _F32),
        jax.ShapeDtypeStruct((NC * DH * N,), _F32),
    ]
    if layer1:
        out_type.append(jax.ShapeDtypeStruct((NC * NS * 4 * N,), _F32))
    scratch = [
        pltpu.VMEM((N,), _F32),
        pltpu.VMEM((N,), _F32),
        pltpu.VMEM((F * N,), _F32),
        pltpu.VMEM((F * N,), _F32),
        pltpu.VMEM((C,), jnp.int32),
        pltpu.VMEM((C,), jnp.int32),
        pltpu.VMEM((C,), _F32),
        pltpu.VMEM((C,), _F32),
        pltpu.VMEM((C,), _F32),
        pltpu.VMEM((C,), _F32),
        pltpu.VMEM((C,), _F32),
        pltpu.VMEM((C,), jnp.int32),
        pltpu.VMEM((C,), jnp.int32),
        pltpu.VMEM((C,), _F32),
        pltpu.SemaphoreType.DMA,
    ]
    return pl.kernel(functools.partial(_sc_body, layer1),
                     out_type=tuple(out_type), mesh=mesh,
                     scratch_types=tuple(scratch),
                     compiler_params=pltpu.CompilerParams(
                         needs_layout_passes=False))


def _sc_layer1(*args):
    return _make_sc(True)(*args)


def _sc_layer23(*args):
    return _make_sc(False)(*args)



def _tc_first_body(x_ref, W_ref, asw_ref, adw_ref, xpt_o, as_o, ad_o):
    xpt = _dot11(W_ref[...], x_ref[...])
    xpt_o[...] = xpt
    as_o[...] = _dot(asw_ref[...], xpt)
    ad_o[...] = _dot(adw_ref[...], xpt)


_tc_first = pl.pallas_call(
    _tc_first_body,
    out_shape=(jax.ShapeDtypeStruct((DH, N), _F32),
               jax.ShapeDtypeStruct((1, N), _F32),
               jax.ShapeDtypeStruct((1, N), _F32)))


def _tc_ae_body(ea_ref, We_ref, atte_ref, ae_o):
    ep = _dot11(ea_ref[...], We_ref[...])
    ae_o[...] = _dot(ep, atte_ref[...])


_tc_ae = pl.pallas_call(
    _tc_ae_body,
    grid=(E // RB,),
    in_specs=[pl.BlockSpec((RB, 3), lambda i: (i, 0)),
              pl.BlockSpec((DH, 3), lambda i: (0, 0)),
              pl.BlockSpec((DH, 1), lambda i: (0, 0))],
    out_specs=pl.BlockSpec((RB, 1), lambda i: (i, 0)),
    out_shape=jax.ShapeDtypeStruct((E, 1), _F32))


def _combine(first, rows_ref, dnp_ref, ds_ref, xpt_ref, as_ref, ad_ref,
             Wec_ref, attec_ref, b_ref, g_ref, be_ref):
    if first:
        dS = jnp.sum(ds_ref[...], axis=0)
        degc = jnp.maximum(dS[0:1], 1.0)
    else:
        dS = ds_ref[...]
        degc = dS[0:1]
    mean_eaT = dS[1:4] / degc
    epl = _dot(Wec_ref[...], mean_eaT)
    ael = _dot(attec_ref[...], epl)
    aloop = as_ref[...] + ad_ref[...] + ael
    ploop = jnp.exp(jnp.maximum(aloop, 0.2 * aloop))
    denom = jnp.sum(dnp_ref[...], axis=0, keepdims=True) + ploop
    r = rows_ref[...]
    rowsT = r[0] + r[1] + ploop * xpt_ref[...]
    outT = rowsT / denom + b_ref[...]
    h = jnp.maximum(outT, 0.01 * outT)
    mu = jnp.mean(h, axis=1, keepdims=True)
    var = jnp.mean((h - mu) ** 2, axis=1, keepdims=True)
    hn = (h - mu) / jnp.sqrt(var + 1e-5) * g_ref[...] + be_ref[...]
    if first:
        sred = jnp.concatenate([degc, dS[1:4]], axis=0)
        return hn, sred
    return hn, None


def _tc_mid_body(first, rows_ref, dnp_ref, ds_ref, xpt_ref, as_ref, ad_ref,
                 Wec_ref, attec_ref, b_ref, g_ref, be_ref, W_ref, asw_ref,
                 adw_ref, xpt_o, as_o, ad_o, *maybe_sred):
    hn, sred = _combine(first, rows_ref, dnp_ref, ds_ref, xpt_ref, as_ref,
                        ad_ref, Wec_ref, attec_ref, b_ref, g_ref, be_ref)
    xpt = _dot(W_ref[...], hn)
    xpt_o[...] = xpt
    as_o[...] = _dot(asw_ref[...], xpt)
    ad_o[...] = _dot(adw_ref[...], xpt)
    if first:
        maybe_sred[0][...] = sred


def _make_tc_mid(first):
    out_shape = [jax.ShapeDtypeStruct((DH, N), _F32),
                 jax.ShapeDtypeStruct((1, N), _F32),
                 jax.ShapeDtypeStruct((1, N), _F32)]
    if first:
        out_shape.append(jax.ShapeDtypeStruct((4, N), _F32))
    return pl.pallas_call(functools.partial(_tc_mid_body, first),
                          out_shape=tuple(out_shape))


_tc_mid1 = _make_tc_mid(True)
_tc_mid2 = _make_tc_mid(False)


def _tc_final_body(rows_ref, dnp_ref, ds_ref, xpt_ref, as_ref, ad_ref,
                   Wec_ref, attec_ref, b_ref, g_ref, be_ref, out_o):
    hn, _ = _combine(False, rows_ref, dnp_ref, ds_ref, xpt_ref, as_ref,
                     ad_ref, Wec_ref, attec_ref, b_ref, g_ref, be_ref)
    out_o[...] = hn.T


_tc_final = pl.pallas_call(
    _tc_final_body, out_shape=jax.ShapeDtypeStruct((N, DH), _F32))



def kernel(x, edge_index, batch, edge_attr,
           W1, att_src1, att_dst1, We1, att_e1, b1, gamma1, beta1,
           W2, att_src2, att_dst2, We2, att_e2, b2, gamma2, beta2,
           W3, att_src3, att_dst3, We3, att_e3, b3, gamma3, beta3):
    src = edge_index[0]
    dst = edge_index[1]
    ea0 = edge_attr[:, 0]
    ea1 = edge_attr[:, 1]
    ea2 = edge_attr[:, 2]

    def row(v):
        return v[None, :]

    def col(v):
        return v[:, None]

    def flat(v):
        return jnp.reshape(v, (-1,))

    ae1 = flat(_tc_ae(edge_attr, We1, col(att_e1)))
    ae2 = flat(_tc_ae(edge_attr, We2, col(att_e2)))
    ae3 = flat(_tc_ae(edge_attr, We3, col(att_e3)))

    xpt1, as1, ad1 = _tc_first(x, W1, row(att_src1), row(att_dst1))
    p1, dnp1, rows1, dsp1 = _sc_layer1(src, dst, ea0, ea1, ea2, ae1,
                                       flat(as1), flat(ad1), flat(xpt1))
    dnp1 = jnp.reshape(dnp1, (NC * NS, N))
    rows1 = jnp.reshape(rows1, (NC, DH, N))
    dsp1 = jnp.reshape(dsp1, (NC * NS, 4, N))
    xpt2, as2, ad2, sred = _tc_mid1(rows1, dnp1, dsp1, xpt1, as1, ad1,
                                    We1, row(att_e1), col(b1), col(gamma1),
                                    col(beta1), W2, row(att_src2),
                                    row(att_dst2))
    p2, dnp2, rows2 = _sc_layer23(src, dst, ae2, flat(as2), flat(ad2),
                                  flat(xpt2))
    dnp2 = jnp.reshape(dnp2, (NC * NS, N))
    rows2 = jnp.reshape(rows2, (NC, DH, N))
    xpt3, as3, ad3 = _tc_mid2(rows2, dnp2, sred, xpt2, as2, ad2,
                              We2, row(att_e2), col(b2), col(gamma2),
                              col(beta2), W3, row(att_src3), row(att_dst3))
    p3, dnp3, rows3 = _sc_layer23(src, dst, ae3, flat(as3), flat(ad3),
                                  flat(xpt3))
    dnp3 = jnp.reshape(dnp3, (NC * NS, N))
    rows3 = jnp.reshape(rows3, (NC, DH, N))
    out = _tc_final(rows3, dnp3, sred, xpt3, as3, ad3, We3, row(att_e3),
                    col(b3), col(gamma3), col(beta3))
    return out

# --- scband reference (transcript-rebuilt; emitter-appended) ---
"""Pipeline reference for scband-gatcn-64579128263347 (READ-ONLY COPY).

The authoritative reference and input builder live on the scoring server;
editing this copy changes nothing except your own understanding.
"""

import jax, jax.numpy as jnp
import numpy as np

N = 10000
E = 320000
D_IN = 128
D_H = 64
D_E = 3


def gat_conv(x, edge_index, edge_attr, W, att_src, att_dst, We, att_e, b):
    n = x.shape[0]
    src = edge_index[0]
    dst = edge_index[1]
    # PyG GATConv default: add self loops, edge_attr fill_value='mean' (scatter-mean by dst)
    deg = jax.ops.segment_sum(jnp.ones_like(src, dtype=jnp.float32), dst, num_segments=n)
    mean_ea = jax.ops.segment_sum(edge_attr, dst, num_segments=n) / jnp.clip(deg, 1.0)[:, None]
    loop = jnp.arange(n, dtype=src.dtype)
    src2 = jnp.concatenate([src, loop])
    dst2 = jnp.concatenate([dst, loop])
    ea2 = jnp.concatenate([edge_attr, mean_ea], axis=0)
    xp = x @ W.T                       # [n, C]
    a_s = xp @ att_src                 # [n]
    a_d = xp @ att_dst                 # [n]
    ep = ea2 @ We.T                    # [E+n, C]
    a_e = ep @ att_e                   # [E+n]
    alpha = jax.nn.leaky_relu(a_s[src2] + a_d[dst2] + a_e, negative_slope=0.2)
    amax = jax.ops.segment_max(alpha, dst2, num_segments=n)
    ex = jnp.exp(alpha - amax[dst2])
    denom = jax.ops.segment_sum(ex, dst2, num_segments=n)
    att = ex / (denom[dst2] + 1e-16)
    out = jax.ops.segment_sum(att[:, None] * xp[src2], dst2, num_segments=n) + b
    return out


def batch_norm(x, gamma, beta):
    mu = x.mean(axis=0)
    var = x.var(axis=0)
    return (x - mu) / jnp.sqrt(var + 1e-5) * gamma + beta


def setup_inputs(seed: int = 0):
    key = jax.random.key(seed)
    ks = jax.random.split(key, 40)
    inp = {}
    inp["x"] = jax.random.normal(ks[0], (N, D_IN), dtype=jnp.float32)
    inp["edge_index"] = jax.random.randint(ks[1], (2, E), 0, N, dtype=jnp.int32)
    inp["batch"] = jnp.zeros((N,), dtype=jnp.int32)
    inp["edge_attr"] = jax.random.normal(ks[2], (E, D_E), dtype=jnp.float32)
    dims = [(D_IN, D_H), (D_H, D_H), (D_H, D_H)]
    i = 3
    for l, (din, dh) in enumerate(dims, start=1):
        inp[f"W{l}"] = jax.random.normal(ks[i], (dh, din), dtype=jnp.float32) / np.sqrt(din); i += 1
        inp[f"att_src{l}"] = jax.random.normal(ks[i], (dh,), dtype=jnp.float32) * 0.1; i += 1
        inp[f"att_dst{l}"] = jax.random.normal(ks[i], (dh,), dtype=jnp.float32) * 0.1; i += 1
        inp[f"We{l}"] = jax.random.normal(ks[i], (dh, D_E), dtype=jnp.float32) / np.sqrt(D_E); i += 1
        inp[f"att_e{l}"] = jax.random.normal(ks[i], (dh,), dtype=jnp.float32) * 0.1; i += 1
        inp[f"b{l}"] = jnp.zeros((dh,), dtype=jnp.float32); i += 1
        inp[f"gamma{l}"] = jnp.ones((dh,), dtype=jnp.float32)
        inp[f"beta{l}"] = jnp.zeros((dh,), dtype=jnp.float32)
    return inp


def reference(x, edge_index, batch, edge_attr,
              W1, att_src1, att_dst1, We1, att_e1, b1, gamma1, beta1,
              W2, att_src2, att_dst2, We2, att_e2, b2, gamma2, beta2,
              W3, att_src3, att_dst3, We3, att_e3, b3, gamma3, beta3):
    # dropout is identity in eval mode
    h = gat_conv(x, edge_index, edge_attr, W1, att_src1, att_dst1, We1, att_e1, b1)
    h = jax.nn.leaky_relu(h, negative_slope=0.01)
    h = batch_norm(h, gamma1, beta1)
    h = gat_conv(h, edge_index, edge_attr, W2, att_src2, att_dst2, We2, att_e2, b2)
    h = jax.nn.leaky_relu(h, negative_slope=0.01)
    h = batch_norm(h, gamma2, beta2)
    h = gat_conv(h, edge_index, edge_attr, W3, att_src3, att_dst3, We3, att_e3, b3)
    h = jax.nn.leaky_relu(h, negative_slope=0.01)
    h = batch_norm(h, gamma3, beta3)
    return h

if __name__ == "__main__":
    import jax
    _d = setup_inputs()
    print(jax.jit(kernel)(*tuple(_d.values())))

</pallas_src>

<mosaic_0001>
#map = affine_map<(d0, d1) -> (0)>
module attributes {stable_mosaic.version = 14 : i64} {
  func.func @_sc_body(%arg0: i32, %arg1: i32, %arg2: memref<320000xi32, #tpu.memory_space<hbm>>, %arg3: memref<320000xi32, #tpu.memory_space<hbm>>, %arg4: memref<320000xf32, #tpu.memory_space<hbm>>, %arg5: memref<10000xf32, #tpu.memory_space<hbm>>, %arg6: memref<10000xf32, #tpu.memory_space<hbm>>, %arg7: memref<640000xf32, #tpu.memory_space<hbm>>, %arg8: memref<320000xf32, #tpu.memory_space<hbm>>, %arg9: memref<320000xf32, #tpu.memory_space<hbm>>, %arg10: memref<1280000xf32, #tpu.memory_space<hbm>>, %arg11: memref<10000xf32, #tpu.memory_space<vmem>>, %arg12: memref<10000xf32, #tpu.memory_space<vmem>>, %arg13: memref<40000xf32, #tpu.memory_space<vmem>>, %arg14: memref<40000xf32, #tpu.memory_space<vmem>>, %arg15: memref<2000xi32, #tpu.memory_space<vmem>>, %arg16: memref<2000xi32, #tpu.memory_space<vmem>>, %arg17: memref<2000xf32, #tpu.memory_space<vmem>>, %arg18: memref<2000xf32, #tpu.memory_space<vmem>>, %arg19: memref<2000xf32, #tpu.memory_space<vmem>>, %arg20: memref<2000xf32, #tpu.memory_space<vmem>>, %arg21: memref<2000xf32, #tpu.memory_space<vmem>>, %arg22: memref<2000xi32, #tpu.memory_space<vmem>>, %arg23: memref<2000xi32, #tpu.memory_space<vmem>>, %arg24: memref<2000xf32, #tpu.memory_space<vmem>>, %arg25: memref<!tpu.dma_semaphore, #tpu.memory_space<semaphore_mem>>) attributes {dimension_semantics = [#tpu.dimension_semantics<core_parallel>, #tpu.dimension_semantics<subcore_parallel>], iteration_bounds = array<i64: 2, 16>, scalar_prefetch = 0 : i64, scratch_operands = 15 : i64, tpu.core_type = #tpu.core_type<sc_vector_subcore>, window_params = [{transform_indices = #map}, {transform_indices = #map}, {transform_indices = #map}, {transform_indices = #map}, {transform_indices = #map}, {transform_indices = #map}, {transform_indices = #map}, {transform_indices = #map}, {transform_indices = #map}]} {
    %mul3A = arith.constant 16 : i32
    %mul3A_0 = arith.muli %arg0, %mul3A : i32
    %add3A = arith.addi %mul3A_0, %arg1 : i32
    "tpu.region"() ({
      %run_scoped3A = tpu.sem_alloc : memref<!tpu.dma_semaphore, #tpu.memory_space<semaphore_mem>>
      tpu.enqueue_dma source(%arg5 : memref<10000xf32, #tpu.memory_space<hbm>>) target(%arg11 : memref<10000xf32, #tpu.memory_space<vmem>>) target_semaphore(%run_scoped3A : memref<!tpu.dma_semaphore, #tpu.memory_space<semaphore_mem>>)
      tpu.wait_dma2 semaphore(%run_scoped3A : memref<!tpu.dma_semaphore, #tpu.memory_space<semaphore_mem>>) src(%arg5 : memref<10000xf32, #tpu.memory_space<hbm>>) dst(%arg11 : memref<10000xf32, #tpu.memory_space<vmem>>)
      tpu.yield
    }) : () -> ()
    "tpu.region"() ({
      %run_scoped3A = tpu.sem_alloc : memref<!tpu.dma_semaphore, #tpu.memory_space<semaphore_mem>>
      tpu.enqueue_dma source(%arg6 : memref<10000xf32, #tpu.memory_space<hbm>>) target(%arg12 : memref<10000xf32, #tpu.memory_space<vmem>>) target_semaphore(%run_scoped3A : memref<!tpu.dma_semaphore, #tpu.memory_space<semaphore_mem>>)
      tpu.wait_dma2 semaphore(%run_scoped3A : memref<!tpu.dma_semaphore, #tpu.memory_space<semaphore_mem>>) src(%arg6 : memref<10000xf32, #tpu.memory_space<hbm>>) dst(%arg12 : memref<10000xf32, #tpu.memory_space<vmem>>)
      tpu.yield
    }) : () -> ()
    %broadcast_in_dim3A = arith.constant 0.000000e+00 : f32
    %broadcast_in_dim3A_1 = vector.broadcast %broadcast_in_dim3A : f32 to vector<16xf32>
    %broadcast_in_dim3A_2 = arith.constant 1.000000e+00 : f32
    %broadcast_in_dim3A_3 = vector.broadcast %broadcast_in_dim3A_2 : f32 to vector<16xf32>
    %scan3A = arith.constant 0 : i32
    %scan3A_4 = arith.constant 0 : i32
    %scan3A_5 = arith.constant 125 : i32
    %scan3A_6 = arith.addi %scan3A_4, %scan3A_5 : i32
    %scan3A_7 = arith.constant 1 : i32
    %scan3A_8 = scf.for %scan3A_115 = %scan3A_4 to %scan3A_6 step %scan3A_7 iter_args(%scan3A_116 = %scan3A) -> (i32)  : i32 {
      %mul3A_117 = arith.constant 5 : i32
      %mul3A_118 = arith.muli %scan3A_115, %mul3A_117 : i32
      %mul3A_119 = arith.constant 16 : i32
      %mul3A_120 = arith.muli %mul3A_118, %mul3A_119 : i32
      %add3A_121 = arith.constant 0 : i32
      %add3A_122 = arith.addi %mul3A_120, %add3A_121 : i32
      %swap3A = arith.index_cast %add3A_122 : i32 to index
      %swap3A_123 = tpu.vector_load %arg13[%swap3A] {strides = array<i32>} : memref<40000xf32, #tpu.memory_space<vmem>>, vector<16xf32>,
      tpu.vector_store %arg13[%swap3A], %broadcast_in_dim3A_1 {strides = array<i32>} : memref<40000xf32, #tpu.memory_space<vmem>>, vector<16xf32>,
      %mul3A_124 = arith.constant 5 : i32
      %mul3A_125 = arith.muli %scan3A_115, %mul3A_124 : i32
      %mul3A_126 = arith.constant 16 : i32
      %mul3A_127 = arith.muli %mul3A_125, %mul3A_126 : i32
      %add3A_128 = arith.constant 16 : i32
      %add3A_129 = arith.addi %mul3A_127, %add3A_128 : i32
      %swap3A_130 = arith.index_cast %add3A_129 : i32 to index
      %swap3A_131 = tpu.vector_load %arg13[%swap3A_130] {strides = array<i32>} : memref<40000xf32, #tpu.memory_space<vmem>>, vector<16xf32>,
      tpu.vector_store %arg13[%swap3A_130], %broadcast_in_dim3A_1 {strides = array<i32>} : memref<40000xf32, #tpu.memory_space<vmem>>, vector<16xf32>,
      %mul3A_132 = arith.constant 5 : i32
      %mul3A_133 = arith.muli %scan3A_115, %mul3A_132 : i32
      %mul3A_134 = arith.constant 16 : i32
      %mul3A_135 = arith.muli %mul3A_133, %mul3A_134 : i32
      %add3A_136 = arith.constant 32 : i32
      %add3A_137 = arith.addi %mul3A_135, %add3A_136 : i32
      %swap3A_138 = arith.index_cast %add3A_137 : i32 to index
      %swap3A_139 = tpu.vector_load %arg13[%swap3A_138] {strides = array<i32>} : memref<40000xf32, #tpu.memory_space<vmem>>, vector<16xf32>,
      tpu.vector_store %arg13[%swap3A_138], %broadcast_in_dim3A_1 {strides = array<i32>} : memref<40000xf32, #tpu.memory_space<vmem>>, vector<16xf32>,
      %mul3A_140 = arith.constant 5 : i32
      %mul3A_141 = arith.muli %scan3A_115, %mul3A_140 : i32
      %mul3A_142 = arith.constant 16 : i32
      %mul3A_143 = arith.muli %mul3A_141, %mul3A_142 : i32
      %add3A_144 = arith.constant 48 : i32
      %add3A_145 = arith.addi %mul3A_143, %add3A_144 : i32
      %swap3A_146 = arith.index_cast %add3A_145 : i32 to index
      %swap3A_147 = tpu.vector_load %arg13[%swap3A_146] {strides = array<i32>} : memref<40000xf32, #tpu.memory_space<vmem>>, vector<16xf32>,
      tpu.vector_store %arg13[%swap3A_146], %broadcast_in_dim3A_1 {strides = array<i32>} : memref<40000xf32, #tpu.memory_space<vmem>>, vector<16xf32>,
      %mul3A_148 = arith.constant 5 : i32
      %mul3A_149 = arith.muli %scan3A_115, %mul3A_148 : i32
      %mul3A_150 = arith.constant 16 : i32
      %mul3A_151 = arith.muli %mul3A_149, %mul3A_150 : i32
      %add3A_152 = arith.constant 64 : i32
      %add3A_153 = arith.addi %mul3A_151, %add3A_152 : i32
      %swap3A_154 = arith.index_cast %add3A_153 : i32 to index
      %swap3A_155 = tpu.vector_load %arg13[%swap3A_154] {strides = array<i32>} : memref<40000xf32, #tpu.memory_space<vmem>>, vector<16xf32>,
      tpu.vector_store %arg13[%swap3A_154], %broadcast_in_dim3A_1 {strides = array<i32>} : memref<40000xf32, #tpu.memory_space<vmem>>, vector<16xf32>,
      %scan3A_156 = arith.constant 0 : i32
      scf.yield %scan3A_156 : i32
    }
    %scan3A_9 = arith.constant 125 : i32
    %mul3A_10 = arith.constant 160000 : i32
    %mul3A_11 = arith.muli %arg0, %mul3A_10 : i32
    %mul3A_12 = arith.constant 10000 : i32
    %mul3A_13 = arith.muli %arg1, %mul3A_12 : i32
    %add3A_14 = arith.addi %mul3A_11, %mul3A_13 : i32
    %add3A_15 = arith.constant 0 : i32
    %add3A_16 = arith.addi %add3A_14, %add3A_15 : i32
    %dma_start3A = tpu.memref_slice %arg2[%add3A_16] : memref<320000xi32, #tpu.memory_space<hbm>> -> memref<2000xi32, #tpu.memory_space<hbm>>
    %dma_start3A_17 = tpu.memref_slice %arg2[%add3A_16] : memref<320000xi32, #tpu.memory_space<hbm>> -> memref<2000xi32, #tpu.memory_space<hbm>>
    tpu.enqueue_dma source(%dma_start3A_17 : memref<2000xi32, #tpu.memory_space<hbm>>) target(%arg15 : memref<2000xi32, #tpu.memory_space<vmem>>) target_semaphore(%arg25 : memref<!tpu.dma_semaphore, #tpu.memory_space<semaphore_mem>>)
    %dma_start3A_18 = tpu.memref_slice %arg3[%add3A_16] : memref<320000xi32, #tpu.memory_space<hbm>> -> memref<2000xi32, #tpu.memory_space<hbm>>
    %dma_start3A_19 = tpu.memref_slice %arg3[%add3A_16] : memref<320000xi32, #tpu.memory_space<hbm>> -> memref<2000xi32, #tpu.memory_space<hbm>>
    tpu.enqueue_dma source(%dma_start3A_19 : memref<2000xi32, #tpu.memory_space<hbm>>) target(%arg16 : memref<2000xi32, #tpu.memory_space<vmem>>) target_semaphore(%arg25 : memref<!tpu.dma_semaphore, #tpu.memory_space<semaphore_mem>>)
    %dma_start3A_20 = tpu.memref_slice %arg4[%add3A_16] : memref<320000xf32, #tpu.memory_space<hbm>> -> memref<2000xf32, #tpu.memory_space<hbm>>
    %dma_start3A_21 = tpu.memref_slice %arg4[%add3A_16] : memref<320000xf32, #tpu.memory_space<hbm>> -> memref<2000xf32, #tpu.memory_space<hbm>>
    tpu.enqueue_dma source(%dma_start3A_21 : memref<2000xf32, #tpu.memory_space<hbm>>) target(%arg21 : memref<2000xf32, #tpu.memory_space<vmem>>) target_semaphore(%arg25 : memref<!tpu.dma_semaphore, #tpu.memory_space<semaphore_mem>>)
    %scan3A_22 = arith.constant 0 : i32
    %scan3A_23 = arith.constant 0 : i32
    %scan3A_24 = arith.constant 3 : i32
    %scan3A_25 = arith.addi %scan3A_23, %scan3A_24 : i32
    %scan3A_26 = arith.constant 1 : i32
    %scan3A_27 = scf.for %scan3A_115 = %scan3A_23 to %scan3A_25 step %scan3A_26 iter_args(%scan3A_116 = %scan3A_22) -> (i32)  : i32 {
      %mul3A_117 = arith.constant 2 : i32
      %mul3A_118 = arith.muli %mul3A_117, %scan3A_115 : i32
      %add3A_119 = arith.constant 1 : i32
      %add3A_120 = arith.addi %mul3A_118, %add3A_119 : i32
      %lt3A = arith.constant 5 : i32
      %lt3A_121 = arith.cmpi slt, %add3A_120, %lt3A : i32
      %convert_element_type3A = arith.extui %lt3A_121 : i1 to i32
      %cond3A = arith.constant 0 : i32
      %cond3A_122 = arith.cmpi ne, %convert_element_type3A, %cond3A : i32
      scf.if %cond3A_122 {
        %add3A_156 = arith.constant 1 : i32
        %add3A_157 = arith.addi %mul3A_118, %add3A_156 : i32
        %mul3A_158 = arith.constant 2000 : i32
        %mul3A_159 = arith.muli %add3A_157, %mul3A_158 : i32
        %add3A_160 = arith.addi %add3A_14, %mul3A_159 : i32
        %dma_start3A_161 = tpu.memref_slice %arg2[%add3A_160] : memref<320000xi32, #tpu.memory_space<hbm>> -> memref<2000xi32, #tpu.memory_space<hbm>>
        %dma_start3A_162 = tpu.memref_slice %arg2[%add3A_160] : memref<320000xi32, #tpu.memory_space<hbm>> -> memref<2000xi32, #tpu.memory_space<hbm>>
        tpu.enqueue_dma source(%dma_start3A_162 : memref<2000xi32, #tpu.memory_space<hbm>>) target(%arg22 : memref<2000xi32, #tpu.memory_space<vmem>>) target_semaphore(%arg25 : memref<!tpu.dma_semaphore, #tpu.memory_space<semaphore_mem>>)
        %dma_start3A_163 = tpu.memref_slice %arg3[%add3A_160] : memref<320000xi32, #tpu.memory_space<hbm>> -> memref<2000xi32, #tpu.memory_space<hbm>>
        %dma_start3A_164 = tpu.memref_slice %arg3[%add3A_160] : memref<320000xi32, #tpu.memory_space<hbm>> -> memref<2000xi32, #tpu.memory_space<hbm>>
        tpu.enqueue_dma source(%dma_start3A_164 : memref<2000xi32, #tpu.memory_space<hbm>>) target(%arg23 : memref<2000xi32, #tpu.memory_space<vmem>>) target_semaphore(%arg25 : memref<!tpu.dma_semaphore, #tpu.memory_space<semaphore_mem>>)
        %dma_start3A_165 = tpu.memref_slice %arg4[%add3A_160] : memref<320000xf32, #tpu.memory_space<hbm>> -> memref<2000xf32, #tpu.memory_space<hbm>>
        %dma_start3A_166 = tpu.memref_slice %arg4[%add3A_160] : memref<320000xf32, #tpu.memory_space<hbm>> -> memref<2000xf32, #tpu.memory_space<hbm>>
        tpu.enqueue_dma source(%dma_start3A_166 : memref<2000xf32, #tpu.memory_space<hbm>>) target(%arg24 : memref<2000xf32, #tpu.memory_space<vmem>>) target_semaphore(%arg25 : memref<!tpu.dma_semaphore, #tpu.memory_space<semaphore_mem>>)
      } else {
      }
      %mul3A_123 = arith.constant 2000 : i32
      %mul3A_124 = arith.muli %mul3A_118, %mul3A_123 : i32
      %add3A_125 = arith.addi %add3A_14, %mul3A_124 : i32
      %dma_wait3A = tpu.memref_slice %arg2[%add3A_125] : memref<320000xi32, #tpu.memory_space<hbm>> -> memref<2000xi32, #tpu.memory_space<hbm>>
      %dma_wait3A_126 = tpu.memref_slice %arg2[%add3A_125] : memref<320000xi32, #tpu.memory_space<hbm>> -> memref<2000xi32, #tpu.memory_space<hbm>>
      tpu.wait_dma2 semaphore(%arg25 : memref<!tpu.dma_semaphore, #tpu.memory_space<semaphore_mem>>) src(%dma_wait3A_126 : memref<2000xi32, #tpu.memory_space<hbm>>) dst(%arg15 : memref<2000xi32, #tpu.memory_space<vmem>>)
      %dma_wait3A_127 = tpu.memref_slice %arg3[%add3A_125] : memref<320000xi32, #tpu.memory_space<hbm>> -> memref<2000xi32, #tpu.memory_space<hbm>>
      %dma_wait3A_128 = tpu.memref_slice %arg3[%add3A_125] : memref<320000xi32, #tpu.memory_space<hbm>> -> memref<2000xi32, #tpu.memory_space<hbm>>
      tpu.wait_dma2 semaphore(%arg25 : memref<!tpu.dma_semaphore, #tpu.memory_space<semaphore_mem>>) src(%dma_wait3A_128 : memref<2000xi32, #tpu.memory_space<hbm>>) dst(%arg16 : memref<2000xi32, #tpu.memory_space<vmem>>)
      %dma_wait3A_129 = tpu.memref_slice %arg4[%add3A_125] : memref<320000xf32, #tpu.memory_space<hbm>> -> memref<2000xf32, #tpu.memory_space<hbm>>
      %dma_wait3A_130 = tpu.memref_slice %arg4[%add3A_125] : memref<320000xf32, #tpu.memory_space<hbm>> -> memref<2000xf32, #tpu.memory_space<hbm>>
      tpu.wait_dma2 semaphore(%arg25 : memref<!tpu.dma_semaphore, #tpu.memory_space<semaphore_mem>>) src(%dma_wait3A_130 : memref<2000xf32, #tpu.memory_space<hbm>>) dst(%arg21 : memref<2000xf32, #tpu.memory_space<vmem>>)
      %mul3A_131 = arith.constant 2000 : i32
      %mul3A_132 = arith.muli %mul3A_118, %mul3A_131 : i32
      %add3A_133 = arith.addi %add3A_14, %mul3A_132 : i32
      %scan3A_134 = arith.constant 0 : i32
      %scan3A_135 = arith.constant 0 : i32
      %scan3A_136 = arith.constant 25 : i32
      %scan3A_137 = arith.addi %scan3A_135, %scan3A_136 : i32
      %scan3A_138 = arith.constant 1 : i32
      %scan3A_139 = scf.for %scan3A_156 = %scan3A_135 to %scan3A_137 step %scan3A_138 iter_args(%scan3A_157 = %scan3A_134) -> (i32)  : i32 {
        %mul3A_158 = arith.constant 5 : i32
        %mul3A_159 = arith.muli %scan3A_156, %mul3A_158 : i32
        %add3A_160 = arith.constant 0 : i32
        %add3A_161 = arith.addi %mul3A_159, %add3A_160 : i32
        %mul3A_162 = arith.constant 16 : i32
        %mul3A_163 = arith.muli %add3A_161, %mul3A_162 : i32
        %get3A = arith.index_cast %mul3A_163 : i32 to index
        %get3A_164 = tpu.vector_load %arg15[%get3A] {strides = array<i32>} : memref<2000xi32, #tpu.memory_space<vmem>>, vector<16xi32>,
        %get3A_165 = arith.index_cast %mul3A_163 : i32 to index
        %get3A_166 = tpu.vector_load %arg16[%get3A_165] {strides = array<i32>} : memref<2000xi32, #tpu.memory_space<vmem>>, vector<16xi32>,
        %get3A_167 = arith.index_cast %mul3A_163 : i32 to index
        %get3A_168 = tpu.vector_load %arg21[%get3A_167] {strides = array<i32>} : memref<2000xf32, #tpu.memory_space<vmem>>, vector<16xf32>,
        %gather3A = tpu.vector_load_idx %arg11[%get3A_164] : memref<10000xf32, #tpu.memory_space<vmem>>[vector<16xi32>], vector<16xf32>,
        %gather3A_169 = tpu.vector_load_idx %arg12[%get3A_166] : memref<10000xf32, #tpu.memory_space<vmem>>[vector<16xi32>], vector<16xf32>,
        %add3A_170 = arith.addf %gather3A, %gather3A_169 : vector<16xf32>
        %add3A_171 = arith.addf %add3A_170, %get3A_168 : vector<16xf32>
        %mul3A_172 = arith.constant 2.000000e-01 : f32
        %mul3A_173 = vector.broadcast %mul3A_172 : f32 to vector<16xf32>
        %mul3A_174 = arith.mulf %mul3A_173, %add3A_171 : vector<16xf32>
        %max3A = arith.maximumf %add3A_171, %mul3A_174 : vector<16xf32>
        %exp3A = math.exp %max3A : vector<16xf32>
        %swap3A = arith.index_cast %mul3A_163 : i32 to index
        %swap3A_175 = tpu.vector_load %arg20[%swap3A] {strides = array<i32>} : memref<2000xf32, #tpu.memory_space<vmem>>, vector<16xf32>,
        tpu.vector_store %arg20[%swap3A], %exp3A {strides = array<i32>} : memref<2000xf32, #tpu.memory_space<vmem>>, vector<16xf32>,
        tpu.vector_store_idx %arg13[%get3A_166], %exp3A {add = true} : memref<40000xf32, #tpu.memory_space<vmem>>[vector<16xi32>], vector<16xf32>,
        %mul3A_176 = arith.constant 5 : i32
        %mul3A_177 = arith.muli %scan3A_156, %mul3A_176 : i32
        %add3A_178 = arith.constant 1 : i32
        %add3A_179 = arith.addi %mul3A_177, %add3A_178 : i32
        %mul3A_180 = arith.constant 16 : i32
        %mul3A_181 = arith.muli %add3A_179, %mul3A_180 : i32
        %get3A_182 = arith.index_cast %mul3A_181 : i32 to index
        %get3A_183 = tpu.vector_load %arg15[%get3A_182] {strides = array<i32>} : memref<2000xi32, #tpu.memory_space<vmem>>, vector<16xi32>,
        %get3A_184 = arith.index_cast %mul3A_181 : i32 to index
        %get3A_185 = tpu.vector_load %arg16[%get3A_184] {strides = array<i32>} : memref<2000xi32, #tpu.memory_space<vmem>>, vector<16xi32>,
        %get3A_186 = arith.index_cast %mul3A_181 : i32 to index
        %get3A_187 = tpu.vector_load %arg21[%get3A_186] {strides = array<i32>} : memref<2000xf32, #tpu.memory_space<vmem>>, vector<16xf32>,
        %gather3A_188 = tpu.vector_load_idx %arg11[%get3A_183] : memref<10000xf32, #tpu.memory_space<vmem>>[vector<16xi32>], vector<16xf32>,
        %gather3A_189 = tpu.vector_load_idx %arg12[%get3A_185] : memref<10000xf32, #tpu.memory_space<vmem>>[vector<16xi32>], vector<16xf32>,
        %add3A_190 = arith.addf %gather3A_188, %gather3A_189 : vector<16xf32>
        %add3A_191 = arith.addf %add3A_190, %get3A_187 : vector<16xf32>
        %mul3A_192 = arith.constant 2.000000e-01 : f32
        %mul3A_193 = vector.broadcast %mul3A_192 : f32 to vector<16xf32>
        %mul3A_194 = arith.mulf %mul3A_193, %add3A_191 : vector<16xf32>
        %max3A_195 = arith.maximumf %add3A_191, %mul3A_194 : vector<16xf32>
        %exp3A_196 = math.exp %max3A_195 : vector<16xf32>
        %swap3A_197 = arith.index_cast %mul3A_181 : i32 to index
        %swap3A_198 = tpu.vector_load %arg20[%swap3A_197] {strides = array<i32>} : memref<2000xf32, #tpu.memory_space<vmem>>, vector<16xf32>,
        tpu.vector_store %arg20[%swap3A_197], %exp3A_196 {strides = array<i32>} : memref<2000xf32, #tpu.memory_space<vmem>>, vector<16xf32>,
        tpu.vector_store_idx %arg13[%get3A_185], %exp3A_196 {add = true} : memref<40000xf32, #tpu.memory_space<vmem>>[vector<16xi32>], vector<16xf32>,
        %mul3A_199 = arith.constant 5 : i32
        %mul3A_200 = arith.muli %scan3A_156, %mul3A_199 : i32
        %add3A_201 = arith.constant 2 : i32
        %add3A_202 = arith.addi %mul3A_200, %add3A_201 : i32
        %mul3A_203 = arith.constant 16 : i32
        %mul3A_204 = arith.muli %add3A_202, %mul3A_203 : i32
        %get3A_205 = arith.index_cast %mul3A_204 : i32 to index
        %get3A_206 = tpu.vector_load %arg15[%get3A_205] {strides = array<i32>} : memref<2000xi32, #tpu.memory_space<vmem>>, vector<16xi32>,
        %get3A_207 = arith.index_cast %mul3A_204 : i32 to index
        %get3A_208 = tpu.vector_load %arg16[%get3A_207] {strides = array<i32>} : memref<2000xi32, #tpu.memory_space<vmem>>, vector<16xi32>,
        %get3A_209 = arith.index_cast %mul3A_204 : i32 to index
        %get3A_210 = tpu.vector_load %arg21[%get3A_209] {strides = array<i32>} : memref<2000xf32, #tpu.memory_space<vmem>>, vector<16xf32>,
        %gather3A_211 = tpu.vector_load_idx %arg11[%get3A_206] : memref<10000xf32, #tpu.memory_space<vmem>>[vector<16xi32>], vector<16xf32>,
        %gather3A_212 = tpu.vector_load_idx %arg12[%get3A_208] : memref<10000xf32, #tpu.memory_space<vmem>>[vector<16xi32>], vector<16xf32>,
        %add3A_213 = arith.addf %gather3A_211, %gather3A_212 : vector<16xf32>
        %add3A_214 = arith.addf %add3A_213, %get3A_210 : vector<16xf32>
        %mul3A_215 = arith.constant 2.000000e-01 : f32
        %mul3A_216 = vector.broadcast %mul3A_215 : f32 to vector<16xf32>
        %mul3A_217 = arith.mulf %mul3A_216, %add3A_214 : vector<16xf32>
        %max3A_218 = arith.maximumf %add3A_214, %mul3A_217 : vector<16xf32>
        %exp3A_219 = math.exp %max3A_218 : vector<16xf32>
        %swap3A_220 = arith.index_cast %mul3A_204 : i32 to index
        %swap3A_221 = tpu.vector_load %arg20[%swap3A_220] {strides = array<i32>} : memref<2000xf32, #tpu.memory_space<vmem>>, vector<16xf32>,
        tpu.vector_store %arg20[%swap3A_220], %exp3A_219 {strides = array<i32>} : memref<2000xf32, #tpu.memory_space<vmem>>, vector<16xf32>,
        tpu.vector_store_idx %arg13[%get3A_208], %exp3A_219 {add = true} : memref<40000xf32, #tpu.memory_space<vmem>>[vector<16xi32>], vector<16xf32>,
        %mul3A_222 = arith.constant 5 : i32
        %mul3A_223 = arith.muli %scan3A_156, %mul3A_222 : i32
        %add3A_224 = arith.constant 3 : i32
        %add3A_225 = arith.addi %mul3A_223, %add3A_224 : i32
        %mul3A_226 = arith.constant 16 : i32
        %mul3A_227 = arith.muli %add3A_225, %mul3A_226 : i32
        %get3A_228 = arith.index_cast %mul3A_227 : i32 to index
        %get3A_229 = tpu.vector_load %arg15[%get3A_228] {strides = array<i32>} : memref<2000xi32, #tpu.memory_space<vmem>>, vector<16xi32>,
        %get3A_230 = arith.index_cast %mul3A_227 : i32 to index
        %get3A_231 = tpu.vector_load %arg16[%get3A_230] {strides = array<i32>} : memref<2000xi32, #tpu.memory_space<vmem>>, vector<16xi32>,
        %get3A_232 = arith.index_cast %mul3A_227 : i32 to index
        %get3A_233 = tpu.vector_load %arg21[%get3A_232] {strides = array<i32>} : memref<2000xf32, #tpu.memory_space<vmem>>, vector<16xf32>,
        %gather3A_234 = tpu.vector_load_idx %arg11[%get3A_229] : memref<10000xf32, #tpu.memory_space<vmem>>[vector<16xi32>], vector<16xf32>,
        %gather3A_235 = tpu.vector_load_idx %arg12[%get3A_231] : memref<10000xf32, #tpu.memory_space<vmem>>[vector<16xi32>], vector<16xf32>,
        %add3A_236 = arith.addf %gather3A_234, %gather3A_235 : vector<16xf32>
        %add3A_237 = arith.addf %add3A_236, %get3A_233 : vector<16xf32>
        %mul3A_238 = arith.constant 2.000000e-01 : f32
        %mul3A_239 = vector.broadcast %mul3A_238 : f32 to vector<16xf32>
        %mul3A_240 = arith.mulf %mul3A_239, %add3A_237 : vector<16xf32>
        %max3A_241 = arith.maximumf %add3A_237, %mul3A_240 : vector<16xf32>
        %exp3A_242 = math.exp %max3A_241 : vector<16xf32>
        %swap3A_243 = arith.index_cast %mul3A_227 : i32 to index
        %swap3A_244 = tpu.vector_load %arg20[%swap3A_243] {strides = array<i32>} : memref<2000xf32, #tpu.memory_space<vmem>>, vector<16xf32>,
        tpu.vector_store %arg20[%swap3A_243], %exp3A_242 {strides = array<i32>} : memref<2000xf32, #tpu.memory_space<vmem>>, vector<16xf32>,
        tpu.vector_store_idx %arg13[%get3A_231], %exp3A_242 {add = true} : memref<40000xf32, #tpu.memory_space<vmem>>[vector<16xi32>], vector<16xf32>,
        %mul3A_245 = arith.constant 5 : i32
        %mul3A_246 = arith.muli %scan3A_156, %mul3A_245 : i32
        %add3A_247 = arith.constant 4 : i32
        %add3A_248 = arith.addi %mul3A_246, %add3A_247 : i32
        %mul3A_249 = arith.constant 16 : i32
        %mul3A_250 = arith.muli %add3A_248, %mul3A_249 : i32
        %get3A_251 = arith.index_cast %mul3A_250 : i32 to index
        %get3A_252 = tpu.vector_load %arg15[%get3A_251] {strides = array<i32>} : memref<2000xi32, #tpu.memory_space<vmem>>, vector<16xi32>,
        %get3A_253 = arith.index_cast %mul3A_250 : i32 to index
        %get3A_254 = tpu.vector_load %arg16[%get3A_253] {strides = array<i32>} : memref<2000xi32, #tpu.memory_space<vmem>>, vector<16xi32>,
        %get3A_255 = arith.index_cast %mul3A_250 : i32 to index
        %get3A_256 = tpu.vector_load %arg21[%get3A_255] {strides = array<i32>} : memref<2000xf32, #tpu.memory_space<vmem>>, vector<16xf32>,
        %gather3A_257 = tpu.vector_load_idx %arg11[%get3A_252] : memref<10000xf32, #tpu.memory_space<vmem>>[vector<16xi32>], vector<16xf32>,
        %gather3A_258 = tpu.vector_load_idx %arg12[%get3A_254] : memref<10000xf32, #tpu.memory_space<vmem>>[vector<16xi32>], vector<16xf32>,
        %add3A_259 = arith.addf %gather3A_257, %gather3A_258 : vector<16xf32>
        %add3A_260 = arith.addf %add3A_259, %get3A_256 : vector<16xf32>
        %mul3A_261 = arith.constant 2.000000e-01 : f32
        %mul3A_262 = vector.broadcast %mul3A_261 : f32 to vector<16xf32>
        %mul3A_263 = arith.mulf %mul3A_262, %add3A_260 : vector<16xf32>
        %max3A_264 = arith.maximumf %add3A_260, %mul3A_263 : vector<16xf32>
        %exp3A_265 = math.exp %max3A_264 : vector<16xf32>
        %swap3A_266 = arith.index_cast %mul3A_250 : i32 to index
        %swap3A_267 = tpu.vector_load %arg20[%swap3A_266] {strides = array<i32>} : memref<2000xf32, #tpu.memory_space<vmem>>, vector<16xf32>,
        tpu.vector_store %arg20[%swap3A_266], %exp3A_265 {strides = array<i32>} : memref<2000xf32, #tpu.memory_space<vmem>>, vector<16xf32>,
        tpu.vector_store_idx %arg13[%get3A_254], %exp3A_265 {add = true} : memref<40000xf32, #tpu.memory_space<vmem>>[vector<16xi32>], vector<16xf32>,
        %scan3A_268 = arith.constant 0 : i32
        scf.yield %scan3A_268 : i32
      }
      %scan3A_140 = arith.constant 25 : i32
      "tpu.region"() ({
        %run_scoped3A = tpu.sem_alloc : memref<!tpu.dma_semaphore, #tpu.memory_space<semaphore_mem>>
        %dma_start3A_156 = tpu.memref_slice %arg8[%add3A_133] : memref<320000xf32, #tpu.memory_space<hbm>> -> memref<2000xf32, #tpu.memory_space<hbm>>
        %dma_start3A_157 = tpu.memref_slice %arg8[%add3A_133] : memref<320000xf32, #tpu.memory_space<hbm>> -> memref<2000xf32, #tpu.memory_space<hbm>>
        tpu.enqueue_dma source(%arg20 : memref<2000xf32, #tpu.memory_space<vmem>>) target(%dma_start3A_157 : memref<2000xf32, #tpu.memory_space<hbm>>) target_semaphore(%run_scoped3A : memref<!tpu.dma_semaphore, #tpu.memory_space<semaphore_mem>>)
        %dma_wait3A_158 = tpu.memref_slice %arg8[%add3A_133] : memref<320000xf32, #tpu.memory_space<hbm>> -> memref<2000xf32, #tpu.memory_space<hbm>>
        %dma_wait3A_159 = tpu.memref_slice %arg8[%add3A_133] : memref<320000xf32, #tpu.memory_space<hbm>> -> memref<2000xf32, #tpu.memory_space<hbm>>
        tpu.wait_dma2 semaphore(%run_scoped3A : memref<!tpu.dma_semaphore, #tpu.memory_space<semaphore_mem>>) src(%arg20 : memref<2000xf32, #tpu.memory_space<vmem>>) dst(%dma_wait3A_159 : memref<2000xf32, #tpu.memory_space<hbm>>)
        tpu.yield
      }) : () -> ()
      %add3A_141 = arith.constant 2 : i32
      %add3A_142 = arith.addi %mul3A_118, %add3A_141 : i32
      %lt3A_143 = arith.constant 5 : i32
      %lt3A_144 = arith.cmpi slt, %add3A_142, %lt3A_143 : i32
      %convert_element_type3A_145 = arith.extui %lt3A_144 : i1 to i32
      %cond3A_146 = arith.constant 0 : i32
      %cond3A_147 = arith.cmpi ne, %convert_element_type3A_145, %cond3A_146 : i32
      scf.if %cond3A_147 {
        %add3A_156 = arith.constant 2 : i32
        %add3A_157 = arith.addi %mul3A_118, %add3A_156 : i32
        %mul3A_158 = arith.constant 2000 : i32
        %mul3A_159 = arith.muli %add3A_157, %mul3A_158 : i32
        %add3A_160 = arith.addi %add3A_14, %mul3A_159 : i32
        %dma_start3A_161 = tpu.memref_slice %arg2[%add3A_160] : memref<320000xi32, #tpu.memory_space<hbm>> -> memref<2000xi32, #tpu.memory_space<hbm>>
        %dma_start3A_162 = tpu.memref_slice %arg2[%add3A_160] : memref<320000xi32, #tpu.memory_space<hbm>> -> memref<2000xi32, #tpu.memory_space<hbm>>
        tpu.enqueue_dma source(%dma_start3A_162 : memref<2000xi32, #tpu.memory_space<hbm>>) target(%arg15 : memref<2000xi32, #tpu.memory_space<vmem>>) target_semaphore(%arg25 : memref<!tpu.dma_semaphore, #tpu.memory_space<semaphore_mem>>)
        %dma_start3A_163 = tpu.memref_slice %arg3[%add3A_160] : memref<320000xi32, #tpu.memory_space<hbm>> -> memref<2000xi32, #tpu.memory_space<hbm>>
        %dma_start3A_164 = tpu.memref_slice %arg3[%add3A_160] : memref<320000xi32, #tpu.memory_space<hbm>> -> memref<2000xi32, #tpu.memory_space<hbm>>
        tpu.enqueue_dma source(%dma_start3A_164 : memref<2000xi32, #tpu.memory_space<hbm>>) target(%arg16 : memref<2000xi32, #tpu.memory_space<vmem>>) target_semaphore(%arg25 : memref<!tpu.dma_semaphore, #tpu.memory_space<semaphore_mem>>)
        %dma_start3A_165 = tpu.memref_slice %arg4[%add3A_160] : memref<320000xf32, #tpu.memory_space<hbm>> -> memref<2000xf32, #tpu.memory_space<hbm>>
        %dma_start3A_166 = tpu.memref_slice %arg4[%add3A_160] : memref<320000xf32, #tpu.memory_space<hbm>> -> memref<2000xf32, #tpu.memory_space<hbm>>
        tpu.enqueue_dma source(%dma_start3A_166 : memref<2000xf32, #tpu.memory_space<hbm>>) target(%arg21 : memref<2000xf32, #tpu.memory_space<vmem>>) target_semaphore(%arg25 : memref<!tpu.dma_semaphore, #tpu.memory_space<semaphore_mem>>)
      } else {
      }
      %add3A_148 = arith.constant 1 : i32
      %add3A_149 = arith.addi %mul3A_118, %add3A_148 : i32
      %lt3A_150 = arith.constant 5 : i32
      %lt3A_151 = arith.cmpi slt, %add3A_149, %lt3A_150 : i32
      %convert_element_type3A_152 = arith.extui %lt3A_151 : i1 to i32
      %cond3A_153 = arith.constant 0 : i32
      %cond3A_154 = arith.cmpi ne, %convert_element_type3A_152, %cond3A_153 : i32
      scf.if %cond3A_154 {
        %add3A_156 = arith.constant 1 : i32
        %add3A_157 = arith.addi %mul3A_118, %add3A_156 : i32
        %mul3A_158 = arith.constant 2000 : i32
        %mul3A_159 = arith.muli %add3A_157, %mul3A_158 : i32
        %add3A_160 = arith.addi %add3A_14, %mul3A_159 : i32
        %dma_wait3A_161 = tpu.memref_slice %arg2[%add3A_160] : memref<320000xi32, #tpu.memory_space<hbm>> -> memref<2000xi32, #tpu.memory_space<hbm>>
        %dma_wait3A_162 = tpu.memref_slice %arg2[%add3A_160] : memref<320000xi32, #tpu.memory_space<hbm>> -> memref<2000xi32, #tpu.memory_space<hbm>>
        tpu.wait_dma2 semaphore(%arg25 : memref<!tpu.dma_semaphore, #tpu.memory_space<semaphore_mem>>) src(%dma_wait3A_162 : memref<2000xi32, #tpu.memory_space<hbm>>) dst(%arg22 : memref<2000xi32, #tpu.memory_space<vmem>>)
        %dma_wait3A_163 = tpu.memref_slice %arg3[%add3A_160] : memref<320000xi32, #tpu.memory_space<hbm>> -> memref<2000xi32, #tpu.memory_space<hbm>>
        %dma_wait3A_164 = tpu.memref_slice %arg3[%add3A_160] : memref<320000xi32, #tpu.memory_space<hbm>> -> memref<2000xi32, #tpu.memory_space<hbm>>
        tpu.wait_dma2 semaphore(%arg25 : memref<!tpu.dma_semaphore, #tpu.memory_space<semaphore_mem>>) src(%dma_wait3A_164 : memref<2000xi32, #tpu.memory_space<hbm>>) dst(%arg23 : memref<2000xi32, #tpu.memory_space<vmem>>)
        %dma_wait3A_165 = tpu.memref_slice %arg4[%add3A_160] : memref<320000xf32, #tpu.memory_space<hbm>> -> memref<2000xf32, #tpu.memory_space<hbm>>
        %dma_wait3A_166 = tpu.memref_slice %arg4[%add3A_160] : memref<320000xf32, #tpu.memory_space<hbm>> -> memref<2000xf32, #tpu.memory_space<hbm>>
        tpu.wait_dma2 semaphore(%arg25 : memref<!tpu.dma_semaphore, #tpu.memory_space<semaphore_mem>>) src(%dma_wait3A_166 : memref<2000xf32, #tpu.memory_space<hbm>>) dst(%arg24 : memref<2000xf32, #tpu.memory_space<vmem>>)
        %add3A_167 = arith.constant 1 : i32
        %add3A_168 = arith.addi %mul3A_118, %add3A_167 : i32
        %mul3A_169 = arith.constant 2000 : i32
        %mul3A_170 = arith.muli %add3A_168, %mul3A_169 : i32
        %add3A_171 = arith.addi %add3A_14, %mul3A_170 : i32
        %scan3A_172 = arith.constant 0 : i32
        %scan3A_173 = arith.constant 0 : i32
        %scan3A_174 = arith.constant 25 : i32
        %scan3A_175 = arith.addi %scan3A_173, %scan3A_174 : i32
        %scan3A_176 = arith.constant 1 : i32
        %scan3A_177 = scf.for %scan3A_179 = %scan3A_173 to %scan3A_175 step %scan3A_176 iter_args(%scan3A_180 = %scan3A_172) -> (i32)  : i32 {
          %mul3A_181 = arith.constant 5 : i32
          %mul3A_182 = arith.muli %scan3A_179, %mul3A_181 : i32
          %add3A_183 = arith.constant 0 : i32
          %add3A_184 = arith.addi %mul3A_182, %add3A_183 : i32
          %mul3A_185 = arith.constant 16 : i32
          %mul3A_186 = arith.muli %add3A_184, %mul3A_185 : i32
          %get3A = arith.index_cast %mul3A_186 : i32 to index
          %get3A_187 = tpu.vector_load %arg22[%get3A] {strides = array<i32>} : memref<2000xi32, #tpu.memory_space<vmem>>, vector<16xi32>,
          %get3A_188 = arith.index_cast %mul3A_186 : i32 to index
          %get3A_189 = tpu.vector_load %arg23[%get3A_188] {strides = array<i32>} : memref<2000xi32, #tpu.memory_space<vmem>>, vector<16xi32>,
          %get3A_190 = arith.index_cast %mul3A_186 : i32 to index
          %get3A_191 = tpu.vector_load %arg24[%get3A_190] {strides = array<i32>} : memref<2000xf32, #tpu.memory_space<vmem>>, vector<16xf32>,
          %gather3A = tpu.vector_load_idx %arg11[%get3A_187] : memref<10000xf32, #tpu.memory_space<vmem>>[vector<16xi32>], vector<16xf32>,
          %gather3A_192 = tpu.vector_load_idx %arg12[%get3A_189] : memref<10000xf32, #tpu.memory_space<vmem>>[vector<16xi32>], vector<16xf32>,
          %add3A_193 = arith.addf %gather3A, %gather3A_192 : vector<16xf32>
          %add3A_194 = arith.addf %add3A_193, %get3A_191 : vector<16xf32>
          %mul3A_195 = arith.constant 2.000000e-01 : f32
          %mul3A_196 = vector.broadcast %mul3A_195 : f32 to vector<16xf32>
          %mul3A_197 = arith.mulf %mul3A_196, %add3A_194 : vector<16xf32>
          %max3A = arith.maximumf %add3A_194, %mul3A_197 : vector<16xf32>
          %exp3A = math.exp %max3A : vector<16xf32>
          %swap3A = arith.index_cast %mul3A_186 : i32 to index
          %swap3A_198 = tpu.vector_load %arg20[%swap3A] {strides = array<i32>} : memref<2000xf32, #tpu.memory_space<vmem>>, vector<16xf32>,
          tpu.vector_store %arg20[%swap3A], %exp3A {strides = array<i32>} : memref<2000xf32, #tpu.memory_space<vmem>>, vector<16xf32>,
          tpu.vector_store_idx %arg13[%get3A_189], %exp3A {add = true} : memref<40000xf32, #tpu.memory_space<vmem>>[vector<16xi32>], vector<16xf32>,
          %mul3A_199 = arith.constant 5 : i32
          %mul3A_200 = arith.muli %scan3A_179, %mul3A_199 : i32
          %add3A_201 = arith.constant 1 : i32
          %add3A_202 = arith.addi %mul3A_200, %add3A_201 : i32
          %mul3A_203 = arith.constant 16 : i32
          %mul3A_204 = arith.muli %add3A_202, %mul3A_203 : i32
          %get3A_205 = arith.index_cast %mul3A_204 : i32 to index
          %get3A_206 = tpu.vector_load %arg22[%get3A_205] {strides = array<i32>} : memref<2000xi32, #tpu.memory_space<vmem>>, vector<16xi32>,
          %get3A_207 = arith.index_cast %mul3A_204 : i32 to index
          %get3A_208 = tpu.vector_load %arg23[%get3A_207] {strides = array<i32>} : memref<2000xi32, #tpu.memory_space<vmem>>, vector<16xi32>,
          %get3A_209 = arith.index_cast %mul3A_204 : i32 to index
          %get3A_210 = tpu.vector_load %arg24[%get3A_209] {strides = array<i32>} : memref<2000xf32, #tpu.memory_space<vmem>>, vector<16xf32>,
          %gather3A_211 = tpu.vector_load_idx %arg11[%get3A_206] : memref<10000xf32, #tpu.memory_space<vmem>>[vector<16xi32>], vector<16xf32>,
          %gather3A_212 = tpu.vector_load_idx %arg12[%get3A_208] : memref<10000xf32, #tpu.memory_space<vmem>>[vector<16xi32>], vector<16xf32>,
          %add3A_213 = arith.addf %gather3A_211, %gather3A_212 : vector<16xf32>
          %add3A_214 = arith.addf %add3A_213, %get3A_210 : vector<16xf32>
          %mul3A_215 = arith.constant 2.000000e-01 : f32
          %mul3A_216 = vector.broadcast %mul3A_215 : f32 to vector<16xf32>
          %mul3A_217 = arith.mulf %mul3A_216, %add3A_214 : vector<16xf32>
          %max3A_218 = arith.maximumf %add3A_214, %mul3A_217 : vector<16xf32>
          %exp3A_219 = math.exp %max3A_218 : vector<16xf32>
          %swap3A_220 = arith.index_cast %mul3A_204 : i32 to index
          %swap3A_221 = tpu.vector_load %arg20[%swap3A_220] {strides = array<i32>} : memref<2000xf32, #tpu.memory_space<vmem>>, vector<16xf32>,
          tpu.vector_store %arg20[%swap3A_220], %exp3A_219 {strides = array<i32>} : memref<2000xf32, #tpu.memory_space<vmem>>, vector<16xf32>,
          tpu.vector_store_idx %arg13[%get3A_208], %exp3A_219 {add = true} : memref<40000xf32, #tpu.memory_space<vmem>>[vector<16xi32>], vector<16xf32>,
          %mul3A_222 = arith.constant 5 : i32
          %mul3A_223 = arith.muli %scan3A_179, %mul3A_222 : i32
          %add3A_224 = arith.constant 2 : i32
          %add3A_225 = arith.addi %mul3A_223, %add3A_224 : i32
          %mul3A_226 = arith.constant 16 : i32
          %mul3A_227 = arith.muli %add3A_225, %mul3A_226 : i32
          %get3A_228 = arith.index_cast %mul3A_227 : i32 to index
          %get3A_229 = tpu.vector_load %arg22[%get3A_228] {strides = array<i32>} : memref<2000xi32, #tpu.memory_space<vmem>>, vector<16xi32>,
          %get3A_230 = arith.index_cast %mul3A_227 : i32 to index
          %get3A_231 = tpu.vector_load %arg23[%get3A_230] {strides = array<i32>} : memref<2000xi32, #tpu.memory_space<vmem>>, vector<16xi32>,
          %get3A_232 = arith.index_cast %mul3A_227 : i32 to index
          %get3A_233 = tpu.vector_load %arg24[%get3A_232] {strides = array<i32>} : memref<2000xf32, #tpu.memory_space<vmem>>, vector<16xf32>,
          %gather3A_234 = tpu.vector_load_idx %arg11[%get3A_229] : memref<10000xf32, #tpu.memory_space<vmem>>[vector<16xi32>], vector<16xf32>,
          %gather3A_235 = tpu.vector_load_idx %arg12[%get3A_231] : memref<10000xf32, #tpu.memory_space<vmem>>[vector<16xi32>], vector<16xf32>,
          %add3A_236 = arith.addf %gather3A_234, %gather3A_235 : vector<16xf32>
          %add3A_237 = arith.addf %add3A_236, %get3A_233 : vector<16xf32>
          %mul3A_238 = arith.constant 2.000000e-01 : f32
          %mul3A_239 = vector.broadcast %mul3A_238 : f32 to vector<16xf32>
          %mul3A_240 = arith.mulf %mul3A_239, %add3A_237 : vector<16xf32>
          %max3A_241 = arith.maximumf %add3A_237, %mul3A_240 : vector<16xf32>
          %exp3A_242 = math.exp %max3A_241 : vector<16xf32>
          %swap3A_243 = arith.index_cast %mul3A_227 : i32 to index
          %swap3A_244 = tpu.vector_load %arg20[%swap3A_243] {strides = array<i32>} : memref<2000xf32, #tpu.memory_space<vmem>>, vector<16xf32>,
          tpu.vector_store %arg20[%swap3A_243], %exp3A_242 {strides = array<i32>} : memref<2000xf32, #tpu.memory_space<vmem>>, vector<16xf32>,
          tpu.vector_store_idx %arg13[%get3A_231], %exp3A_242 {add = true} : memref<40000xf32, #tpu.memory_space<vmem>>[vector<16xi32>], vector<16xf32>,
          %mul3A_245 = arith.constant 5 : i32
          %mul3A_246 = arith.muli %scan3A_179, %mul3A_245 : i32
          %add3A_247 = arith.constant 3 : i32
          %add3A_248 = arith.addi %mul3A_246, %add3A_247 : i32
          %mul3A_249 = arith.constant 16 : i32
          %mul3A_250 = arith.muli %add3A_248, %mul3A_249 : i32
          %get3A_251 = arith.index_cast %mul3A_250 : i32 to index
          %get3A_252 = tpu.vector_load %arg22[%get3A_251] {strides = array<i32>} : memref<2000xi32, #tpu.memory_space<vmem>>, vector<16xi32>,
          %get3A_253 = arith.index_cast %mul3A_250 : i32 to index
          %get3A_254 = tpu.vector_load %arg23[%get3A_253] {strides = array<i32>} : memref<2000xi32, #tpu.memory_space<vmem>>, vector<16xi32>,
          %get3A_255 = arith.index_cast %mul3A_250 : i32 to index
          %get3A_256 = tpu.vector_load %arg24[%get3A_255] {strides = array<i32>} : memref<2000xf32, #tpu.memory_space<vmem>>, vector<16xf32>,
          %gather3A_257 = tpu.vector_load_idx %arg11[%get3A_252] : memref<10000xf32, #tpu.memory_space<vmem>>[vector<16xi32>], vector<16xf32>,
          %gather3A_258 = tpu.vector_load_idx %arg12[%get3A_254] : memref<10000xf32, #tpu.memory_space<vmem>>[vector<16xi32>], vector<16xf32>,
          %add3A_259 = arith.addf %gather3A_257, %gather3A_258 : vector<16xf32>
          %add3A_260 = arith.addf %add3A_259, %get3A_256 : vector<16xf32>
          %mul3A_261 = arith.constant 2.000000e-01 : f32
          %mul3A_262 = vector.broadcast %mul3A_261 : f32 to vector<16xf32>
          %mul3A_263 = arith.mulf %mul3A_262, %add3A_260 : vector<16xf32>
          %max3A_264 = arith.maximumf %add3A_260, %mul3A_263 : vector<16xf32>
          %exp3A_265 = math.exp %max3A_264 : vector<16xf32>
          %swap3A_266 = arith.index_cast %mul3A_250 : i32 to index
          %swap3A_267 = tpu.vector_load %arg20[%swap3A_266] {strides = array<i32>} : memref<2000xf32, #tpu.memory_space<vmem>>, vector<16xf32>,
          tpu.vector_store %arg20[%swap3A_266], %exp3A_265 {strides = array<i32>} : memref<2000xf32, #tpu.memory_space<vmem>>, vector<16xf32>,
          tpu.vector_store_idx %arg13[%get3A_254], %exp3A_265 {add = true} : memref<40000xf32, #tpu.memory_space<vmem>>[vector<16xi32>], vector<16xf32>,
          %mul3A_268 = arith.constant 5 : i32
          %mul3A_269 = arith.muli %scan3A_179, %mul3A_268 : i32
          %add3A_270 = arith.constant 4 : i32
          %add3A_271 = arith.addi %mul3A_269, %add3A_270 : i32
          %mul3A_272 = arith.constant 16 : i32
          %mul3A_273 = arith.muli %add3A_271, %mul3A_272 : i32
          %get3A_274 = arith.index_cast %mul3A_273 : i32 to index
          %get3A_275 = tpu.vector_load %arg22[%get3A_274] {strides = array<i32>} : memref<2000xi32, #tpu.memory_space<vmem>>, vector<16xi32>,
          %get3A_276 = arith.index_cast %mul3A_273 : i32 to index
          %get3A_277 = tpu.vector_load %arg23[%get3A_276] {strides = array<i32>} : memref<2000xi32, #tpu.memory_space<vmem>>, vector<16xi32>,
          %get3A_278 = arith.index_cast %mul3A_273 : i32 to index
          %get3A_279 = tpu.vector_load %arg24[%get3A_278] {strides = array<i32>} : memref<2000xf32, #tpu.memory_space<vmem>>, vector<16xf32>,
          %gather3A_280 = tpu.vector_load_idx %arg11[%get3A_275] : memref<10000xf32, #tpu.memory_space<vmem>>[vector<16xi32>], vector<16xf32>,
          %gather3A_281 = tpu.vector_load_idx %arg12[%get3A_277] : memref<10000xf32, #tpu.memory_space<vmem>>[vector<16xi32>], vector<16xf32>,
          %add3A_282 = arith.addf %gather3A_280, %gather3A_281 : vector<16xf32>
          %add3A_283 = arith.addf %add3A_282, %get3A_279 : vector<16xf32>
          %mul3A_284 = arith.constant 2.000000e-01 : f32
          %mul3A_285 = vector.broadcast %mul3A_284 : f32 to vector<16xf32>
          %mul3A_286 = arith.mulf %mul3A_285, %add3A_283 : vector<16xf32>
          %max3A_287 = arith.maximumf %add3A_283, %mul3A_286 : vector<16xf32>
          %exp3A_288 = math.exp %max3A_287 : vector<16xf32>
          %swap3A_289 = arith.index_cast %mul3A_273 : i32 to index
          %swap3A_290 = tpu.vector_load %arg20[%swap3A_289] {strides = array<i32>} : memref<2000xf32, #tpu.memory_space<vmem>>, vector<16xf32>,
          tpu.vector_store %arg20[%swap3A_289], %exp3A_288 {strides = array<i32>} : memref<2000xf32, #tpu.memory_space<vmem>>, vector<16xf32>,
          tpu.vector_store_idx %arg13[%get3A_277], %exp3A_288 {add = true} : memref<40000xf32, #tpu.memory_space<vmem>>[vector<16xi32>], vector<16xf32>,
          %scan3A_291 = arith.constant 0 : i32
          scf.yield %scan3A_291 : i32
        }
        %scan3A_178 = arith.constant 25 : i32
        "tpu.region"() ({
          %run_scoped3A = tpu.sem_alloc : memref<!tpu.dma_semaphore, #tpu.memory_space<semaphore_mem>>
          %dma_start3A_179 = tpu.memref_slice %arg8[%add3A_171] : memref<320000xf32, #tpu.memory_space<hbm>> -> memref<2000xf32, #tpu.memory_space<hbm>>
          %dma_start3A_180 = tpu.memref_slice %arg8[%add3A_171] : memref<320000xf32, #tpu.memory_space<hbm>> -> memref<2000xf32, #tpu.memory_space<hbm>>
          tpu.enqueue_dma source(%arg20 : memref<2000xf32, #tpu.memory_space<vmem>>) target(%dma_start3A_180 : memref<2000xf32, #tpu.memory_space<hbm>>) target_semaphore(%run_scoped3A : memref<!tpu.dma_semaphore, #tpu.memory_space<semaphore_mem>>)
          %dma_wait3A_181 = tpu.memref_slice %arg8[%add3A_171] : memref<320000xf32, #tpu.memory_space<hbm>> -> memref<2000xf32, #tpu.memory_space<hbm>>
          %dma_wait3A_182 = tpu.memref_slice %arg8[%add3A_171] : memref<320000xf32, #tpu.memory_space<hbm>> -> memref<2000xf32, #tpu.memory_space<hbm>>
          tpu.wait_dma2 semaphore(%run_scoped3A : memref<!tpu.dma_semaphore, #tpu.memory_space<semaphore_mem>>) src(%arg20 : memref<2000xf32, #tpu.memory_space<vmem>>) dst(%dma_wait3A_182 : memref<2000xf32, #tpu.memory_space<hbm>>)
          tpu.yield
        }) : () -> ()
      } else {
      }
      %scan3A_155 = arith.constant 0 : i32
      scf.yield %scan3A_155 : i32
    }
    %scan3A_28 = arith.constant 3 : i32
    %mul3A_29 = arith.constant 10000 : i32
    %mul3A_30 = arith.muli %add3A, %mul3A_29 : i32
    "tpu.region"() ({
      %run_scoped3A = tpu.sem_alloc : memref<!tpu.dma_semaphore, #tpu.memory_space<semaphore_mem>>
      %dma_start3A_115 = arith.constant 0 : i32
      %dma_start3A_116 = tpu.memref_slice %arg13[%dma_start3A_115] : memref<40000xf32, #tpu.memory_space<vmem>> -> memref<10000xf32, #tpu.memory_space<vmem>>
      %dma_start3A_117 = tpu.memref_slice %arg9[%mul3A_30] : memref<320000xf32, #tpu.memory_space<hbm>> -> memref<10000xf32, #tpu.memory_space<hbm>>
      %dma_start3A_118 = tpu.memref_slice %arg9[%mul3A_30] : memref<320000xf32, #tpu.memory_space<hbm>> -> memref<10000xf32, #tpu.memory_space<hbm>>
      %dma_start3A_119 = arith.constant 0 : i32
      %dma_start3A_120 = tpu.memref_slice %arg13[%dma_start3A_119] : memref<40000xf32, #tpu.memory_space<vmem>> -> memref<10000xf32, #tpu.memory_space<vmem>>
      tpu.enqueue_dma source(%dma_start3A_120 : memref<10000xf32, #tpu.memory_space<vmem>>) target(%dma_start3A_118 : memref<10000xf32, #tpu.memory_space<hbm>>) target_semaphore(%run_scoped3A : memref<!tpu.dma_semaphore, #tpu.memory_space<semaphore_mem>>)
      %dma_wait3A = arith.constant 0 : i32
      %dma_wait3A_121 = tpu.memref_slice %arg13[%dma_wait3A] : memref<40000xf32, #tpu.memory_space<vmem>> -> memref<10000xf32, #tpu.memory_space<vmem>>
      %dma_wait3A_122 = tpu.memref_slice %arg9[%mul3A_30] : memref<320000xf32, #tpu.memory_space<hbm>> -> memref<10000xf32, #tpu.memory_space<hbm>>
      %dma_wait3A_123 = tpu.memref_slice %arg9[%mul3A_30] : memref<320000xf32, #tpu.memory_space<hbm>> -> memref<10000xf32, #tpu.memory_space<hbm>>
      %dma_wait3A_124 = arith.constant 0 : i32
      %dma_wait3A_125 = tpu.memref_slice %arg13[%dma_wait3A_124] : memref<40000xf32, #tpu.memory_space<vmem>> -> memref<10000xf32, #tpu.memory_space<vmem>>
      tpu.wait_dma2 semaphore(%run_scoped3A : memref<!tpu.dma_semaphore, #tpu.memory_space<semaphore_mem>>) src(%dma_wait3A_125 : memref<10000xf32, #tpu.memory_space<vmem>>) dst(%dma_wait3A_123 : memref<10000xf32, #tpu.memory_space<hbm>>)
      tpu.yield
    }) : () -> ()
    %barrier3A = arith.constant 0 : index
    tpu.barrier barrier_id(%barrier3A)
    %mul3A_31 = arith.constant 4 : i32
    %mul3A_32 = arith.muli %mul3A_31, %arg1 : i32
    %add3A_33 = arith.constant 0 : i32
    %add3A_34 = arith.addi %mul3A_32, %add3A_33 : i32
    %mul3A_35 = arith.constant 10000 : i32
    %mul3A_36 = arith.muli %add3A_34, %mul3A_35 : i32
    "tpu.region"() ({
      %run_scoped3A = tpu.sem_alloc : memref<!tpu.dma_semaphore, #tpu.memory_space<semaphore_mem>>
      %dma_start3A_115 = arith.constant 0 : i32
      %dma_start3A_116 = tpu.memref_slice %arg13[%dma_start3A_115] : memref<40000xf32, #tpu.memory_space<vmem>> -> memref<10000xf32, #tpu.memory_space<vmem>>
      %dma_start3A_117 = tpu.memref_slice %arg7[%mul3A_36] : memref<640000xf32, #tpu.memory_space<hbm>> -> memref<10000xf32, #tpu.memory_space<hbm>>
      %dma_start3A_118 = arith.constant 0 : i32
      %dma_start3A_119 = tpu.memref_slice %arg13[%dma_start3A_118] : memref<40000xf32, #tpu.memory_space<vmem>> -> memref<10000xf32, #tpu.memory_space<vmem>>
      %dma_start3A_120 = tpu.memref_slice %arg7[%mul3A_36] : memref<640000xf32, #tpu.memory_space<hbm>> -> memref<10000xf32, #tpu.memory_space<hbm>>
      tpu.enqueue_dma source(%dma_start3A_120 : memref<10000xf32, #tpu.memory_space<hbm>>) target(%dma_start3A_119 : memref<10000xf32, #tpu.memory_space<vmem>>) target_semaphore(%run_scoped3A : memref<!tpu.dma_semaphore, #tpu.memory_space<semaphore_mem>>)
      %dma_wait3A = arith.constant 0 : i32
      %dma_wait3A_121 = tpu.memref_slice %arg13[%dma_wait3A] : memref<40000xf32, #tpu.memory_space<vmem>> -> memref<10000xf32, #tpu.memory_space<vmem>>
      %dma_wait3A_122 = tpu.memref_slice %arg7[%mul3A_36] : memref<640000xf32, #tpu.memory_space<hbm>> -> memref<10000xf32, #tpu.memory_space<hbm>>
      %dma_wait3A_123 = arith.constant 0 : i32
      %dma_wait3A_124 = tpu.memref_slice %arg13[%dma_wait3A_123] : memref<40000xf32, #tpu.memory_space<vmem>> -> memref<10000xf32, #tpu.memory_space<vmem>>
      %dma_wait3A_125 = tpu.memref_slice %arg7[%mul3A_36] : memref<640000xf32, #tpu.memory_space<hbm>> -> memref<10000xf32, #tpu.memory_space<hbm>>
      tpu.wait_dma2 semaphore(%run_scoped3A : memref<!tpu.dma_semaphore, #tpu.memory_space<semaphore_mem>>) src(%dma_wait3A_125 : memref<10000xf32, #tpu.memory_space<hbm>>) dst(%dma_wait3A_124 : memref<10000xf32, #tpu.memory_space<vmem>>)
      tpu.yield
    }) : () -> ()
    %mul3A_37 = arith.constant 4 : i32
    %mul3A_38 = arith.muli %mul3A_37, %arg1 : i32
    %add3A_39 = arith.constant 1 : i32
    %add3A_40 = arith.addi %mul3A_38, %add3A_39 : i32
    %mul3A_41 = arith.constant 10000 : i32
    %mul3A_42 = arith.muli %add3A_40, %mul3A_41 : i32
    "tpu.region"() ({
      %run_scoped3A = tpu.sem_alloc : memref<!tpu.dma_semaphore, #tpu.memory_space<semaphore_mem>>
      %dma_start3A_115 = arith.constant 10000 : i32
      %dma_start3A_116 = tpu.memref_slice %arg13[%dma_start3A_115] : memref<40000xf32, #tpu.memory_space<vmem>> -> memref<10000xf32, #tpu.memory_space<vmem>>
      %dma_start3A_117 = tpu.memref_slice %arg7[%mul3A_42] : memref<640000xf32, #tpu.memory_space<hbm>> -> memref<10000xf32, #tpu.memory_space<hbm>>
      %dma_start3A_118 = arith.constant 10000 : i32
      %dma_start3A_119 = tpu.memref_slice %arg13[%dma_start3A_118] : memref<40000xf32, #tpu.memory_space<vmem>> -> memref<10000xf32, #tpu.memory_space<vmem>>
      %dma_start3A_120 = tpu.memref_slice %arg7[%mul3A_42] : memref<640000xf32, #tpu.memory_space<hbm>> -> memref<10000xf32, #tpu.memory_space<hbm>>
      tpu.enqueue_dma source(%dma_start3A_120 : memref<10000xf32, #tpu.memory_space<hbm>>) target(%dma_start3A_119 : memref<10000xf32, #tpu.memory_space<vmem>>) target_semaphore(%run_scoped3A : memref<!tpu.dma_semaphore, #tpu.memory_space<semaphore_mem>>)
      %dma_wait3A = arith.constant 10000 : i32
      %dma_wait3A_121 = tpu.memref_slice %arg13[%dma_wait3A] : memref<40000xf32, #tpu.memory_space<vmem>> -> memref<10000xf32, #tpu.memory_space<vmem>>
      %dma_wait3A_122 = tpu.memref_slice %arg7[%mul3A_42] : memref<640000xf32, #tpu.memory_space<hbm>> -> memref<10000xf32, #tpu.memory_space<hbm>>
      %dma_wait3A_123 = arith.constant 10000 : i32
      %dma_wait3A_124 = tpu.memref_slice %arg13[%dma_wait3A_123] : memref<40000xf32, #tpu.memory_space<vmem>> -> memref<10000xf32, #tpu.memory_space<vmem>>
      %dma_wait3A_125 = tpu.memref_slice %arg7[%mul3A_42] : memref<640000xf32, #tpu.memory_space<hbm>> -> memref<10000xf32, #tpu.memory_space<hbm>>
      tpu.wait_dma2 semaphore(%run_scoped3A : memref<!tpu.dma_semaphore, #tpu.memory_space<semaphore_mem>>) src(%dma_wait3A_125 : memref<10000xf32, #tpu.memory_space<hbm>>) dst(%dma_wait3A_124 : memref<10000xf32, #tpu.memory_space<vmem>>)
      tpu.yield
    }) : () -> ()
    %mul3A_43 = arith.constant 4 : i32
    %mul3A_44 = arith.muli %mul3A_43, %arg1 : i32
    %add3A_45 = arith.constant 2 : i32
    %add3A_46 = arith.addi %mul3A_44, %add3A_45 : i32
    %mul3A_47 = arith.constant 10000 : i32
    %mul3A_48 = arith.muli %add3A_46, %mul3A_47 : i32
    "tpu.region"() ({
      %run_scoped3A = tpu.sem_alloc : memref<!tpu.dma_semaphore, #tpu.memory_space<semaphore_mem>>
      %dma_start3A_115 = arith.constant 20000 : i32
      %dma_start3A_116 = tpu.memref_slice %arg13[%dma_start3A_115] : memref<40000xf32, #tpu.memory_space<vmem>> -> memref<10000xf32, #tpu.memory_space<vmem>>
      %dma_start3A_117 = tpu.memref_slice %arg7[%mul3A_48] : memref<640000xf32, #tpu.memory_space<hbm>> -> memref<10000xf32, #tpu.memory_space<hbm>>
      %dma_start3A_118 = arith.constant 20000 : i32
      %dma_start3A_119 = tpu.memref_slice %arg13[%dma_start3A_118] : memref<40000xf32, #tpu.memory_space<vmem>> -> memref<10000xf32, #tpu.memory_space<vmem>>
      %dma_start3A_120 = tpu.memref_slice %arg7[%mul3A_48] : memref<640000xf32, #tpu.memory_space<hbm>> -> memref<10000xf32, #tpu.memory_space<hbm>>
      tpu.enqueue_dma source(%dma_start3A_120 : memref<10000xf32, #tpu.memory_space<hbm>>) target(%dma_start3A_119 : memref<10000xf32, #tpu.memory_space<vmem>>) target_semaphore(%run_scoped3A : memref<!tpu.dma_semaphore, #tpu.memory_space<semaphore_mem>>)
      %dma_wait3A = arith.constant 20000 : i32
      %dma_wait3A_121 = tpu.memref_slice %arg13[%dma_wait3A] : memref<40000xf32, #tpu.memory_space<vmem>> -> memref<10000xf32, #tpu.memory_space<vmem>>
      %dma_wait3A_122 = tpu.memref_slice %arg7[%mul3A_48] : memref<640000xf32, #tpu.memory_space<hbm>> -> memref<10000xf32, #tpu.memory_space<hbm>>
      %dma_wait3A_123 = arith.constant 20000 : i32
      %dma_wait3A_124 = tpu.memref_slice %arg13[%dma_wait3A_123] : memref<40000xf32, #tpu.memory_space<vmem>> -> memref<10000xf32, #tpu.memory_space<vmem>>
      %dma_wait3A_125 = tpu.memref_slice %arg7[%mul3A_48] : memref<640000xf32, #tpu.memory_space<hbm>> -> memref<10000xf32, #tpu.memory_space<hbm>>
      tpu.wait_dma2 semaphore(%run_scoped3A : memref<!tpu.dma_semaphore, #tpu.memory_space<semaphore_mem>>) src(%dma_wait3A_125 : memref<10000xf32, #tpu.memory_space<hbm>>) dst(%dma_wait3A_124 : memref<10000xf32, #tpu.memory_space<vmem>>)
      tpu.yield
    }) : () -> ()
    %mul3A_49 = arith.constant 4 : i32
    %mul3A_50 = arith.muli %mul3A_49, %arg1 : i32
    %add3A_51 = arith.constant 3 : i32
    %add3A_52 = arith.addi %mul3A_50, %add3A_51 : i32
    %mul3A_53 = arith.constant 10000 : i32
    %mul3A_54 = arith.muli %add3A_52, %mul3A_53 : i32
    "tpu.region"() ({
      %run_scoped3A = tpu.sem_alloc : memref<!tpu.dma_semaphore, #tpu.memory_space<semaphore_mem>>
      %dma_start3A_115 = arith.constant 30000 : i32
      %dma_start3A_116 = tpu.memref_slice %arg13[%dma_start3A_115] : memref<40000xf32, #tpu.memory_space<vmem>> -> memref<10000xf32, #tpu.memory_space<vmem>>
      %dma_start3A_117 = tpu.memref_slice %arg7[%mul3A_54] : memref<640000xf32, #tpu.memory_space<hbm>> -> memref<10000xf32, #tpu.memory_space<hbm>>
      %dma_start3A_118 = arith.constant 30000 : i32
      %dma_start3A_119 = tpu.memref_slice %arg13[%dma_start3A_118] : memref<40000xf32, #tpu.memory_space<vmem>> -> memref<10000xf32, #tpu.memory_space<vmem>>
      %dma_start3A_120 = tpu.memref_slice %arg7[%mul3A_54] : memref<640000xf32, #tpu.memory_space<hbm>> -> memref<10000xf32, #tpu.memory_space<hbm>>
      tpu.enqueue_dma source(%dma_start3A_120 : memref<10000xf32, #tpu.memory_space<hbm>>) target(%dma_start3A_119 : memref<10000xf32, #tpu.memory_space<vmem>>) target_semaphore(%run_scoped3A : memref<!tpu.dma_semaphore, #tpu.memory_space<semaphore_mem>>)
      %dma_wait3A = arith.constant 30000 : i32
      %dma_wait3A_121 = tpu.memref_slice %arg13[%dma_wait3A] : memref<40000xf32, #tpu.memory_space<vmem>> -> memref<10000xf32, #tpu.memory_space<vmem>>
      %dma_wait3A_122 = tpu.memref_slice %arg7[%mul3A_54] : memref<640000xf32, #tpu.memory_space<hbm>> -> memref<10000xf32, #tpu.memory_space<hbm>>
      %dma_wait3A_123 = arith.constant 30000 : i32
      %dma_wait3A_124 = tpu.memref_slice %arg13[%dma_wait3A_123] : memref<40000xf32, #tpu.memory_space<vmem>> -> memref<10000xf32, #tpu.memory_space<vmem>>
      %dma_wait3A_125 = tpu.memref_slice %arg7[%mul3A_54] : memref<640000xf32, #tpu.memory_space<hbm>> -> memref<10000xf32, #tpu.memory_space<hbm>>
      tpu.wait_dma2 semaphore(%run_scoped3A : memref<!tpu.dma_semaphore, #tpu.memory_space<semaphore_mem>>) src(%dma_wait3A_125 : memref<10000xf32, #tpu.memory_space<hbm>>) dst(%dma_wait3A_124 : memref<10000xf32, #tpu.memory_space<vmem>>)
      tpu.yield
    }) : () -> ()
    %scan3A_55 = arith.constant 0 : i32
    %scan3A_56 = arith.constant 0 : i32
    %scan3A_57 = arith.constant 500 : i32
    %scan3A_58 = arith.addi %scan3A_56, %scan3A_57 : i32
    %scan3A_59 = arith.constant 1 : i32
    %scan3A_60 = scf.for %scan3A_115 = %scan3A_56 to %scan3A_58 step %scan3A_59 iter_args(%scan3A_116 = %scan3A_55) -> (i32)  : i32 {
      %mul3A_117 = arith.constant 5 : i32
      %mul3A_118 = arith.muli %scan3A_115, %mul3A_117 : i32
      %mul3A_119 = arith.constant 16 : i32
      %mul3A_120 = arith.muli %mul3A_118, %mul3A_119 : i32
      %add3A_121 = arith.constant 0 : i32
      %add3A_122 = arith.addi %mul3A_120, %add3A_121 : i32
      %swap3A = arith.index_cast %add3A_122 : i32 to index
      %swap3A_123 = tpu.vector_load %arg14[%swap3A] {strides = array<i32>} : memref<40000xf32, #tpu.memory_space<vmem>>, vector<16xf32>,
      tpu.vector_store %arg14[%swap3A], %broadcast_in_dim3A_1 {strides = array<i32>} : memref<40000xf32, #tpu.memory_space<vmem>>, vector<16xf32>,
      %mul3A_124 = arith.constant 5 : i32
      %mul3A_125 = arith.muli %scan3A_115, %mul3A_124 : i32
      %mul3A_126 = arith.constant 16 : i32
      %mul3A_127 = arith.muli %mul3A_125, %mul3A_126 : i32
      %add3A_128 = arith.constant 16 : i32
      %add3A_129 = arith.addi %mul3A_127, %add3A_128 : i32
      %swap3A_130 = arith.index_cast %add3A_129 : i32 to index
      %swap3A_131 = tpu.vector_load %arg14[%swap3A_130] {strides = array<i32>} : memref<40000xf32, #tpu.memory_space<vmem>>, vector<16xf32>,
      tpu.vector_store %arg14[%swap3A_130], %broadcast_in_dim3A_1 {strides = array<i32>} : memref<40000xf32, #tpu.memory_space<vmem>>, vector<16xf32>,
      %mul3A_132 = arith.constant 5 : i32
      %mul3A_133 = arith.muli %scan3A_115, %mul3A_132 : i32
      %mul3A_134 = arith.constant 16 : i32
      %mul3A_135 = arith.muli %mul3A_133, %mul3A_134 : i32
      %add3A_136 = arith.constant 32 : i32
      %add3A_137 = arith.addi %mul3A_135, %add3A_136 : i32
      %swap3A_138 = arith.index_cast %add3A_137 : i32 to index
      %swap3A_139 = tpu.vector_load %arg14[%swap3A_138] {strides = array<i32>} : memref<40000xf32, #tpu.memory_space<vmem>>, vector<16xf32>,
      tpu.vector_store %arg14[%swap3A_138], %broadcast_in_dim3A_1 {strides = array<i32>} : memref<40000xf32, #tpu.memory_space<vmem>>, vector<16xf32>,
      %mul3A_140 = arith.constant 5 : i32
      %mul3A_141 = arith.muli %scan3A_115, %mul3A_140 : i32
      %mul3A_142 = arith.constant 16 : i32
      %mul3A_143 = arith.muli %mul3A_141, %mul3A_142 : i32
      %add3A_144 = arith.constant 48 : i32
      %add3A_145 = arith.addi %mul3A_143, %add3A_144 : i32
      %swap3A_146 = arith.index_cast %add3A_145 : i32 to index
      %swap3A_147 = tpu.vector_load %arg14[%swap3A_146] {strides = array<i32>} : memref<40000xf32, #tpu.memory_space<vmem>>, vector<16xf32>,
      tpu.vector_store %arg14[%swap3A_146], %broadcast_in_dim3A_1 {strides = array<i32>} : memref<40000xf32, #tpu.memory_space<vmem>>, vector<16xf32>,
      %mul3A_148 = arith.constant 5 : i32
      %mul3A_149 = arith.muli %scan3A_115, %mul3A_148 : i32
      %mul3A_150 = arith.constant 16 : i32
      %mul3A_151 = arith.muli %mul3A_149, %mul3A_150 : i32
      %add3A_152 = arith.constant 64 : i32
      %add3A_153 = arith.addi %mul3A_151, %add3A_152 : i32
      %swap3A_154 = arith.index_cast %add3A_153 : i32 to index
      %swap3A_155 = tpu.vector_load %arg14[%swap3A_154] {strides = array<i32>} : memref<40000xf32, #tpu.memory_space<vmem>>, vector<16xf32>,
      tpu.vector_store %arg14[%swap3A_154], %broadcast_in_dim3A_1 {strides = array<i32>} : memref<40000xf32, #tpu.memory_space<vmem>>, vector<16xf32>,
      %scan3A_156 = arith.constant 0 : i32
      scf.yield %scan3A_156 : i32
    }
    %scan3A_61 = arith.constant 500 : i32
    %mul3A_62 = arith.constant 160000 : i32
    %mul3A_63 = arith.muli %arg0, %mul3A_62 : i32
    %add3A_64 = arith.constant 0 : i32
    %add3A_65 = arith.addi %mul3A_63, %add3A_64 : i32
    %dma_start3A_66 = tpu.memref_slice %arg2[%add3A_65] : memref<320000xi32, #tpu.memory_space<hbm>> -> memref<2000xi32, #tpu.memory_space<hbm>>
    %dma_start3A_67 = tpu.memref_slice %arg2[%add3A_65] : memref<320000xi32, #tpu.memory_space<hbm>> -> memref<2000xi32, #tpu.memory_space<hbm>>
    tpu.enqueue_dma source(%dma_start3A_67 : memref<2000xi32, #tpu.memory_space<hbm>>) target(%arg15 : memref<2000xi32, #tpu.memory_space<vmem>>) target_semaphore(%arg25 : memref<!tpu.dma_semaphore, #tpu.memory_space<semaphore_mem>>)
    %dma_start3A_68 = tpu.memref_slice %arg3[%add3A_65] : memref<320000xi32, #tpu.memory_space<hbm>> -> memref<2000xi32, #tpu.memory_space<hbm>>
    %dma_start3A_69 = tpu.memref_slice %arg3[%add3A_65] : memref<320000xi32, #tpu.memory_space<hbm>> -> memref<2000xi32, #tpu.memory_space<hbm>>
    tpu.enqueue_dma source(%dma_start3A_69 : memref<2000xi32, #tpu.memory_space<hbm>>) target(%arg16 : memref<2000xi32, #tpu.memory_space<vmem>>) target_semaphore(%arg25 : memref<!tpu.dma_semaphore, #tpu.memory_space<semaphore_mem>>)
    %dma_start3A_70 = tpu.memref_slice %arg8[%add3A_65] : memref<320000xf32, #tpu.memory_space<hbm>> -> memref<2000xf32, #tpu.memory_space<hbm>>
    %dma_start3A_71 = tpu.memref_slice %arg8[%add3A_65] : memref<320000xf32, #tpu.memory_space<hbm>> -> memref<2000xf32, #tpu.memory_space<hbm>>
    tpu.enqueue_dma source(%dma_start3A_71 : memref<2000xf32, #tpu.memory_space<hbm>>) target(%arg17 : memref<2000xf32, #tpu.memory_space<vmem>>) target_semaphore(%arg25 : memref<!tpu.dma_semaphore, #tpu.memory_space<semaphore_mem>>)
    %scan3A_72 = arith.constant 0 : i32
    %scan3A_73 = arith.constant 0 : i32
    %scan3A_74 = arith.constant 40 : i32
    %scan3A_75 = arith.addi %scan3A_73, %scan3A_74 : i32
    %scan3A_76 = arith.constant 1 : i32
    %scan3A_77 = scf.for %scan3A_115 = %scan3A_73 to %scan3A_75 step %scan3A_76 iter_args(%scan3A_116 = %scan3A_72) -> (i32)  : i32 {
      %mul3A_117 = arith.constant 2 : i32
      %mul3A_118 = arith.muli %mul3A_117, %scan3A_115 : i32
      %add3A_119 = arith.constant 1 : i32
      %add3A_120 = arith.addi %mul3A_118, %add3A_119 : i32
      %mul3A_121 = arith.constant 160000 : i32
      %mul3A_122 = arith.muli %arg0, %mul3A_121 : i32
      %mul3A_123 = arith.constant 2000 : i32
      %mul3A_124 = arith.muli %add3A_120, %mul3A_123 : i32
      %add3A_125 = arith.addi %mul3A_122, %mul3A_124 : i32
      %dma_start3A_126 = tpu.memref_slice %arg2[%add3A_125] : memref<320000xi32, #tpu.memory_space<hbm>> -> memref<2000xi32, #tpu.memory_space<hbm>>
      %dma_start3A_127 = tpu.memref_slice %arg2[%add3A_125] : memref<320000xi32, #tpu.memory_space<hbm>> -> memref<2000xi32, #tpu.memory_space<hbm>>
      tpu.enqueue_dma source(%dma_start3A_127 : memref<2000xi32, #tpu.memory_space<hbm>>) target(%arg22 : memref<2000xi32, #tpu.memory_space<vmem>>) target_semaphore(%arg25 : memref<!tpu.dma_semaphore, #tpu.memory_space<semaphore_mem>>)
      %dma_start3A_128 = tpu.memref_slice %arg3[%add3A_125] : memref<320000xi32, #tpu.memory_space<hbm>> -> memref<2000xi32, #tpu.memory_space<hbm>>
      %dma_start3A_129 = tpu.memref_slice %arg3[%add3A_125] : memref<320000xi32, #tpu.memory_space<hbm>> -> memref<2000xi32, #tpu.memory_space<hbm>>
      tpu.enqueue_dma source(%dma_start3A_129 : memref<2000xi32, #tpu.memory_space<hbm>>) target(%arg23 : memref<2000xi32, #tpu.memory_space<vmem>>) target_semaphore(%arg25 : memref<!tpu.dma_semaphore, #tpu.memory_space<semaphore_mem>>)
      %dma_start3A_130 = tpu.memref_slice %arg8[%add3A_125] : memref<320000xf32, #tpu.memory_space<hbm>> -> memref<2000xf32, #tpu.memory_space<hbm>>
      %dma_start3A_131 = tpu.memref_slice %arg8[%add3A_125] : memref<320000xf32, #tpu.memory_space<hbm>> -> memref<2000xf32, #tpu.memory_space<hbm>>
      tpu.enqueue_dma source(%dma_start3A_131 : memref<2000xf32, #tpu.memory_space<hbm>>) target(%arg24 : memref<2000xf32, #tpu.memory_space<vmem>>) target_semaphore(%arg25 : memref<!tpu.dma_semaphore, #tpu.memory_space<semaphore_mem>>)
      %mul3A_132 = arith.constant 160000 : i32
      %mul3A_133 = arith.muli %arg0, %mul3A_132 : i32
      %mul3A_134 = arith.constant 2000 : i32
      %mul3A_135 = arith.muli %mul3A_118, %mul3A_134 : i32
      %add3A_136 = arith.addi %mul3A_133, %mul3A_135 : i32
      %dma_wait3A = tpu.memref_slice %arg2[%add3A_136] : memref<320000xi32, #tpu.memory_space<hbm>> -> memref<2000xi32, #tpu.memory_space<hbm>>
      %dma_wait3A_137 = tpu.memref_slice %arg2[%add3A_136] : memref<320000xi32, #tpu.memory_space<hbm>> -> memref<2000xi32, #tpu.memory_space<hbm>>
      tpu.wait_dma2 semaphore(%arg25 : memref<!tpu.dma_semaphore, #tpu.memory_space<semaphore_mem>>) src(%dma_wait3A_137 : memref<2000xi32, #tpu.memory_space<hbm>>) dst(%arg15 : memref<2000xi32, #tpu.memory_space<vmem>>)
      %dma_wait3A_138 = tpu.memref_slice %arg3[%add3A_136] : memref<320000xi32, #tpu.memory_space<hbm>> -> memref<2000xi32, #tpu.memory_space<hbm>>
      %dma_wait3A_139 = tpu.memref_slice %arg3[%add3A_136] : memref<320000xi32, #tpu.memory_space<hbm>> -> memref<2000xi32, #tpu.memory_space<hbm>>
      tpu.wait_dma2 semaphore(%arg25 : memref<!tpu.dma_semaphore, #tpu.memory_space<semaphore_mem>>) src(%dma_wait3A_139 : memref<2000xi32, #tpu.memory_space<hbm>>) dst(%arg16 : memref<2000xi32, #tpu.memory_space<vmem>>)
      %dma_wait3A_140 = tpu.memref_slice %arg8[%add3A_136] : memref<320000xf32, #tpu.memory_space<hbm>> -> memref<2000xf32, #tpu.memory_space<hbm>>
      %dma_wait3A_141 = tpu.memref_slice %arg8[%add3A_136] : memref<320000xf32, #tpu.memory_space<hbm>> -> memref<2000xf32, #tpu.memory_space<hbm>>
      tpu.wait_dma2 semaphore(%arg25 : memref<!tpu.dma_semaphore, #tpu.memory_space<semaphore_mem>>) src(%dma_wait3A_141 : memref<2000xf32, #tpu.memory_space<hbm>>) dst(%arg17 : memref<2000xf32, #tpu.memory_space<vmem>>)
      %scan3A_142 = arith.constant 0 : i32
      %scan3A_143 = arith.constant 0 : i32
      %scan3A_144 = arith.constant 125 : i32
      %scan3A_145 = arith.addi %scan3A_143, %scan3A_144 : i32
      %scan3A_146 = arith.constant 1 : i32
      %scan3A_147 = scf.for %scan3A_174 = %scan3A_143 to %scan3A_145 step %scan3A_146 iter_args(%scan3A_175 = %scan3A_142) -> (i32)  : i32 {
        %mul3A_176 = arith.constant 16 : i32
        %mul3A_177 = arith.muli %scan3A_174, %mul3A_176 : i32
        %get3A = arith.index_cast %mul3A_177 : i32 to index
        %get3A_178 = tpu.vector_load %arg15[%get3A] {strides = array<i32>} : memref<2000xi32, #tpu.memory_space<vmem>>, vector<16xi32>,
        %get3A_179 = arith.index_cast %mul3A_177 : i32 to index
        %get3A_180 = tpu.vector_load %arg16[%get3A_179] {strides = array<i32>} : memref<2000xi32, #tpu.memory_space<vmem>>, vector<16xi32>,
        %get3A_181 = arith.index_cast %mul3A_177 : i32 to index
        %get3A_182 = tpu.vector_load %arg17[%get3A_181] {strides = array<i32>} : memref<2000xf32, #tpu.memory_space<vmem>>, vector<16xf32>,
        %gather3A = tpu.vector_load_idx %arg13[%get3A_178] : memref<40000xf32, #tpu.memory_space<vmem>>[vector<16xi32>], vector<16xf32>,
        %mul3A_183 = arith.mulf %gather3A, %get3A_182 : vector<16xf32>
        tpu.vector_store_idx %arg14[%get3A_180], %mul3A_183 {add = true} : memref<40000xf32, #tpu.memory_space<vmem>>[vector<16xi32>], vector<16xf32>,
        %add3A_184 = arith.constant 10000 : i32
        %add3A_185 = vector.broadcast %add3A_184 : i32 to vector<16xi32>
        %add3A_186 = arith.addi %get3A_178, %add3A_185 : vector<16xi32>
        %add3A_187 = arith.constant 10000 : i32
        %add3A_188 = vector.broadcast %add3A_187 : i32 to vector<16xi32>
        %add3A_189 = arith.addi %get3A_180, %add3A_188 : vector<16xi32>
        %gather3A_190 = tpu.vector_load_idx %arg13[%add3A_186] : memref<40000xf32, #tpu.memory_space<vmem>>[vector<16xi32>], vector<16xf32>,
        %mul3A_191 = arith.mulf %gather3A_190, %get3A_182 : vector<16xf32>
        tpu.vector_store_idx %arg14[%add3A_189], %mul3A_191 {add = true} : memref<40000xf32, #tpu.memory_space<vmem>>[vector<16xi32>], vector<16xf32>,
        %add3A_192 = arith.constant 20000 : i32
        %add3A_193 = vector.broadcast %add3A_192 : i32 to vector<16xi32>
        %add3A_194 = arith.addi %get3A_178, %add3A_193 : vector<16xi32>
        %add3A_195 = arith.constant 20000 : i32
        %add3A_196 = vector.broadcast %add3A_195 : i32 to vector<16xi32>
        %add3A_197 = arith.addi %get3A_180, %add3A_196 : vector<16xi32>
        %gather3A_198 = tpu.vector_load_idx %arg13[%add3A_194] : memref<40000xf32, #tpu.memory_space<vmem>>[vector<16xi32>], vector<16xf32>,
        %mul3A_199 = arith.mulf %gather3A_198, %get3A_182 : vector<16xf32>
        tpu.vector_store_idx %arg14[%add3A_197], %mul3A_199 {add = true} : memref<40000xf32, #tpu.memory_space<vmem>>[vector<16xi32>], vector<16xf32>,
        %add3A_200 = arith.constant 30000 : i32
        %add3A_201 = vector.broadcast %add3A_200 : i32 to vector<16xi32>
        %add3A_202 = arith.addi %get3A_178, %add3A_201 : vector<16xi32>
        %add3A_203 = arith.constant 30000 : i32
        %add3A_204 = vector.broadcast %add3A_203 : i32 to vector<16xi32>
        %add3A_205 = arith.addi %get3A_180, %add3A_204 : vector<16xi32>
        %gather3A_206 = tpu.vector_load_idx %arg13[%add3A_202] : memref<40000xf32, #tpu.memory_space<vmem>>[vector<16xi32>], vector<16xf32>,
        %mul3A_207 = arith.mulf %gather3A_206, %get3A_182 : vector<16xf32>
        tpu.vector_store_idx %arg14[%add3A_205], %mul3A_207 {add = true} : memref<40000xf32, #tpu.memory_space<vmem>>[vector<16xi32>], vector<16xf32>,
        %scan3A_208 = arith.constant 0 : i32
        scf.yield %scan3A_208 : i32
      }
      %scan3A_148 = arith.constant 125 : i32
      %add3A_149 = arith.constant 2 : i32
      %add3A_150 = arith.addi %mul3A_118, %add3A_149 : i32
      %lt3A = arith.constant 80 : i32
      %lt3A_151 = arith.cmpi slt, %add3A_150, %lt3A : i32
      %convert_element_type3A = arith.extui %lt3A_151 : i1 to i32
      %cond3A = arith.constant 0 : i32
      %cond3A_152 = arith.cmpi ne, %convert_element_type3A, %cond3A : i32
      scf.if %cond3A_152 {
        %add3A_174 = arith.constant 2 : i32
        %add3A_175 = arith.addi %mul3A_118, %add3A_174 : i32
        %mul3A_176 = arith.constant 160000 : i32
        %mul3A_177 = arith.muli %arg0, %mul3A_176 : i32
        %mul3A_178 = arith.constant 2000 : i32
        %mul3A_179 = arith.muli %add3A_175, %mul3A_178 : i32
        %add3A_180 = arith.addi %mul3A_177, %mul3A_179 : i32
        %dma_start3A_181 = tpu.memref_slice %arg2[%add3A_180] : memref<320000xi32, #tpu.memory_space<hbm>> -> memref<2000xi32, #tpu.memory_space<hbm>>
        %dma_start3A_182 = tpu.memref_slice %arg2[%add3A_180] : memref<320000xi32, #tpu.memory_space<hbm>> -> memref<2000xi32, #tpu.memory_space<hbm>>
        tpu.enqueue_dma source(%dma_start3A_182 : memref<2000xi32, #tpu.memory_space<hbm>>) target(%arg15 : memref<2000xi32, #tpu.memory_space<vmem>>) target_semaphore(%arg25 : memref<!tpu.dma_semaphore, #tpu.memory_space<semaphore_mem>>)
        %dma_start3A_183 = tpu.memref_slice %arg3[%add3A_180] : memref<320000xi32, #tpu.memory_space<hbm>> -> memref<2000xi32, #tpu.memory_space<hbm>>
        %dma_start3A_184 = tpu.memref_slice %arg3[%add3A_180] : memref<320000xi32, #tpu.memory_space<hbm>> -> memref<2000xi32, #tpu.memory_space<hbm>>
        tpu.enqueue_dma source(%dma_start3A_184 : memref<2000xi32, #tpu.memory_space<hbm>>) target(%arg16 : memref<2000xi32, #tpu.memory_space<vmem>>) target_semaphore(%arg25 : memref<!tpu.dma_semaphore, #tpu.memory_space<semaphore_mem>>)
        %dma_start3A_185 = tpu.memref_slice %arg8[%add3A_180] : memref<320000xf32, #tpu.memory_space<hbm>> -> memref<2000xf32, #tpu.memory_space<hbm>>
        %dma_start3A_186 = tpu.memref_slice %arg8[%add3A_180] : memref<320000xf32, #tpu.memory_space<hbm>> -> memref<2000xf32, #tpu.memory_space<hbm>>
        tpu.enqueue_dma source(%dma_start3A_186 : memref<2000xf32, #tpu.memory_space<hbm>>) target(%arg17 : memref<2000xf32, #tpu.memory_space<vmem>>) target_semaphore(%arg25 : memref<!tpu.dma_semaphore, #tpu.memory_space<semaphore_mem>>)
      } else {
      }
      %add3A_153 = arith.constant 1 : i32
      %add3A_154 = arith.addi %mul3A_118, %add3A_153 : i32
      %mul3A_155 = arith.constant 160000 : i32
      %mul3A_156 = arith.muli %arg0, %mul3A_155 : i32
      %mul3A_157 = arith.constant 2000 : i32
      %mul3A_158 = arith.muli %add3A_154, %mul3A_157 : i32
      %add3A_159 = arith.addi %mul3A_156, %mul3A_158 : i32
      %dma_wait3A_160 = tpu.memref_slice %arg2[%add3A_159] : memref<320000xi32, #tpu.memory_space<hbm>> -> memref<2000xi32, #tpu.memory_space<hbm>>
      %dma_wait3A_161 = tpu.memref_slice %arg2[%add3A_159] : memref<320000xi32, #tpu.memory_space<hbm>> -> memref<2000xi32, #tpu.memory_space<hbm>>
      tpu.wait_dma2 semaphore(%arg25 : memref<!tpu.dma_semaphore, #tpu.memory_space<semaphore_mem>>) src(%dma_wait3A_161 : memref<2000xi32, #tpu.memory_space<hbm>>) dst(%arg22 : memref<2000xi32, #tpu.memory_space<vmem>>)
      %dma_wait3A_162 = tpu.memref_slice %arg3[%add3A_159] : memref<320000xi32, #tpu.memory_space<hbm>> -> memref<2000xi32, #tpu.memory_space<hbm>>
      %dma_wait3A_163 = tpu.memref_slice %arg3[%add3A_159] : memref<320000xi32, #tpu.memory_space<hbm>> -> memref<2000xi32, #tpu.memory_space<hbm>>
      tpu.wait_dma2 semaphore(%arg25 : memref<!tpu.dma_semaphore, #tpu.memory_space<semaphore_mem>>) src(%dma_wait3A_163 : memref<2000xi32, #tpu.memory_space<hbm>>) dst(%arg23 : memref<2000xi32, #tpu.memory_space<vmem>>)
      %dma_wait3A_164 = tpu.memref_slice %arg8[%add3A_159] : memref<320000xf32, #tpu.memory_space<hbm>> -> memref<2000xf32, #tpu.memory_space<hbm>>
      %dma_wait3A_165 = tpu.memref_slice %arg8[%add3A_159] : memref<320000xf32, #tpu.memory_space<hbm>> -> memref<2000xf32, #tpu.memory_space<hbm>>
      tpu.wait_dma2 semaphore(%arg25 : memref<!tpu.dma_semaphore, #tpu.memory_space<semaphore_mem>>) src(%dma_wait3A_165 : memref<2000xf32, #tpu.memory_space<hbm>>) dst(%arg24 : memref<2000xf32, #tpu.memory_space<vmem>>)
      %scan3A_166 = arith.constant 0 : i32
      %scan3A_167 = arith.constant 0 : i32
      %scan3A_168 = arith.constant 125 : i32
      %scan3A_169 = arith.addi %scan3A_167, %scan3A_168 : i32
      %scan3A_170 = arith.constant 1 : i32
      %scan3A_171 = scf.for %scan3A_174 = %scan3A_167 to %scan3A_169 step %scan3A_170 iter_args(%scan3A_175 = %scan3A_166) -> (i32)  : i32 {
        %mul3A_176 = arith.constant 16 : i32
        %mul3A_177 = arith.muli %scan3A_174, %mul3A_176 : i32
        %get3A = arith.index_cast %mul3A_177 : i32 to index
        %get3A_178 = tpu.vector_load %arg22[%get3A] {strides = array<i32>} : memref<2000xi32, #tpu.memory_space<vmem>>, vector<16xi32>,
        %get3A_179 = arith.index_cast %mul3A_177 : i32 to index
        %get3A_180 = tpu.vector_load %arg23[%get3A_179] {strides = array<i32>} : memref<2000xi32, #tpu.memory_space<vmem>>, vector<16xi32>,
        %get3A_181 = arith.index_cast %mul3A_177 : i32 to index
        %get3A_182 = tpu.vector_load %arg24[%get3A_181] {strides = array<i32>} : memref<2000xf32, #tpu.memory_space<vmem>>, vector<16xf32>,
        %gather3A = tpu.vector_load_idx %arg13[%get3A_178] : memref<40000xf32, #tpu.memory_space<vmem>>[vector<16xi32>], vector<16xf32>,
        %mul3A_183 = arith.mulf %gather3A, %get3A_182 : vector<16xf32>
        tpu.vector_store_idx %arg14[%get3A_180], %mul3A_183 {add = true} : memref<40000xf32, #tpu.memory_space<vmem>>[vector<16xi32>], vector<16xf32>,
        %add3A_184 = arith.constant 10000 : i32
        %add3A_185 = vector.broadcast %add3A_184 : i32 to vector<16xi32>
        %add3A_186 = arith.addi %get3A_178, %add3A_185 : vector<16xi32>
        %add3A_187 = arith.constant 10000 : i32
        %add3A_188 = vector.broadcast %add3A_187 : i32 to vector<16xi32>
        %add3A_189 = arith.addi %get3A_180, %add3A_188 : vector<16xi32>
        %gather3A_190 = tpu.vector_load_idx %arg13[%add3A_186] : memref<40000xf32, #tpu.memory_space<vmem>>[vector<16xi32>], vector<16xf32>,
        %mul3A_191 = arith.mulf %gather3A_190, %get3A_182 : vector<16xf32>
        tpu.vector_store_idx %arg14[%add3A_189], %mul3A_191 {add = true} : memref<40000xf32, #tpu.memory_space<vmem>>[vector<16xi32>], vector<16xf32>,
        %add3A_192 = arith.constant 20000 : i32
        %add3A_193 = vector.broadcast %add3A_192 : i32 to vector<16xi32>
        %add3A_194 = arith.addi %get3A_178, %add3A_193 : vector<16xi32>
        %add3A_195 = arith.constant 20000 : i32
        %add3A_196 = vector.broadcast %add3A_195 : i32 to vector<16xi32>
        %add3A_197 = arith.addi %get3A_180, %add3A_196 : vector<16xi32>
        %gather3A_198 = tpu.vector_load_idx %arg13[%add3A_194] : memref<40000xf32, #tpu.memory_space<vmem>>[vector<16xi32>], vector<16xf32>,
        %mul3A_199 = arith.mulf %gather3A_198, %get3A_182 : vector<16xf32>
        tpu.vector_store_idx %arg14[%add3A_197], %mul3A_199 {add = true} : memref<40000xf32, #tpu.memory_space<vmem>>[vector<16xi32>], vector<16xf32>,
        %add3A_200 = arith.constant 30000 : i32
        %add3A_201 = vector.broadcast %add3A_200 : i32 to vector<16xi32>
        %add3A_202 = arith.addi %get3A_178, %add3A_201 : vector<16xi32>
        %add3A_203 = arith.constant 30000 : i32
        %add3A_204 = vector.broadcast %add3A_203 : i32 to vector<16xi32>
        %add3A_205 = arith.addi %get3A_180, %add3A_204 : vector<16xi32>
        %gather3A_206 = tpu.vector_load_idx %arg13[%add3A_202] : memref<40000xf32, #tpu.memory_space<vmem>>[vector<16xi32>], vector<16xf32>,
        %mul3A_207 = arith.mulf %gather3A_206, %get3A_182 : vector<16xf32>
        tpu.vector_store_idx %arg14[%add3A_205], %mul3A_207 {add = true} : memref<40000xf32, #tpu.memory_space<vmem>>[vector<16xi32>], vector<16xf32>,
        %scan3A_208 = arith.constant 0 : i32
        scf.yield %scan3A_208 : i32
      }
      %scan3A_172 = arith.constant 125 : i32
      %scan3A_173 = arith.constant 0 : i32
      scf.yield %scan3A_173 : i32
    }
    %scan3A_78 = arith.constant 40 : i32
    %mul3A_79 = arith.constant 64 : i32
    %mul3A_80 = arith.muli %arg0, %mul3A_79 : i32
    %mul3A_81 = arith.constant 4 : i32
    %mul3A_82 = arith.muli %mul3A_81, %arg1 : i32
    %add3A_83 = arith.addi %mul3A_80, %mul3A_82 : i32
    %add3A_84 = arith.constant 0 : i32
    %add3A_85 = arith.addi %add3A_83, %add3A_84 : i32
    %mul3A_86 = arith.constant 10000 : i32
    %mul3A_87 = arith.muli %add3A_85, %mul3A_86 : i32
    "tpu.region"() ({
      %run_scoped3A = tpu.sem_alloc : memref<!tpu.dma_semaphore, #tpu.memory_space<semaphore_mem>>
      %dma_start3A_115 = arith.constant 0 : i32
      %dma_start3A_116 = tpu.memref_slice %arg14[%dma_start3A_115] : memref<40000xf32, #tpu.memory_space<vmem>> -> memref<10000xf32, #tpu.memory_space<vmem>>
      %dma_start3A_117 = tpu.memref_slice %arg10[%mul3A_87] : memref<1280000xf32, #tpu.memory_space<hbm>> -> memref<10000xf32, #tpu.memory_space<hbm>>
      %dma_start3A_118 = tpu.memref_slice %arg10[%mul3A_87] : memref<1280000xf32, #tpu.memory_space<hbm>> -> memref<10000xf32, #tpu.memory_space<hbm>>
      %dma_start3A_119 = arith.constant 0 : i32
      %dma_start3A_120 = tpu.memref_slice %arg14[%dma_start3A_119] : memref<40000xf32, #tpu.memory_space<vmem>> -> memref<10000xf32, #tpu.memory_space<vmem>>
      tpu.enqueue_dma source(%dma_start3A_120 : memref<10000xf32, #tpu.memory_space<vmem>>) target(%dma_start3A_118 : memref<10000xf32, #tpu.memory_space<hbm>>) target_semaphore(%run_scoped3A : memref<!tpu.dma_semaphore, #tpu.memory_space<semaphore_mem>>)
      %dma_wait3A = arith.constant 0 : i32
      %dma_wait3A_121 = tpu.memref_slice %arg14[%dma_wait3A] : memref<40000xf32, #tpu.memory_space<vmem>> -> memref<10000xf32, #tpu.memory_space<vmem>>
      %dma_wait3A_122 = tpu.memref_slice %arg10[%mul3A_87] : memref<1280000xf32, #tpu.memory_space<hbm>> -> memref<10000xf32, #tpu.memory_space<hbm>>
      %dma_wait3A_123 = tpu.memref_slice %arg10[%mul3A_87] : memref<1280000xf32, #tpu.memory_space<hbm>> -> memref<10000xf32, #tpu.memory_space<hbm>>
      %dma_wait3A_124 = arith.constant 0 : i32
      %dma_wait3A_125 = tpu.memref_slice %arg14[%dma_wait3A_124] : memref<40000xf32, #tpu.memory_space<vmem>> -> memref<10000xf32, #tpu.memory_space<vmem>>
      tpu.wait_dma2 semaphore(%run_scoped3A : memref<!tpu.dma_semaphore, #tpu.memory_space<semaphore_mem>>) src(%dma_wait3A_125 : memref<10000xf32, #tpu.memory_space<vmem>>) dst(%dma_wait3A_123 : memref<10000xf32, #tpu.memory_space<hbm>>)
      tpu.yield
    }) : () -> ()
    %mul3A_88 = arith.constant 64 : i32
    %mul3A_89 = arith.muli %arg0, %mul3A_88 : i32
    %mul3A_90 = arith.constant 4 : i32
    %mul3A_91 = arith.muli %mul3A_90, %arg1 : i32
    %add3A_92 = arith.addi %mul3A_89, %mul3A_91 : i32
    %add3A_93 = arith.constant 1 : i32
    %add3A_94 = arith.addi %add3A_92, %add3A_93 : i32
    %mul3A_95 = arith.constant 10000 : i32
    %mul3A_96 = arith.muli %add3A_94, %mul3A_95 : i32
    "tpu.region"() ({
      %run_scoped3A = tpu.sem_alloc : memref<!tpu.dma_semaphore, #tpu.memory_space<semaphore_mem>>
      %dma_start3A_115 = arith.constant 10000 : i32
      %dma_start3A_116 = tpu.memref_slice %arg14[%dma_start3A_115] : memref<40000xf32, #tpu.memory_space<vmem>> -> memref<10000xf32, #tpu.memory_space<vmem>>
      %dma_start3A_117 = tpu.memref_slice %arg10[%mul3A_96] : memref<1280000xf32, #tpu.memory_space<hbm>> -> memref<10000xf32, #tpu.memory_space<hbm>>
      %dma_start3A_118 = tpu.memref_slice %arg10[%mul3A_96] : memref<1280000xf32, #tpu.memory_space<hbm>> -> memref<10000xf32, #tpu.memory_space<hbm>>
      %dma_start3A_119 = arith.constant 10000 : i32
      %dma_start3A_120 = tpu.memref_slice %arg14[%dma_start3A_119] : memref<40000xf32, #tpu.memory_space<vmem>> -> memref<10000xf32, #tpu.memory_space<vmem>>
      tpu.enqueue_dma source(%dma_start3A_120 : memref<10000xf32, #tpu.memory_space<vmem>>) target(%dma_start3A_118 : memref<10000xf32, #tpu.memory_space<hbm>>) target_semaphore(%run_scoped3A : memref<!tpu.dma_semaphore, #tpu.memory_space<semaphore_mem>>)
      %dma_wait3A = arith.constant 10000 : i32
      %dma_wait3A_121 = tpu.memref_slice %arg14[%dma_wait3A] : memref<40000xf32, #tpu.memory_space<vmem>> -> memref<10000xf32, #tpu.memory_space<vmem>>
      %dma_wait3A_122 = tpu.memref_slice %arg10[%mul3A_96] : memref<1280000xf32, #tpu.memory_space<hbm>> -> memref<10000xf32, #tpu.memory_space<hbm>>
      %dma_wait3A_123 = tpu.memref_slice %arg10[%mul3A_96] : memref<1280000xf32, #tpu.memory_space<hbm>> -> memref<10000xf32, #tpu.memory_space<hbm>>
      %dma_wait3A_124 = arith.constant 10000 : i32
      %dma_wait3A_125 = tpu.memref_slice %arg14[%dma_wait3A_124] : memref<40000xf32, #tpu.memory_space<vmem>> -> memref<10000xf32, #tpu.memory_space<vmem>>
      tpu.wait_dma2 semaphore(%run_scoped3A : memref<!tpu.dma_semaphore, #tpu.memory_space<semaphore_mem>>) src(%dma_wait3A_125 : memref<10000xf32, #tpu.memory_space<vmem>>) dst(%dma_wait3A_123 : memref<10000xf32, #tpu.memory_space<hbm>>)
      tpu.yield
    }) : () -> ()
    %mul3A_97 = arith.constant 64 : i32
    %mul3A_98 = arith.muli %arg0, %mul3A_97 : i32
    %mul3A_99 = arith.constant 4 : i32
    %mul3A_100 = arith.muli %mul3A_99, %arg1 : i32
    %add3A_101 = arith.addi %mul3A_98, %mul3A_100 : i32
    %add3A_102 = arith.constant 2 : i32
    %add3A_103 = arith.addi %add3A_101, %add3A_102 : i32
    %mul3A_104 = arith.constant 10000 : i32
    %mul3A_105 = arith.muli %add3A_103, %mul3A_104 : i32
    "tpu.region"() ({
      %run_scoped3A = tpu.sem_alloc : memref<!tpu.dma_semaphore, #tpu.memory_space<semaphore_mem>>
      %dma_start3A_115 = arith.constant 20000 : i32
      %dma_start3A_116 = tpu.memref_slice %arg14[%dma_start3A_115] : memref<40000xf32, #tpu.memory_space<vmem>> -> memref<10000xf32, #tpu.memory_space<vmem>>
      %dma_start3A_117 = tpu.memref_slice %arg10[%mul3A_105] : memref<1280000xf32, #tpu.memory_space<hbm>> -> memref<10000xf32, #tpu.memory_space<hbm>>
      %dma_start3A_118 = tpu.memref_slice %arg10[%mul3A_105] : memref<1280000xf32, #tpu.memory_space<hbm>> -> memref<10000xf32, #tpu.memory_space<hbm>>
      %dma_start3A_119 = arith.constant 20000 : i32
      %dma_start3A_120 = tpu.memref_slice %arg14[%dma_start3A_119] : memref<40000xf32, #tpu.memory_space<vmem>> -> memref<10000xf32, #tpu.memory_space<vmem>>
      tpu.enqueue_dma source(%dma_start3A_120 : memref<10000xf32, #tpu.memory_space<vmem>>) target(%dma_start3A_118 : memref<10000xf32, #tpu.memory_space<hbm>>) target_semaphore(%run_scoped3A : memref<!tpu.dma_semaphore, #tpu.memory_space<semaphore_mem>>)
      %dma_wait3A = arith.constant 20000 : i32
      %dma_wait3A_121 = tpu.memref_slice %arg14[%dma_wait3A] : memref<40000xf32, #tpu.memory_space<vmem>> -> memref<10000xf32, #tpu.memory_space<vmem>>
      %dma_wait3A_122 = tpu.memref_slice %arg10[%mul3A_105] : memref<1280000xf32, #tpu.memory_space<hbm>> -> memref<10000xf32, #tpu.memory_space<hbm>>
      %dma_wait3A_123 = tpu.memref_slice %arg10[%mul3A_105] : memref<1280000xf32, #tpu.memory_space<hbm>> -> memref<10000xf32, #tpu.memory_space<hbm>>
      %dma_wait3A_124 = arith.constant 20000 : i32
      %dma_wait3A_125 = tpu.memref_slice %arg14[%dma_wait3A_124] : memref<40000xf32, #tpu.memory_space<vmem>> -> memref<10000xf32, #tpu.memory_space<vmem>>
      tpu.wait_dma2 semaphore(%run_scoped3A : memref<!tpu.dma_semaphore, #tpu.memory_space<semaphore_mem>>) src(%dma_wait3A_125 : memref<10000xf32, #tpu.memory_space<vmem>>) dst(%dma_wait3A_123 : memref<10000xf32, #tpu.memory_space<hbm>>)
      tpu.yield
    }) : () -> ()
    %mul3A_106 = arith.constant 64 : i32
    %mul3A_107 = arith.muli %arg0, %mul3A_106 : i32
    %mul3A_108 = arith.constant 4 : i32
    %mul3A_109 = arith.muli %mul3A_108, %arg1 : i32
    %add3A_110 = arith.addi %mul3A_107, %mul3A_109 : i32
    %add3A_111 = arith.constant 3 : i32
    %add3A_112 = arith.addi %add3A_110, %add3A_111 : i32
    %mul3A_113 = arith.constant 10000 : i32
    %mul3A_114 = arith.muli %add3A_112, %mul3A_113 : i32
    "tpu.region"() ({
      %run_scoped3A = tpu.sem_alloc : memref<!tpu.dma_semaphore, #tpu.memory_space<semaphore_mem>>
      %dma_start3A_115 = arith.constant 30000 : i32
      %dma_start3A_116 = tpu.memref_slice %arg14[%dma_start3A_115] : memref<40000xf32, #tpu.memory_space<vmem>> -> memref<10000xf32, #tpu.memory_space<vmem>>
      %dma_start3A_117 = tpu.memref_slice %arg10[%mul3A_114] : memref<1280000xf32, #tpu.memory_space<hbm>> -> memref<10000xf32, #tpu.memory_space<hbm>>
      %dma_start3A_118 = tpu.memref_slice %arg10[%mul3A_114] : memref<1280000xf32, #tpu.memory_space<hbm>> -> memref<10000xf32, #tpu.memory_space<hbm>>
      %dma_start3A_119 = arith.constant 30000 : i32
      %dma_start3A_120 = tpu.memref_slice %arg14[%dma_start3A_119] : memref<40000xf32, #tpu.memory_space<vmem>> -> memref<10000xf32, #tpu.memory_space<vmem>>
      tpu.enqueue_dma source(%dma_start3A_120 : memref<10000xf32, #tpu.memory_space<vmem>>) target(%dma_start3A_118 : memref<10000xf32, #tpu.memory_space<hbm>>) target_semaphore(%run_scoped3A : memref<!tpu.dma_semaphore, #tpu.memory_space<semaphore_mem>>)
      %dma_wait3A = arith.constant 30000 : i32
      %dma_wait3A_121 = tpu.memref_slice %arg14[%dma_wait3A] : memref<40000xf32, #tpu.memory_space<vmem>> -> memref<10000xf32, #tpu.memory_space<vmem>>
      %dma_wait3A_122 = tpu.memref_slice %arg10[%mul3A_114] : memref<1280000xf32, #tpu.memory_space<hbm>> -> memref<10000xf32, #tpu.memory_space<hbm>>
      %dma_wait3A_123 = tpu.memref_slice %arg10[%mul3A_114] : memref<1280000xf32, #tpu.memory_space<hbm>> -> memref<10000xf32, #tpu.memory_space<hbm>>
      %dma_wait3A_124 = arith.constant 30000 : i32
      %dma_wait3A_125 = tpu.memref_slice %arg14[%dma_wait3A_124] : memref<40000xf32, #tpu.memory_space<vmem>> -> memref<10000xf32, #tpu.memory_space<vmem>>
      tpu.wait_dma2 semaphore(%run_scoped3A : memref<!tpu.dma_semaphore, #tpu.memory_space<semaphore_mem>>) src(%dma_wait3A_125 : memref<10000xf32, #tpu.memory_space<vmem>>) dst(%dma_wait3A_123 : memref<10000xf32, #tpu.memory_space<hbm>>)
      tpu.yield
    }) : () -> ()
    return
  }
}

#map = affine_map<(d0, d1) -> (0)>
module attributes {stable_mosaic.version = 14 : i64} {
  func.func @_sc_body(%arg0: i32, %arg1: i32, %arg2: memref<320000xi32, #tpu.memory_space<hbm>>, %arg3: memref<320000xi32, #tpu.memory_space<hbm>>, %arg4: memref<320000xf32, #tpu.memory_space<hbm>>, %arg5: memref<320000xf32, #tpu.memory_space<hbm>>, %arg6: memref<320000xf32, #tpu.memory_space<hbm>>, %arg7: memref<320000xf32, #tpu.memory_space<hbm>>, %arg8: memref<10000xf32, #tpu.memory_space<hbm>>, %arg9: memref<10000xf32, #tpu.memory_space<hbm>>, %arg10: memref<640000xf32, #tpu.memory_space<hbm>>, %arg11: memref<320000xf32, #tpu.memory_space<hbm>>, %arg12: memref<320000xf32, #tpu.memory_space<hbm>>, %arg13: memref<1280000xf32, #tpu.memory_space<hbm>>, %arg14: memref<1280000xf32, #tpu.memory_space<hbm>>, %arg15: memref<10000xf32, #tpu.memory_space<vmem>>, %arg16: memref<10000xf32, #tpu.memory_space<vmem>>, %arg17: memref<40000xf32, #tpu.memory_space<vmem>>, %arg18: memref<40000xf32, #tpu.memory_space<vmem>>, %arg19: memref<2000xi32, #tpu.memory_space<vmem>>, %arg20: memref<2000xi32, #tpu.memory_space<vmem>>, %arg21: memref<2000xf32, #tpu.memory_space<vmem>>, %arg22: memref<2000xf32, #tpu.memory_space<vmem>>, %arg23: memref<2000xf32, #tpu.memory_space<vmem>>, %arg24: memref<2000xf32, #tpu.memory_space<vmem>>, %arg25: memref<2000xf32, #tpu.memory_space<vmem>>, %arg26: memref<2000xi32, #tpu.memory_space<vmem>>, %arg27: memref<2000xi32, #tpu.memory_space<vmem>>, %arg28: memref<2000xf32, #tpu.memory_space<vmem>>, %arg29: memref<!tpu.dma_semaphore, #tpu.memory_space<semaphore_mem>>) attributes {dimension_semantics = [#tpu.dimension_semantics<core_parallel>, #tpu.dimension_semantics<subcore_parallel>], iteration_bounds = array<i64: 2, 16>, scalar_prefetch = 0 : i64, scratch_operands = 15 : i64, tpu.core_type = #tpu.core_type<sc_vector_subcore>, window_params = [{transform_indices = #map}, {transform_indices = #map}, {transform_indices = #map}, {transform_indices = #map}, {transform_indices = #map}, {transform_indices = #map}, {transform_indices = #map}, {transform_indices = #map}, {transform_indices = #map}, {transform_indices = #map}, {transform_indices = #map}, {transform_indices = #map}, {transform_indices = #map}]} {
    %mul3A = arith.constant 16 : i32
    %mul3A_0 = arith.muli %arg0, %mul3A : i32
    %add3A = arith.addi %mul3A_0, %arg1 : i32
    "tpu.region"() ({
      %run_scoped3A = tpu.sem_alloc : memref<!tpu.dma_semaphore, #tpu.memory_space<semaphore_mem>>
      tpu.enqueue_dma source(%arg8 : memref<10000xf32, #tpu.memory_space<hbm>>) target(%arg15 : memref<10000xf32, #tpu.memory_space<vmem>>) target_semaphore(%run_scoped3A : memref<!tpu.dma_semaphore, #tpu.memory_space<semaphore_mem>>)
      tpu.wait_dma2 semaphore(%run_scoped3A : memref<!tpu.dma_semaphore, #tpu.memory_space<semaphore_mem>>) src(%arg8 : memref<10000xf32, #tpu.memory_space<hbm>>) dst(%arg15 : memref<10000xf32, #tpu.memory_space<vmem>>)
      tpu.yield
    }) : () -> ()
    "tpu.region"() ({
      %run_scoped3A = tpu.sem_alloc : memref<!tpu.dma_semaphore, #tpu.memory_space<semaphore_mem>>
      tpu.enqueue_dma source(%arg9 : memref<10000xf32, #tpu.memory_space<hbm>>) target(%arg16 : memref<10000xf32, #tpu.memory_space<vmem>>) target_semaphore(%run_scoped3A : memref<!tpu.dma_semaphore, #tpu.memory_space<semaphore_mem>>)
      tpu.wait_dma2 semaphore(%run_scoped3A : memref<!tpu.dma_semaphore, #tpu.memory_space<semaphore_mem>>) src(%arg9 : memref<10000xf32, #tpu.memory_space<hbm>>) dst(%arg16 : memref<10000xf32, #tpu.memory_space<vmem>>)
      tpu.yield
    }) : () -> ()
    %broadcast_in_dim3A = arith.constant 0.000000e+00 : f32
    %broadcast_in_dim3A_1 = vector.broadcast %broadcast_in_dim3A : f32 to vector<16xf32>
    %broadcast_in_dim3A_2 = arith.constant 1.000000e+00 : f32
    %broadcast_in_dim3A_3 = vector.broadcast %broadcast_in_dim3A_2 : f32 to vector<16xf32>
    %scan3A = arith.constant 0 : i32
    %scan3A_4 = arith.constant 0 : i32
    %scan3A_5 = arith.constant 125 : i32
    %scan3A_6 = arith.addi %scan3A_4, %scan3A_5 : i32
    %scan3A_7 = arith.constant 1 : i32
    %scan3A_8 = scf.for %scan3A_146 = %scan3A_4 to %scan3A_6 step %scan3A_7 iter_args(%scan3A_147 = %scan3A) -> (i32)  : i32 {
      %mul3A_148 = arith.constant 5 : i32
      %mul3A_149 = arith.muli %scan3A_146, %mul3A_148 : i32
      %mul3A_150 = arith.constant 16 : i32
      %mul3A_151 = arith.muli %mul3A_149, %mul3A_150 : i32
      %add3A_152 = arith.constant 0 : i32
      %add3A_153 = arith.addi %mul3A_151, %add3A_152 : i32
      %swap3A = arith.index_cast %add3A_153 : i32 to index
      %swap3A_154 = tpu.vector_load %arg17[%swap3A] {strides = array<i32>} : memref<40000xf32, #tpu.memory_space<vmem>>, vector<16xf32>,
      tpu.vector_store %arg17[%swap3A], %broadcast_in_dim3A_1 {strides = array<i32>} : memref<40000xf32, #tpu.memory_space<vmem>>, vector<16xf32>,
      %mul3A_155 = arith.constant 5 : i32
      %mul3A_156 = arith.muli %scan3A_146, %mul3A_155 : i32
      %mul3A_157 = arith.constant 16 : i32
      %mul3A_158 = arith.muli %mul3A_156, %mul3A_157 : i32
      %add3A_159 = arith.constant 16 : i32
      %add3A_160 = arith.addi %mul3A_158, %add3A_159 : i32
      %swap3A_161 = arith.index_cast %add3A_160 : i32 to index
      %swap3A_162 = tpu.vector_load %arg17[%swap3A_161] {strides = array<i32>} : memref<40000xf32, #tpu.memory_space<vmem>>, vector<16xf32>,
      tpu.vector_store %arg17[%swap3A_161], %broadcast_in_dim3A_1 {strides = array<i32>} : memref<40000xf32, #tpu.memory_space<vmem>>, vector<16xf32>,
      %mul3A_163 = arith.constant 5 : i32
      %mul3A_164 = arith.muli %scan3A_146, %mul3A_163 : i32
      %mul3A_165 = arith.constant 16 : i32
      %mul3A_166 = arith.muli %mul3A_164, %mul3A_165 : i32
      %add3A_167 = arith.constant 32 : i32
      %add3A_168 = arith.addi %mul3A_166, %add3A_167 : i32
      %swap3A_169 = arith.index_cast %add3A_168 : i32 to index
      %swap3A_170 = tpu.vector_load %arg17[%swap3A_169] {strides = array<i32>} : memref<40000xf32, #tpu.memory_space<vmem>>, vector<16xf32>,
      tpu.vector_store %arg17[%swap3A_169], %broadcast_in_dim3A_1 {strides = array<i32>} : memref<40000xf32, #tpu.memory_space<vmem>>, vector<16xf32>,
      %mul3A_171 = arith.constant 5 : i32
      %mul3A_172 = arith.muli %scan3A_146, %mul3A_171 : i32
      %mul3A_173 = arith.constant 16 : i32
      %mul3A_174 = arith.muli %mul3A_172, %mul3A_173 : i32
      %add3A_175 = arith.constant 48 : i32
      %add3A_176 = arith.addi %mul3A_174, %add3A_175 : i32
      %swap3A_177 = arith.index_cast %add3A_176 : i32 to index
      %swap3A_178 = tpu.vector_load %arg17[%swap3A_177] {strides = array<i32>} : memref<40000xf32, #tpu.memory_space<vmem>>, vector<16xf32>,
      tpu.vector_store %arg17[%swap3A_177], %broadcast_in_dim3A_1 {strides = array<i32>} : memref<40000xf32, #tpu.memory_space<vmem>>, vector<16xf32>,
      %mul3A_179 = arith.constant 5 : i32
      %mul3A_180 = arith.muli %scan3A_146, %mul3A_179 : i32
      %mul3A_181 = arith.constant 16 : i32
      %mul3A_182 = arith.muli %mul3A_180, %mul3A_181 : i32
      %add3A_183 = arith.constant 64 : i32
      %add3A_184 = arith.addi %mul3A_182, %add3A_183 : i32
      %swap3A_185 = arith.index_cast %add3A_184 : i32 to index
      %swap3A_186 = tpu.vector_load %arg17[%swap3A_185] {strides = array<i32>} : memref<40000xf32, #tpu.memory_space<vmem>>, vector<16xf32>,
      tpu.vector_store %arg17[%swap3A_185], %broadcast_in_dim3A_1 {strides = array<i32>} : memref<40000xf32, #tpu.memory_space<vmem>>, vector<16xf32>,
      %scan3A_187 = arith.constant 0 : i32
      scf.yield %scan3A_187 : i32
    }
    %scan3A_9 = arith.constant 125 : i32
    %scan3A_10 = arith.constant 0 : i32
    %scan3A_11 = arith.constant 0 : i32
    %scan3A_12 = arith.constant 500 : i32
    %scan3A_13 = arith.addi %scan3A_11, %scan3A_12 : i32
    %scan3A_14 = arith.constant 1 : i32
    %scan3A_15 = scf.for %scan3A_146 = %scan3A_11 to %scan3A_13 step %scan3A_14 iter_args(%scan3A_147 = %scan3A_10) -> (i32)  : i32 {
      %mul3A_148 = arith.constant 5 : i32
      %mul3A_149 = arith.muli %scan3A_146, %mul3A_148 : i32
      %mul3A_150 = arith.constant 16 : i32
      %mul3A_151 = arith.muli %mul3A_149, %mul3A_150 : i32
      %add3A_152 = arith.constant 0 : i32
      %add3A_153 = arith.addi %mul3A_151, %add3A_152 : i32
      %swap3A = arith.index_cast %add3A_153 : i32 to index
      %swap3A_154 = tpu.vector_load %arg18[%swap3A] {strides = array<i32>} : memref<40000xf32, #tpu.memory_space<vmem>>, vector<16xf32>,
      tpu.vector_store %arg18[%swap3A], %broadcast_in_dim3A_1 {strides = array<i32>} : memref<40000xf32, #tpu.memory_space<vmem>>, vector<16xf32>,
      %mul3A_155 = arith.constant 5 : i32
      %mul3A_156 = arith.muli %scan3A_146, %mul3A_155 : i32
      %mul3A_157 = arith.constant 16 : i32
      %mul3A_158 = arith.muli %mul3A_156, %mul3A_157 : i32
      %add3A_159 = arith.constant 16 : i32
      %add3A_160 = arith.addi %mul3A_158, %add3A_159 : i32
      %swap3A_161 = arith.index_cast %add3A_160 : i32 to index
      %swap3A_162 = tpu.vector_load %arg18[%swap3A_161] {strides = array<i32>} : memref<40000xf32, #tpu.memory_space<vmem>>, vector<16xf32>,
      tpu.vector_store %arg18[%swap3A_161], %broadcast_in_dim3A_1 {strides = array<i32>} : memref<40000xf32, #tpu.memory_space<vmem>>, vector<16xf32>,
      %mul3A_163 = arith.constant 5 : i32
      %mul3A_164 = arith.muli %scan3A_146, %mul3A_163 : i32
      %mul3A_165 = arith.constant 16 : i32
      %mul3A_166 = arith.muli %mul3A_164, %mul3A_165 : i32
      %add3A_167 = arith.constant 32 : i32
      %add3A_168 = arith.addi %mul3A_166, %add3A_167 : i32
      %swap3A_169 = arith.index_cast %add3A_168 : i32 to index
      %swap3A_170 = tpu.vector_load %arg18[%swap3A_169] {strides = array<i32>} : memref<40000xf32, #tpu.memory_space<vmem>>, vector<16xf32>,
      tpu.vector_store %arg18[%swap3A_169], %broadcast_in_dim3A_1 {strides = array<i32>} : memref<40000xf32, #tpu.memory_space<vmem>>, vector<16xf32>,
      %mul3A_171 = arith.constant 5 : i32
      %mul3A_172 = arith.muli %scan3A_146, %mul3A_171 : i32
      %mul3A_173 = arith.constant 16 : i32
      %mul3A_174 = arith.muli %mul3A_172, %mul3A_173 : i32
      %add3A_175 = arith.constant 48 : i32
      %add3A_176 = arith.addi %mul3A_174, %add3A_175 : i32
      %swap3A_177 = arith.index_cast %add3A_176 : i32 to index
      %swap3A_178 = tpu.vector_load %arg18[%swap3A_177] {strides = array<i32>} : memref<40000xf32, #tpu.memory_space<vmem>>, vector<16xf32>,
      tpu.vector_store %arg18[%swap3A_177], %broadcast_in_dim3A_1 {strides = array<i32>} : memref<40000xf32, #tpu.memory_space<vmem>>, vector<16xf32>,
      %mul3A_179 = arith.constant 5 : i32
      %mul3A_180 = arith.muli %scan3A_146, %mul3A_179 : i32
      %mul3A_181 = arith.constant 16 : i32
      %mul3A_182 = arith.muli %mul3A_180, %mul3A_181 : i32
      %add3A_183 = arith.constant 64 : i32
      %add3A_184 = arith.addi %mul3A_182, %add3A_183 : i32
      %swap3A_185 = arith.index_cast %add3A_184 : i32 to index
      %swap3A_186 = tpu.vector_load %arg18[%swap3A_185] {strides = array<i32>} : memref<40000xf32, #tpu.memory_space<vmem>>, vector<16xf32>,
      tpu.vector_store %arg18[%swap3A_185], %broadcast_in_dim3A_1 {strides = array<i32>} : memref<40000xf32, #tpu.memory_space<vmem>>, vector<16xf32>,
      %scan3A_187 = arith.constant 0 : i32
      scf.yield %scan3A_187 : i32
    }
    %scan3A_16 = arith.constant 500 : i32
    %mul3A_17 = arith.constant 160000 : i32
    %mul3A_18 = arith.muli %arg0, %mul3A_17 : i32
    %mul3A_19 = arith.constant 10000 : i32
    %mul3A_20 = arith.muli %arg1, %mul3A_19 : i32
    %add3A_21 = arith.addi %mul3A_18, %mul3A_20 : i32
    %add3A_22 = arith.constant 0 : i32
    %add3A_23 = arith.addi %add3A_21, %add3A_22 : i32
    %dma_start3A = tpu.memref_slice %arg2[%add3A_23] : memref<320000xi32, #tpu.memory_space<hbm>> -> memref<2000xi32, #tpu.memory_space<hbm>>
    %dma_start3A_24 = tpu.memref_slice %arg2[%add3A_23] : memref<320000xi32, #tpu.memory_space<hbm>> -> memref<2000xi32, #tpu.memory_space<hbm>>
    tpu.enqueue_dma source(%dma_start3A_24 : memref<2000xi32, #tpu.memory_space<hbm>>) target(%arg19 : memref<2000xi32, #tpu.memory_space<vmem>>) target_semaphore(%arg29 : memref<!tpu.dma_semaphore, #tpu.memory_space<semaphore_mem>>)
    %dma_start3A_25 = tpu.memref_slice %arg3[%add3A_23] : memref<320000xi32, #tpu.memory_space<hbm>> -> memref<2000xi32, #tpu.memory_space<hbm>>
    %dma_start3A_26 = tpu.memref_slice %arg3[%add3A_23] : memref<320000xi32, #tpu.memory_space<hbm>> -> memref<2000xi32, #tpu.memory_space<hbm>>
    tpu.enqueue_dma source(%dma_start3A_26 : memref<2000xi32, #tpu.memory_space<hbm>>) target(%arg20 : memref<2000xi32, #tpu.memory_space<vmem>>) target_semaphore(%arg29 : memref<!tpu.dma_semaphore, #tpu.memory_space<semaphore_mem>>)
    %dma_start3A_27 = tpu.memref_slice %arg7[%add3A_23] : memref<320000xf32, #tpu.memory_space<hbm>> -> memref<2000xf32, #tpu.memory_space<hbm>>
    %dma_start3A_28 = tpu.memref_slice %arg7[%add3A_23] : memref<320000xf32, #tpu.memory_space<hbm>> -> memref<2000xf32, #tpu.memory_space<hbm>>
    tpu.enqueue_dma source(%dma_start3A_28 : memref<2000xf32, #tpu.memory_space<hbm>>) target(%arg25 : memref<2000xf32, #tpu.memory_space<vmem>>) target_semaphore(%arg29 : memref<!tpu.dma_semaphore, #tpu.memory_space<semaphore_mem>>)
    %scan3A_29 = arith.constant 0 : i32
    %scan3A_30 = arith.constant 0 : i32
    %scan3A_31 = arith.constant 3 : i32
    %scan3A_32 = arith.addi %scan3A_30, %scan3A_31 : i32
    %scan3A_33 = arith.constant 1 : i32
    %scan3A_34 = scf.for %scan3A_146 = %scan3A_30 to %scan3A_32 step %scan3A_33 iter_args(%scan3A_147 = %scan3A_29) -> (i32)  : i32 {
      %mul3A_148 = arith.constant 2 : i32
      %mul3A_149 = arith.muli %mul3A_148, %scan3A_146 : i32
      %add3A_150 = arith.constant 1 : i32
      %add3A_151 = arith.addi %mul3A_149, %add3A_150 : i32
      %lt3A = arith.constant 5 : i32
      %lt3A_152 = arith.cmpi slt, %add3A_151, %lt3A : i32
      %convert_element_type3A = arith.extui %lt3A_152 : i1 to i32
      %cond3A = arith.constant 0 : i32
      %cond3A_153 = arith.cmpi ne, %convert_element_type3A, %cond3A : i32
      scf.if %cond3A_153 {
        %add3A_187 = arith.constant 1 : i32
        %add3A_188 = arith.addi %mul3A_149, %add3A_187 : i32
        %mul3A_189 = arith.constant 2000 : i32
        %mul3A_190 = arith.muli %add3A_188, %mul3A_189 : i32
        %add3A_191 = arith.addi %add3A_21, %mul3A_190 : i32
        %dma_start3A_192 = tpu.memref_slice %arg2[%add3A_191] : memref<320000xi32, #tpu.memory_space<hbm>> -> memref<2000xi32, #tpu.memory_space<hbm>>
        %dma_start3A_193 = tpu.memref_slice %arg2[%add3A_191] : memref<320000xi32, #tpu.memory_space<hbm>> -> memref<2000xi32, #tpu.memory_space<hbm>>
        tpu.enqueue_dma source(%dma_start3A_193 : memref<2000xi32, #tpu.memory_space<hbm>>) target(%arg26 : memref<2000xi32, #tpu.memory_space<vmem>>) target_semaphore(%arg29 : memref<!tpu.dma_semaphore, #tpu.memory_space<semaphore_mem>>)
        %dma_start3A_194 = tpu.memref_slice %arg3[%add3A_191] : memref<320000xi32, #tpu.memory_space<hbm>> -> memref<2000xi32, #tpu.memory_space<hbm>>
        %dma_start3A_195 = tpu.memref_slice %arg3[%add3A_191] : memref<320000xi32, #tpu.memory_space<hbm>> -> memref<2000xi32, #tpu.memory_space<hbm>>
        tpu.enqueue_dma source(%dma_start3A_195 : memref<2000xi32, #tpu.memory_space<hbm>>) target(%arg27 : memref<2000xi32, #tpu.memory_space<vmem>>) target_semaphore(%arg29 : memref<!tpu.dma_semaphore, #tpu.memory_space<semaphore_mem>>)
        %dma_start3A_196 = tpu.memref_slice %arg7[%add3A_191] : memref<320000xf32, #tpu.memory_space<hbm>> -> memref<2000xf32, #tpu.memory_space<hbm>>
        %dma_start3A_197 = tpu.memref_slice %arg7[%add3A_191] : memref<320000xf32, #tpu.memory_space<hbm>> -> memref<2000xf32, #tpu.memory_space<hbm>>
        tpu.enqueue_dma source(%dma_start3A_197 : memref<2000xf32, #tpu.memory_space<hbm>>) target(%arg28 : memref<2000xf32, #tpu.memory_space<vmem>>) target_semaphore(%arg29 : memref<!tpu.dma_semaphore, #tpu.memory_space<semaphore_mem>>)
      } else {
      }
      %mul3A_154 = arith.constant 2000 : i32
      %mul3A_155 = arith.muli %mul3A_149, %mul3A_154 : i32
      %add3A_156 = arith.addi %add3A_21, %mul3A_155 : i32
      %dma_wait3A = tpu.memref_slice %arg2[%add3A_156] : memref<320000xi32, #tpu.memory_space<hbm>> -> memref<2000xi32, #tpu.memory_space<hbm>>
      %dma_wait3A_157 = tpu.memref_slice %arg2[%add3A_156] : memref<320000xi32, #tpu.memory_space<hbm>> -> memref<2000xi32, #tpu.memory_space<hbm>>
      tpu.wait_dma2 semaphore(%arg29 : memref<!tpu.dma_semaphore, #tpu.memory_space<semaphore_mem>>) src(%dma_wait3A_157 : memref<2000xi32, #tpu.memory_space<hbm>>) dst(%arg19 : memref<2000xi32, #tpu.memory_space<vmem>>)
      %dma_wait3A_158 = tpu.memref_slice %arg3[%add3A_156] : memref<320000xi32, #tpu.memory_space<hbm>> -> memref<2000xi32, #tpu.memory_space<hbm>>
      %dma_wait3A_159 = tpu.memref_slice %arg3[%add3A_156] : memref<320000xi32, #tpu.memory_space<hbm>> -> memref<2000xi32, #tpu.memory_space<hbm>>
      tpu.wait_dma2 semaphore(%arg29 : memref<!tpu.dma_semaphore, #tpu.memory_space<semaphore_mem>>) src(%dma_wait3A_159 : memref<2000xi32, #tpu.memory_space<hbm>>) dst(%arg20 : memref<2000xi32, #tpu.memory_space<vmem>>)
      %dma_wait3A_160 = tpu.memref_slice %arg7[%add3A_156] : memref<320000xf32, #tpu.memory_space<hbm>> -> memref<2000xf32, #tpu.memory_space<hbm>>
      %dma_wait3A_161 = tpu.memref_slice %arg7[%add3A_156] : memref<320000xf32, #tpu.memory_space<hbm>> -> memref<2000xf32, #tpu.memory_space<hbm>>
      tpu.wait_dma2 semaphore(%arg29 : memref<!tpu.dma_semaphore, #tpu.memory_space<semaphore_mem>>) src(%dma_wait3A_161 : memref<2000xf32, #tpu.memory_space<hbm>>) dst(%arg25 : memref<2000xf32, #tpu.memory_space<vmem>>)
      %mul3A_162 = arith.constant 2000 : i32
      %mul3A_163 = arith.muli %mul3A_149, %mul3A_162 : i32
      %add3A_164 = arith.addi %add3A_21, %mul3A_163 : i32
      "tpu.region"() ({
        %run_scoped3A = tpu.sem_alloc : memref<!tpu.dma_semaphore, #tpu.memory_space<semaphore_mem>>
        %dma_start3A_187 = tpu.memref_slice %arg4[%add3A_164] : memref<320000xf32, #tpu.memory_space<hbm>> -> memref<2000xf32, #tpu.memory_space<hbm>>
        %dma_start3A_188 = tpu.memref_slice %arg4[%add3A_164] : memref<320000xf32, #tpu.memory_space<hbm>> -> memref<2000xf32, #tpu.memory_space<hbm>>
        tpu.enqueue_dma source(%dma_start3A_188 : memref<2000xf32, #tpu.memory_space<hbm>>) target(%arg21 : memref<2000xf32, #tpu.memory_space<vmem>>) target_semaphore(%run_scoped3A : memref<!tpu.dma_semaphore, #tpu.memory_space<semaphore_mem>>)
        %dma_wait3A_189 = tpu.memref_slice %arg4[%add3A_164] : memref<320000xf32, #tpu.memory_space<hbm>> -> memref<2000xf32, #tpu.memory_space<hbm>>
        %dma_wait3A_190 = tpu.memref_slice %arg4[%add3A_164] : memref<320000xf32, #tpu.memory_space<hbm>> -> memref<2000xf32, #tpu.memory_space<hbm>>
        tpu.wait_dma2 semaphore(%run_scoped3A : memref<!tpu.dma_semaphore, #tpu.memory_space<semaphore_mem>>) src(%dma_wait3A_190 : memref<2000xf32, #tpu.memory_space<hbm>>) dst(%arg21 : memref<2000xf32, #tpu.memory_space<vmem>>)
        tpu.yield
      }) : () -> ()
      "tpu.region"() ({
        %run_scoped3A = tpu.sem_alloc : memref<!tpu.dma_semaphore, #tpu.memory_space<semaphore_mem>>
        %dma_start3A_187 = tpu.memref_slice %arg5[%add3A_164] : memref<320000xf32, #tpu.memory_space<hbm>> -> memref<2000xf32, #tpu.memory_space<hbm>>
        %dma_start3A_188 = tpu.memref_slice %arg5[%add3A_164] : memref<320000xf32, #tpu.memory_space<hbm>> -> memref<2000xf32, #tpu.memory_space<hbm>>
        tpu.enqueue_dma source(%dma_start3A_188 : memref<2000xf32, #tpu.memory_space<hbm>>) target(%arg22 : memref<2000xf32, #tpu.memory_space<vmem>>) target_semaphore(%run_scoped3A : memref<!tpu.dma_semaphore, #tpu.memory_space<semaphore_mem>>)
        %dma_wait3A_189 = tpu.memref_slice %arg5[%add3A_164] : memref<320000xf32, #tpu.memory_space<hbm>> -> memref<2000xf32, #tpu.memory_space<hbm>>
        %dma_wait3A_190 = tpu.memref_slice %arg5[%add3A_164] : memref<320000xf32, #tpu.memory_space<hbm>> -> memref<2000xf32, #tpu.memory_space<hbm>>
        tpu.wait_dma2 semaphore(%run_scoped3A : memref<!tpu.dma_semaphore, #tpu.memory_space<semaphore_mem>>) src(%dma_wait3A_190 : memref<2000xf32, #tpu.memory_space<hbm>>) dst(%arg22 : memref<2000xf32, #tpu.memory_space<vmem>>)
        tpu.yield
      }) : () -> ()
      "tpu.region"() ({
        %run_scoped3A = tpu.sem_alloc : memref<!tpu.dma_semaphore, #tpu.memory_space<semaphore_mem>>
        %dma_start3A_187 = tpu.memref_slice %arg6[%add3A_164] : memref<320000xf32, #tpu.memory_space<hbm>> -> memref<2000xf32, #tpu.memory_space<hbm>>
        %dma_start3A_188 = tpu.memref_slice %arg6[%add3A_164] : memref<320000xf32, #tpu.memory_space<hbm>> -> memref<2000xf32, #tpu.memory_space<hbm>>
        tpu.enqueue_dma source(%dma_start3A_188 : memref<2000xf32, #tpu.memory_space<hbm>>) target(%arg23 : memref<2000xf32, #tpu.memory_space<vmem>>) target_semaphore(%run_scoped3A : memref<!tpu.dma_semaphore, #tpu.memory_space<semaphore_mem>>)
        %dma_wait3A_189 = tpu.memref_slice %arg6[%add3A_164] : memref<320000xf32, #tpu.memory_space<hbm>> -> memref<2000xf32, #tpu.memory_space<hbm>>
        %dma_wait3A_190 = tpu.memref_slice %arg6[%add3A_164] : memref<320000xf32, #tpu.memory_space<hbm>> -> memref<2000xf32, #tpu.memory_space<hbm>>
        tpu.wait_dma2 semaphore(%run_scoped3A : memref<!tpu.dma_semaphore, #tpu.memory_space<semaphore_mem>>) src(%dma_wait3A_190 : memref<2000xf32, #tpu.memory_space<hbm>>) dst(%arg23 : memref<2000xf32, #tpu.memory_space<vmem>>)
        tpu.yield
      }) : () -> ()
      %scan3A_165 = arith.constant 0 : i32
      %scan3A_166 = arith.constant 0 : i32
      %scan3A_167 = arith.constant 25 : i32
      %scan3A_168 = arith.addi %scan3A_166, %scan3A_167 : i32
      %scan3A_169 = arith.constant 1 : i32
      %scan3A_170 = scf.for %scan3A_187 = %scan3A_166 to %scan3A_168 step %scan3A_169 iter_args(%scan3A_188 = %scan3A_165) -> (i32)  : i32 {
        %mul3A_189 = arith.constant 5 : i32
        %mul3A_190 = arith.muli %scan3A_187, %mul3A_189 : i32
        %add3A_191 = arith.constant 0 : i32
        %add3A_192 = arith.addi %mul3A_190, %add3A_191 : i32
        %mul3A_193 = arith.constant 16 : i32
        %mul3A_194 = arith.muli %add3A_192, %mul3A_193 : i32
        %get3A = arith.index_cast %mul3A_194 : i32 to index
        %get3A_195 = tpu.vector_load %arg19[%get3A] {strides = array<i32>} : memref<2000xi32, #tpu.memory_space<vmem>>, vector<16xi32>,
        %get3A_196 = arith.index_cast %mul3A_194 : i32 to index
        %get3A_197 = tpu.vector_load %arg20[%get3A_196] {strides = array<i32>} : memref<2000xi32, #tpu.memory_space<vmem>>, vector<16xi32>,
        %get3A_198 = arith.index_cast %mul3A_194 : i32 to index
        %get3A_199 = tpu.vector_load %arg25[%get3A_198] {strides = array<i32>} : memref<2000xf32, #tpu.memory_space<vmem>>, vector<16xf32>,
        %gather3A = tpu.vector_load_idx %arg15[%get3A_195] : memref<10000xf32, #tpu.memory_space<vmem>>[vector<16xi32>], vector<16xf32>,
        %gather3A_200 = tpu.vector_load_idx %arg16[%get3A_197] : memref<10000xf32, #tpu.memory_space<vmem>>[vector<16xi32>], vector<16xf32>,
        %add3A_201 = arith.addf %gather3A, %gather3A_200 : vector<16xf32>
        %add3A_202 = arith.addf %add3A_201, %get3A_199 : vector<16xf32>
        %mul3A_203 = arith.constant 2.000000e-01 : f32
        %mul3A_204 = vector.broadcast %mul3A_203 : f32 to vector<16xf32>
        %mul3A_205 = arith.mulf %mul3A_204, %add3A_202 : vector<16xf32>
        %max3A = arith.maximumf %add3A_202, %mul3A_205 : vector<16xf32>
        %exp3A = math.exp %max3A : vector<16xf32>
        %swap3A = arith.index_cast %mul3A_194 : i32 to index
        %swap3A_206 = tpu.vector_load %arg24[%swap3A] {strides = array<i32>} : memref<2000xf32, #tpu.memory_space<vmem>>, vector<16xf32>,
        tpu.vector_store %arg24[%swap3A], %exp3A {strides = array<i32>} : memref<2000xf32, #tpu.memory_space<vmem>>, vector<16xf32>,
        tpu.vector_store_idx %arg17[%get3A_197], %exp3A {add = true} : memref<40000xf32, #tpu.memory_space<vmem>>[vector<16xi32>], vector<16xf32>,
        tpu.vector_store_idx %arg18[%get3A_197], %broadcast_in_dim3A_3 {add = true} : memref<40000xf32, #tpu.memory_space<vmem>>[vector<16xi32>], vector<16xf32>,
        %add3A_207 = arith.constant 10000 : i32
        %add3A_208 = vector.broadcast %add3A_207 : i32 to vector<16xi32>
        %add3A_209 = arith.addi %get3A_197, %add3A_208 : vector<16xi32>
        %get3A_210 = arith.index_cast %mul3A_194 : i32 to index
        %get3A_211 = tpu.vector_load %arg21[%get3A_210] {strides = array<i32>} : memref<2000xf32, #tpu.memory_space<vmem>>, vector<16xf32>,
        tpu.vector_store_idx %arg18[%add3A_209], %get3A_211 {add = true} : memref<40000xf32, #tpu.memory_space<vmem>>[vector<16xi32>], vector<16xf32>,
        %add3A_212 = arith.constant 20000 : i32
        %add3A_213 = vector.broadcast %add3A_212 : i32 to vector<16xi32>
        %add3A_214 = arith.addi %get3A_197, %add3A_213 : vector<16xi32>
        %get3A_215 = arith.index_cast %mul3A_194 : i32 to index
        %get3A_216 = tpu.vector_load %arg22[%get3A_215] {strides = array<i32>} : memref<2000xf32, #tpu.memory_space<vmem>>, vector<16xf32>,
        tpu.vector_store_idx %arg18[%add3A_214], %get3A_216 {add = true} : memref<40000xf32, #tpu.memory_space<vmem>>[vector<16xi32>], vector<16xf32>,
        %add3A_217 = arith.constant 30000 : i32
        %add3A_218 = vector.broadcast %add3A_217 : i32 to vector<16xi32>
        %add3A_219 = arith.addi %get3A_197, %add3A_218 : vector<16xi32>
        %get3A_220 = arith.index_cast %mul3A_194 : i32 to index
        %get3A_221 = tpu.vector_load %arg23[%get3A_220] {strides = array<i32>} : memref<2000xf32, #tpu.memory_space<vmem>>, vector<16xf32>,
        tpu.vector_store_idx %arg18[%add3A_219], %get3A_221 {add = true} : memref<40000xf32, #tpu.memory_space<vmem>>[vector<16xi32>], vector<16xf32>,
        %mul3A_222 = arith.constant 5 : i32
        %mul3A_223 = arith.muli %scan3A_187, %mul3A_222 : i32
        %add3A_224 = arith.constant 1 : i32
        %add3A_225 = arith.addi %mul3A_223, %add3A_224 : i32
        %mul3A_226 = arith.constant 16 : i32
        %mul3A_227 = arith.muli %add3A_225, %mul3A_226 : i32
        %get3A_228 = arith.index_cast %mul3A_227 : i32 to index
        %get3A_229 = tpu.vector_load %arg19[%get3A_228] {strides = array<i32>} : memref<2000xi32, #tpu.memory_space<vmem>>, vector<16xi32>,
        %get3A_230 = arith.index_cast %mul3A_227 : i32 to index
        %get3A_231 = tpu.vector_load %arg20[%get3A_230] {strides = array<i32>} : memref<2000xi32, #tpu.memory_space<vmem>>, vector<16xi32>,
        %get3A_232 = arith.index_cast %mul3A_227 : i32 to index
        %get3A_233 = tpu.vector_load %arg25[%get3A_232] {strides = array<i32>} : memref<2000xf32, #tpu.memory_space<vmem>>, vector<16xf32>,
        %gather3A_234 = tpu.vector_load_idx %arg15[%get3A_229] : memref<10000xf32, #tpu.memory_space<vmem>>[vector<16xi32>], vector<16xf32>,
        %gather3A_235 = tpu.vector_load_idx %arg16[%get3A_231] : memref<10000xf32, #tpu.memory_space<vmem>>[vector<16xi32>], vector<16xf32>,
        %add3A_236 = arith.addf %gather3A_234, %gather3A_235 : vector<16xf32>
        %add3A_237 = arith.addf %add3A_236, %get3A_233 : vector<16xf32>
        %mul3A_238 = arith.constant 2.000000e-01 : f32
        %mul3A_239 = vector.broadcast %mul3A_238 : f32 to vector<16xf32>
        %mul3A_240 = arith.mulf %mul3A_239, %add3A_237 : vector<16xf32>
        %max3A_241 = arith.maximumf %add3A_237, %mul3A_240 : vector<16xf32>
        %exp3A_242 = math.exp %max3A_241 : vector<16xf32>
        %swap3A_243 = arith.index_cast %mul3A_227 : i32 to index
        %swap3A_244 = tpu.vector_load %arg24[%swap3A_243] {strides = array<i32>} : memref<2000xf32, #tpu.memory_space<vmem>>, vector<16xf32>,
        tpu.vector_store %arg24[%swap3A_243], %exp3A_242 {strides = array<i32>} : memref<2000xf32, #tpu.memory_space<vmem>>, vector<16xf32>,
        tpu.vector_store_idx %arg17[%get3A_231], %exp3A_242 {add = true} : memref<40000xf32, #tpu.memory_space<vmem>>[vector<16xi32>], vector<16xf32>,
        tpu.vector_store_idx %arg18[%get3A_231], %broadcast_in_dim3A_3 {add = true} : memref<40000xf32, #tpu.memory_space<vmem>>[vector<16xi32>], vector<16xf32>,
        %add3A_245 = arith.constant 10000 : i32
        %add3A_246 = vector.broadcast %add3A_245 : i32 to vector<16xi32>
        %add3A_247 = arith.addi %get3A_231, %add3A_246 : vector<16xi32>
        %get3A_248 = arith.index_cast %mul3A_227 : i32 to index
        %get3A_249 = tpu.vector_load %arg21[%get3A_248] {strides = array<i32>} : memref<2000xf32, #tpu.memory_space<vmem>>, vector<16xf32>,
        tpu.vector_store_idx %arg18[%add3A_247], %get3A_249 {add = true} : memref<40000xf32, #tpu.memory_space<vmem>>[vector<16xi32>], vector<16xf32>,
        %add3A_250 = arith.constant 20000 : i32
        %add3A_251 = vector.broadcast %add3A_250 : i32 to vector<16xi32>
        %add3A_252 = arith.addi %get3A_231, %add3A_251 : vector<16xi32>
        %get3A_253 = arith.index_cast %mul3A_227 : i32 to index
        %get3A_254 = tpu.vector_load %arg22[%get3A_253] {strides = array<i32>} : memref<2000xf32, #tpu.memory_space<vmem>>, vector<16xf32>,
        tpu.vector_store_idx %arg18[%add3A_252], %get3A_254 {add = true} : memref<40000xf32, #tpu.memory_space<vmem>>[vector<16xi32>], vector<16xf32>,
        %add3A_255 = arith.constant 30000 : i32
        %add3A_256 = vector.broadcast %add3A_255 : i32 to vector<16xi32>
        %add3A_257 = arith.addi %get3A_231, %add3A_256 : vector<16xi32>
        %get3A_258 = arith.index_cast %mul3A_227 : i32 to index
        %get3A_259 = tpu.vector_load %arg23[%get3A_258] {strides = array<i32>} : memref<2000xf32, #tpu.memory_space<vmem>>, vector<16xf32>,
        tpu.vector_store_idx %arg18[%add3A_257], %get3A_259 {add = true} : memref<40000xf32, #tpu.memory_space<vmem>>[vector<16xi32>], vector<16xf32>,
        %mul3A_260 = arith.constant 5 : i32
        %mul3A_261 = arith.muli %scan3A_187, %mul3A_260 : i32
        %add3A_262 = arith.constant 2 : i32
        %add3A_263 = arith.addi %mul3A_261, %add3A_262 : i32
        %mul3A_264 = arith.constant 16 : i32
        %mul3A_265 = arith.muli %add3A_263, %mul3A_264 : i32
        %get3A_266 = arith.index_cast %mul3A_265 : i32 to index
        %get3A_267 = tpu.vector_load %arg19[%get3A_266] {strides = array<i32>} : memref<2000xi32, #tpu.memory_space<vmem>>, vector<16xi32>,
        %get3A_268 = arith.index_cast %mul3A_265 : i32 to index
        %get3A_269 = tpu.vector_load %arg20[%get3A_268] {strides = array<i32>} : memref<2000xi32, #tpu.memory_space<vmem>>, vector<16xi32>,
        %get3A_270 = arith.index_cast %mul3A_265 : i32 to index
        %get3A_271 = tpu.vector_load %arg25[%get3A_270] {strides = array<i32>} : memref<2000xf32, #tpu.memory_space<vmem>>, vector<16xf32>,
        %gather3A_272 = tpu.vector_load_idx %arg15[%get3A_267] : memref<10000xf32, #tpu.memory_space<vmem>>[vector<16xi32>], vector<16xf32>,
        %gather3A_273 = tpu.vector_load_idx %arg16[%get3A_269] : memref<10000xf32, #tpu.memory_space<vmem>>[vector<16xi32>], vector<16xf32>,
        %add3A_274 = arith.addf %gather3A_272, %gather3A_273 : vector<16xf32>
        %add3A_275 = arith.addf %add3A_274, %get3A_271 : vector<16xf32>
        %mul3A_276 = arith.constant 2.000000e-01 : f32
        %mul3A_277 = vector.broadcast %mul3A_276 : f32 to vector<16xf32>
        %mul3A_278 = arith.mulf %mul3A_277, %add3A_275 : vector<16xf32>
        %max3A_279 = arith.maximumf %add3A_275, %mul3A_278 : vector<16xf32>
        %exp3A_280 = math.exp %max3A_279 : vector<16xf32>
        %swap3A_281 = arith.index_cast %mul3A_265 : i32 to index
        %swap3A_282 = tpu.vector_load %arg24[%swap3A_281] {strides = array<i32>} : memref<2000xf32, #tpu.memory_space<vmem>>, vector<16xf32>,
        tpu.vector_store %arg24[%swap3A_281], %exp3A_280 {strides = array<i32>} : memref<2000xf32, #tpu.memory_space<vmem>>, vector<16xf32>,
        tpu.vector_store_idx %arg17[%get3A_269], %exp3A_280 {add = true} : memref<40000xf32, #tpu.memory_space<vmem>>[vector<16xi32>], vector<16xf32>,
        tpu.vector_store_idx %arg18[%get3A_269], %broadcast_in_dim3A_3 {add = true} : memref<40000xf32, #tpu.memory_space<vmem>>[vector<16xi32>], vector<16xf32>,
        %add3A_283 = arith.constant 10000 : i32
        %add3A_284 = vector.broadcast %add3A_283 : i32 to vector<16xi32>
        %add3A_285 = arith.addi %get3A_269, %add3A_284 : vector<16xi32>
        %get3A_286 = arith.index_cast %mul3A_265 : i32 to index
        %get3A_287 = tpu.vector_load %arg21[%get3A_286] {strides = array<i32>} : memref<2000xf32, #tpu.memory_space<vmem>>, vector<16xf32>,
        tpu.vector_store_idx %arg18[%add3A_285], %get3A_287 {add = true} : memref<40000xf32, #tpu.memory_space<vmem>>[vector<16xi32>], vector<16xf32>,
        %add3A_288 = arith.constant 20000 : i32
        %add3A_289 = vector.broadcast %add3A_288 : i32 to vector<16xi32>
        %add3A_290 = arith.addi %get3A_269, %add3A_289 : vector<16xi32>
        %get3A_291 = arith.index_cast %mul3A_265 : i32 to index
        %get3A_292 = tpu.vector_load %arg22[%get3A_291] {strides = array<i32>} : memref<2000xf32, #tpu.memory_space<vmem>>, vector<16xf32>,
        tpu.vector_store_idx %arg18[%add3A_290], %get3A_292 {add = true} : memref<40000xf32, #tpu.memory_space<vmem>>[vector<16xi32>], vector<16xf32>,
        %add3A_293 = arith.constant 30000 : i32
        %add3A_294 = vector.broadcast %add3A_293 : i32 to vector<16xi32>
        %add3A_295 = arith.addi %get3A_269, %add3A_294 : vector<16xi32>
        %get3A_296 = arith.index_cast %mul3A_265 : i32 to index
        %get3A_297 = tpu.vector_load %arg23[%get3A_296] {strides = array<i32>} : memref<2000xf32, #tpu.memory_space<vmem>>, vector<16xf32>,
        tpu.vector_store_idx %arg18[%add3A_295], %get3A_297 {add = true} : memref<40000xf32, #tpu.memory_space<vmem>>[vector<16xi32>], vector<16xf32>,
        %mul3A_298 = arith.constant 5 : i32
        %mul3A_299 = arith.muli %scan3A_187, %mul3A_298 : i32
        %add3A_300 = arith.constant 3 : i32
        %add3A_301 = arith.addi %mul3A_299, %add3A_300 : i32
        %mul3A_302 = arith.constant 16 : i32
        %mul3A_303 = arith.muli %add3A_301, %mul3A_302 : i32
        %get3A_304 = arith.index_cast %mul3A_303 : i32 to index
        %get3A_305 = tpu.vector_load %arg19[%get3A_304] {strides = array<i32>} : memref<2000xi32, #tpu.memory_space<vmem>>, vector<16xi32>,
        %get3A_306 = arith.index_cast %mul3A_303 : i32 to index
        %get3A_307 = tpu.vector_load %arg20[%get3A_306] {strides = array<i32>} : memref<2000xi32, #tpu.memory_space<vmem>>, vector<16xi32>,
        %get3A_308 = arith.index_cast %mul3A_303 : i32 to index
        %get3A_309 = tpu.vector_load %arg25[%get3A_308] {strides = array<i32>} : memref<2000xf32, #tpu.memory_space<vmem>>, vector<16xf32>,
        %gather3A_310 = tpu.vector_load_idx %arg15[%get3A_305] : memref<10000xf32, #tpu.memory_space<vmem>>[vector<16xi32>], vector<16xf32>,
        %gather3A_311 = tpu.vector_load_idx %arg16[%get3A_307] : memref<10000xf32, #tpu.memory_space<vmem>>[vector<16xi32>], vector<16xf32>,
        %add3A_312 = arith.addf %gather3A_310, %gather3A_311 : vector<16xf32>
        %add3A_313 = arith.addf %add3A_312, %get3A_309 : vector<16xf32>
        %mul3A_314 = arith.constant 2.000000e-01 : f32
        %mul3A_315 = vector.broadcast %mul3A_314 : f32 to vector<16xf32>
        %mul3A_316 = arith.mulf %mul3A_315, %add3A_313 : vector<16xf32>
        %max3A_317 = arith.maximumf %add3A_313, %mul3A_316 : vector<16xf32>
        %exp3A_318 = math.exp %max3A_317 : vector<16xf32>
        %swap3A_319 = arith.index_cast %mul3A_303 : i32 to index
        %swap3A_320 = tpu.vector_load %arg24[%swap3A_319] {strides = array<i32>} : memref<2000xf32, #tpu.memory_space<vmem>>, vector<16xf32>,
        tpu.vector_store %arg24[%swap3A_319], %exp3A_318 {strides = array<i32>} : memref<2000xf32, #tpu.memory_space<vmem>>, vector<16xf32>,
        tpu.vector_store_idx %arg17[%get3A_307], %exp3A_318 {add = true} : memref<40000xf32, #tpu.memory_space<vmem>>[vector<16xi32>], vector<16xf32>,
        tpu.vector_store_idx %arg18[%get3A_307], %broadcast_in_dim3A_3 {add = true} : memref<40000xf32, #tpu.memory_space<vmem>>[vector<16xi32>], vector<16xf32>,
        %add3A_321 = arith.constant 10000 : i32
        %add3A_322 = vector.broadcast %add3A_321 : i32 to vector<16xi32>
        %add3A_323 = arith.addi %get3A_307, %add3A_322 : vector<16xi32>
        %get3A_324 = arith.index_cast %mul3A_303 : i32 to index
        %get3A_325 = tpu.vector_load %arg21[%get3A_324] {strides = array<i32>} : memref<2000xf32, #tpu.memory_space<vmem>>, vector<16xf32>,
        tpu.vector_store_idx %arg18[%add3A_323], %get3A_325 {add = true} : memref<40000xf32, #tpu.memory_space<vmem>>[vector<16xi32>], vector<16xf32>,
        %add3A_326 = arith.constant 20000 : i32
        %add3A_327 = vector.broadcast %add3A_326 : i32 to vector<16xi32>
        %add3A_328 = arith.addi %get3A_307, %add3A_327 : vector<16xi32>
        %get3A_329 = arith.index_cast %mul3A_303 : i32 to index
        %get3A_330 = tpu.vector_load %arg22[%get3A_329] {strides = array<i32>} : memref<2000xf32, #tpu.memory_space<vmem>>, vector<16xf32>,
        tpu.vector_store_idx %arg18[%add3A_328], %get3A_330 {add = true} : memref<40000xf32, #tpu.memory_space<vmem>>[vector<16xi32>], vector<16xf32>,
        %add3A_331 = arith.constant 30000 : i32
        %add3A_332 = vector.broadcast %add3A_331 : i32 to vector<16xi32>
        %add3A_333 = arith.addi %get3A_307, %add3A_332 : vector<16xi32>
        %get3A_334 = arith.index_cast %mul3A_303 : i32 to index
        %get3A_335 = tpu.vector_load %arg23[%get3A_334] {strides = array<i32>} : memref<2000xf32, #tpu.memory_space<vmem>>, vector<16xf32>,
        tpu.vector_store_idx %arg18[%add3A_333], %get3A_335 {add = true} : memref<40000xf32, #tpu.memory_space<vmem>>[vector<16xi32>], vector<16xf32>,
        %mul3A_336 = arith.constant 5 : i32
        %mul3A_337 = arith.muli %scan3A_187, %mul3A_336 : i32
        %add3A_338 = arith.constant 4 : i32
        %add3A_339 = arith.addi %mul3A_337, %add3A_338 : i32
        %mul3A_340 = arith.constant 16 : i32
        %mul3A_341 = arith.muli %add3A_339, %mul3A_340 : i32
        %get3A_342 = arith.index_cast %mul3A_341 : i32 to index
        %get3A_343 = tpu.vector_load %arg19[%get3A_342] {strides = array<i32>} : memref<2000xi32, #tpu.memory_space<vmem>>, vector<16xi32>,
        %get3A_344 = arith.index_cast %mul3A_341 : i32 to index
        %get3A_345 = tpu.vector_load %arg20[%get3A_344] {strides = array<i32>} : memref<2000xi32, #tpu.memory_space<vmem>>, vector<16xi32>,
        %get3A_346 = arith.index_cast %mul3A_341 : i32 to index
        %get3A_347 = tpu.vector_load %arg25[%get3A_346] {strides = array<i32>} : memref<2000xf32, #tpu.memory_space<vmem>>, vector<16xf32>,
        %gather3A_348 = tpu.vector_load_idx %arg15[%get3A_343] : memref<10000xf32, #tpu.memory_space<vmem>>[vector<16xi32>], vector<16xf32>,
        %gather3A_349 = tpu.vector_load_idx %arg16[%get3A_345] : memref<10000xf32, #tpu.memory_space<vmem>>[vector<16xi32>], vector<16xf32>,
        %add3A_350 = arith.addf %gather3A_348, %gather3A_349 : vector<16xf32>
        %add3A_351 = arith.addf %add3A_350, %get3A_347 : vector<16xf32>
        %mul3A_352 = arith.constant 2.000000e-01 : f32
        %mul3A_353 = vector.broadcast %mul3A_352 : f32 to vector<16xf32>
        %mul3A_354 = arith.mulf %mul3A_353, %add3A_351 : vector<16xf32>
        %max3A_355 = arith.maximumf %add3A_351, %mul3A_354 : vector<16xf32>
        %exp3A_356 = math.exp %max3A_355 : vector<16xf32>
        %swap3A_357 = arith.index_cast %mul3A_341 : i32 to index
        %swap3A_358 = tpu.vector_load %arg24[%swap3A_357] {strides = array<i32>} : memref<2000xf32, #tpu.memory_space<vmem>>, vector<16xf32>,
        tpu.vector_store %arg24[%swap3A_357], %exp3A_356 {strides = array<i32>} : memref<2000xf32, #tpu.memory_space<vmem>>, vector<16xf32>,
        tpu.vector_store_idx %arg17[%get3A_345], %exp3A_356 {add = true} : memref<40000xf32, #tpu.memory_space<vmem>>[vector<16xi32>], vector<16xf32>,
        tpu.vector_store_idx %arg18[%get3A_345], %broadcast_in_dim3A_3 {add = true} : memref<40000xf32, #tpu.memory_space<vmem>>[vector<16xi32>], vector<16xf32>,
        %add3A_359 = arith.constant 10000 : i32
        %add3A_360 = vector.broadcast %add3A_359 : i32 to vector<16xi32>
        %add3A_361 = arith.addi %get3A_345, %add3A_360 : vector<16xi32>
        %get3A_362 = arith.index_cast %mul3A_341 : i32 to index
        %get3A_363 = tpu.vector_load %arg21[%get3A_362] {strides = array<i32>} : memref<2000xf32, #tpu.memory_space<vmem>>, vector<16xf32>,
        tpu.vector_store_idx %arg18[%add3A_361], %get3A_363 {add = true} : memref<40000xf32, #tpu.memory_space<vmem>>[vector<16xi32>], vector<16xf32>,
        %add3A_364 = arith.constant 20000 : i32
        %add3A_365 = vector.broadcast %add3A_364 : i32 to vector<16xi32>
        %add3A_366 = arith.addi %get3A_345, %add3A_365 : vector<16xi32>
        %get3A_367 = arith.index_cast %mul3A_341 : i32 to index
        %get3A_368 = tpu.vector_load %arg22[%get3A_367] {strides = array<i32>} : memref<2000xf32, #tpu.memory_space<vmem>>, vector<16xf32>,
        tpu.vector_store_idx %arg18[%add3A_366], %get3A_368 {add = true} : memref<40000xf32, #tpu.memory_space<vmem>>[vector<16xi32>], vector<16xf32>,
        %add3A_369 = arith.constant 30000 : i32
        %add3A_370 = vector.broadcast %add3A_369 : i32 to vector<16xi32>
        %add3A_371 = arith.addi %get3A_345, %add3A_370 : vector<16xi32>
        %get3A_372 = arith.index_cast %mul3A_341 : i32 to index
        %get3A_373 = tpu.vector_load %arg23[%get3A_372] {strides = array<i32>} : memref<2000xf32, #tpu.memory_space<vmem>>, vector<16xf32>,
        tpu.vector_store_idx %arg18[%add3A_371], %get3A_373 {add = true} : memref<40000xf32, #tpu.memory_space<vmem>>[vector<16xi32>], vector<16xf32>,
        %scan3A_374 = arith.constant 0 : i32
        scf.yield %scan3A_374 : i32
      }
      %scan3A_171 = arith.constant 25 : i32
      "tpu.region"() ({
        %run_scoped3A = tpu.sem_alloc : memref<!tpu.dma_semaphore, #tpu.memory_space<semaphore_mem>>
        %dma_start3A_187 = tpu.memref_slice %arg11[%add3A_164] : memref<320000xf32, #tpu.memory_space<hbm>> -> memref<2000xf32, #tpu.memory_space<hbm>>
        %dma_start3A_188 = tpu.memref_slice %arg11[%add3A_164] : memref<320000xf32, #tpu.memory_space<hbm>> -> memref<2000xf32, #tpu.memory_space<hbm>>
        tpu.enqueue_dma source(%arg24 : memref<2000xf32, #tpu.memory_space<vmem>>) target(%dma_start3A_188 : memref<2000xf32, #tpu.memory_space<hbm>>) target_semaphore(%run_scoped3A : memref<!tpu.dma_semaphore, #tpu.memory_space<semaphore_mem>>)
        %dma_wait3A_189 = tpu.memref_slice %arg11[%add3A_164] : memref<320000xf32, #tpu.memory_space<hbm>> -> memref<2000xf32, #tpu.memory_space<hbm>>
        %dma_wait3A_190 = tpu.memref_slice %arg11[%add3A_164] : memref<320000xf32, #tpu.memory_space<hbm>> -> memref<2000xf32, #tpu.memory_space<hbm>>
        tpu.wait_dma2 semaphore(%run_scoped3A : memref<!tpu.dma_semaphore, #tpu.memory_space<semaphore_mem>>) src(%arg24 : memref<2000xf32, #tpu.memory_space<vmem>>) dst(%dma_wait3A_190 : memref<2000xf32, #tpu.memory_space<hbm>>)
        tpu.yield
      }) : () -> ()
      %add3A_172 = arith.constant 2 : i32
      %add3A_173 = arith.addi %mul3A_149, %add3A_172 : i32
      %lt3A_174 = arith.constant 5 : i32
      %lt3A_175 = arith.cmpi slt, %add3A_173, %lt3A_174 : i32
      %convert_element_type3A_176 = arith.extui %lt3A_175 : i1 to i32
      %cond3A_177 = arith.constant 0 : i32
      %cond3A_178 = arith.cmpi ne, %convert_element_type3A_176, %cond3A_177 : i32
      scf.if %cond3A_178 {
        %add3A_187 = arith.constant 2 : i32
        %add3A_188 = arith.addi %mul3A_149, %add3A_187 : i32
        %mul3A_189 = arith.constant 2000 : i32
        %mul3A_190 = arith.muli %add3A_188, %mul3A_189 : i32
        %add3A_191 = arith.addi %add3A_21, %mul3A_190 : i32
        %dma_start3A_192 = tpu.memref_slice %arg2[%add3A_191] : memref<320000xi32, #tpu.memory_space<hbm>> -> memref<2000xi32, #tpu.memory_space<hbm>>
        %dma_start3A_193 = tpu.memref_slice %arg2[%add3A_191] : memref<320000xi32, #tpu.memory_space<hbm>> -> memref<2000xi32, #tpu.memory_space<hbm>>
        tpu.enqueue_dma source(%dma_start3A_193 : memref<2000xi32, #tpu.memory_space<hbm>>) target(%arg19 : memref<2000xi32, #tpu.memory_space<vmem>>) target_semaphore(%arg29 : memref<!tpu.dma_semaphore, #tpu.memory_space<semaphore_mem>>)
        %dma_start3A_194 = tpu.memref_slice %arg3[%add3A_191] : memref<320000xi32, #tpu.memory_space<hbm>> -> memref<2000xi32, #tpu.memory_space<hbm>>
        %dma_start3A_195 = tpu.memref_slice %arg3[%add3A_191] : memref<320000xi32, #tpu.memory_space<hbm>> -> memref<2000xi32, #tpu.memory_space<hbm>>
        tpu.enqueue_dma source(%dma_start3A_195 : memref<2000xi32, #tpu.memory_space<hbm>>) target(%arg20 : memref<2000xi32, #tpu.memory_space<vmem>>) target_semaphore(%arg29 : memref<!tpu.dma_semaphore, #tpu.memory_space<semaphore_mem>>)
        %dma_start3A_196 = tpu.memref_slice %arg7[%add3A_191] : memref<320000xf32, #tpu.memory_space<hbm>> -> memref<2000xf32, #tpu.memory_space<hbm>>
        %dma_start3A_197 = tpu.memref_slice %arg7[%add3A_191] : memref<320000xf32, #tpu.memory_space<hbm>> -> memref<2000xf32, #tpu.memory_space<hbm>>
        tpu.enqueue_dma source(%dma_start3A_197 : memref<2000xf32, #tpu.memory_space<hbm>>) target(%arg25 : memref<2000xf32, #tpu.memory_space<vmem>>) target_semaphore(%arg29 : memref<!tpu.dma_semaphore, #tpu.memory_space<semaphore_mem>>)
      } else {
      }
      %add3A_179 = arith.constant 1 : i32
      %add3A_180 = arith.addi %mul3A_149, %add3A_179 : i32
      %lt3A_181 = arith.constant 5 : i32
      %lt3A_182 = arith.cmpi slt, %add3A_180, %lt3A_181 : i32
      %convert_element_type3A_183 = arith.extui %lt3A_182 : i1 to i32
      %cond3A_184 = arith.constant 0 : i32
      %cond3A_185 = arith.cmpi ne, %convert_element_type3A_183, %cond3A_184 : i32
      scf.if %cond3A_185 {
        %add3A_187 = arith.constant 1 : i32
        %add3A_188 = arith.addi %mul3A_149, %add3A_187 : i32
        %mul3A_189 = arith.constant 2000 : i32
        %mul3A_190 = arith.muli %add3A_188, %mul3A_189 : i32
        %add3A_191 = arith.addi %add3A_21, %mul3A_190 : i32
        %dma_wait3A_192 = tpu.memref_slice %arg2[%add3A_191] : memref<320000xi32, #tpu.memory_space<hbm>> -> memref<2000xi32, #tpu.memory_space<hbm>>
        %dma_wait3A_193 = tpu.memref_slice %arg2[%add3A_191] : memref<320000xi32, #tpu.memory_space<hbm>> -> memref<2000xi32, #tpu.memory_space<hbm>>
        tpu.wait_dma2 semaphore(%arg29 : memref<!tpu.dma_semaphore, #tpu.memory_space<semaphore_mem>>) src(%dma_wait3A_193 : memref<2000xi32, #tpu.memory_space<hbm>>) dst(%arg26 : memref<2000xi32, #tpu.memory_space<vmem>>)
        %dma_wait3A_194 = tpu.memref_slice %arg3[%add3A_191] : memref<320000xi32, #tpu.memory_space<hbm>> -> memref<2000xi32, #tpu.memory_space<hbm>>
        %dma_wait3A_195 = tpu.memref_slice %arg3[%add3A_191] : memref<320000xi32, #tpu.memory_space<hbm>> -> memref<2000xi32, #tpu.memory_space<hbm>>
        tpu.wait_dma2 semaphore(%arg29 : memref<!tpu.dma_semaphore, #tpu.memory_space<semaphore_mem>>) src(%dma_wait3A_195 : memref<2000xi32, #tpu.memory_space<hbm>>) dst(%arg27 : memref<2000xi32, #tpu.memory_space<vmem>>)
        %dma_wait3A_196 = tpu.memref_slice %arg7[%add3A_191] : memref<320000xf32, #tpu.memory_space<hbm>> -> memref<2000xf32, #tpu.memory_space<hbm>>
        %dma_wait3A_197 = tpu.memref_slice %arg7[%add3A_191] : memref<320000xf32, #tpu.memory_space<hbm>> -> memref<2000xf32, #tpu.memory_space<hbm>>
        tpu.wait_dma2 semaphore(%arg29 : memref<!tpu.dma_semaphore, #tpu.memory_space<semaphore_mem>>) src(%dma_wait3A_197 : memref<2000xf32, #tpu.memory_space<hbm>>) dst(%arg28 : memref<2000xf32, #tpu.memory_space<vmem>>)
        %add3A_198 = arith.constant 1 : i32
        %add3A_199 = arith.addi %mul3A_149, %add3A_198 : i32
        %mul3A_200 = arith.constant 2000 : i32
        %mul3A_201 = arith.muli %add3A_199, %mul3A_200 : i32
        %add3A_202 = arith.addi %add3A_21, %mul3A_201 : i32
        "tpu.region"() ({
          %run_scoped3A = tpu.sem_alloc : memref<!tpu.dma_semaphore, #tpu.memory_space<semaphore_mem>>
          %dma_start3A_210 = tpu.memref_slice %arg4[%add3A_202] : memref<320000xf32, #tpu.memory_space<hbm>> -> memref<2000xf32, #tpu.memory_space<hbm>>
          %dma_start3A_211 = tpu.memref_slice %arg4[%add3A_202] : memref<320000xf32, #tpu.memory_space<hbm>> -> memref<2000xf32, #tpu.memory_space<hbm>>
          tpu.enqueue_dma source(%dma_start3A_211 : memref<2000xf32, #tpu.memory_space<hbm>>) target(%arg21 : memref<2000xf32, #tpu.memory_space<vmem>>) target_semaphore(%run_scoped3A : memref<!tpu.dma_semaphore, #tpu.memory_space<semaphore_mem>>)
          %dma_wait3A_212 = tpu.memref_slice %arg4[%add3A_202] : memref<320000xf32, #tpu.memory_space<hbm>> -> memref<2000xf32, #tpu.memory_space<hbm>>
          %dma_wait3A_213 = tpu.memref_slice %arg4[%add3A_202] : memref<320000xf32, #tpu.memory_space<hbm>> -> memref<2000xf32, #tpu.memory_space<hbm>>
          tpu.wait_dma2 semaphore(%run_scoped3A : memref<!tpu.dma_semaphore, #tpu.memory_space<semaphore_mem>>) src(%dma_wait3A_213 : memref<2000xf32, #tpu.memory_space<hbm>>) dst(%arg21 : memref<2000xf32, #tpu.memory_space<vmem>>)
          tpu.yield
        }) : () -> ()
        "tpu.region"() ({
          %run_scoped3A = tpu.sem_alloc : memref<!tpu.dma_semaphore, #tpu.memory_space<semaphore_mem>>
          %dma_start3A_210 = tpu.memref_slice %arg5[%add3A_202] : memref<320000xf32, #tpu.memory_space<hbm>> -> memref<2000xf32, #tpu.memory_space<hbm>>
          %dma_start3A_211 = tpu.memref_slice %arg5[%add3A_202] : memref<320000xf32, #tpu.memory_space<hbm>> -> memref<2000xf32, #tpu.memory_space<hbm>>
          tpu.enqueue_dma source(%dma_start3A_211 : memref<2000xf32, #tpu.memory_space<hbm>>) target(%arg22 : memref<2000xf32, #tpu.memory_space<vmem>>) target_semaphore(%run_scoped3A : memref<!tpu.dma_semaphore, #tpu.memory_space<semaphore_mem>>)
          %dma_wait3A_212 = tpu.memref_slice %arg5[%add3A_202] : memref<320000xf32, #tpu.memory_space<hbm>> -> memref<2000xf32, #tpu.memory_space<hbm>>
          %dma_wait3A_213 = tpu.memref_slice %arg5[%add3A_202] : memref<320000xf32, #tpu.memory_space<hbm>> -> memref<2000xf32, #tpu.memory_space<hbm>>
          tpu.wait_dma2 semaphore(%run_scoped3A : memref<!tpu.dma_semaphore, #tpu.memory_space<semaphore_mem>>) src(%dma_wait3A_213 : memref<2000xf32, #tpu.memory_space<hbm>>) dst(%arg22 : memref<2000xf32, #tpu.memory_space<vmem>>)
          tpu.yield
        }) : () -> ()
        "tpu.region"() ({
          %run_scoped3A = tpu.sem_alloc : memref<!tpu.dma_semaphore, #tpu.memory_space<semaphore_mem>>
          %dma_start3A_210 = tpu.memref_slice %arg6[%add3A_202] : memref<320000xf32, #tpu.memory_space<hbm>> -> memref<2000xf32, #tpu.memory_space<hbm>>
          %dma_start3A_211 = tpu.memref_slice %arg6[%add3A_202] : memref<320000xf32, #tpu.memory_space<hbm>> -> memref<2000xf32, #tpu.memory_space<hbm>>
          tpu.enqueue_dma source(%dma_start3A_211 : memref<2000xf32, #tpu.memory_space<hbm>>) target(%arg23 : memref<2000xf32, #tpu.memory_space<vmem>>) target_semaphore(%run_scoped3A : memref<!tpu.dma_semaphore, #tpu.memory_space<semaphore_mem>>)
          %dma_wait3A_212 = tpu.memref_slice %arg6[%add3A_202] : memref<320000xf32, #tpu.memory_space<hbm>> -> memref<2000xf32, #tpu.memory_space<hbm>>
          %dma_wait3A_213 = tpu.memref_slice %arg6[%add3A_202] : memref<320000xf32, #tpu.memory_space<hbm>> -> memref<2000xf32, #tpu.memory_space<hbm>>
          tpu.wait_dma2 semaphore(%run_scoped3A : memref<!tpu.dma_semaphore, #tpu.memory_space<semaphore_mem>>) src(%dma_wait3A_213 : memref<2000xf32, #tpu.memory_space<hbm>>) dst(%arg23 : memref<2000xf32, #tpu.memory_space<vmem>>)
          tpu.yield
        }) : () -> ()
        %scan3A_203 = arith.constant 0 : i32
        %scan3A_204 = arith.constant 0 : i32
        %scan3A_205 = arith.constant 25 : i32
        %scan3A_206 = arith.addi %scan3A_204, %scan3A_205 : i32
        %scan3A_207 = arith.constant 1 : i32
        %scan3A_208 = scf.for %scan3A_210 = %scan3A_204 to %scan3A_206 step %scan3A_207 iter_args(%scan3A_211 = %scan3A_203) -> (i32)  : i32 {
          %mul3A_212 = arith.constant 5 : i32
          %mul3A_213 = arith.muli %scan3A_210, %mul3A_212 : i32
          %add3A_214 = arith.constant 0 : i32
          %add3A_215 = arith.addi %mul3A_213, %add3A_214 : i32
          %mul3A_216 = arith.constant 16 : i32
          %mul3A_217 = arith.muli %add3A_215, %mul3A_216 : i32
          %get3A = arith.index_cast %mul3A_217 : i32 to index
          %get3A_218 = tpu.vector_load %arg26[%get3A] {strides = array<i32>} : memref<2000xi32, #tpu.memory_space<vmem>>, vector<16xi32>,
          %get3A_219 = arith.index_cast %mul3A_217 : i32 to index
          %get3A_220 = tpu.vector_load %arg27[%get3A_219] {strides = array<i32>} : memref<2000xi32, #tpu.memory_space<vmem>>, vector<16xi32>,
          %get3A_221 = arith.index_cast %mul3A_217 : i32 to index
          %get3A_222 = tpu.vector_load %arg28[%get3A_221] {strides = array<i32>} : memref<2000xf32, #tpu.memory_space<vmem>>, vector<16xf32>,
          %gather3A = tpu.vector_load_idx %arg15[%get3A_218] : memref<10000xf32, #tpu.memory_space<vmem>>[vector<16xi32>], vector<16xf32>,
          %gather3A_223 = tpu.vector_load_idx %arg16[%get3A_220] : memref<10000xf32, #tpu.memory_space<vmem>>[vector<16xi32>], vector<16xf32>,
          %add3A_224 = arith.addf %gather3A, %gather3A_223 : vector<16xf32>
          %add3A_225 = arith.addf %add3A_224, %get3A_222 : vector<16xf32>
          %mul3A_226 = arith.constant 2.000000e-01 : f32
          %mul3A_227 = vector.broadcast %mul3A_226 : f32 to vector<16xf32>
          %mul3A_228 = arith.mulf %mul3A_227, %add3A_225 : vector<16xf32>
          %max3A = arith.maximumf %add3A_225, %mul3A_228 : vector<16xf32>
          %exp3A = math.exp %max3A : vector<16xf32>
          %swap3A = arith.index_cast %mul3A_217 : i32 to index
          %swap3A_229 = tpu.vector_load %arg24[%swap3A] {strides = array<i32>} : memref<2000xf32, #tpu.memory_space<vmem>>, vector<16xf32>,
          tpu.vector_store %arg24[%swap3A], %exp3A {strides = array<i32>} : memref<2000xf32, #tpu.memory_space<vmem>>, vector<16xf32>,
          tpu.vector_store_idx %arg17[%get3A_220], %exp3A {add = true} : memref<40000xf32, #tpu.memory_space<vmem>>[vector<16xi32>], vector<16xf32>,
          tpu.vector_store_idx %arg18[%get3A_220], %broadcast_in_dim3A_3 {add = true} : memref<40000xf32, #tpu.memory_space<vmem>>[vector<16xi32>], vector<16xf32>,
          %add3A_230 = arith.constant 10000 : i32
          %add3A_231 = vector.broadcast %add3A_230 : i32 to vector<16xi32>
          %add3A_232 = arith.addi %get3A_220, %add3A_231 : vector<16xi32>
          %get3A_233 = arith.index_cast %mul3A_217 : i32 to index
          %get3A_234 = tpu.vector_load %arg21[%get3A_233] {strides = array<i32>} : memref<2000xf32, #tpu.memory_space<vmem>>, vector<16xf32>,
          tpu.vector_store_idx %arg18[%add3A_232], %get3A_234 {add = true} : memref<40000xf32, #tpu.memory_space<vmem>>[vector<16xi32>], vector<16xf32>,
          %add3A_235 = arith.constant 20000 : i32
          %add3A_236 = vector.broadcast %add3A_235 : i32 to vector<16xi32>
          %add3A_237 = arith.addi %get3A_220, %add3A_236 : vector<16xi32>
          %get3A_238 = arith.index_cast %mul3A_217 : i32 to index
          %get3A_239 = tpu.vector_load %arg22[%get3A_238] {strides = array<i32>} : memref<2000xf32, #tpu.memory_space<vmem>>, vector<16xf32>,
          tpu.vector_store_idx %arg18[%add3A_237], %get3A_239 {add = true} : memref<40000xf32, #tpu.memory_space<vmem>>[vector<16xi32>], vector<16xf32>,
          %add3A_240 = arith.constant 30000 : i32
          %add3A_241 = vector.broadcast %add3A_240 : i32 to vector<16xi32>
          %add3A_242 = arith.addi %get3A_220, %add3A_241 : vector<16xi32>
          %get3A_243 = arith.index_cast %mul3A_217 : i32 to index
          %get3A_244 = tpu.vector_load %arg23[%get3A_243] {strides = array<i32>} : memref<2000xf32, #tpu.memory_space<vmem>>, vector<16xf32>,
          tpu.vector_store_idx %arg18[%add3A_242], %get3A_244 {add = true} : memref<40000xf32, #tpu.memory_space<vmem>>[vector<16xi32>], vector<16xf32>,
          %mul3A_245 = arith.constant 5 : i32
          %mul3A_246 = arith.muli %scan3A_210, %mul3A_245 : i32
          %add3A_247 = arith.constant 1 : i32
          %add3A_248 = arith.addi %mul3A_246, %add3A_247 : i32
          %mul3A_249 = arith.constant 16 : i32
          %mul3A_250 = arith.muli %add3A_248, %mul3A_249 : i32
          %get3A_251 = arith.index_cast %mul3A_250 : i32 to index
          %get3A_252 = tpu.vector_load %arg26[%get3A_251] {strides = array<i32>} : memref<2000xi32, #tpu.memory_space<vmem>>, vector<16xi32>,
          %get3A_253 = arith.index_cast %mul3A_250 : i32 to index
          %get3A_254 = tpu.vector_load %arg27[%get3A_253] {strides = array<i32>} : memref<2000xi32, #tpu.memory_space<vmem>>, vector<16xi32>,
          %get3A_255 = arith.index_cast %mul3A_250 : i32 to index
          %get3A_256 = tpu.vector_load %arg28[%get3A_255] {strides = array<i32>} : memref<2000xf32, #tpu.memory_space<vmem>>, vector<16xf32>,
          %gather3A_257 = tpu.vector_load_idx %arg15[%get3A_252] : memref<10000xf32, #tpu.memory_space<vmem>>[vector<16xi32>], vector<16xf32>,
          %gather3A_258 = tpu.vector_load_idx %arg16[%get3A_254] : memref<10000xf32, #tpu.memory_space<vmem>>[vector<16xi32>], vector<16xf32>,
          %add3A_259 = arith.addf %gather3A_257, %gather3A_258 : vector<16xf32>
          %add3A_260 = arith.addf %add3A_259, %get3A_256 : vector<16xf32>
          %mul3A_261 = arith.constant 2.000000e-01 : f32
          %mul3A_262 = vector.broadcast %mul3A_261 : f32 to vector<16xf32>
          %mul3A_263 = arith.mulf %mul3A_262, %add3A_260 : vector<16xf32>
          %max3A_264 = arith.maximumf %add3A_260, %mul3A_263 : vector<16xf32>
          %exp3A_265 = math.exp %max3A_264 : vector<16xf32>
          %swap3A_266 = arith.index_cast %mul3A_250 : i32 to index
          %swap3A_267 = tpu.vector_load %arg24[%swap3A_266] {strides = array<i32>} : memref<2000xf32, #tpu.memory_space<vmem>>, vector<16xf32>,
          tpu.vector_store %arg24[%swap3A_266], %exp3A_265 {strides = array<i32>} : memref<2000xf32, #tpu.memory_space<vmem>>, vector<16xf32>,
          tpu.vector_store_idx %arg17[%get3A_254], %exp3A_265 {add = true} : memref<40000xf32, #tpu.memory_space<vmem>>[vector<16xi32>], vector<16xf32>,
          tpu.vector_store_idx %arg18[%get3A_254], %broadcast_in_dim3A_3 {add = true} : memref<40000xf32, #tpu.memory_space<vmem>>[vector<16xi32>], vector<16xf32>,
          %add3A_268 = arith.constant 10000 : i32
          %add3A_269 = vector.broadcast %add3A_268 : i32 to vector<16xi32>
          %add3A_270 = arith.addi %get3A_254, %add3A_269 : vector<16xi32>
          %get3A_271 = arith.index_cast %mul3A_250 : i32 to index
          %get3A_272 = tpu.vector_load %arg21[%get3A_271] {strides = array<i32>} : memref<2000xf32, #tpu.memory_space<vmem>>, vector<16xf32>,
          tpu.vector_store_idx %arg18[%add3A_270], %get3A_272 {add = true} : memref<40000xf32, #tpu.memory_space<vmem>>[vector<16xi32>], vector<16xf32>,
          %add3A_273 = arith.constant 20000 : i32
          %add3A_274 = vector.broadcast %add3A_273 : i32 to vector<16xi32>
          %add3A_275 = arith.addi %get3A_254, %add3A_274 : vector<16xi32>
          %get3A_276 = arith.index_cast %mul3A_250 : i32 to index
          %get3A_277 = tpu.vector_load %arg22[%get3A_276] {strides = array<i32>} : memref<2000xf32, #tpu.memory_space<vmem>>, vector<16xf32>,
          tpu.vector_store_idx %arg18[%add3A_275], %get3A_277 {add = true} : memref<40000xf32, #tpu.memory_space<vmem>>[vector<16xi32>], vector<16xf32>,
          %add3A_278 = arith.constant 30000 : i32
          %add3A_279 = vector.broadcast %add3A_278 : i32 to vector<16xi32>
          %add3A_280 = arith.addi %get3A_254, %add3A_279 : vector<16xi32>
          %get3A_281 = arith.index_cast %mul3A_250 : i32 to index
          %get3A_282 = tpu.vector_load %arg23[%get3A_281] {strides = array<i32>} : memref<2000xf32, #tpu.memory_space<vmem>>, vector<16xf32>,
          tpu.vector_store_idx %arg18[%add3A_280], %get3A_282 {add = true} : memref<40000xf32, #tpu.memory_space<vmem>>[vector<16xi32>], vector<16xf32>,
          %mul3A_283 = arith.constant 5 : i32
          %mul3A_284 = arith.muli %scan3A_210, %mul3A_283 : i32
          %add3A_285 = arith.constant 2 : i32
          %add3A_286 = arith.addi %mul3A_284, %add3A_285 : i32
          %mul3A_287 = arith.constant 16 : i32
          %mul3A_288 = arith.muli %add3A_286, %mul3A_287 : i32
          %get3A_289 = arith.index_cast %mul3A_288 : i32 to index
          %get3A_290 = tpu.vector_load %arg26[%get3A_289] {strides = array<i32>} : memref<2000xi32, #tpu.memory_space<vmem>>, vector<16xi32>,
          %get3A_291 = arith.index_cast %mul3A_288 : i32 to index
          %get3A_292 = tpu.vector_load %arg27[%get3A_291] {strides = array<i32>} : memref<2000xi32, #tpu.memory_space<vmem>>, vector<16xi32>,
          %get3A_293 = arith.index_cast %mul3A_288 : i32 to index
          %get3A_294 = tpu.vector_load %arg28[%get3A_293] {strides = array<i32>} : memref<2000xf32, #tpu.memory_space<vmem>>, vector<16xf32>,
          %gather3A_295 = tpu.vector_load_idx %arg15[%get3A_290] : memref<10000xf32, #tpu.memory_space<vmem>>[vector<16xi32>], vector<16xf32>,
          %gather3A_296 = tpu.vector_load_idx %arg16[%get3A_292] : memref<10000xf32, #tpu.memory_space<vmem>>[vector<16xi32>], vector<16xf32>,
          %add3A_297 = arith.addf %gather3A_295, %gather3A_296 : vector<16xf32>
          %add3A_298 = arith.addf %add3A_297, %get3A_294 : vector<16xf32>
          %mul3A_299 = arith.constant 2.000000e-01 : f32
          %mul3A_300 = vector.broadcast %mul3A_299 : f32 to vector<16xf32>
          %mul3A_301 = arith.mulf %mul3A_300, %add3A_298 : vector<16xf32>
          %max3A_302 = arith.maximumf %add3A_298, %mul3A_301 : vector<16xf32>
          %exp3A_303 = math.exp %max3A_302 : vector<16xf32>
          %swap3A_304 = arith.index_cast %mul3A_288 : i32 to index
          %swap3A_305 = tpu.vector_load %arg24[%swap3A_304] {strides = array<i32>} : memref<2000xf32, #tpu.memory_space<vmem>>, vector<16xf32>,
          tpu.vector_store %arg24[%swap3A_304], %exp3A_303 {strides = array<i32>} : memref<2000xf32, #tpu.memory_space<vmem>>, vector<16xf32>,
          tpu.vector_store_idx %arg17[%get3A_292], %exp3A_303 {add = true} : memref<40000xf32, #tpu.memory_space<vmem>>[vector<16xi32>], vector<16xf32>,
          tpu.vector_store_idx %arg18[%get3A_292], %broadcast_in_dim3A_3 {add = true} : memref<40000xf32, #tpu.memory_space<vmem>>[vector<16xi32>], vector<16xf32>,
          %add3A_306 = arith.constant 10000 : i32
          %add3A_307 = vector.broadcast %add3A_306 : i32 to vector<16xi32>
          %add3A_308 = arith.addi %get3A_292, %add3A_307 : vector<16xi32>
          %get3A_309 = arith.index_cast %mul3A_288 : i32 to index
          %get3A_310 = tpu.vector_load %arg21[%get3A_309] {strides = array<i32>} : memref<2000xf32, #tpu.memory_space<vmem>>, vector<16xf32>,
          tpu.vector_store_idx %arg18[%add3A_308], %get3A_310 {add = true} : memref<40000xf32, #tpu.memory_space<vmem>>[vector<16xi32>], vector<16xf32>,
          %add3A_311 = arith.constant 20000 : i32
          %add3A_312 = vector.broadcast %add3A_311 : i32 to vector<16xi32>
          %add3A_313 = arith.addi %get3A_292, %add3A_312 : vector<16xi32>
          %get3A_314 = arith.index_cast %mul3A_288 : i32 to index
          %get3A_315 = tpu.vector_load %arg22[%get3A_314] {strides = array<i32>} : memref<2000xf32, #tpu.memory_space<vmem>>, vector<16xf32>,
          tpu.vector_store_idx %arg18[%add3A_313], %get3A_315 {add = true} : memref<40000xf32, #tpu.memory_space<vmem>>[vector<16xi32>], vector<16xf32>,
          %add3A_316 = arith.constant 30000 : i32
          %add3A_317 = vector.broadcast %add3A_316 : i32 to vector<16xi32>
          %add3A_318 = arith.addi %get3A_292, %add3A_317 : vector<16xi32>
          %get3A_319 = arith.index_cast %mul3A_288 : i32 to index
          %get3A_320 = tpu.vector_load %arg23[%get3A_319] {strides = array<i32>} : memref<2000xf32, #tpu.memory_space<vmem>>, vector<16xf32>,
          tpu.vector_store_idx %arg18[%add3A_318], %get3A_320 {add = true} : memref<40000xf32, #tpu.memory_space<vmem>>[vector<16xi32>], vector<16xf32>,
          %mul3A_321 = arith.constant 5 : i32
          %mul3A_322 = arith.muli %scan3A_210, %mul3A_321 : i32
          %add3A_323 = arith.constant 3 : i32
          %add3A_324 = arith.addi %mul3A_322, %add3A_323 : i32
          %mul3A_325 = arith.constant 16 : i32
          %mul3A_326 = arith.muli %add3A_324, %mul3A_325 : i32
          %get3A_327 = arith.index_cast %mul3A_326 : i32 to index
          %get3A_328 = tpu.vector_load %arg26[%get3A_327] {strides = array<i32>} : memref<2000xi32, #tpu.memory_space<vmem>>, vector<16xi32>,
          %get3A_329 = arith.index_cast %mul3A_326 : i32 to index
          %get3A_330 = tpu.vector_load %arg27[%get3A_329] {strides = array<i32>} : memref<2000xi32, #tpu.memory_space<vmem>>, vector<16xi32>,
          %get3A_331 = arith.index_cast %mul3A_326 : i32 to index
          %get3A_332 = tpu.vector_load %arg28[%get3A_331] {strides = array<i32>} : memref<2000xf32, #tpu.memory_space<vmem>>, vector<16xf32>,
          %gather3A_333 = tpu.vector_load_idx %arg15[%get3A_328] : memref<10000xf32, #tpu.memory_space<vmem>>[vector<16xi32>], vector<16xf32>,
          %gather3A_334 = tpu.vector_load_idx %arg16[%get3A_330] : memref<10000xf32, #tpu.memory_space<vmem>>[vector<16xi32>], vector<16xf32>,
          %add3A_335 = arith.addf %gather3A_333, %gather3A_334 : vector<16xf32>
          %add3A_336 = arith.addf %add3A_335, %get3A_332 : vector<16xf32>
          %mul3A_337 = arith.constant 2.000000e-01 : f32
          %mul3A_338 = vector.broadcast %mul3A_337 : f32 to vector<16xf32>
          %mul3A_339 = arith.mulf %mul3A_338, %add3A_336 : vector<16xf32>
          %max3A_340 = arith.maximumf %add3A_336, %mul3A_339 : vector<16xf32>
          %exp3A_341 = math.exp %max3A_340 : vector<16xf32>
          %swap3A_342 = arith.index_cast %mul3A_326 : i32 to index
          %swap3A_343 = tpu.vector_load %arg24[%swap3A_342] {strides = array<i32>} : memref<2000xf32, #tpu.memory_space<vmem>>, vector<16xf32>,
          tpu.vector_store %arg24[%swap3A_342], %exp3A_341 {strides = array<i32>} : memref<2000xf32, #tpu.memory_space<vmem>>, vector<16xf32>,
          tpu.vector_store_idx %arg17[%get3A_330], %exp3A_341 {add = true} : memref<40000xf32, #tpu.memory_space<vmem>>[vector<16xi32>], vector<16xf32>,
          tpu.vector_store_idx %arg18[%get3A_330], %broadcast_in_dim3A_3 {add = true} : memref<40000xf32, #tpu.memory_space<vmem>>[vector<16xi32>], vector<16xf32>,
          %add3A_344 = arith.constant 10000 : i32
          %add3A_345 = vector.broadcast %add3A_344 : i32 to vector<16xi32>
          %add3A_346 = arith.addi %get3A_330, %add3A_345 : vector<16xi32>
          %get3A_347 = arith.index_cast %mul3A_326 : i32 to index
          %get3A_348 = tpu.vector_load %arg21[%get3A_347] {strides = array<i32>} : memref<2000xf32, #tpu.memory_space<vmem>>, vector<16xf32>,
          tpu.vector_store_idx %arg18[%add3A_346], %get3A_348 {add = true} : memref<40000xf32, #tpu.memory_space<vmem>>[vector<16xi32>], vector<16xf32>,
          %add3A_349 = arith.constant 20000 : i32
          %add3A_350 = vector.broadcast %add3A_349 : i32 to vector<16xi32>
          %add3A_351 = arith.addi %get3A_330, %add3A_350 : vector<16xi32>
          %get3A_352 = arith.index_cast %mul3A_326 : i32 to index
          %get3A_353 = tpu.vector_load %arg22[%get3A_352] {strides = array<i32>} : memref<2000xf32, #tpu.memory_space<vmem>>, vector<16xf32>,
          tpu.vector_store_idx %arg18[%add3A_351], %get3A_353 {add = true} : memref<40000xf32, #tpu.memory_space<vmem>>[vector<16xi32>], vector<16xf32>,
          %add3A_354 = arith.constant 30000 : i32
          %add3A_355 = vector.broadcast %add3A_354 : i32 to vector<16xi32>
          %add3A_356 = arith.addi %get3A_330, %add3A_355 : vector<16xi32>
          %get3A_357 = arith.index_cast %mul3A_326 : i32 to index
          %get3A_358 = tpu.vector_load %arg23[%get3A_357] {strides = array<i32>} : memref<2000xf32, #tpu.memory_space<vmem>>, vector<16xf32>,
          tpu.vector_store_idx %arg18[%add3A_356], %get3A_358 {add = true} : memref<40000xf32, #tpu.memory_space<vmem>>[vector<16xi32>], vector<16xf32>,
          %mul3A_359 = arith.constant 5 : i32
          %mul3A_360 = arith.muli %scan3A_210, %mul3A_359 : i32
          %add3A_361 = arith.constant 4 : i32
          %add3A_362 = arith.addi %mul3A_360, %add3A_361 : i32
          %mul3A_363 = arith.constant 16 : i32
          %mul3A_364 = arith.muli %add3A_362, %mul3A_363 : i32
          %get3A_365 = arith.index_cast %mul3A_364 : i32 to index
          %get3A_366 = tpu.vector_load %arg26[%get3A_365] {strides = array<i32>} : memref<2000xi32, #tpu.memory_space<vmem>>, vector<16xi32>,
          %get3A_367 = arith.index_cast %mul3A_364 : i32 to index
          %get3A_368 = tpu.vector_load %arg27[%get3A_367] {strides = array<i32>} : memref<2000xi32, #tpu.memory_space<vmem>>, vector<16xi32>,
          %get3A_369 = arith.index_cast %mul3A_364 : i32 to index
          %get3A_370 = tpu.vector_load %arg28[%get3A_369] {strides = array<i32>} : memref<2000xf32, #tpu.memory_space<vmem>>, vector<16xf32>,
          %gather3A_371 = tpu.vector_load_idx %arg15[%get3A_366] : memref<10000xf32, #tpu.memory_space<vmem>>[vector<16xi32>], vector<16xf32>,
          %gather3A_372 = tpu.vector_load_idx %arg16[%get3A_368] : memref<10000xf32, #tpu.memory_space<vmem>>[vector<16xi32>], vector<16xf32>,
          %add3A_373 = arith.addf %gather3A_371, %gather3A_372 : vector<16xf32>
          %add3A_374 = arith.addf %add3A_373, %get3A_370 : vector<16xf32>
          %mul3A_375 = arith.constant 2.000000e-01 : f32
          %mul3A_376 = vector.broadcast %mul3A_375 : f32 to vector<16xf32>
          %mul3A_377 = arith.mulf %mul3A_376, %add3A_374 : vector<16xf32>
          %max3A_378 = arith.maximumf %add3A_374, %mul3A_377 : vector<16xf32>
          %exp3A_379 = math.exp %max3A_378 : vector<16xf32>
          %swap3A_380 = arith.index_cast %mul3A_364 : i32 to index
          %swap3A_381 = tpu.vector_load %arg24[%swap3A_380] {strides = array<i32>} : memref<2000xf32, #tpu.memory_space<vmem>>, vector<16xf32>,
          tpu.vector_store %arg24[%swap3A_380], %exp3A_379 {strides = array<i32>} : memref<2000xf32, #tpu.memory_space<vmem>>, vector<16xf32>,
          tpu.vector_store_idx %arg17[%get3A_368], %exp3A_379 {add = true} : memref<40000xf32, #tpu.memory_space<vmem>>[vector<16xi32>], vector<16xf32>,
          tpu.vector_store_idx %arg18[%get3A_368], %broadcast_in_dim3A_3 {add = true} : memref<40000xf32, #tpu.memory_space<vmem>>[vector<16xi32>], vector<16xf32>,
          %add3A_382 = arith.constant 10000 : i32
          %add3A_383 = vector.broadcast %add3A_382 : i32 to vector<16xi32>
          %add3A_384 = arith.addi %get3A_368, %add3A_383 : vector<16xi32>
          %get3A_385 = arith.index_cast %mul3A_364 : i32 to index
          %get3A_386 = tpu.vector_load %arg21[%get3A_385] {strides = array<i32>} : memref<2000xf32, #tpu.memory_space<vmem>>, vector<16xf32>,
          tpu.vector_store_idx %arg18[%add3A_384], %get3A_386 {add = true} : memref<40000xf32, #tpu.memory_space<vmem>>[vector<16xi32>], vector<16xf32>,
          %add3A_387 = arith.constant 20000 : i32
          %add3A_388 = vector.broadcast %add3A_387 : i32 to vector<16xi32>
          %add3A_389 = arith.addi %get3A_368, %add3A_388 : vector<16xi32>
          %get3A_390 = arith.index_cast %mul3A_364 : i32 to index
          %get3A_391 = tpu.vector_load %arg22[%get3A_390] {strides = array<i32>} : memref<2000xf32, #tpu.memory_space<vmem>>, vector<16xf32>,
          tpu.vector_store_idx %arg18[%add3A_389], %get3A_391 {add = true} : memref<40000xf32, #tpu.memory_space<vmem>>[vector<16xi32>], vector<16xf32>,
          %add3A_392 = arith.constant 30000 : i32
          %add3A_393 = vector.broadcast %add3A_392 : i32 to vector<16xi32>
          %add3A_394 = arith.addi %get3A_368, %add3A_393 : vector<16xi32>
          %get3A_395 = arith.index_cast %mul3A_364 : i32 to index
          %get3A_396 = tpu.vector_load %arg23[%get3A_395] {strides = array<i32>} : memref<2000xf32, #tpu.memory_space<vmem>>, vector<16xf32>,
          tpu.vector_store_idx %arg18[%add3A_394], %get3A_396 {add = true} : memref<40000xf32, #tpu.memory_space<vmem>>[vector<16xi32>], vector<16xf32>,
          %scan3A_397 = arith.constant 0 : i32
          scf.yield %scan3A_397 : i32
        }
        %scan3A_209 = arith.constant 25 : i32
        "tpu.region"() ({
          %run_scoped3A = tpu.sem_alloc : memref<!tpu.dma_semaphore, #tpu.memory_space<semaphore_mem>>
          %dma_start3A_210 = tpu.memref_slice %arg11[%add3A_202] : memref<320000xf32, #tpu.memory_space<hbm>> -> memref<2000xf32, #tpu.memory_space<hbm>>
          %dma_start3A_211 = tpu.memref_slice %arg11[%add3A_202] : memref<320000xf32, #tpu.memory_space<hbm>> -> memref<2000xf32, #tpu.memory_space<hbm>>
          tpu.enqueue_dma source(%arg24 : memref<2000xf32, #tpu.memory_space<vmem>>) target(%dma_start3A_211 : memref<2000xf32, #tpu.memory_space<hbm>>) target_semaphore(%run_scoped3A : memref<!tpu.dma_semaphore, #tpu.memory_space<semaphore_mem>>)
          %dma_wait3A_212 = tpu.memref_slice %arg11[%add3A_202] : memref<320000xf32, #tpu.memory_space<hbm>> -> memref<2000xf32, #tpu.memory_space<hbm>>
          %dma_wait3A_213 = tpu.memref_slice %arg11[%add3A_202] : memref<320000xf32, #tpu.memory_space<hbm>> -> memref<2000xf32, #tpu.memory_space<hbm>>
          tpu.wait_dma2 semaphore(%run_scoped3A : memref<!tpu.dma_semaphore, #tpu.memory_space<semaphore_mem>>) src(%arg24 : memref<2000xf32, #tpu.memory_space<vmem>>) dst(%dma_wait3A_213 : memref<2000xf32, #tpu.memory_space<hbm>>)
          tpu.yield
        }) : () -> ()
      } else {
      }
      %scan3A_186 = arith.constant 0 : i32
      scf.yield %scan3A_186 : i32
    }
    %scan3A_35 = arith.constant 3 : i32
    %mul3A_36 = arith.constant 10000 : i32
    %mul3A_37 = arith.muli %add3A, %mul3A_36 : i32
    "tpu.region"() ({
      %run_scoped3A = tpu.sem_alloc : memref<!tpu.dma_semaphore, #tpu.memory_space<semaphore_mem>>
      %dma_start3A_146 = arith.constant 0 : i32
      %dma_start3A_147 = tpu.memref_slice %arg17[%dma_start3A_146] : memref<40000xf32, #tpu.memory_space<vmem>> -> memref<10000xf32, #tpu.memory_space<vmem>>
      %dma_start3A_148 = tpu.memref_slice %arg12[%mul3A_37] : memref<320000xf32, #tpu.memory_space<hbm>> -> memref<10000xf32, #tpu.memory_space<hbm>>
      %dma_start3A_149 = tpu.memref_slice %arg12[%mul3A_37] : memref<320000xf32, #tpu.memory_space<hbm>> -> memref<10000xf32, #tpu.memory_space<hbm>>
      %dma_start3A_150 = arith.constant 0 : i32
      %dma_start3A_151 = tpu.memref_slice %arg17[%dma_start3A_150] : memref<40000xf32, #tpu.memory_space<vmem>> -> memref<10000xf32, #tpu.memory_space<vmem>>
      tpu.enqueue_dma source(%dma_start3A_151 : memref<10000xf32, #tpu.memory_space<vmem>>) target(%dma_start3A_149 : memref<10000xf32, #tpu.memory_space<hbm>>) target_semaphore(%run_scoped3A : memref<!tpu.dma_semaphore, #tpu.memory_space<semaphore_mem>>)
      %dma_wait3A = arith.constant 0 : i32
      %dma_wait3A_152 = tpu.memref_slice %arg17[%dma_wait3A] : memref<40000xf32, #tpu.memory_space<vmem>> -> memref<10000xf32, #tpu.memory_space<vmem>>
      %dma_wait3A_153 = tpu.memref_slice %arg12[%mul3A_37] : memref<320000xf32, #tpu.memory_space<hbm>> -> memref<10000xf32, #tpu.memory_space<hbm>>
      %dma_wait3A_154 = tpu.memref_slice %arg12[%mul3A_37] : memref<320000xf32, #tpu.memory_space<hbm>> -> memref<10000xf32, #tpu.memory_space<hbm>>
      %dma_wait3A_155 = arith.constant 0 : i32
      %dma_wait3A_156 = tpu.memref_slice %arg17[%dma_wait3A_155] : memref<40000xf32, #tpu.memory_space<vmem>> -> memref<10000xf32, #tpu.memory_space<vmem>>
      tpu.wait_dma2 semaphore(%run_scoped3A : memref<!tpu.dma_semaphore, #tpu.memory_space<semaphore_mem>>) src(%dma_wait3A_156 : memref<10000xf32, #tpu.memory_space<vmem>>) dst(%dma_wait3A_154 : memref<10000xf32, #tpu.memory_space<hbm>>)
      tpu.yield
    }) : () -> ()
    %mul3A_38 = arith.constant 4 : i32
    %mul3A_39 = arith.muli %add3A, %mul3A_38 : i32
    %add3A_40 = arith.constant 0 : i32
    %add3A_41 = arith.addi %mul3A_39, %add3A_40 : i32
    %mul3A_42 = arith.constant 10000 : i32
    %mul3A_43 = arith.muli %add3A_41, %mul3A_42 : i32
    "tpu.region"() ({
      %run_scoped3A = tpu.sem_alloc : memref<!tpu.dma_semaphore, #tpu.memory_space<semaphore_mem>>
      %dma_start3A_146 = arith.constant 0 : i32
      %dma_start3A_147 = tpu.memref_slice %arg18[%dma_start3A_146] : memref<40000xf32, #tpu.memory_space<vmem>> -> memref<10000xf32, #tpu.memory_space<vmem>>
      %dma_start3A_148 = tpu.memref_slice %arg14[%mul3A_43] : memref<1280000xf32, #tpu.memory_space<hbm>> -> memref<10000xf32, #tpu.memory_space<hbm>>
      %dma_start3A_149 = tpu.memref_slice %arg14[%mul3A_43] : memref<1280000xf32, #tpu.memory_space<hbm>> -> memref<10000xf32, #tpu.memory_space<hbm>>
      %dma_start3A_150 = arith.constant 0 : i32
      %dma_start3A_151 = tpu.memref_slice %arg18[%dma_start3A_150] : memref<40000xf32, #tpu.memory_space<vmem>> -> memref<10000xf32, #tpu.memory_space<vmem>>
      tpu.enqueue_dma source(%dma_start3A_151 : memref<10000xf32, #tpu.memory_space<vmem>>) target(%dma_start3A_149 : memref<10000xf32, #tpu.memory_space<hbm>>) target_semaphore(%run_scoped3A : memref<!tpu.dma_semaphore, #tpu.memory_space<semaphore_mem>>)
      %dma_wait3A = arith.constant 0 : i32
      %dma_wait3A_152 = tpu.memref_slice %arg18[%dma_wait3A] : memref<40000xf32, #tpu.memory_space<vmem>> -> memref<10000xf32, #tpu.memory_space<vmem>>
      %dma_wait3A_153 = tpu.memref_slice %arg14[%mul3A_43] : memref<1280000xf32, #tpu.memory_space<hbm>> -> memref<10000xf32, #tpu.memory_space<hbm>>
      %dma_wait3A_154 = tpu.memref_slice %arg14[%mul3A_43] : memref<1280000xf32, #tpu.memory_space<hbm>> -> memref<10000xf32, #tpu.memory_space<hbm>>
      %dma_wait3A_155 = arith.constant 0 : i32
      %dma_wait3A_156 = tpu.memref_slice %arg18[%dma_wait3A_155] : memref<40000xf32, #tpu.memory_space<vmem>> -> memref<10000xf32, #tpu.memory_space<vmem>>
      tpu.wait_dma2 semaphore(%run_scoped3A : memref<!tpu.dma_semaphore, #tpu.memory_space<semaphore_mem>>) src(%dma_wait3A_156 : memref<10000xf32, #tpu.memory_space<vmem>>) dst(%dma_wait3A_154 : memref<10000xf32, #tpu.memory_space<hbm>>)
      tpu.yield
    }) : () -> ()
    %mul3A_44 = arith.constant 4 : i32
    %mul3A_45 = arith.muli %add3A, %mul3A_44 : i32
    %add3A_46 = arith.constant 1 : i32
    %add3A_47 = arith.addi %mul3A_45, %add3A_46 : i32
    %mul3A_48 = arith.constant 10000 : i32
    %mul3A_49 = arith.muli %add3A_47, %mul3A_48 : i32
    "tpu.region"() ({
      %run_scoped3A = tpu.sem_alloc : memref<!tpu.dma_semaphore, #tpu.memory_space<semaphore_mem>>
      %dma_start3A_146 = arith.constant 10000 : i32
      %dma_start3A_147 = tpu.memref_slice %arg18[%dma_start3A_146] : memref<40000xf32, #tpu.memory_space<vmem>> -> memref<10000xf32, #tpu.memory_space<vmem>>
      %dma_start3A_148 = tpu.memref_slice %arg14[%mul3A_49] : memref<1280000xf32, #tpu.memory_space<hbm>> -> memref<10000xf32, #tpu.memory_space<hbm>>
      %dma_start3A_149 = tpu.memref_slice %arg14[%mul3A_49] : memref<1280000xf32, #tpu.memory_space<hbm>> -> memref<10000xf32, #tpu.memory_space<hbm>>
      %dma_start3A_150 = arith.constant 10000 : i32
      %dma_start3A_151 = tpu.memref_slice %arg18[%dma_start3A_150] : memref<40000xf32, #tpu.memory_space<vmem>> -> memref<10000xf32, #tpu.memory_space<vmem>>
      tpu.enqueue_dma source(%dma_start3A_151 : memref<10000xf32, #tpu.memory_space<vmem>>) target(%dma_start3A_149 : memref<10000xf32, #tpu.memory_space<hbm>>) target_semaphore(%run_scoped3A : memref<!tpu.dma_semaphore, #tpu.memory_space<semaphore_mem>>)
      %dma_wait3A = arith.constant 10000 : i32
      %dma_wait3A_152 = tpu.memref_slice %arg18[%dma_wait3A] : memref<40000xf32, #tpu.memory_space<vmem>> -> memref<10000xf32, #tpu.memory_space<vmem>>
      %dma_wait3A_153 = tpu.memref_slice %arg14[%mul3A_49] : memref<1280000xf32, #tpu.memory_space<hbm>> -> memref<10000xf32, #tpu.memory_space<hbm>>
      %dma_wait3A_154 = tpu.memref_slice %arg14[%mul3A_49] : memref<1280000xf32, #tpu.memory_space<hbm>> -> memref<10000xf32, #tpu.memory_space<hbm>>
      %dma_wait3A_155 = arith.constant 10000 : i32
      %dma_wait3A_156 = tpu.memref_slice %arg18[%dma_wait3A_155] : memref<40000xf32, #tpu.memory_space<vmem>> -> memref<10000xf32, #tpu.memory_space<vmem>>
      tpu.wait_dma2 semaphore(%run_scoped3A : memref<!tpu.dma_semaphore, #tpu.memory_space<semaphore_mem>>) src(%dma_wait3A_156 : memref<10000xf32, #tpu.memory_space<vmem>>) dst(%dma_wait3A_154 : memref<10000xf32, #tpu.memory_space<hbm>>)
      tpu.yield
    }) : () -> ()
    %mul3A_50 = arith.constant 4 : i32
    %mul3A_51 = arith.muli %add3A, %mul3A_50 : i32
    %add3A_52 = arith.constant 2 : i32
    %add3A_53 = arith.addi %mul3A_51, %add3A_52 : i32
    %mul3A_54 = arith.constant 10000 : i32
    %mul3A_55 = arith.muli %add3A_53, %mul3A_54 : i32
    "tpu.region"() ({
      %run_scoped3A = tpu.sem_alloc : memref<!tpu.dma_semaphore, #tpu.memory_space<semaphore_mem>>
      %dma_start3A_146 = arith.constant 20000 : i32
      %dma_start3A_147 = tpu.memref_slice %arg18[%dma_start3A_146] : memref<40000xf32, #tpu.memory_space<vmem>> -> memref<10000xf32, #tpu.memory_space<vmem>>
      %dma_start3A_148 = tpu.memref_slice %arg14[%mul3A_55] : memref<1280000xf32, #tpu.memory_space<hbm>> -> memref<10000xf32, #tpu.memory_space<hbm>>
      %dma_start3A_149 = tpu.memref_slice %arg14[%mul3A_55] : memref<1280000xf32, #tpu.memory_space<hbm>> -> memref<10000xf32, #tpu.memory_space<hbm>>
      %dma_start3A_150 = arith.constant 20000 : i32
      %dma_start3A_151 = tpu.memref_slice %arg18[%dma_start3A_150] : memref<40000xf32, #tpu.memory_space<vmem>> -> memref<10000xf32, #tpu.memory_space<vmem>>
      tpu.enqueue_dma source(%dma_start3A_151 : memref<10000xf32, #tpu.memory_space<vmem>>) target(%dma_start3A_149 : memref<10000xf32, #tpu.memory_space<hbm>>) target_semaphore(%run_scoped3A : memref<!tpu.dma_semaphore, #tpu.memory_space<semaphore_mem>>)
      %dma_wait3A = arith.constant 20000 : i32
      %dma_wait3A_152 = tpu.memref_slice %arg18[%dma_wait3A] : memref<40000xf32, #tpu.memory_space<vmem>> -> memref<10000xf32, #tpu.memory_space<vmem>>
      %dma_wait3A_153 = tpu.memref_slice %arg14[%mul3A_55] : memref<1280000xf32, #tpu.memory_space<hbm>> -> memref<10000xf32, #tpu.memory_space<hbm>>
      %dma_wait3A_154 = tpu.memref_slice %arg14[%mul3A_55] : memref<1280000xf32, #tpu.memory_space<hbm>> -> memref<10000xf32, #tpu.memory_space<hbm>>
      %dma_wait3A_155 = arith.constant 20000 : i32
      %dma_wait3A_156 = tpu.memref_slice %arg18[%dma_wait3A_155] : memref<40000xf32, #tpu.memory_space<vmem>> -> memref<10000xf32, #tpu.memory_space<vmem>>
      tpu.wait_dma2 semaphore(%run_scoped3A : memref<!tpu.dma_semaphore, #tpu.memory_space<semaphore_mem>>) src(%dma_wait3A_156 : memref<10000xf32, #tpu.memory_space<vmem>>) dst(%dma_wait3A_154 : memref<10000xf32, #tpu.memory_space<hbm>>)
      tpu.yield
    }) : () -> ()
    %mul3A_56 = arith.constant 4 : i32
    %mul3A_57 = arith.muli %add3A, %mul3A_56 : i32
    %add3A_58 = arith.constant 3 : i32
    %add3A_59 = arith.addi %mul3A_57, %add3A_58 : i32
    %mul3A_60 = arith.constant 10000 : i32
    %mul3A_61 = arith.muli %add3A_59, %mul3A_60 : i32
    "tpu.region"() ({
      %run_scoped3A = tpu.sem_alloc : memref<!tpu.dma_semaphore, #tpu.memory_space<semaphore_mem>>
      %dma_start3A_146 = arith.constant 30000 : i32
      %dma_start3A_147 = tpu.memref_slice %arg18[%dma_start3A_146] : memref<40000xf32, #tpu.memory_space<vmem>> -> memref<10000xf32, #tpu.memory_space<vmem>>
      %dma_start3A_148 = tpu.memref_slice %arg14[%mul3A_61] : memref<1280000xf32, #tpu.memory_space<hbm>> -> memref<10000xf32, #tpu.memory_space<hbm>>
      %dma_start3A_149 = tpu.memref_slice %arg14[%mul3A_61] : memref<1280000xf32, #tpu.memory_space<hbm>> -> memref<10000xf32, #tpu.memory_space<hbm>>
      %dma_start3A_150 = arith.constant 30000 : i32
      %dma_start3A_151 = tpu.memref_slice %arg18[%dma_start3A_150] : memref<40000xf32, #tpu.memory_space<vmem>> -> memref<10000xf32, #tpu.memory_space<vmem>>
      tpu.enqueue_dma source(%dma_start3A_151 : memref<10000xf32, #tpu.memory_space<vmem>>) target(%dma_start3A_149 : memref<10000xf32, #tpu.memory_space<hbm>>) target_semaphore(%run_scoped3A : memref<!tpu.dma_semaphore, #tpu.memory_space<semaphore_mem>>)
      %dma_wait3A = arith.constant 30000 : i32
      %dma_wait3A_152 = tpu.memref_slice %arg18[%dma_wait3A] : memref<40000xf32, #tpu.memory_space<vmem>> -> memref<10000xf32, #tpu.memory_space<vmem>>
      %dma_wait3A_153 = tpu.memref_slice %arg14[%mul3A_61] : memref<1280000xf32, #tpu.memory_space<hbm>> -> memref<10000xf32, #tpu.memory_space<hbm>>
      %dma_wait3A_154 = tpu.memref_slice %arg14[%mul3A_61] : memref<1280000xf32, #tpu.memory_space<hbm>> -> memref<10000xf32, #tpu.memory_space<hbm>>
      %dma_wait3A_155 = arith.constant 30000 : i32
      %dma_wait3A_156 = tpu.memref_slice %arg18[%dma_wait3A_155] : memref<40000xf32, #tpu.memory_space<vmem>> -> memref<10000xf32, #tpu.memory_space<vmem>>
      tpu.wait_dma2 semaphore(%run_scoped3A : memref<!tpu.dma_semaphore, #tpu.memory_space<semaphore_mem>>) src(%dma_wait3A_156 : memref<10000xf32, #tpu.memory_space<vmem>>) dst(%dma_wait3A_154 : memref<10000xf32, #tpu.memory_space<hbm>>)
      tpu.yield
    }) : () -> ()
    %barrier3A = arith.constant 0 : index
    tpu.barrier barrier_id(%barrier3A)
    %mul3A_62 = arith.constant 4 : i32
    %mul3A_63 = arith.muli %mul3A_62, %arg1 : i32
    %add3A_64 = arith.constant 0 : i32
    %add3A_65 = arith.addi %mul3A_63, %add3A_64 : i32
    %mul3A_66 = arith.constant 10000 : i32
    %mul3A_67 = arith.muli %add3A_65, %mul3A_66 : i32
    "tpu.region"() ({
      %run_scoped3A = tpu.sem_alloc : memref<!tpu.dma_semaphore, #tpu.memory_space<semaphore_mem>>
      %dma_start3A_146 = arith.constant 0 : i32
      %dma_start3A_147 = tpu.memref_slice %arg17[%dma_start3A_146] : memref<40000xf32, #tpu.memory_space<vmem>> -> memref<10000xf32, #tpu.memory_space<vmem>>
      %dma_start3A_148 = tpu.memref_slice %arg10[%mul3A_67] : memref<640000xf32, #tpu.memory_space<hbm>> -> memref<10000xf32, #tpu.memory_space<hbm>>
      %dma_start3A_149 = arith.constant 0 : i32
      %dma_start3A_150 = tpu.memref_slice %arg17[%dma_start3A_149] : memref<40000xf32, #tpu.memory_space<vmem>> -> memref<10000xf32, #tpu.memory_space<vmem>>
      %dma_start3A_151 = tpu.memref_slice %arg10[%mul3A_67] : memref<640000xf32, #tpu.memory_space<hbm>> -> memref<10000xf32, #tpu.memory_space<hbm>>
      tpu.enqueue_dma source(%dma_start3A_151 : memref<10000xf32, #tpu.memory_space<hbm>>) target(%dma_start3A_150 : memref<10000xf32, #tpu.memory_space<vmem>>) target_semaphore(%run_scoped3A : memref<!tpu.dma_semaphore, #tpu.memory_space<semaphore_mem>>)
      %dma_wait3A = arith.constant 0 : i32
      %dma_wait3A_152 = tpu.memref_slice %arg17[%dma_wait3A] : memref<40000xf32, #tpu.memory_space<vmem>> -> memref<10000xf32, #tpu.memory_space<vmem>>
      %dma_wait3A_153 = tpu.memref_slice %arg10[%mul3A_67] : memref<640000xf32, #tpu.memory_space<hbm>> -> memref<10000xf32, #tpu.memory_space<hbm>>
      %dma_wait3A_154 = arith.constant 0 : i32
      %dma_wait3A_155 = tpu.memref_slice %arg17[%dma_wait3A_154] : memref<40000xf32, #tpu.memory_space<vmem>> -> memref<10000xf32, #tpu.memory_space<vmem>>
      %dma_wait3A_156 = tpu.memref_slice %arg10[%mul3A_67] : memref<640000xf32, #tpu.memory_space<hbm>> -> memref<10000xf32, #tpu.memory_space<hbm>>
      tpu.wait_dma2 semaphore(%run_scoped3A : memref<!tpu.dma_semaphore, #tpu.memory_space<semaphore_mem>>) src(%dma_wait3A_156 : memref<10000xf32, #tpu.memory_space<hbm>>) dst(%dma_wait3A_155 : memref<10000xf32, #tpu.memory_space<vmem>>)
      tpu.yield
    }) : () -> ()
    %mul3A_68 = arith.constant 4 : i32
    %mul3A_69 = arith.muli %mul3A_68, %arg1 : i32
    %add3A_70 = arith.constant 1 : i32
    %add3A_71 = arith.addi %mul3A_69, %add3A_70 : i32
    %mul3A_72 = arith.constant 10000 : i32
    %mul3A_73 = arith.muli %add3A_71, %mul3A_72 : i32
    "tpu.region"() ({
      %run_scoped3A = tpu.sem_alloc : memref<!tpu.dma_semaphore, #tpu.memory_space<semaphore_mem>>
      %dma_start3A_146 = arith.constant 10000 : i32
      %dma_start3A_147 = tpu.memref_slice %arg17[%dma_start3A_146] : memref<40000xf32, #tpu.memory_space<vmem>> -> memref<10000xf32, #tpu.memory_space<vmem>>
      %dma_start3A_148 = tpu.memref_slice %arg10[%mul3A_73] : memref<640000xf32, #tpu.memory_space<hbm>> -> memref<10000xf32, #tpu.memory_space<hbm>>
      %dma_start3A_149 = arith.constant 10000 : i32
      %dma_start3A_150 = tpu.memref_slice %arg17[%dma_start3A_149] : memref<40000xf32, #tpu.memory_space<vmem>> -> memref<10000xf32, #tpu.memory_space<vmem>>
      %dma_start3A_151 = tpu.memref_slice %arg10[%mul3A_73] : memref<640000xf32, #tpu.memory_space<hbm>> -> memref<10000xf32, #tpu.memory_space<hbm>>
      tpu.enqueue_dma source(%dma_start3A_151 : memref<10000xf32, #tpu.memory_space<hbm>>) target(%dma_start3A_150 : memref<10000xf32, #tpu.memory_space<vmem>>) target_semaphore(%run_scoped3A : memref<!tpu.dma_semaphore, #tpu.memory_space<semaphore_mem>>)
      %dma_wait3A = arith.constant 10000 : i32
      %dma_wait3A_152 = tpu.memref_slice %arg17[%dma_wait3A] : memref<40000xf32, #tpu.memory_space<vmem>> -> memref<10000xf32, #tpu.memory_space<vmem>>
      %dma_wait3A_153 = tpu.memref_slice %arg10[%mul3A_73] : memref<640000xf32, #tpu.memory_space<hbm>> -> memref<10000xf32, #tpu.memory_space<hbm>>
      %dma_wait3A_154 = arith.constant 10000 : i32
      %dma_wait3A_155 = tpu.memref_slice %arg17[%dma_wait3A_154] : memref<40000xf32, #tpu.memory_space<vmem>> -> memref<10000xf32, #tpu.memory_space<vmem>>
      %dma_wait3A_156 = tpu.memref_slice %arg10[%mul3A_73] : memref<640000xf32, #tpu.memory_space<hbm>> -> memref<10000xf32, #tpu.memory_space<hbm>>
      tpu.wait_dma2 semaphore(%run_scoped3A : memref<!tpu.dma_semaphore, #tpu.memory_space<semaphore_mem>>) src(%dma_wait3A_156 : memref<10000xf32, #tpu.memory_space<hbm>>) dst(%dma_wait3A_155 : memref<10000xf32, #tpu.memory_space<vmem>>)
      tpu.yield
    }) : () -> ()
    %mul3A_74 = arith.constant 4 : i32
    %mul3A_75 = arith.muli %mul3A_74, %arg1 : i32
    %add3A_76 = arith.constant 2 : i32
    %add3A_77 = arith.addi %mul3A_75, %add3A_76 : i32
    %mul3A_78 = arith.constant 10000 : i32
    %mul3A_79 = arith.muli %add3A_77, %mul3A_78 : i32
    "tpu.region"() ({
      %run_scoped3A = tpu.sem_alloc : memref<!tpu.dma_semaphore, #tpu.memory_space<semaphore_mem>>
      %dma_start3A_146 = arith.constant 20000 : i32
      %dma_start3A_147 = tpu.memref_slice %arg17[%dma_start3A_146] : memref<40000xf32, #tpu.memory_space<vmem>> -> memref<10000xf32, #tpu.memory_space<vmem>>
      %dma_start3A_148 = tpu.memref_slice %arg10[%mul3A_79] : memref<640000xf32, #tpu.memory_space<hbm>> -> memref<10000xf32, #tpu.memory_space<hbm>>
      %dma_start3A_149 = arith.constant 20000 : i32
      %dma_start3A_150 = tpu.memref_slice %arg17[%dma_start3A_149] : memref<40000xf32, #tpu.memory_space<vmem>> -> memref<10000xf32, #tpu.memory_space<vmem>>
      %dma_start3A_151 = tpu.memref_slice %arg10[%mul3A_79] : memref<640000xf32, #tpu.memory_space<hbm>> -> memref<10000xf32, #tpu.memory_space<hbm>>
      tpu.enqueue_dma source(%dma_start3A_151 : memref<10000xf32, #tpu.memory_space<hbm>>) target(%dma_start3A_150 : memref<10000xf32, #tpu.memory_space<vmem>>) target_semaphore(%run_scoped3A : memref<!tpu.dma_semaphore, #tpu.memory_space<semaphore_mem>>)
      %dma_wait3A = arith.constant 20000 : i32
      %dma_wait3A_152 = tpu.memref_slice %arg17[%dma_wait3A] : memref<40000xf32, #tpu.memory_space<vmem>> -> memref<10000xf32, #tpu.memory_space<vmem>>
      %dma_wait3A_153 = tpu.memref_slice %arg10[%mul3A_79] : memref<640000xf32, #tpu.memory_space<hbm>> -> memref<10000xf32, #tpu.memory_space<hbm>>
      %dma_wait3A_154 = arith.constant 20000 : i32
      %dma_wait3A_155 = tpu.memref_slice %arg17[%dma_wait3A_154] : memref<40000xf32, #tpu.memory_space<vmem>> -> memref<10000xf32, #tpu.memory_space<vmem>>
      %dma_wait3A_156 = tpu.memref_slice %arg10[%mul3A_79] : memref<640000xf32, #tpu.memory_space<hbm>> -> memref<10000xf32, #tpu.memory_space<hbm>>
      tpu.wait_dma2 semaphore(%run_scoped3A : memref<!tpu.dma_semaphore, #tpu.memory_space<semaphore_mem>>) src(%dma_wait3A_156 : memref<10000xf32, #tpu.memory_space<hbm>>) dst(%dma_wait3A_155 : memref<10000xf32, #tpu.memory_space<vmem>>)
      tpu.yield
    }) : () -> ()
    %mul3A_80 = arith.constant 4 : i32
    %mul3A_81 = arith.muli %mul3A_80, %arg1 : i32
    %add3A_82 = arith.constant 3 : i32
    %add3A_83 = arith.addi %mul3A_81, %add3A_82 : i32
    %mul3A_84 = arith.constant 10000 : i32
    %mul3A_85 = arith.muli %add3A_83, %mul3A_84 : i32
    "tpu.region"() ({
      %run_scoped3A = tpu.sem_alloc : memref<!tpu.dma_semaphore, #tpu.memory_space<semaphore_mem>>
      %dma_start3A_146 = arith.constant 30000 : i32
      %dma_start3A_147 = tpu.memref_slice %arg17[%dma_start3A_146] : memref<40000xf32, #tpu.memory_space<vmem>> -> memref<10000xf32, #tpu.memory_space<vmem>>
      %dma_start3A_148 = tpu.memref_slice %arg10[%mul3A_85] : memref<640000xf32, #tpu.memory_space<hbm>> -> memref<10000xf32, #tpu.memory_space<hbm>>
      %dma_start3A_149 = arith.constant 30000 : i32
      %dma_start3A_150 = tpu.memref_slice %arg17[%dma_start3A_149] : memref<40000xf32, #tpu.memory_space<vmem>> -> memref<10000xf32, #tpu.memory_space<vmem>>
      %dma_start3A_151 = tpu.memref_slice %arg10[%mul3A_85] : memref<640000xf32, #tpu.memory_space<hbm>> -> memref<10000xf32, #tpu.memory_space<hbm>>
      tpu.enqueue_dma source(%dma_start3A_151 : memref<10000xf32, #tpu.memory_space<hbm>>) target(%dma_start3A_150 : memref<10000xf32, #tpu.memory_space<vmem>>) target_semaphore(%run_scoped3A : memref<!tpu.dma_semaphore, #tpu.memory_space<semaphore_mem>>)
      %dma_wait3A = arith.constant 30000 : i32
      %dma_wait3A_152 = tpu.memref_slice %arg17[%dma_wait3A] : memref<40000xf32, #tpu.memory_space<vmem>> -> memref<10000xf32, #tpu.memory_space<vmem>>
      %dma_wait3A_153 = tpu.memref_slice %arg10[%mul3A_85] : memref<640000xf32, #tpu.memory_space<hbm>> -> memref<10000xf32, #tpu.memory_space<hbm>>
      %dma_wait3A_154 = arith.constant 30000 : i32
      %dma_wait3A_155 = tpu.memref_slice %arg17[%dma_wait3A_154] : memref<40000xf32, #tpu.memory_space<vmem>> -> memref<10000xf32, #tpu.memory_space<vmem>>
      %dma_wait3A_156 = tpu.memref_slice %arg10[%mul3A_85] : memref<640000xf32, #tpu.memory_space<hbm>> -> memref<10000xf32, #tpu.memory_space<hbm>>
      tpu.wait_dma2 semaphore(%run_scoped3A : memref<!tpu.dma_semaphore, #tpu.memory_space<semaphore_mem>>) src(%dma_wait3A_156 : memref<10000xf32, #tpu.memory_space<hbm>>) dst(%dma_wait3A_155 : memref<10000xf32, #tpu.memory_space<vmem>>)
      tpu.yield
    }) : () -> ()
    %scan3A_86 = arith.constant 0 : i32
    %scan3A_87 = arith.constant 0 : i32
    %scan3A_88 = arith.constant 500 : i32
    %scan3A_89 = arith.addi %scan3A_87, %scan3A_88 : i32
    %scan3A_90 = arith.constant 1 : i32
    %scan3A_91 = scf.for %scan3A_146 = %scan3A_87 to %scan3A_89 step %scan3A_90 iter_args(%scan3A_147 = %scan3A_86) -> (i32)  : i32 {
      %mul3A_148 = arith.constant 5 : i32
      %mul3A_149 = arith.muli %scan3A_146, %mul3A_148 : i32
      %mul3A_150 = arith.constant 16 : i32
      %mul3A_151 = arith.muli %mul3A_149, %mul3A_150 : i32
      %add3A_152 = arith.constant 0 : i32
      %add3A_153 = arith.addi %mul3A_151, %add3A_152 : i32
      %swap3A = arith.index_cast %add3A_153 : i32 to index
      %swap3A_154 = tpu.vector_load %arg18[%swap3A] {strides = array<i32>} : memref<40000xf32, #tpu.memory_space<vmem>>, vector<16xf32>,
      tpu.vector_store %arg18[%swap3A], %broadcast_in_dim3A_1 {strides = array<i32>} : memref<40000xf32, #tpu.memory_space<vmem>>, vector<16xf32>,
      %mul3A_155 = arith.constant 5 : i32
      %mul3A_156 = arith.muli %scan3A_146, %mul3A_155 : i32
      %mul3A_157 = arith.constant 16 : i32
      %mul3A_158 = arith.muli %mul3A_156, %mul3A_157 : i32
      %add3A_159 = arith.constant 16 : i32
      %add3A_160 = arith.addi %mul3A_158, %add3A_159 : i32
      %swap3A_161 = arith.index_cast %add3A_160 : i32 to index
      %swap3A_162 = tpu.vector_load %arg18[%swap3A_161] {strides = array<i32>} : memref<40000xf32, #tpu.memory_space<vmem>>, vector<16xf32>,
      tpu.vector_store %arg18[%swap3A_161], %broadcast_in_dim3A_1 {strides = array<i32>} : memref<40000xf32, #tpu.memory_space<vmem>>, vector<16xf32>,
      %mul3A_163 = arith.constant 5 : i32
      %mul3A_164 = arith.muli %scan3A_146, %mul3A_163 : i32
      %mul3A_165 = arith.constant 16 : i32
      %mul3A_166 = arith.muli %mul3A_164, %mul3A_165 : i32
      %add3A_167 = arith.constant 32 : i32
      %add3A_168 = arith.addi %mul3A_166, %add3A_167 : i32
      %swap3A_169 = arith.index_cast %add3A_168 : i32 to index
      %swap3A_170 = tpu.vector_load %arg18[%swap3A_169] {strides = array<i32>} : memref<40000xf32, #tpu.memory_space<vmem>>, vector<16xf32>,
      tpu.vector_store %arg18[%swap3A_169], %broadcast_in_dim3A_1 {strides = array<i32>} : memref<40000xf32, #tpu.memory_space<vmem>>, vector<16xf32>,
      %mul3A_171 = arith.constant 5 : i32
      %mul3A_172 = arith.muli %scan3A_146, %mul3A_171 : i32
      %mul3A_173 = arith.constant 16 : i32
      %mul3A_174 = arith.muli %mul3A_172, %mul3A_173 : i32
      %add3A_175 = arith.constant 48 : i32
      %add3A_176 = arith.addi %mul3A_174, %add3A_175 : i32
      %swap3A_177 = arith.index_cast %add3A_176 : i32 to index
      %swap3A_178 = tpu.vector_load %arg18[%swap3A_177] {strides = array<i32>} : memref<40000xf32, #tpu.memory_space<vmem>>, vector<16xf32>,
      tpu.vector_store %arg18[%swap3A_177], %broadcast_in_dim3A_1 {strides = array<i32>} : memref<40000xf32, #tpu.memory_space<vmem>>, vector<16xf32>,
      %mul3A_179 = arith.constant 5 : i32
      %mul3A_180 = arith.muli %scan3A_146, %mul3A_179 : i32
      %mul3A_181 = arith.constant 16 : i32
      %mul3A_182 = arith.muli %mul3A_180, %mul3A_181 : i32
      %add3A_183 = arith.constant 64 : i32
      %add3A_184 = arith.addi %mul3A_182, %add3A_183 : i32
      %swap3A_185 = arith.index_cast %add3A_184 : i32 to index
      %swap3A_186 = tpu.vector_load %arg18[%swap3A_185] {strides = array<i32>} : memref<40000xf32, #tpu.memory_space<vmem>>, vector<16xf32>,
      tpu.vector_store %arg18[%swap3A_185], %broadcast_in_dim3A_1 {strides = array<i32>} : memref<40000xf32, #tpu.memory_space<vmem>>, vector<16xf32>,
      %scan3A_187 = arith.constant 0 : i32
      scf.yield %scan3A_187 : i32
    }
    %scan3A_92 = arith.constant 500 : i32
    %mul3A_93 = arith.constant 160000 : i32
    %mul3A_94 = arith.muli %arg0, %mul3A_93 : i32
    %add3A_95 = arith.constant 0 : i32
    %add3A_96 = arith.addi %mul3A_94, %add3A_95 : i32
    %dma_start3A_97 = tpu.memref_slice %arg2[%add3A_96] : memref<320000xi32, #tpu.memory_space<hbm>> -> memref<2000xi32, #tpu.memory_space<hbm>>
    %dma_start3A_98 = tpu.memref_slice %arg2[%add3A_96] : memref<320000xi32, #tpu.memory_space<hbm>> -> memref<2000xi32, #tpu.memory_space<hbm>>
    tpu.enqueue_dma source(%dma_start3A_98 : memref<2000xi32, #tpu.memory_space<hbm>>) target(%arg19 : memref<2000xi32, #tpu.memory_space<vmem>>) target_semaphore(%arg29 : memref<!tpu.dma_semaphore, #tpu.memory_space<semaphore_mem>>)
    %dma_start3A_99 = tpu.memref_slice %arg3[%add3A_96] : memref<320000xi32, #tpu.memory_space<hbm>> -> memref<2000xi32, #tpu.memory_space<hbm>>
    %dma_start3A_100 = tpu.memref_slice %arg3[%add3A_96] : memref<320000xi32, #tpu.memory_space<hbm>> -> memref<2000xi32, #tpu.memory_space<hbm>>
    tpu.enqueue_dma source(%dma_start3A_100 : memref<2000xi32, #tpu.memory_space<hbm>>) target(%arg20 : memref<2000xi32, #tpu.memory_space<vmem>>) target_semaphore(%arg29 : memref<!tpu.dma_semaphore, #tpu.memory_space<semaphore_mem>>)
    %dma_start3A_101 = tpu.memref_slice %arg11[%add3A_96] : memref<320000xf32, #tpu.memory_space<hbm>> -> memref<2000xf32, #tpu.memory_space<hbm>>
    %dma_start3A_102 = tpu.memref_slice %arg11[%add3A_96] : memref<320000xf32, #tpu.memory_space<hbm>> -> memref<2000xf32, #tpu.memory_space<hbm>>
    tpu.enqueue_dma source(%dma_start3A_102 : memref<2000xf32, #tpu.memory_space<hbm>>) target(%arg21 : memref<2000xf32, #tpu.memory_space<vmem>>) target_semaphore(%arg29 : memref<!tpu.dma_semaphore, #tpu.memory_space<semaphore_mem>>)
    %scan3A_103 = arith.constant 0 : i32
    %scan3A_104 = arith.constant 0 : i32
    %scan3A_105 = arith.constant 40 : i32
    %scan3A_106 = arith.addi %scan3A_104, %scan3A_105 : i32
    %scan3A_107 = arith.constant 1 : i32
    %scan3A_108 = scf.for %scan3A_146 = %scan3A_104 to %scan3A_106 step %scan3A_107 iter_args(%scan3A_147 = %scan3A_103) -> (i32)  : i32 {
      %mul3A_148 = arith.constant 2 : i32
      %mul3A_149 = arith.muli %mul3A_148, %scan3A_146 : i32
      %add3A_150 = arith.constant 1 : i32
      %add3A_151 = arith.addi %mul3A_149, %add3A_150 : i32
      %mul3A_152 = arith.constant 160000 : i32
      %mul3A_153 = arith.muli %arg0, %mul3A_152 : i32
      %mul3A_154 = arith.constant 2000 : i32
      %mul3A_155 = arith.muli %add3A_151, %mul3A_154 : i32
      %add3A_156 = arith.addi %mul3A_153, %mul3A_155 : i32
      %dma_start3A_157 = tpu.memref_slice %arg2[%add3A_156] : memref<320000xi32, #tpu.memory_space<hbm>> -> memref<2000xi32, #tpu.memory_space<hbm>>
      %dma_start3A_158 = tpu.memref_slice %arg2[%add3A_156] : memref<320000xi32, #tpu.memory_space<hbm>> -> memref<2000xi32, #tpu.memory_space<hbm>>
      tpu.enqueue_dma source(%dma_start3A_158 : memref<2000xi32, #tpu.memory_space<hbm>>) target(%arg26 : memref<2000xi32, #tpu.memory_space<vmem>>) target_semaphore(%arg29 : memref<!tpu.dma_semaphore, #tpu.memory_space<semaphore_mem>>)
      %dma_start3A_159 = tpu.memref_slice %arg3[%add3A_156] : memref<320000xi32, #tpu.memory_space<hbm>> -> memref<2000xi32, #tpu.memory_space<hbm>>
      %dma_start3A_160 = tpu.memref_slice %arg3[%add3A_156] : memref<320000xi32, #tpu.memory_space<hbm>> -> memref<2000xi32, #tpu.memory_space<hbm>>
      tpu.enqueue_dma source(%dma_start3A_160 : memref<2000xi32, #tpu.memory_space<hbm>>) target(%arg27 : memref<2000xi32, #tpu.memory_space<vmem>>) target_semaphore(%arg29 : memref<!tpu.dma_semaphore, #tpu.memory_space<semaphore_mem>>)
      %dma_start3A_161 = tpu.memref_slice %arg11[%add3A_156] : memref<320000xf32, #tpu.memory_space<hbm>> -> memref<2000xf32, #tpu.memory_space<hbm>>
      %dma_start3A_162 = tpu.memref_slice %arg11[%add3A_156] : memref<320000xf32, #tpu.memory_space<hbm>> -> memref<2000xf32, #tpu.memory_space<hbm>>
      tpu.enqueue_dma source(%dma_start3A_162 : memref<2000xf32, #tpu.memory_space<hbm>>) target(%arg28 : memref<2000xf32, #tpu.memory_space<vmem>>) target_semaphore(%arg29 : memref<!tpu.dma_semaphore, #tpu.memory_space<semaphore_mem>>)
      %mul3A_163 = arith.constant 160000 : i32
      %mul3A_164 = arith.muli %arg0, %mul3A_163 : i32
      %mul3A_165 = arith.constant 2000 : i32
      %mul3A_166 = arith.muli %mul3A_149, %mul3A_165 : i32
      %add3A_167 = arith.addi %mul3A_164, %mul3A_166 : i32
      %dma_wait3A = tpu.memref_slice %arg2[%add3A_167] : memref<320000xi32, #tpu.memory_space<hbm>> -> memref<2000xi32, #tpu.memory_space<hbm>>
      %dma_wait3A_168 = tpu.memref_slice %arg2[%add3A_167] : memref<320000xi32, #tpu.memory_space<hbm>> -> memref<2000xi32, #tpu.memory_space<hbm>>
      tpu.wait_dma2 semaphore(%arg29 : memref<!tpu.dma_semaphore, #tpu.memory_space<semaphore_mem>>) src(%dma_wait3A_168 : memref<2000xi32, #tpu.memory_space<hbm>>) dst(%arg19 : memref<2000xi32, #tpu.memory_space<vmem>>)
      %dma_wait3A_169 = tpu.memref_slice %arg3[%add3A_167] : memref<320000xi32, #tpu.memory_space<hbm>> -> memref<2000xi32, #tpu.memory_space<hbm>>
      %dma_wait3A_170 = tpu.memref_slice %arg3[%add3A_167] : memref<320000xi32, #tpu.memory_space<hbm>> -> memref<2000xi32, #tpu.memory_space<hbm>>
      tpu.wait_dma2 semaphore(%arg29 : memref<!tpu.dma_semaphore, #tpu.memory_space<semaphore_mem>>) src(%dma_wait3A_170 : memref<2000xi32, #tpu.memory_space<hbm>>) dst(%arg20 : memref<2000xi32, #tpu.memory_space<vmem>>)
      %dma_wait3A_171 = tpu.memref_slice %arg11[%add3A_167] : memref<320000xf32, #tpu.memory_space<hbm>> -> memref<2000xf32, #tpu.memory_space<hbm>>
      %dma_wait3A_172 = tpu.memref_slice %arg11[%add3A_167] : memref<320000xf32, #tpu.memory_space<hbm>> -> memref<2000xf32, #tpu.memory_space<hbm>>
      tpu.wait_dma2 semaphore(%arg29 : memref<!tpu.dma_semaphore, #tpu.memory_space<semaphore_mem>>) src(%dma_wait3A_172 : memref<2000xf32, #tpu.memory_space<hbm>>) dst(%arg21 : memref<2000xf32, #tpu.memory_space<vmem>>)
      %scan3A_173 = arith.constant 0 : i32
      %scan3A_174 = arith.constant 0 : i32
      %scan3A_175 = arith.constant 125 : i32
      %scan3A_176 = arith.addi %scan3A_174, %scan3A_175 : i32
      %scan3A_177 = arith.constant 1 : i32
      %scan3A_178 = scf.for %scan3A_205 = %scan3A_174 to %scan3A_176 step %scan3A_177 iter_args(%scan3A_206 = %scan3A_173) -> (i32)  : i32 {
        %mul3A_207 = arith.constant 16 : i32
        %mul3A_208 = arith.muli %scan3A_205, %mul3A_207 : i32
        %get3A = arith.index_cast %mul3A_208 : i32 to index
        %get3A_209 = tpu.vector_load %arg19[%get3A] {strides = array<i32>} : memref<2000xi32, #tpu.memory_space<vmem>>, vector<16xi32>,
        %get3A_210 = arith.index_cast %mul3A_208 : i32 to index
        %get3A_211 = tpu.vector_load %arg20[%get3A_210] {strides = array<i32>} : memref<2000xi32, #tpu.memory_space<vmem>>, vector<16xi32>,
        %get3A_212 = arith.index_cast %mul3A_208 : i32 to index
        %get3A_213 = tpu.vector_load %arg21[%get3A_212] {strides = array<i32>} : memref<2000xf32, #tpu.memory_space<vmem>>, vector<16xf32>,
        %gather3A = tpu.vector_load_idx %arg17[%get3A_209] : memref<40000xf32, #tpu.memory_space<vmem>>[vector<16xi32>], vector<16xf32>,
        %mul3A_214 = arith.mulf %gather3A, %get3A_213 : vector<16xf32>
        tpu.vector_store_idx %arg18[%get3A_211], %mul3A_214 {add = true} : memref<40000xf32, #tpu.memory_space<vmem>>[vector<16xi32>], vector<16xf32>,
        %add3A_215 = arith.constant 10000 : i32
        %add3A_216 = vector.broadcast %add3A_215 : i32 to vector<16xi32>
        %add3A_217 = arith.addi %get3A_209, %add3A_216 : vector<16xi32>
        %add3A_218 = arith.constant 10000 : i32
        %add3A_219 = vector.broadcast %add3A_218 : i32 to vector<16xi32>
        %add3A_220 = arith.addi %get3A_211, %add3A_219 : vector<16xi32>
        %gather3A_221 = tpu.vector_load_idx %arg17[%add3A_217] : memref<40000xf32, #tpu.memory_space<vmem>>[vector<16xi32>], vector<16xf32>,
        %mul3A_222 = arith.mulf %gather3A_221, %get3A_213 : vector<16xf32>
        tpu.vector_store_idx %arg18[%add3A_220], %mul3A_222 {add = true} : memref<40000xf32, #tpu.memory_space<vmem>>[vector<16xi32>], vector<16xf32>,
        %add3A_223 = arith.constant 20000 : i32
        %add3A_224 = vector.broadcast %add3A_223 : i32 to vector<16xi32>
        %add3A_225 = arith.addi %get3A_209, %add3A_224 : vector<16xi32>
        %add3A_226 = arith.constant 20000 : i32
        %add3A_227 = vector.broadcast %add3A_226 : i32 to vector<16xi32>
        %add3A_228 = arith.addi %get3A_211, %add3A_227 : vector<16xi32>
        %gather3A_229 = tpu.vector_load_idx %arg17[%add3A_225] : memref<40000xf32, #tpu.memory_space<vmem>>[vector<16xi32>], vector<16xf32>,
        %mul3A_230 = arith.mulf %gather3A_229, %get3A_213 : vector<16xf32>
        tpu.vector_store_idx %arg18[%add3A_228], %mul3A_230 {add = true} : memref<40000xf32, #tpu.memory_space<vmem>>[vector<16xi32>], vector<16xf32>,
        %add3A_231 = arith.constant 30000 : i32
        %add3A_232 = vector.broadcast %add3A_231 : i32 to vector<16xi32>
        %add3A_233 = arith.addi %get3A_209, %add3A_232 : vector<16xi32>
        %add3A_234 = arith.constant 30000 : i32
        %add3A_235 = vector.broadcast %add3A_234 : i32 to vector<16xi32>
        %add3A_236 = arith.addi %get3A_211, %add3A_235 : vector<16xi32>
        %gather3A_237 = tpu.vector_load_idx %arg17[%add3A_233] : memref<40000xf32, #tpu.memory_space<vmem>>[vector<16xi32>], vector<16xf32>,
        %mul3A_238 = arith.mulf %gather3A_237, %get3A_213 : vector<16xf32>
        tpu.vector_store_idx %arg18[%add3A_236], %mul3A_238 {add = true} : memref<40000xf32, #tpu.memory_space<vmem>>[vector<16xi32>], vector<16xf32>,
        %scan3A_239 = arith.constant 0 : i32
        scf.yield %scan3A_239 : i32
      }
      %scan3A_179 = arith.constant 125 : i32
      %add3A_180 = arith.constant 2 : i32
      %add3A_181 = arith.addi %mul3A_149, %add3A_180 : i32
      %lt3A = arith.constant 80 : i32
      %lt3A_182 = arith.cmpi slt, %add3A_181, %lt3A : i32
      %convert_element_type3A = arith.extui %lt3A_182 : i1 to i32
      %cond3A = arith.constant 0 : i32
      %cond3A_183 = arith.cmpi ne, %convert_element_type3A, %cond3A : i32
      scf.if %cond3A_183 {
        %add3A_205 = arith.constant 2 : i32
        %add3A_206 = arith.addi %mul3A_149, %add3A_205 : i32
        %mul3A_207 = arith.constant 160000 : i32
        %mul3A_208 = arith.muli %arg0, %mul3A_207 : i32
        %mul3A_209 = arith.constant 2000 : i32
        %mul3A_210 = arith.muli %add3A_206, %mul3A_209 : i32
        %add3A_211 = arith.addi %mul3A_208, %mul3A_210 : i32
        %dma_start3A_212 = tpu.memref_slice %arg2[%add3A_211] : memref<320000xi32, #tpu.memory_space<hbm>> -> memref<2000xi32, #tpu.memory_space<hbm>>
        %dma_start3A_213 = tpu.memref_slice %arg2[%add3A_211] : memref<320000xi32, #tpu.memory_space<hbm>> -> memref<2000xi32, #tpu.memory_space<hbm>>
        tpu.enqueue_dma source(%dma_start3A_213 : memref<2000xi32, #tpu.memory_space<hbm>>) target(%arg19 : memref<2000xi32, #tpu.memory_space<vmem>>) target_semaphore(%arg29 : memref<!tpu.dma_semaphore, #tpu.memory_space<semaphore_mem>>)
        %dma_start3A_214 = tpu.memref_slice %arg3[%add3A_211] : memref<320000xi32, #tpu.memory_space<hbm>> -> memref<2000xi32, #tpu.memory_space<hbm>>
        %dma_start3A_215 = tpu.memref_slice %arg3[%add3A_211] : memref<320000xi32, #tpu.memory_space<hbm>> -> memref<2000xi32, #tpu.memory_space<hbm>>
        tpu.enqueue_dma source(%dma_start3A_215 : memref<2000xi32, #tpu.memory_space<hbm>>) target(%arg20 : memref<2000xi32, #tpu.memory_space<vmem>>) target_semaphore(%arg29 : memref<!tpu.dma_semaphore, #tpu.memory_space<semaphore_mem>>)
        %dma_start3A_216 = tpu.memref_slice %arg11[%add3A_211] : memref<320000xf32, #tpu.memory_space<hbm>> -> memref<2000xf32, #tpu.memory_space<hbm>>
        %dma_start3A_217 = tpu.memref_slice %arg11[%add3A_211] : memref<320000xf32, #tpu.memory_space<hbm>> -> memref<2000xf32, #tpu.memory_space<hbm>>
        tpu.enqueue_dma source(%dma_start3A_217 : memref<2000xf32, #tpu.memory_space<hbm>>) target(%arg21 : memref<2000xf32, #tpu.memory_space<vmem>>) target_semaphore(%arg29 : memref<!tpu.dma_semaphore, #tpu.memory_space<semaphore_mem>>)
      } else {
      }
      %add3A_184 = arith.constant 1 : i32
      %add3A_185 = arith.addi %mul3A_149, %add3A_184 : i32
      %mul3A_186 = arith.constant 160000 : i32
      %mul3A_187 = arith.muli %arg0, %mul3A_186 : i32
      %mul3A_188 = arith.constant 2000 : i32
      %mul3A_189 = arith.muli %add3A_185, %mul3A_188 : i32
      %add3A_190 = arith.addi %mul3A_187, %mul3A_189 : i32
      %dma_wait3A_191 = tpu.memref_slice %arg2[%add3A_190] : memref<320000xi32, #tpu.memory_space<hbm>> -> memref<2000xi32, #tpu.memory_space<hbm>>
      %dma_wait3A_192 = tpu.memref_slice %arg2[%add3A_190] : memref<320000xi32, #tpu.memory_space<hbm>> -> memref<2000xi32, #tpu.memory_space<hbm>>
      tpu.wait_dma2 semaphore(%arg29 : memref<!tpu.dma_semaphore, #tpu.memory_space<semaphore_mem>>) src(%dma_wait3A_192 : memref<2000xi32, #tpu.memory_space<hbm>>) dst(%arg26 : memref<2000xi32, #tpu.memory_space<vmem>>)
      %dma_wait3A_193 = tpu.memref_slice %arg3[%add3A_190] : memref<320000xi32, #tpu.memory_space<hbm>> -> memref<2000xi32, #tpu.memory_space<hbm>>
      %dma_wait3A_194 = tpu.memref_slice %arg3[%add3A_190] : memref<320000xi32, #tpu.memory_space<hbm>> -> memref<2000xi32, #tpu.memory_space<hbm>>
      tpu.wait_dma2 semaphore(%arg29 : memref<!tpu.dma_semaphore, #tpu.memory_space<semaphore_mem>>) src(%dma_wait3A_194 : memref<2000xi32, #tpu.memory_space<hbm>>) dst(%arg27 : memref<2000xi32, #tpu.memory_space<vmem>>)
      %dma_wait3A_195 = tpu.memref_slice %arg11[%add3A_190] : memref<320000xf32, #tpu.memory_space<hbm>> -> memref<2000xf32, #tpu.memory_space<hbm>>
      %dma_wait3A_196 = tpu.memref_slice %arg11[%add3A_190] : memref<320000xf32, #tpu.memory_space<hbm>> -> memref<2000xf32, #tpu.memory_space<hbm>>
      tpu.wait_dma2 semaphore(%arg29 : memref<!tpu.dma_semaphore, #tpu.memory_space<semaphore_mem>>) src(%dma_wait3A_196 : memref<2000xf32, #tpu.memory_space<hbm>>) dst(%arg28 : memref<2000xf32, #tpu.memory_space<vmem>>)
      %scan3A_197 = arith.constant 0 : i32
      %scan3A_198 = arith.constant 0 : i32
      %scan3A_199 = arith.constant 125 : i32
      %scan3A_200 = arith.addi %scan3A_198, %scan3A_199 : i32
      %scan3A_201 = arith.constant 1 : i32
      %scan3A_202 = scf.for %scan3A_205 = %scan3A_198 to %scan3A_200 step %scan3A_201 iter_args(%scan3A_206 = %scan3A_197) -> (i32)  : i32 {
        %mul3A_207 = arith.constant 16 : i32
        %mul3A_208 = arith.muli %scan3A_205, %mul3A_207 : i32
        %get3A = arith.index_cast %mul3A_208 : i32 to index
        %get3A_209 = tpu.vector_load %arg26[%get3A] {strides = array<i32>} : memref<2000xi32, #tpu.memory_space<vmem>>, vector<16xi32>,
        %get3A_210 = arith.index_cast %mul3A_208 : i32 to index
        %get3A_211 = tpu.vector_load %arg27[%get3A_210] {strides = array<i32>} : memref<2000xi32, #tpu.memory_space<vmem>>, vector<16xi32>,
        %get3A_212 = arith.index_cast %mul3A_208 : i32 to index
        %get3A_213 = tpu.vector_load %arg28[%get3A_212] {strides = array<i32>} : memref<2000xf32, #tpu.memory_space<vmem>>, vector<16xf32>,
        %gather3A = tpu.vector_load_idx %arg17[%get3A_209] : memref<40000xf32, #tpu.memory_space<vmem>>[vector<16xi32>], vector<16xf32>,
        %mul3A_214 = arith.mulf %gather3A, %get3A_213 : vector<16xf32>
        tpu.vector_store_idx %arg18[%get3A_211], %mul3A_214 {add = true} : memref<40000xf32, #tpu.memory_space<vmem>>[vector<16xi32>], vector<16xf32>,
        %add3A_215 = arith.constant 10000 : i32
        %add3A_216 = vector.broadcast %add3A_215 : i32 to vector<16xi32>
        %add3A_217 = arith.addi %get3A_209, %add3A_216 : vector<16xi32>
        %add3A_218 = arith.constant 10000 : i32
        %add3A_219 = vector.broadcast %add3A_218 : i32 to vector<16xi32>
        %add3A_220 = arith.addi %get3A_211, %add3A_219 : vector<16xi32>
        %gather3A_221 = tpu.vector_load_idx %arg17[%add3A_217] : memref<40000xf32, #tpu.memory_space<vmem>>[vector<16xi32>], vector<16xf32>,
        %mul3A_222 = arith.mulf %gather3A_221, %get3A_213 : vector<16xf32>
        tpu.vector_store_idx %arg18[%add3A_220], %mul3A_222 {add = true} : memref<40000xf32, #tpu.memory_space<vmem>>[vector<16xi32>], vector<16xf32>,
        %add3A_223 = arith.constant 20000 : i32
        %add3A_224 = vector.broadcast %add3A_223 : i32 to vector<16xi32>
        %add3A_225 = arith.addi %get3A_209, %add3A_224 : vector<16xi32>
        %add3A_226 = arith.constant 20000 : i32
        %add3A_227 = vector.broadcast %add3A_226 : i32 to vector<16xi32>
        %add3A_228 = arith.addi %get3A_211, %add3A_227 : vector<16xi32>
        %gather3A_229 = tpu.vector_load_idx %arg17[%add3A_225] : memref<40000xf32, #tpu.memory_space<vmem>>[vector<16xi32>], vector<16xf32>,
        %mul3A_230 = arith.mulf %gather3A_229, %get3A_213 : vector<16xf32>
        tpu.vector_store_idx %arg18[%add3A_228], %mul3A_230 {add = true} : memref<40000xf32, #tpu.memory_space<vmem>>[vector<16xi32>], vector<16xf32>,
        %add3A_231 = arith.constant 30000 : i32
        %add3A_232 = vector.broadcast %add3A_231 : i32 to vector<16xi32>
        %add3A_233 = arith.addi %get3A_209, %add3A_232 : vector<16xi32>
        %add3A_234 = arith.constant 30000 : i32
        %add3A_235 = vector.broadcast %add3A_234 : i32 to vector<16xi32>
        %add3A_236 = arith.addi %get3A_211, %add3A_235 : vector<16xi32>
        %gather3A_237 = tpu.vector_load_idx %arg17[%add3A_233] : memref<40000xf32, #tpu.memory_space<vmem>>[vector<16xi32>], vector<16xf32>,
        %mul3A_238 = arith.mulf %gather3A_237, %get3A_213 : vector<16xf32>
        tpu.vector_store_idx %arg18[%add3A_236], %mul3A_238 {add = true} : memref<40000xf32, #tpu.memory_space<vmem>>[vector<16xi32>], vector<16xf32>,
        %scan3A_239 = arith.constant 0 : i32
        scf.yield %scan3A_239 : i32
      }
      %scan3A_203 = arith.constant 125 : i32
      %scan3A_204 = arith.constant 0 : i32
      scf.yield %scan3A_204 : i32
    }
    %scan3A_109 = arith.constant 40 : i32
    %mul3A_110 = arith.constant 64 : i32
    %mul3A_111 = arith.muli %arg0, %mul3A_110 : i32
    %mul3A_112 = arith.constant 4 : i32
    %mul3A_113 = arith.muli %mul3A_112, %arg1 : i32
    %add3A_114 = arith.addi %mul3A_111, %mul3A_113 : i32
    %add3A_115 = arith.constant 0 : i32
    %add3A_116 = arith.addi %add3A_114, %add3A_115 : i32
    %mul3A_117 = arith.constant 10000 : i32
    %mul3A_118 = arith.muli %add3A_116, %mul3A_117 : i32
    "tpu.region"() ({
      %run_scoped3A = tpu.sem_alloc : memref<!tpu.dma_semaphore, #tpu.memory_space<semaphore_mem>>
      %dma_start3A_146 = arith.constant 0 : i32
      %dma_start3A_147 = tpu.memref_slice %arg18[%dma_start3A_146] : memref<40000xf32, #tpu.memory_space<vmem>> -> memref<10000xf32, #tpu.memory_space<vmem>>
      %dma_start3A_148 = tpu.memref_slice %arg13[%mul3A_118] : memref<1280000xf32, #tpu.memory_space<hbm>> -> memref<10000xf32, #tpu.memory_space<hbm>>
      %dma_start3A_149 = tpu.memref_slice %arg13[%mul3A_118] : memref<1280000xf32, #tpu.memory_space<hbm>> -> memref<10000xf32, #tpu.memory_space<hbm>>
      %dma_start3A_150 = arith.constant 0 : i32
      %dma_start3A_151 = tpu.memref_slice %arg18[%dma_start3A_150] : memref<40000xf32, #tpu.memory_space<vmem>> -> memref<10000xf32, #tpu.memory_space<vmem>>
      tpu.enqueue_dma source(%dma_start3A_151 : memref<10000xf32, #tpu.memory_space<vmem>>) target(%dma_start3A_149 : memref<10000xf32, #tpu.memory_space<hbm>>) target_semaphore(%run_scoped3A : memref<!tpu.dma_semaphore, #tpu.memory_space<semaphore_mem>>)
      %dma_wait3A = arith.constant 0 : i32
      %dma_wait3A_152 = tpu.memref_slice %arg18[%dma_wait3A] : memref<40000xf32, #tpu.memory_space<vmem>> -> memref<10000xf32, #tpu.memory_space<vmem>>
      %dma_wait3A_153 = tpu.memref_slice %arg13[%mul3A_118] : memref<1280000xf32, #tpu.memory_space<hbm>> -> memref<10000xf32, #tpu.memory_space<hbm>>
      %dma_wait3A_154 = tpu.memref_slice %arg13[%mul3A_118] : memref<1280000xf32, #tpu.memory_space<hbm>> -> memref<10000xf32, #tpu.memory_space<hbm>>
      %dma_wait3A_155 = arith.constant 0 : i32
      %dma_wait3A_156 = tpu.memref_slice %arg18[%dma_wait3A_155] : memref<40000xf32, #tpu.memory_space<vmem>> -> memref<10000xf32, #tpu.memory_space<vmem>>
      tpu.wait_dma2 semaphore(%run_scoped3A : memref<!tpu.dma_semaphore, #tpu.memory_space<semaphore_mem>>) src(%dma_wait3A_156 : memref<10000xf32, #tpu.memory_space<vmem>>) dst(%dma_wait3A_154 : memref<10000xf32, #tpu.memory_space<hbm>>)
      tpu.yield
    }) : () -> ()
    %mul3A_119 = arith.constant 64 : i32
    %mul3A_120 = arith.muli %arg0, %mul3A_119 : i32
    %mul3A_121 = arith.constant 4 : i32
    %mul3A_122 = arith.muli %mul3A_121, %arg1 : i32
    %add3A_123 = arith.addi %mul3A_120, %mul3A_122 : i32
    %add3A_124 = arith.constant 1 : i32
    %add3A_125 = arith.addi %add3A_123, %add3A_124 : i32
    %mul3A_126 = arith.constant 10000 : i32
    %mul3A_127 = arith.muli %add3A_125, %mul3A_126 : i32
    "tpu.region"() ({
      %run_scoped3A = tpu.sem_alloc : memref<!tpu.dma_semaphore, #tpu.memory_space<semaphore_mem>>
      %dma_start3A_146 = arith.constant 10000 : i32
      %dma_start3A_147 = tpu.memref_slice %arg18[%dma_start3A_146] : memref<40000xf32, #tpu.memory_space<vmem>> -> memref<10000xf32, #tpu.memory_space<vmem>>
      %dma_start3A_148 = tpu.memref_slice %arg13[%mul3A_127] : memref<1280000xf32, #tpu.memory_space<hbm>> -> memref<10000xf32, #tpu.memory_space<hbm>>
      %dma_start3A_149 = tpu.memref_slice %arg13[%mul3A_127] : memref<1280000xf32, #tpu.memory_space<hbm>> -> memref<10000xf32, #tpu.memory_space<hbm>>
      %dma_start3A_150 = arith.constant 10000 : i32
      %dma_start3A_151 = tpu.memref_slice %arg18[%dma_start3A_150] : memref<40000xf32, #tpu.memory_space<vmem>> -> memref<10000xf32, #tpu.memory_space<vmem>>
      tpu.enqueue_dma source(%dma_start3A_151 : memref<10000xf32, #tpu.memory_space<vmem>>) target(%dma_start3A_149 : memref<10000xf32, #tpu.memory_space<hbm>>) target_semaphore(%run_scoped3A : memref<!tpu.dma_semaphore, #tpu.memory_space<semaphore_mem>>)
      %dma_wait3A = arith.constant 10000 : i32
      %dma_wait3A_152 = tpu.memref_slice %arg18[%dma_wait3A] : memref<40000xf32, #tpu.memory_space<vmem>> -> memref<10000xf32, #tpu.memory_space<vmem>>
      %dma_wait3A_153 = tpu.memref_slice %arg13[%mul3A_127] : memref<1280000xf32, #tpu.memory_space<hbm>> -> memref<10000xf32, #tpu.memory_space<hbm>>
      %dma_wait3A_154 = tpu.memref_slice %arg13[%mul3A_127] : memref<1280000xf32, #tpu.memory_space<hbm>> -> memref<10000xf32, #tpu.memory_space<hbm>>
      %dma_wait3A_155 = arith.constant 10000 : i32
      %dma_wait3A_156 = tpu.memref_slice %arg18[%dma_wait3A_155] : memref<40000xf32, #tpu.memory_space<vmem>> -> memref<10000xf32, #tpu.memory_space<vmem>>
      tpu.wait_dma2 semaphore(%run_scoped3A : memref<!tpu.dma_semaphore, #tpu.memory_space<semaphore_mem>>) src(%dma_wait3A_156 : memref<10000xf32, #tpu.memory_space<vmem>>) dst(%dma_wait3A_154 : memref<10000xf32, #tpu.memory_space<hbm>>)
      tpu.yield
    }) : () -> ()
    %mul3A_128 = arith.constant 64 : i32
    %mul3A_129 = arith.muli %arg0, %mul3A_128 : i32
    %mul3A_130 = arith.constant 4 : i32
    %mul3A_131 = arith.muli %mul3A_130, %arg1 : i32
    %add3A_132 = arith.addi %mul3A_129, %mul3A_131 : i32
    %add3A_133 = arith.constant 2 : i32
    %add3A_134 = arith.addi %add3A_132, %add3A_133 : i32
    %mul3A_135 = arith.constant 10000 : i32
    %mul3A_136 = arith.muli %add3A_134, %mul3A_135 : i32
    "tpu.region"() ({
      %run_scoped3A = tpu.sem_alloc : memref<!tpu.dma_semaphore, #tpu.memory_space<semaphore_mem>>
      %dma_start3A_146 = arith.constant 20000 : i32
      %dma_start3A_147 = tpu.memref_slice %arg18[%dma_start3A_146] : memref<40000xf32, #tpu.memory_space<vmem>> -> memref<10000xf32, #tpu.memory_space<vmem>>
      %dma_start3A_148 = tpu.memref_slice %arg13[%mul3A_136] : memref<1280000xf32, #tpu.memory_space<hbm>> -> memref<10000xf32, #tpu.memory_space<hbm>>
      %dma_start3A_149 = tpu.memref_slice %arg13[%mul3A_136] : memref<1280000xf32, #tpu.memory_space<hbm>> -> memref<10000xf32, #tpu.memory_space<hbm>>
      %dma_start3A_150 = arith.constant 20000 : i32
      %dma_start3A_151 = tpu.memref_slice %arg18[%dma_start3A_150] : memref<40000xf32, #tpu.memory_space<vmem>> -> memref<10000xf32, #tpu.memory_space<vmem>>
      tpu.enqueue_dma source(%dma_start3A_151 : memref<10000xf32, #tpu.memory_space<vmem>>) target(%dma_start3A_149 : memref<10000xf32, #tpu.memory_space<hbm>>) target_semaphore(%run_scoped3A : memref<!tpu.dma_semaphore, #tpu.memory_space<semaphore_mem>>)
      %dma_wait3A = arith.constant 20000 : i32
      %dma_wait3A_152 = tpu.memref_slice %arg18[%dma_wait3A] : memref<40000xf32, #tpu.memory_space<vmem>> -> memref<10000xf32, #tpu.memory_space<vmem>>
      %dma_wait3A_153 = tpu.memref_slice %arg13[%mul3A_136] : memref<1280000xf32, #tpu.memory_space<hbm>> -> memref<10000xf32, #tpu.memory_space<hbm>>
      %dma_wait3A_154 = tpu.memref_slice %arg13[%mul3A_136] : memref<1280000xf32, #tpu.memory_space<hbm>> -> memref<10000xf32, #tpu.memory_space<hbm>>
      %dma_wait3A_155 = arith.constant 20000 : i32
      %dma_wait3A_156 = tpu.memref_slice %arg18[%dma_wait3A_155] : memref<40000xf32, #tpu.memory_space<vmem>> -> memref<10000xf32, #tpu.memory_space<vmem>>
      tpu.wait_dma2 semaphore(%run_scoped3A : memref<!tpu.dma_semaphore, #tpu.memory_space<semaphore_mem>>) src(%dma_wait3A_156 : memref<10000xf32, #tpu.memory_space<vmem>>) dst(%dma_wait3A_154 : memref<10000xf32, #tpu.memory_space<hbm>>)
      tpu.yield
    }) : () -> ()
    %mul3A_137 = arith.constant 64 : i32
    %mul3A_138 = arith.muli %arg0, %mul3A_137 : i32
    %mul3A_139 = arith.constant 4 : i32
    %mul3A_140 = arith.muli %mul3A_139, %arg1 : i32
    %add3A_141 = arith.addi %mul3A_138, %mul3A_140 : i32
    %add3A_142 = arith.constant 3 : i32
    %add3A_143 = arith.addi %add3A_141, %add3A_142 : i32
    %mul3A_144 = arith.constant 10000 : i32
    %mul3A_145 = arith.muli %add3A_143, %mul3A_144 : i32
    "tpu.region"() ({
      %run_scoped3A = tpu.sem_alloc : memref<!tpu.dma_semaphore, #tpu.memory_space<semaphore_mem>>
      %dma_start3A_146 = arith.constant 30000 : i32
      %dma_start3A_147 = tpu.memref_slice %arg18[%dma_start3A_146] : memref<40000xf32, #tpu.memory_space<vmem>> -> memref<10000xf32, #tpu.memory_space<vmem>>
      %dma_start3A_148 = tpu.memref_slice %arg13[%mul3A_145] : memref<1280000xf32, #tpu.memory_space<hbm>> -> memref<10000xf32, #tpu.memory_space<hbm>>
      %dma_start3A_149 = tpu.memref_slice %arg13[%mul3A_145] : memref<1280000xf32, #tpu.memory_space<hbm>> -> memref<10000xf32, #tpu.memory_space<hbm>>
      %dma_start3A_150 = arith.constant 30000 : i32
      %dma_start3A_151 = tpu.memref_slice %arg18[%dma_start3A_150] : memref<40000xf32, #tpu.memory_space<vmem>> -> memref<10000xf32, #tpu.memory_space<vmem>>
      tpu.enqueue_dma source(%dma_start3A_151 : memref<10000xf32, #tpu.memory_space<vmem>>) target(%dma_start3A_149 : memref<10000xf32, #tpu.memory_space<hbm>>) target_semaphore(%run_scoped3A : memref<!tpu.dma_semaphore, #tpu.memory_space<semaphore_mem>>)
      %dma_wait3A = arith.constant 30000 : i32
      %dma_wait3A_152 = tpu.memref_slice %arg18[%dma_wait3A] : memref<40000xf32, #tpu.memory_space<vmem>> -> memref<10000xf32, #tpu.memory_space<vmem>>
      %dma_wait3A_153 = tpu.memref_slice %arg13[%mul3A_145] : memref<1280000xf32, #tpu.memory_space<hbm>> -> memref<10000xf32, #tpu.memory_space<hbm>>
      %dma_wait3A_154 = tpu.memref_slice %arg13[%mul3A_145] : memref<1280000xf32, #tpu.memory_space<hbm>> -> memref<10000xf32, #tpu.memory_space<hbm>>
      %dma_wait3A_155 = arith.constant 30000 : i32
      %dma_wait3A_156 = tpu.memref_slice %arg18[%dma_wait3A_155] : memref<40000xf32, #tpu.memory_space<vmem>> -> memref<10000xf32, #tpu.memory_space<vmem>>
      tpu.wait_dma2 semaphore(%run_scoped3A : memref<!tpu.dma_semaphore, #tpu.memory_space<semaphore_mem>>) src(%dma_wait3A_156 : memref<10000xf32, #tpu.memory_space<vmem>>) dst(%dma_wait3A_154 : memref<10000xf32, #tpu.memory_space<hbm>>)
      tpu.yield
    }) : () -> ()
    return
  }
}

#map = affine_map<(d0, d1) -> (0)>
module attributes {stable_mosaic.version = 14 : i64} {
  func.func @_sc_body(%arg0: i32, %arg1: i32, %arg2: memref<320000xi32, #tpu.memory_space<hbm>>, %arg3: memref<320000xi32, #tpu.memory_space<hbm>>, %arg4: memref<320000xf32, #tpu.memory_space<hbm>>, %arg5: memref<10000xf32, #tpu.memory_space<hbm>>, %arg6: memref<10000xf32, #tpu.memory_space<hbm>>, %arg7: memref<640000xf32, #tpu.memory_space<hbm>>, %arg8: memref<320000xf32, #tpu.memory_space<hbm>>, %arg9: memref<320000xf32, #tpu.memory_space<hbm>>, %arg10: memref<1280000xf32, #tpu.memory_space<hbm>>, %arg11: memref<10000xf32, #tpu.memory_space<vmem>>, %arg12: memref<10000xf32, #tpu.memory_space<vmem>>, %arg13: memref<40000xf32, #tpu.memory_space<vmem>>, %arg14: memref<40000xf32, #tpu.memory_space<vmem>>, %arg15: memref<2000xi32, #tpu.memory_space<vmem>>, %arg16: memref<2000xi32, #tpu.memory_space<vmem>>, %arg17: memref<2000xf32, #tpu.memory_space<vmem>>, %arg18: memref<2000xf32, #tpu.memory_space<vmem>>, %arg19: memref<2000xf32, #tpu.memory_space<vmem>>, %arg20: memref<2000xf32, #tpu.memory_space<vmem>>, %arg21: memref<2000xf32, #tpu.memory_space<vmem>>, %arg22: memref<2000xi32, #tpu.memory_space<vmem>>, %arg23: memref<2000xi32, #tpu.memory_space<vmem>>, %arg24: memref<2000xf32, #tpu.memory_space<vmem>>, %arg25: memref<!tpu.dma_semaphore, #tpu.memory_space<semaphore_mem>>) attributes {dimension_semantics = [#tpu.dimension_semantics<core_parallel>, #tpu.dimension_semantics<subcore_parallel>], iteration_bounds = array<i64: 2, 16>, scalar_prefetch = 0 : i64, scratch_operands = 15 : i64, tpu.core_type = #tpu.core_type<sc_vector_subcore>, window_params = [{transform_indices = #map}, {transform_indices = #map}, {transform_indices = #map}, {transform_indices = #map}, {transform_indices = #map}, {transform_indices = #map}, {transform_indices = #map}, {transform_indices = #map}, {transform_indices = #map}]} {
    %mul3A = arith.constant 16 : i32
    %mul3A_0 = arith.muli %arg0, %mul3A : i32
    %add3A = arith.addi %mul3A_0, %arg1 : i32
    "tpu.region"() ({
      %run_scoped3A = tpu.sem_alloc : memref<!tpu.dma_semaphore, #tpu.memory_space<semaphore_mem>>
      tpu.enqueue_dma source(%arg5 : memref<10000xf32, #tpu.memory_space<hbm>>) target(%arg11 : memref<10000xf32, #tpu.memory_space<vmem>>) target_semaphore(%run_scoped3A : memref<!tpu.dma_semaphore, #tpu.memory_space<semaphore_mem>>)
      tpu.wait_dma2 semaphore(%run_scoped3A : memref<!tpu.dma_semaphore, #tpu.memory_space<semaphore_mem>>) src(%arg5 : memref<10000xf32, #tpu.memory_space<hbm>>) dst(%arg11 : memref<10000xf32, #tpu.memory_space<vmem>>)
      tpu.yield
    }) : () -> ()
    "tpu.region"() ({
      %run_scoped3A = tpu.sem_alloc : memref<!tpu.dma_semaphore, #tpu.memory_space<semaphore_mem>>
      tpu.enqueue_dma source(%arg6 : memref<10000xf32, #tpu.memory_space<hbm>>) target(%arg12 : memref<10000xf32, #tpu.memory_space<vmem>>) target_semaphore(%run_scoped3A : memref<!tpu.dma_semaphore, #tpu.memory_space<semaphore_mem>>)
      tpu.wait_dma2 semaphore(%run_scoped3A : memref<!tpu.dma_semaphore, #tpu.memory_space<semaphore_mem>>) src(%arg6 : memref<10000xf32, #tpu.memory_space<hbm>>) dst(%arg12 : memref<10000xf32, #tpu.memory_space<vmem>>)
      tpu.yield
    }) : () -> ()
    %broadcast_in_dim3A = arith.constant 0.000000e+00 : f32
    %broadcast_in_dim3A_1 = vector.broadcast %broadcast_in_dim3A : f32 to vector<16xf32>
    %broadcast_in_dim3A_2 = arith.constant 1.000000e+00 : f32
    %broadcast_in_dim3A_3 = vector.broadcast %broadcast_in_dim3A_2 : f32 to vector<16xf32>
    %scan3A = arith.constant 0 : i32
    %scan3A_4 = arith.constant 0 : i32
    %scan3A_5 = arith.constant 125 : i32
    %scan3A_6 = arith.addi %scan3A_4, %scan3A_5 : i32
    %scan3A_7 = arith.constant 1 : i32
    %scan3A_8 = scf.for %scan3A_115 = %scan3A_4 to %scan3A_6 step %scan3A_7 iter_args(%scan3A_116 = %scan3A) -> (i32)  : i32 {
      %mul3A_117 = arith.constant 5 : i32
      %mul3A_118 = arith.muli %scan3A_115, %mul3A_117 : i32
      %mul3A_119 = arith.constant 16 : i32
      %mul3A_120 = arith.muli %mul3A_118, %mul3A_119 : i32
      %add3A_121 = arith.constant 0 : i32
      %add3A_122 = arith.addi %mul3A_120, %add3A_121 : i32
      %swap3A = arith.index_cast %add3A_122 : i32 to index
      %swap3A_123 = tpu.vector_load %arg13[%swap3A] {strides = array<i32>} : memref<40000xf32, #tpu.memory_space<vmem>>, vector<16xf32>,
      tpu.vector_store %arg13[%swap3A], %broadcast_in_dim3A_1 {strides = array<i32>} : memref<40000xf32, #tpu.memory_space<vmem>>, vector<16xf32>,
      %mul3A_124 = arith.constant 5 : i32
      %mul3A_125 = arith.muli %scan3A_115, %mul3A_124 : i32
      %mul3A_126 = arith.constant 16 : i32
      %mul3A_127 = arith.muli %mul3A_125, %mul3A_126 : i32
      %add3A_128 = arith.constant 16 : i32
      %add3A_129 = arith.addi %mul3A_127, %add3A_128 : i32
      %swap3A_130 = arith.index_cast %add3A_129 : i32 to index
      %swap3A_131 = tpu.vector_load %arg13[%swap3A_130] {strides = array<i32>} : memref<40000xf32, #tpu.memory_space<vmem>>, vector<16xf32>,
      tpu.vector_store %arg13[%swap3A_130], %broadcast_in_dim3A_1 {strides = array<i32>} : memref<40000xf32, #tpu.memory_space<vmem>>, vector<16xf32>,
      %mul3A_132 = arith.constant 5 : i32
      %mul3A_133 = arith.muli %scan3A_115, %mul3A_132 : i32
      %mul3A_134 = arith.constant 16 : i32
      %mul3A_135 = arith.muli %mul3A_133, %mul3A_134 : i32
      %add3A_136 = arith.constant 32 : i32
      %add3A_137 = arith.addi %mul3A_135, %add3A_136 : i32
      %swap3A_138 = arith.index_cast %add3A_137 : i32 to index
      %swap3A_139 = tpu.vector_load %arg13[%swap3A_138] {strides = array<i32>} : memref<40000xf32, #tpu.memory_space<vmem>>, vector<16xf32>,
      tpu.vector_store %arg13[%swap3A_138], %broadcast_in_dim3A_1 {strides = array<i32>} : memref<40000xf32, #tpu.memory_space<vmem>>, vector<16xf32>,
      %mul3A_140 = arith.constant 5 : i32
      %mul3A_141 = arith.muli %scan3A_115, %mul3A_140 : i32
      %mul3A_142 = arith.constant 16 : i32
      %mul3A_143 = arith.muli %mul3A_141, %mul3A_142 : i32
      %add3A_144 = arith.constant 48 : i32
      %add3A_145 = arith.addi %mul3A_143, %add3A_144 : i32
      %swap3A_146 = arith.index_cast %add3A_145 : i32 to index
      %swap3A_147 = tpu.vector_load %arg13[%swap3A_146] {strides = array<i32>} : memref<40000xf32, #tpu.memory_space<vmem>>, vector<16xf32>,
      tpu.vector_store %arg13[%swap3A_146], %broadcast_in_dim3A_1 {strides = array<i32>} : memref<40000xf32, #tpu.memory_space<vmem>>, vector<16xf32>,
      %mul3A_148 = arith.constant 5 : i32
      %mul3A_149 = arith.muli %scan3A_115, %mul3A_148 : i32
      %mul3A_150 = arith.constant 16 : i32
      %mul3A_151 = arith.muli %mul3A_149, %mul3A_150 : i32
      %add3A_152 = arith.constant 64 : i32
      %add3A_153 = arith.addi %mul3A_151, %add3A_152 : i32
      %swap3A_154 = arith.index_cast %add3A_153 : i32 to index
      %swap3A_155 = tpu.vector_load %arg13[%swap3A_154] {strides = array<i32>} : memref<40000xf32, #tpu.memory_space<vmem>>, vector<16xf32>,
      tpu.vector_store %arg13[%swap3A_154], %broadcast_in_dim3A_1 {strides = array<i32>} : memref<40000xf32, #tpu.memory_space<vmem>>, vector<16xf32>,
      %scan3A_156 = arith.constant 0 : i32
      scf.yield %scan3A_156 : i32
    }
    %scan3A_9 = arith.constant 125 : i32
    %mul3A_10 = arith.constant 160000 : i32
    %mul3A_11 = arith.muli %arg0, %mul3A_10 : i32
    %mul3A_12 = arith.constant 10000 : i32
    %mul3A_13 = arith.muli %arg1, %mul3A_12 : i32
    %add3A_14 = arith.addi %mul3A_11, %mul3A_13 : i32
    %add3A_15 = arith.constant 0 : i32
    %add3A_16 = arith.addi %add3A_14, %add3A_15 : i32
    %dma_start3A = tpu.memref_slice %arg2[%add3A_16] : memref<320000xi32, #tpu.memory_space<hbm>> -> memref<2000xi32, #tpu.memory_space<hbm>>
    %dma_start3A_17 = tpu.memref_slice %arg2[%add3A_16] : memref<320000xi32, #tpu.memory_space<hbm>> -> memref<2000xi32, #tpu.memory_space<hbm>>
    tpu.enqueue_dma source(%dma_start3A_17 : memref<2000xi32, #tpu.memory_space<hbm>>) target(%arg15 : memref<2000xi32, #tpu.memory_space<vmem>>) target_semaphore(%arg25 : memref<!tpu.dma_semaphore, #tpu.memory_space<semaphore_mem>>)
    %dma_start3A_18 = tpu.memref_slice %arg3[%add3A_16] : memref<320000xi32, #tpu.memory_space<hbm>> -> memref<2000xi32, #tpu.memory_space<hbm>>
    %dma_start3A_19 = tpu.memref_slice %arg3[%add3A_16] : memref<320000xi32, #tpu.memory_space<hbm>> -> memref<2000xi32, #tpu.memory_space<hbm>>
    tpu.enqueue_dma source(%dma_start3A_19 : memref<2000xi32, #tpu.memory_space<hbm>>) target(%arg16 : memref<2000xi32, #tpu.memory_space<vmem>>) target_semaphore(%arg25 : memref<!tpu.dma_semaphore, #tpu.memory_space<semaphore_mem>>)
    %dma_start3A_20 = tpu.memref_slice %arg4[%add3A_16] : memref<320000xf32, #tpu.memory_space<hbm>> -> memref<2000xf32, #tpu.memory_space<hbm>>
    %dma_start3A_21 = tpu.memref_slice %arg4[%add3A_16] : memref<320000xf32, #tpu.memory_space<hbm>> -> memref<2000xf32, #tpu.memory_space<hbm>>
    tpu.enqueue_dma source(%dma_start3A_21 : memref<2000xf32, #tpu.memory_space<hbm>>) target(%arg21 : memref<2000xf32, #tpu.memory_space<vmem>>) target_semaphore(%arg25 : memref<!tpu.dma_semaphore, #tpu.memory_space<semaphore_mem>>)
    %scan3A_22 = arith.constant 0 : i32
    %scan3A_23 = arith.constant 0 : i32
    %scan3A_24 = arith.constant 3 : i32
    %scan3A_25 = arith.addi %scan3A_23, %scan3A_24 : i32
    %scan3A_26 = arith.constant 1 : i32
    %scan3A_27 = scf.for %scan3A_115 = %scan3A_23 to %scan3A_25 step %scan3A_26 iter_args(%scan3A_116 = %scan3A_22) -> (i32)  : i32 {
      %mul3A_117 = arith.constant 2 : i32
      %mul3A_118 = arith.muli %mul3A_117, %scan3A_115 : i32
      %add3A_119 = arith.constant 1 : i32
      %add3A_120 = arith.addi %mul3A_118, %add3A_119 : i32
      %lt3A = arith.constant 5 : i32
      %lt3A_121 = arith.cmpi slt, %add3A_120, %lt3A : i32
      %convert_element_type3A = arith.extui %lt3A_121 : i1 to i32
      %cond3A = arith.constant 0 : i32
      %cond3A_122 = arith.cmpi ne, %convert_element_type3A, %cond3A : i32
      scf.if %cond3A_122 {
        %add3A_156 = arith.constant 1 : i32
        %add3A_157 = arith.addi %mul3A_118, %add3A_156 : i32
        %mul3A_158 = arith.constant 2000 : i32
        %mul3A_159 = arith.muli %add3A_157, %mul3A_158 : i32
        %add3A_160 = arith.addi %add3A_14, %mul3A_159 : i32
        %dma_start3A_161 = tpu.memref_slice %arg2[%add3A_160] : memref<320000xi32, #tpu.memory_space<hbm>> -> memref<2000xi32, #tpu.memory_space<hbm>>
        %dma_start3A_162 = tpu.memref_slice %arg2[%add3A_160] : memref<320000xi32, #tpu.memory_space<hbm>> -> memref<2000xi32, #tpu.memory_space<hbm>>
        tpu.enqueue_dma source(%dma_start3A_162 : memref<2000xi32, #tpu.memory_space<hbm>>) target(%arg22 : memref<2000xi32, #tpu.memory_space<vmem>>) target_semaphore(%arg25 : memref<!tpu.dma_semaphore, #tpu.memory_space<semaphore_mem>>)
        %dma_start3A_163 = tpu.memref_slice %arg3[%add3A_160] : memref<320000xi32, #tpu.memory_space<hbm>> -> memref<2000xi32, #tpu.memory_space<hbm>>
        %dma_start3A_164 = tpu.memref_slice %arg3[%add3A_160] : memref<320000xi32, #tpu.memory_space<hbm>> -> memref<2000xi32, #tpu.memory_space<hbm>>
        tpu.enqueue_dma source(%dma_start3A_164 : memref<2000xi32, #tpu.memory_space<hbm>>) target(%arg23 : memref<2000xi32, #tpu.memory_space<vmem>>) target_semaphore(%arg25 : memref<!tpu.dma_semaphore, #tpu.memory_space<semaphore_mem>>)
        %dma_start3A_165 = tpu.memref_slice %arg4[%add3A_160] : memref<320000xf32, #tpu.memory_space<hbm>> -> memref<2000xf32, #tpu.memory_space<hbm>>
        %dma_start3A_166 = tpu.memref_slice %arg4[%add3A_160] : memref<320000xf32, #tpu.memory_space<hbm>> -> memref<2000xf32, #tpu.memory_space<hbm>>
        tpu.enqueue_dma source(%dma_start3A_166 : memref<2000xf32, #tpu.memory_space<hbm>>) target(%arg24 : memref<2000xf32, #tpu.memory_space<vmem>>) target_semaphore(%arg25 : memref<!tpu.dma_semaphore, #tpu.memory_space<semaphore_mem>>)
      } else {
      }
      %mul3A_123 = arith.constant 2000 : i32
      %mul3A_124 = arith.muli %mul3A_118, %mul3A_123 : i32
      %add3A_125 = arith.addi %add3A_14, %mul3A_124 : i32
      %dma_wait3A = tpu.memref_slice %arg2[%add3A_125] : memref<320000xi32, #tpu.memory_space<hbm>> -> memref<2000xi32, #tpu.memory_space<hbm>>
      %dma_wait3A_126 = tpu.memref_slice %arg2[%add3A_125] : memref<320000xi32, #tpu.memory_space<hbm>> -> memref<2000xi32, #tpu.memory_space<hbm>>
      tpu.wait_dma2 semaphore(%arg25 : memref<!tpu.dma_semaphore, #tpu.memory_space<semaphore_mem>>) src(%dma_wait3A_126 : memref<2000xi32, #tpu.memory_space<hbm>>) dst(%arg15 : memref<2000xi32, #tpu.memory_space<vmem>>)
      %dma_wait3A_127 = tpu.memref_slice %arg3[%add3A_125] : memref<320000xi32, #tpu.memory_space<hbm>> -> memref<2000xi32, #tpu.memory_space<hbm>>
      %dma_wait3A_128 = tpu.memref_slice %arg3[%add3A_125] : memref<320000xi32, #tpu.memory_space<hbm>> -> memref<2000xi32, #tpu.memory_space<hbm>>
      tpu.wait_dma2 semaphore(%arg25 : memref<!tpu.dma_semaphore, #tpu.memory_space<semaphore_mem>>) src(%dma_wait3A_128 : memref<2000xi32, #tpu.memory_space<hbm>>) dst(%arg16 : memref<2000xi32, #tpu.memory_space<vmem>>)
      %dma_wait3A_129 = tpu.memref_slice %arg4[%add3A_125] : memref<320000xf32, #tpu.memory_space<hbm>> -> memref<2000xf32, #tpu.memory_space<hbm>>
      %dma_wait3A_130 = tpu.memref_slice %arg4[%add3A_125] : memref<320000xf32, #tpu.memory_space<hbm>> -> memref<2000xf32, #tpu.memory_space<hbm>>
      tpu.wait_dma2 semaphore(%arg25 : memref<!tpu.dma_semaphore, #tpu.memory_space<semaphore_mem>>) src(%dma_wait3A_130 : memref<2000xf32, #tpu.memory_space<hbm>>) dst(%arg21 : memref<2000xf32, #tpu.memory_space<vmem>>)
      %mul3A_131 = arith.constant 2000 : i32
      %mul3A_132 = arith.muli %mul3A_118, %mul3A_131 : i32
      %add3A_133 = arith.addi %add3A_14, %mul3A_132 : i32
      %scan3A_134 = arith.constant 0 : i32
      %scan3A_135 = arith.constant 0 : i32
      %scan3A_136 = arith.constant 25 : i32
      %scan3A_137 = arith.addi %scan3A_135, %scan3A_136 : i32
      %scan3A_138 = arith.constant 1 : i32
      %scan3A_139 = scf.for %scan3A_156 = %scan3A_135 to %scan3A_137 step %scan3A_138 iter_args(%scan3A_157 = %scan3A_134) -> (i32)  : i32 {
        %mul3A_158 = arith.constant 5 : i32
        %mul3A_159 = arith.muli %scan3A_156, %mul3A_158 : i32
        %add3A_160 = arith.constant 0 : i32
        %add3A_161 = arith.addi %mul3A_159, %add3A_160 : i32
        %mul3A_162 = arith.constant 16 : i32
        %mul3A_163 = arith.muli %add3A_161, %mul3A_162 : i32
        %get3A = arith.index_cast %mul3A_163 : i32 to index
        %get3A_164 = tpu.vector_load %arg15[%get3A] {strides = array<i32>} : memref<2000xi32, #tpu.memory_space<vmem>>, vector<16xi32>,
        %get3A_165 = arith.index_cast %mul3A_163 : i32 to index
        %get3A_166 = tpu.vector_load %arg16[%get3A_165] {strides = array<i32>} : memref<2000xi32, #tpu.memory_space<vmem>>, vector<16xi32>,
        %get3A_167 = arith.index_cast %mul3A_163 : i32 to index
        %get3A_168 = tpu.vector_load %arg21[%get3A_167] {strides = array<i32>} : memref<2000xf32, #tpu.memory_space<vmem>>, vector<16xf32>,
        %gather3A = tpu.vector_load_idx %arg11[%get3A_164] : memref<10000xf32, #tpu.memory_space<vmem>>[vector<16xi32>], vector<16xf32>,
        %gather3A_169 = tpu.vector_load_idx %arg12[%get3A_166] : memref<10000xf32, #tpu.memory_space<vmem>>[vector<16xi32>], vector<16xf32>,
        %add3A_170 = arith.addf %gather3A, %gather3A_169 : vector<16xf32>
        %add3A_171 = arith.addf %add3A_170, %get3A_168 : vector<16xf32>
        %mul3A_172 = arith.constant 2.000000e-01 : f32
        %mul3A_173 = vector.broadcast %mul3A_172 : f32 to vector<16xf32>
        %mul3A_174 = arith.mulf %mul3A_173, %add3A_171 : vector<16xf32>
        %max3A = arith.maximumf %add3A_171, %mul3A_174 : vector<16xf32>
        %exp3A = math.exp %max3A : vector<16xf32>
        %swap3A = arith.index_cast %mul3A_163 : i32 to index
        %swap3A_175 = tpu.vector_load %arg20[%swap3A] {strides = array<i32>} : memref<2000xf32, #tpu.memory_space<vmem>>, vector<16xf32>,
        tpu.vector_store %arg20[%swap3A], %exp3A {strides = array<i32>} : memref<2000xf32, #tpu.memory_space<vmem>>, vector<16xf32>,
        tpu.vector_store_idx %arg13[%get3A_166], %exp3A {add = true} : memref<40000xf32, #tpu.memory_space<vmem>>[vector<16xi32>], vector<16xf32>,
        %mul3A_176 = arith.constant 5 : i32
        %mul3A_177 = arith.muli %scan3A_156, %mul3A_176 : i32
        %add3A_178 = arith.constant 1 : i32
        %add3A_179 = arith.addi %mul3A_177, %add3A_178 : i32
        %mul3A_180 = arith.constant 16 : i32
        %mul3A_181 = arith.muli %add3A_179, %mul3A_180 : i32
        %get3A_182 = arith.index_cast %mul3A_181 : i32 to index
        %get3A_183 = tpu.vector_load %arg15[%get3A_182] {strides = array<i32>} : memref<2000xi32, #tpu.memory_space<vmem>>, vector<16xi32>,
        %get3A_184 = arith.index_cast %mul3A_181 : i32 to index
        %get3A_185 = tpu.vector_load %arg16[%get3A_184] {strides = array<i32>} : memref<2000xi32, #tpu.memory_space<vmem>>, vector<16xi32>,
        %get3A_186 = arith.index_cast %mul3A_181 : i32 to index
        %get3A_187 = tpu.vector_load %arg21[%get3A_186] {strides = array<i32>} : memref<2000xf32, #tpu.memory_space<vmem>>, vector<16xf32>,
        %gather3A_188 = tpu.vector_load_idx %arg11[%get3A_183] : memref<10000xf32, #tpu.memory_space<vmem>>[vector<16xi32>], vector<16xf32>,
        %gather3A_189 = tpu.vector_load_idx %arg12[%get3A_185] : memref<10000xf32, #tpu.memory_space<vmem>>[vector<16xi32>], vector<16xf32>,
        %add3A_190 = arith.addf %gather3A_188, %gather3A_189 : vector<16xf32>
        %add3A_191 = arith.addf %add3A_190, %get3A_187 : vector<16xf32>
        %mul3A_192 = arith.constant 2.000000e-01 : f32
        %mul3A_193 = vector.broadcast %mul3A_192 : f32 to vector<16xf32>
        %mul3A_194 = arith.mulf %mul3A_193, %add3A_191 : vector<16xf32>
        %max3A_195 = arith.maximumf %add3A_191, %mul3A_194 : vector<16xf32>
        %exp3A_196 = math.exp %max3A_195 : vector<16xf32>
        %swap3A_197 = arith.index_cast %mul3A_181 : i32 to index
        %swap3A_198 = tpu.vector_load %arg20[%swap3A_197] {strides = array<i32>} : memref<2000xf32, #tpu.memory_space<vmem>>, vector<16xf32>,
        tpu.vector_store %arg20[%swap3A_197], %exp3A_196 {strides = array<i32>} : memref<2000xf32, #tpu.memory_space<vmem>>, vector<16xf32>,
        tpu.vector_store_idx %arg13[%get3A_185], %exp3A_196 {add = true} : memref<40000xf32, #tpu.memory_space<vmem>>[vector<16xi32>], vector<16xf32>,
        %mul3A_199 = arith.constant 5 : i32
        %mul3A_200 = arith.muli %scan3A_156, %mul3A_199 : i32
        %add3A_201 = arith.constant 2 : i32
        %add3A_202 = arith.addi %mul3A_200, %add3A_201 : i32
        %mul3A_203 = arith.constant 16 : i32
        %mul3A_204 = arith.muli %add3A_202, %mul3A_203 : i32
        %get3A_205 = arith.index_cast %mul3A_204 : i32 to index
        %get3A_206 = tpu.vector_load %arg15[%get3A_205] {strides = array<i32>} : memref<2000xi32, #tpu.memory_space<vmem>>, vector<16xi32>,
        %get3A_207 = arith.index_cast %mul3A_204 : i32 to index
        %get3A_208 = tpu.vector_load %arg16[%get3A_207] {strides = array<i32>} : memref<2000xi32, #tpu.memory_space<vmem>>, vector<16xi32>,
        %get3A_209 = arith.index_cast %mul3A_204 : i32 to index
        %get3A_210 = tpu.vector_load %arg21[%get3A_209] {strides = array<i32>} : memref<2000xf32, #tpu.memory_space<vmem>>, vector<16xf32>,
        %gather3A_211 = tpu.vector_load_idx %arg11[%get3A_206] : memref<10000xf32, #tpu.memory_space<vmem>>[vector<16xi32>], vector<16xf32>,
        %gather3A_212 = tpu.vector_load_idx %arg12[%get3A_208] : memref<10000xf32, #tpu.memory_space<vmem>>[vector<16xi32>], vector<16xf32>,
        %add3A_213 = arith.addf %gather3A_211, %gather3A_212 : vector<16xf32>
        %add3A_214 = arith.addf %add3A_213, %get3A_210 : vector<16xf32>
        %mul3A_215 = arith.constant 2.000000e-01 : f32
        %mul3A_216 = vector.broadcast %mul3A_215 : f32 to vector<16xf32>
        %mul3A_217 = arith.mulf %mul3A_216, %add3A_214 : vector<16xf32>
        %max3A_218 = arith.maximumf %add3A_214, %mul3A_217 : vector<16xf32>
        %exp3A_219 = math.exp %max3A_218 : vector<16xf32>
        %swap3A_220 = arith.index_cast %mul3A_204 : i32 to index
        %swap3A_221 = tpu.vector_load %arg20[%swap3A_220] {strides = array<i32>} : memref<2000xf32, #tpu.memory_space<vmem>>, vector<16xf32>,
        tpu.vector_store %arg20[%swap3A_220], %exp3A_219 {strides = array<i32>} : memref<2000xf32, #tpu.memory_space<vmem>>, vector<16xf32>,
        tpu.vector_store_idx %arg13[%get3A_208], %exp3A_219 {add = true} : memref<40000xf32, #tpu.memory_space<vmem>>[vector<16xi32>], vector<16xf32>,
        %mul3A_222 = arith.constant 5 : i32
        %mul3A_223 = arith.muli %scan3A_156, %mul3A_222 : i32
        %add3A_224 = arith.constant 3 : i32
        %add3A_225 = arith.addi %mul3A_223, %add3A_224 : i32
        %mul3A_226 = arith.constant 16 : i32
        %mul3A_227 = arith.muli %add3A_225, %mul3A_226 : i32
        %get3A_228 = arith.index_cast %mul3A_227 : i32 to index
        %get3A_229 = tpu.vector_load %arg15[%get3A_228] {strides = array<i32>} : memref<2000xi32, #tpu.memory_space<vmem>>, vector<16xi32>,
        %get3A_230 = arith.index_cast %mul3A_227 : i32 to index
        %get3A_231 = tpu.vector_load %arg16[%get3A_230] {strides = array<i32>} : memref<2000xi32, #tpu.memory_space<vmem>>, vector<16xi32>,
        %get3A_232 = arith.index_cast %mul3A_227 : i32 to index
        %get3A_233 = tpu.vector_load %arg21[%get3A_232] {strides = array<i32>} : memref<2000xf32, #tpu.memory_space<vmem>>, vector<16xf32>,
        %gather3A_234 = tpu.vector_load_idx %arg11[%get3A_229] : memref<10000xf32, #tpu.memory_space<vmem>>[vector<16xi32>], vector<16xf32>,
        %gather3A_235 = tpu.vector_load_idx %arg12[%get3A_231] : memref<10000xf32, #tpu.memory_space<vmem>>[vector<16xi32>], vector<16xf32>,
        %add3A_236 = arith.addf %gather3A_234, %gather3A_235 : vector<16xf32>
        %add3A_237 = arith.addf %add3A_236, %get3A_233 : vector<16xf32>
        %mul3A_238 = arith.constant 2.000000e-01 : f32
        %mul3A_239 = vector.broadcast %mul3A_238 : f32 to vector<16xf32>
        %mul3A_240 = arith.mulf %mul3A_239, %add3A_237 : vector<16xf32>
        %max3A_241 = arith.maximumf %add3A_237, %mul3A_240 : vector<16xf32>
        %exp3A_242 = math.exp %max3A_241 : vector<16xf32>
        %swap3A_243 = arith.index_cast %mul3A_227 : i32 to index
        %swap3A_244 = tpu.vector_load %arg20[%swap3A_243] {strides = array<i32>} : memref<2000xf32, #tpu.memory_space<vmem>>, vector<16xf32>,
        tpu.vector_store %arg20[%swap3A_243], %exp3A_242 {strides = array<i32>} : memref<2000xf32, #tpu.memory_space<vmem>>, vector<16xf32>,
        tpu.vector_store_idx %arg13[%get3A_231], %exp3A_242 {add = true} : memref<40000xf32, #tpu.memory_space<vmem>>[vector<16xi32>], vector<16xf32>,
        %mul3A_245 = arith.constant 5 : i32
        %mul3A_246 = arith.muli %scan3A_156, %mul3A_245 : i32
        %add3A_247 = arith.constant 4 : i32
        %add3A_248 = arith.addi %mul3A_246, %add3A_247 : i32
        %mul3A_249 = arith.constant 16 : i32
        %mul3A_250 = arith.muli %add3A_248, %mul3A_249 : i32
        %get3A_251 = arith.index_cast %mul3A_250 : i32 to index
        %get3A_252 = tpu.vector_load %arg15[%get3A_251] {strides = array<i32>} : memref<2000xi32, #tpu.memory_space<vmem>>, vector<16xi32>,
        %get3A_253 = arith.index_cast %mul3A_250 : i32 to index
        %get3A_254 = tpu.vector_load %arg16[%get3A_253] {strides = array<i32>} : memref<2000xi32, #tpu.memory_space<vmem>>, vector<16xi32>,
        %get3A_255 = arith.index_cast %mul3A_250 : i32 to index
        %get3A_256 = tpu.vector_load %arg21[%get3A_255] {strides = array<i32>} : memref<2000xf32, #tpu.memory_space<vmem>>, vector<16xf32>,
        %gather3A_257 = tpu.vector_load_idx %arg11[%get3A_252] : memref<10000xf32, #tpu.memory_space<vmem>>[vector<16xi32>], vector<16xf32>,
        %gather3A_258 = tpu.vector_load_idx %arg12[%get3A_254] : memref<10000xf32, #tpu.memory_space<vmem>>[vector<16xi32>], vector<16xf32>,
        %add3A_259 = arith.addf %gather3A_257, %gather3A_258 : vector<16xf32>
        %add3A_260 = arith.addf %add3A_259, %get3A_256 : vector<16xf32>
        %mul3A_261 = arith.constant 2.000000e-01 : f32
        %mul3A_262 = vector.broadcast %mul3A_261 : f32 to vector<16xf32>
        %mul3A_263 = arith.mulf %mul3A_262, %add3A_260 : vector<16xf32>
        %max3A_264 = arith.maximumf %add3A_260, %mul3A_263 : vector<16xf32>
        %exp3A_265 = math.exp %max3A_264 : vector<16xf32>
        %swap3A_266 = arith.index_cast %mul3A_250 : i32 to index
        %swap3A_267 = tpu.vector_load %arg20[%swap3A_266] {strides = array<i32>} : memref<2000xf32, #tpu.memory_space<vmem>>, vector<16xf32>,
        tpu.vector_store %arg20[%swap3A_266], %exp3A_265 {strides = array<i32>} : memref<2000xf32, #tpu.memory_space<vmem>>, vector<16xf32>,
        tpu.vector_store_idx %arg13[%get3A_254], %exp3A_265 {add = true} : memref<40000xf32, #tpu.memory_space<vmem>>[vector<16xi32>], vector<16xf32>,
        %scan3A_268 = arith.constant 0 : i32
        scf.yield %scan3A_268 : i32
      }
      %scan3A_140 = arith.constant 25 : i32
      "tpu.region"() ({
        %run_scoped3A = tpu.sem_alloc : memref<!tpu.dma_semaphore, #tpu.memory_space<semaphore_mem>>
        %dma_start3A_156 = tpu.memref_slice %arg8[%add3A_133] : memref<320000xf32, #tpu.memory_space<hbm>> -> memref<2000xf32, #tpu.memory_space<hbm>>
        %dma_start3A_157 = tpu.memref_slice %arg8[%add3A_133] : memref<320000xf32, #tpu.memory_space<hbm>> -> memref<2000xf32, #tpu.memory_space<hbm>>
        tpu.enqueue_dma source(%arg20 : memref<2000xf32, #tpu.memory_space<vmem>>) target(%dma_start3A_157 : memref<2000xf32, #tpu.memory_space<hbm>>) target_semaphore(%run_scoped3A : memref<!tpu.dma_semaphore, #tpu.memory_space<semaphore_mem>>)
        %dma_wait3A_158 = tpu.memref_slice %arg8[%add3A_133] : memref<320000xf32, #tpu.memory_space<hbm>> -> memref<2000xf32, #tpu.memory_space<hbm>>
        %dma_wait3A_159 = tpu.memref_slice %arg8[%add3A_133] : memref<320000xf32, #tpu.memory_space<hbm>> -> memref<2000xf32, #tpu.memory_space<hbm>>
        tpu.wait_dma2 semaphore(%run_scoped3A : memref<!tpu.dma_semaphore, #tpu.memory_space<semaphore_mem>>) src(%arg20 : memref<2000xf32, #tpu.memory_space<vmem>>) dst(%dma_wait3A_159 : memref<2000xf32, #tpu.memory_space<hbm>>)
        tpu.yield
      }) : () -> ()
      %add3A_141 = arith.constant 2 : i32
      %add3A_142 = arith.addi %mul3A_118, %add3A_141 : i32
      %lt3A_143 = arith.constant 5 : i32
      %lt3A_144 = arith.cmpi slt, %add3A_142, %lt3A_143 : i32
      %convert_element_type3A_145 = arith.extui %lt3A_144 : i1 to i32
      %cond3A_146 = arith.constant 0 : i32
      %cond3A_147 = arith.cmpi ne, %convert_element_type3A_145, %cond3A_146 : i32
      scf.if %cond3A_147 {
        %add3A_156 = arith.constant 2 : i32
        %add3A_157 = arith.addi %mul3A_118, %add3A_156 : i32
        %mul3A_158 = arith.constant 2000 : i32
        %mul3A_159 = arith.muli %add3A_157, %mul3A_158 : i32
        %add3A_160 = arith.addi %add3A_14, %mul3A_159 : i32
        %dma_start3A_161 = tpu.memref_slice %arg2[%add3A_160] : memref<320000xi32, #tpu.memory_space<hbm>> -> memref<2000xi32, #tpu.memory_space<hbm>>
        %dma_start3A_162 = tpu.memref_slice %arg2[%add3A_160] : memref<320000xi32, #tpu.memory_space<hbm>> -> memref<2000xi32, #tpu.memory_space<hbm>>
        tpu.enqueue_dma source(%dma_start3A_162 : memref<2000xi32, #tpu.memory_space<hbm>>) target(%arg15 : memref<2000xi32, #tpu.memory_space<vmem>>) target_semaphore(%arg25 : memref<!tpu.dma_semaphore, #tpu.memory_space<semaphore_mem>>)
        %dma_start3A_163 = tpu.memref_slice %arg3[%add3A_160] : memref<320000xi32, #tpu.memory_space<hbm>> -> memref<2000xi32, #tpu.memory_space<hbm>>
        %dma_start3A_164 = tpu.memref_slice %arg3[%add3A_160] : memref<320000xi32, #tpu.memory_space<hbm>> -> memref<2000xi32, #tpu.memory_space<hbm>>
        tpu.enqueue_dma source(%dma_start3A_164 : memref<2000xi32, #tpu.memory_space<hbm>>) target(%arg16 : memref<2000xi32, #tpu.memory_space<vmem>>) target_semaphore(%arg25 : memref<!tpu.dma_semaphore, #tpu.memory_space<semaphore_mem>>)
        %dma_start3A_165 = tpu.memref_slice %arg4[%add3A_160] : memref<320000xf32, #tpu.memory_space<hbm>> -> memref<2000xf32, #tpu.memory_space<hbm>>
        %dma_start3A_166 = tpu.memref_slice %arg4[%add3A_160] : memref<320000xf32, #tpu.memory_space<hbm>> -> memref<2000xf32, #tpu.memory_space<hbm>>
        tpu.enqueue_dma source(%dma_start3A_166 : memref<2000xf32, #tpu.memory_space<hbm>>) target(%arg21 : memref<2000xf32, #tpu.memory_space<vmem>>) target_semaphore(%arg25 : memref<!tpu.dma_semaphore, #tpu.memory_space<semaphore_mem>>)
      } else {
      }
      %add3A_148 = arith.constant 1 : i32
      %add3A_149 = arith.addi %mul3A_118, %add3A_148 : i32
      %lt3A_150 = arith.constant 5 : i32
      %lt3A_151 = arith.cmpi slt, %add3A_149, %lt3A_150 : i32
      %convert_element_type3A_152 = arith.extui %lt3A_151 : i1 to i32
      %cond3A_153 = arith.constant 0 : i32
      %cond3A_154 = arith.cmpi ne, %convert_element_type3A_152, %cond3A_153 : i32
      scf.if %cond3A_154 {
        %add3A_156 = arith.constant 1 : i32
        %add3A_157 = arith.addi %mul3A_118, %add3A_156 : i32
        %mul3A_158 = arith.constant 2000 : i32
        %mul3A_159 = arith.muli %add3A_157, %mul3A_158 : i32
        %add3A_160 = arith.addi %add3A_14, %mul3A_159 : i32
        %dma_wait3A_161 = tpu.memref_slice %arg2[%add3A_160] : memref<320000xi32, #tpu.memory_space<hbm>> -> memref<2000xi32, #tpu.memory_space<hbm>>
        %dma_wait3A_162 = tpu.memref_slice %arg2[%add3A_160] : memref<320000xi32, #tpu.memory_space<hbm>> -> memref<2000xi32, #tpu.memory_space<hbm>>
        tpu.wait_dma2 semaphore(%arg25 : memref<!tpu.dma_semaphore, #tpu.memory_space<semaphore_mem>>) src(%dma_wait3A_162 : memref<2000xi32, #tpu.memory_space<hbm>>) dst(%arg22 : memref<2000xi32, #tpu.memory_space<vmem>>)
        %dma_wait3A_163 = tpu.memref_slice %arg3[%add3A_160] : memref<320000xi32, #tpu.memory_space<hbm>> -> memref<2000xi32, #tpu.memory_space<hbm>>
        %dma_wait3A_164 = tpu.memref_slice %arg3[%add3A_160] : memref<320000xi32, #tpu.memory_space<hbm>> -> memref<2000xi32, #tpu.memory_space<hbm>>
        tpu.wait_dma2 semaphore(%arg25 : memref<!tpu.dma_semaphore, #tpu.memory_space<semaphore_mem>>) src(%dma_wait3A_164 : memref<2000xi32, #tpu.memory_space<hbm>>) dst(%arg23 : memref<2000xi32, #tpu.memory_space<vmem>>)
        %dma_wait3A_165 = tpu.memref_slice %arg4[%add3A_160] : memref<320000xf32, #tpu.memory_space<hbm>> -> memref<2000xf32, #tpu.memory_space<hbm>>
        %dma_wait3A_166 = tpu.memref_slice %arg4[%add3A_160] : memref<320000xf32, #tpu.memory_space<hbm>> -> memref<2000xf32, #tpu.memory_space<hbm>>
        tpu.wait_dma2 semaphore(%arg25 : memref<!tpu.dma_semaphore, #tpu.memory_space<semaphore_mem>>) src(%dma_wait3A_166 : memref<2000xf32, #tpu.memory_space<hbm>>) dst(%arg24 : memref<2000xf32, #tpu.memory_space<vmem>>)
        %add3A_167 = arith.constant 1 : i32
        %add3A_168 = arith.addi %mul3A_118, %add3A_167 : i32
        %mul3A_169 = arith.constant 2000 : i32
        %mul3A_170 = arith.muli %add3A_168, %mul3A_169 : i32
        %add3A_171 = arith.addi %add3A_14, %mul3A_170 : i32
        %scan3A_172 = arith.constant 0 : i32
        %scan3A_173 = arith.constant 0 : i32
        %scan3A_174 = arith.constant 25 : i32
        %scan3A_175 = arith.addi %scan3A_173, %scan3A_174 : i32
        %scan3A_176 = arith.constant 1 : i32
        %scan3A_177 = scf.for %scan3A_179 = %scan3A_173 to %scan3A_175 step %scan3A_176 iter_args(%scan3A_180 = %scan3A_172) -> (i32)  : i32 {
          %mul3A_181 = arith.constant 5 : i32
          %mul3A_182 = arith.muli %scan3A_179, %mul3A_181 : i32
          %add3A_183 = arith.constant 0 : i32
          %add3A_184 = arith.addi %mul3A_182, %add3A_183 : i32
          %mul3A_185 = arith.constant 16 : i32
          %mul3A_186 = arith.muli %add3A_184, %mul3A_185 : i32
          %get3A = arith.index_cast %mul3A_186 : i32 to index
          %get3A_187 = tpu.vector_load %arg22[%get3A] {strides = array<i32>} : memref<2000xi32, #tpu.memory_space<vmem>>, vector<16xi32>,
          %get3A_188 = arith.index_cast %mul3A_186 : i32 to index
          %get3A_189 = tpu.vector_load %arg23[%get3A_188] {strides = array<i32>} : memref<2000xi32, #tpu.memory_space<vmem>>, vector<16xi32>,
          %get3A_190 = arith.index_cast %mul3A_186 : i32 to index
          %get3A_191 = tpu.vector_load %arg24[%get3A_190] {strides = array<i32>} : memref<2000xf32, #tpu.memory_space<vmem>>, vector<16xf32>,
          %gather3A = tpu.vector_load_idx %arg11[%get3A_187] : memref<10000xf32, #tpu.memory_space<vmem>>[vector<16xi32>], vector<16xf32>,
          %gather3A_192 = tpu.vector_load_idx %arg12[%get3A_189] : memref<10000xf32, #tpu.memory_space<vmem>>[vector<16xi32>], vector<16xf32>,
          %add3A_193 = arith.addf %gather3A, %gather3A_192 : vector<16xf32>
          %add3A_194 = arith.addf %add3A_193, %get3A_191 : vector<16xf32>
          %mul3A_195 = arith.constant 2.000000e-01 : f32
          %mul3A_196 = vector.broadcast %mul3A_195 : f32 to vector<16xf32>
          %mul3A_197 = arith.mulf %mul3A_196, %add3A_194 : vector<16xf32>
          %max3A = arith.maximumf %add3A_194, %mul3A_197 : vector<16xf32>
          %exp3A = math.exp %max3A : vector<16xf32>
          %swap3A = arith.index_cast %mul3A_186 : i32 to index
          %swap3A_198 = tpu.vector_load %arg20[%swap3A] {strides = array<i32>} : memref<2000xf32, #tpu.memory_space<vmem>>, vector<16xf32>,
          tpu.vector_store %arg20[%swap3A], %exp3A {strides = array<i32>} : memref<2000xf32, #tpu.memory_space<vmem>>, vector<16xf32>,
          tpu.vector_store_idx %arg13[%get3A_189], %exp3A {add = true} : memref<40000xf32, #tpu.memory_space<vmem>>[vector<16xi32>], vector<16xf32>,
          %mul3A_199 = arith.constant 5 : i32
          %mul3A_200 = arith.muli %scan3A_179, %mul3A_199 : i32
          %add3A_201 = arith.constant 1 : i32
          %add3A_202 = arith.addi %mul3A_200, %add3A_201 : i32
          %mul3A_203 = arith.constant 16 : i32
          %mul3A_204 = arith.muli %add3A_202, %mul3A_203 : i32
          %get3A_205 = arith.index_cast %mul3A_204 : i32 to index
          %get3A_206 = tpu.vector_load %arg22[%get3A_205] {strides = array<i32>} : memref<2000xi32, #tpu.memory_space<vmem>>, vector<16xi32>,
          %get3A_207 = arith.index_cast %mul3A_204 : i32 to index
          %get3A_208 = tpu.vector_load %arg23[%get3A_207] {strides = array<i32>} : memref<2000xi32, #tpu.memory_space<vmem>>, vector<16xi32>,
          %get3A_209 = arith.index_cast %mul3A_204 : i32 to index
          %get3A_210 = tpu.vector_load %arg24[%get3A_209] {strides = array<i32>} : memref<2000xf32, #tpu.memory_space<vmem>>, vector<16xf32>,
          %gather3A_211 = tpu.vector_load_idx %arg11[%get3A_206] : memref<10000xf32, #tpu.memory_space<vmem>>[vector<16xi32>], vector<16xf32>,
          %gather3A_212 = tpu.vector_load_idx %arg12[%get3A_208] : memref<10000xf32, #tpu.memory_space<vmem>>[vector<16xi32>], vector<16xf32>,
          %add3A_213 = arith.addf %gather3A_211, %gather3A_212 : vector<16xf32>
          %add3A_214 = arith.addf %add3A_213, %get3A_210 : vector<16xf32>
          %mul3A_215 = arith.constant 2.000000e-01 : f32
          %mul3A_216 = vector.broadcast %mul3A_215 : f32 to vector<16xf32>
          %mul3A_217 = arith.mulf %mul3A_216, %add3A_214 : vector<16xf32>
          %max3A_218 = arith.maximumf %add3A_214, %mul3A_217 : vector<16xf32>
          %exp3A_219 = math.exp %max3A_218 : vector<16xf32>
          %swap3A_220 = arith.index_cast %mul3A_204 : i32 to index
          %swap3A_221 = tpu.vector_load %arg20[%swap3A_220] {strides = array<i32>} : memref<2000xf32, #tpu.memory_space<vmem>>, vector<16xf32>,
          tpu.vector_store %arg20[%swap3A_220], %exp3A_219 {strides = array<i32>} : memref<2000xf32, #tpu.memory_space<vmem>>, vector<16xf32>,
          tpu.vector_store_idx %arg13[%get3A_208], %exp3A_219 {add = true} : memref<40000xf32, #tpu.memory_space<vmem>>[vector<16xi32>], vector<16xf32>,
          %mul3A_222 = arith.constant 5 : i32
          %mul3A_223 = arith.muli %scan3A_179, %mul3A_222 : i32
          %add3A_224 = arith.constant 2 : i32
          %add3A_225 = arith.addi %mul3A_223, %add3A_224 : i32
          %mul3A_226 = arith.constant 16 : i32
          %mul3A_227 = arith.muli %add3A_225, %mul3A_226 : i32
          %get3A_228 = arith.index_cast %mul3A_227 : i32 to index
          %get3A_229 = tpu.vector_load %arg22[%get3A_228] {strides = array<i32>} : memref<2000xi32, #tpu.memory_space<vmem>>, vector<16xi32>,
          %get3A_230 = arith.index_cast %mul3A_227 : i32 to index
          %get3A_231 = tpu.vector_load %arg23[%get3A_230] {strides = array<i32>} : memref<2000xi32, #tpu.memory_space<vmem>>, vector<16xi32>,
          %get3A_232 = arith.index_cast %mul3A_227 : i32 to index
          %get3A_233 = tpu.vector_load %arg24[%get3A_232] {strides = array<i32>} : memref<2000xf32, #tpu.memory_space<vmem>>, vector<16xf32>,
          %gather3A_234 = tpu.vector_load_idx %arg11[%get3A_229] : memref<10000xf32, #tpu.memory_space<vmem>>[vector<16xi32>], vector<16xf32>,
          %gather3A_235 = tpu.vector_load_idx %arg12[%get3A_231] : memref<10000xf32, #tpu.memory_space<vmem>>[vector<16xi32>], vector<16xf32>,
          %add3A_236 = arith.addf %gather3A_234, %gather3A_235 : vector<16xf32>
          %add3A_237 = arith.addf %add3A_236, %get3A_233 : vector<16xf32>
          %mul3A_238 = arith.constant 2.000000e-01 : f32
          %mul3A_239 = vector.broadcast %mul3A_238 : f32 to vector<16xf32>
          %mul3A_240 = arith.mulf %mul3A_239, %add3A_237 : vector<16xf32>
          %max3A_241 = arith.maximumf %add3A_237, %mul3A_240 : vector<16xf32>
          %exp3A_242 = math.exp %max3A_241 : vector<16xf32>
          %swap3A_243 = arith.index_cast %mul3A_227 : i32 to index
          %swap3A_244 = tpu.vector_load %arg20[%swap3A_243] {strides = array<i32>} : memref<2000xf32, #tpu.memory_space<vmem>>, vector<16xf32>,
          tpu.vector_store %arg20[%swap3A_243], %exp3A_242 {strides = array<i32>} : memref<2000xf32, #tpu.memory_space<vmem>>, vector<16xf32>,
          tpu.vector_store_idx %arg13[%get3A_231], %exp3A_242 {add = true} : memref<40000xf32, #tpu.memory_space<vmem>>[vector<16xi32>], vector<16xf32>,
          %mul3A_245 = arith.constant 5 : i32
          %mul3A_246 = arith.muli %scan3A_179, %mul3A_245 : i32
          %add3A_247 = arith.constant 3 : i32
          %add3A_248 = arith.addi %mul3A_246, %add3A_247 : i32
          %mul3A_249 = arith.constant 16 : i32
          %mul3A_250 = arith.muli %add3A_248, %mul3A_249 : i32
          %get3A_251 = arith.index_cast %mul3A_250 : i32 to index
          %get3A_252 = tpu.vector_load %arg22[%get3A_251] {strides = array<i32>} : memref<2000xi32, #tpu.memory_space<vmem>>, vector<16xi32>,
          %get3A_253 = arith.index_cast %mul3A_250 : i32 to index
          %get3A_254 = tpu.vector_load %arg23[%get3A_253] {strides = array<i32>} : memref<2000xi32, #tpu.memory_space<vmem>>, vector<16xi32>,
          %get3A_255 = arith.index_cast %mul3A_250 : i32 to index
          %get3A_256 = tpu.vector_load %arg24[%get3A_255] {strides = array<i32>} : memref<2000xf32, #tpu.memory_space<vmem>>, vector<16xf32>,
          %gather3A_257 = tpu.vector_load_idx %arg11[%get3A_252] : memref<10000xf32, #tpu.memory_space<vmem>>[vector<16xi32>], vector<16xf32>,
          %gather3A_258 = tpu.vector_load_idx %arg12[%get3A_254] : memref<10000xf32, #tpu.memory_space<vmem>>[vector<16xi32>], vector<16xf32>,
          %add3A_259 = arith.addf %gather3A_257, %gather3A_258 : vector<16xf32>
          %add3A_260 = arith.addf %add3A_259, %get3A_256 : vector<16xf32>
          %mul3A_261 = arith.constant 2.000000e-01 : f32
          %mul3A_262 = vector.broadcast %mul3A_261 : f32 to vector<16xf32>
          %mul3A_263 = arith.mulf %mul3A_262, %add3A_260 : vector<16xf32>
          %max3A_264 = arith.maximumf %add3A_260, %mul3A_263 : vector<16xf32>
          %exp3A_265 = math.exp %max3A_264 : vector<16xf32>
          %swap3A_266 = arith.index_cast %mul3A_250 : i32 to index
          %swap3A_267 = tpu.vector_load %arg20[%swap3A_266] {strides = array<i32>} : memref<2000xf32, #tpu.memory_space<vmem>>, vector<16xf32>,
          tpu.vector_store %arg20[%swap3A_266], %exp3A_265 {strides = array<i32>} : memref<2000xf32, #tpu.memory_space<vmem>>, vector<16xf32>,
          tpu.vector_store_idx %arg13[%get3A_254], %exp3A_265 {add = true} : memref<40000xf32, #tpu.memory_space<vmem>>[vector<16xi32>], vector<16xf32>,
          %mul3A_268 = arith.constant 5 : i32
          %mul3A_269 = arith.muli %scan3A_179, %mul3A_268 : i32
          %add3A_270 = arith.constant 4 : i32
          %add3A_271 = arith.addi %mul3A_269, %add3A_270 : i32
          %mul3A_272 = arith.constant 16 : i32
          %mul3A_273 = arith.muli %add3A_271, %mul3A_272 : i32
          %get3A_274 = arith.index_cast %mul3A_273 : i32 to index
          %get3A_275 = tpu.vector_load %arg22[%get3A_274] {strides = array<i32>} : memref<2000xi32, #tpu.memory_space<vmem>>, vector<16xi32>,
          %get3A_276 = arith.index_cast %mul3A_273 : i32 to index
          %get3A_277 = tpu.vector_load %arg23[%get3A_276] {strides = array<i32>} : memref<2000xi32, #tpu.memory_space<vmem>>, vector<16xi32>,
          %get3A_278 = arith.index_cast %mul3A_273 : i32 to index
          %get3A_279 = tpu.vector_load %arg24[%get3A_278] {strides = array<i32>} : memref<2000xf32, #tpu.memory_space<vmem>>, vector<16xf32>,
          %gather3A_280 = tpu.vector_load_idx %arg11[%get3A_275] : memref<10000xf32, #tpu.memory_space<vmem>>[vector<16xi32>], vector<16xf32>,
          %gather3A_281 = tpu.vector_load_idx %arg12[%get3A_277] : memref<10000xf32, #tpu.memory_space<vmem>>[vector<16xi32>], vector<16xf32>,
          %add3A_282 = arith.addf %gather3A_280, %gather3A_281 : vector<16xf32>
          %add3A_283 = arith.addf %add3A_282, %get3A_279 : vector<16xf32>
          %mul3A_284 = arith.constant 2.000000e-01 : f32
          %mul3A_285 = vector.broadcast %mul3A_284 : f32 to vector<16xf32>
          %mul3A_286 = arith.mulf %mul3A_285, %add3A_283 : vector<16xf32>
          %max3A_287 = arith.maximumf %add3A_283, %mul3A_286 : vector<16xf32>
          %exp3A_288 = math.exp %max3A_287 : vector<16xf32>
          %swap3A_289 = arith.index_cast %mul3A_273 : i32 to index
          %swap3A_290 = tpu.vector_load %arg20[%swap3A_289] {strides = array<i32>} : memref<2000xf32, #tpu.memory_space<vmem>>, vector<16xf32>,
          tpu.vector_store %arg20[%swap3A_289], %exp3A_288 {strides = array<i32>} : memref<2000xf32, #tpu.memory_space<vmem>>, vector<16xf32>,
          tpu.vector_store_idx %arg13[%get3A_277], %exp3A_288 {add = true} : memref<40000xf32, #tpu.memory_space<vmem>>[vector<16xi32>], vector<16xf32>,
          %scan3A_291 = arith.constant 0 : i32
          scf.yield %scan3A_291 : i32
        }
        %scan3A_178 = arith.constant 25 : i32
        "tpu.region"() ({
          %run_scoped3A = tpu.sem_alloc : memref<!tpu.dma_semaphore, #tpu.memory_space<semaphore_mem>>
          %dma_start3A_179 = tpu.memref_slice %arg8[%add3A_171] : memref<320000xf32, #tpu.memory_space<hbm>> -> memref<2000xf32, #tpu.memory_space<hbm>>
          %dma_start3A_180 = tpu.memref_slice %arg8[%add3A_171] : memref<320000xf32, #tpu.memory_space<hbm>> -> memref<2000xf32, #tpu.memory_space<hbm>>
          tpu.enqueue_dma source(%arg20 : memref<2000xf32, #tpu.memory_space<vmem>>) target(%dma_start3A_180 : memref<2000xf32, #tpu.memory_space<hbm>>) target_semaphore(%run_scoped3A : memref<!tpu.dma_semaphore, #tpu.memory_space<semaphore_mem>>)
          %dma_wait3A_181 = tpu.memref_slice %arg8[%add3A_171] : memref<320000xf32, #tpu.memory_space<hbm>> -> memref<2000xf32, #tpu.memory_space<hbm>>
          %dma_wait3A_182 = tpu.memref_slice %arg8[%add3A_171] : memref<320000xf32, #tpu.memory_space<hbm>> -> memref<2000xf32, #tpu.memory_space<hbm>>
          tpu.wait_dma2 semaphore(%run_scoped3A : memref<!tpu.dma_semaphore, #tpu.memory_space<semaphore_mem>>) src(%arg20 : memref<2000xf32, #tpu.memory_space<vmem>>) dst(%dma_wait3A_182 : memref<2000xf32, #tpu.memory_space<hbm>>)
          tpu.yield
        }) : () -> ()
      } else {
      }
      %scan3A_155 = arith.constant 0 : i32
      scf.yield %scan3A_155 : i32
    }
    %scan3A_28 = arith.constant 3 : i32
    %mul3A_29 = arith.constant 10000 : i32
    %mul3A_30 = arith.muli %add3A, %mul3A_29 : i32
    "tpu.region"() ({
      %run_scoped3A = tpu.sem_alloc : memref<!tpu.dma_semaphore, #tpu.memory_space<semaphore_mem>>
      %dma_start3A_115 = arith.constant 0 : i32
      %dma_start3A_116 = tpu.memref_slice %arg13[%dma_start3A_115] : memref<40000xf32, #tpu.memory_space<vmem>> -> memref<10000xf32, #tpu.memory_space<vmem>>
      %dma_start3A_117 = tpu.memref_slice %arg9[%mul3A_30] : memref<320000xf32, #tpu.memory_space<hbm>> -> memref<10000xf32, #tpu.memory_space<hbm>>
      %dma_start3A_118 = tpu.memref_slice %arg9[%mul3A_30] : memref<320000xf32, #tpu.memory_space<hbm>> -> memref<10000xf32, #tpu.memory_space<hbm>>
      %dma_start3A_119 = arith.constant 0 : i32
      %dma_start3A_120 = tpu.memref_slice %arg13[%dma_start3A_119] : memref<40000xf32, #tpu.memory_space<vmem>> -> memref<10000xf32, #tpu.memory_space<vmem>>
      tpu.enqueue_dma source(%dma_start3A_120 : memref<10000xf32, #tpu.memory_space<vmem>>) target(%dma_start3A_118 : memref<10000xf32, #tpu.memory_space<hbm>>) target_semaphore(%run_scoped3A : memref<!tpu.dma_semaphore, #tpu.memory_space<semaphore_mem>>)
      %dma_wait3A = arith.constant 0 : i32
      %dma_wait3A_121 = tpu.memref_slice %arg13[%dma_wait3A] : memref<40000xf32, #tpu.memory_space<vmem>> -> memref<10000xf32, #tpu.memory_space<vmem>>
      %dma_wait3A_122 = tpu.memref_slice %arg9[%mul3A_30] : memref<320000xf32, #tpu.memory_space<hbm>> -> memref<10000xf32, #tpu.memory_space<hbm>>
      %dma_wait3A_123 = tpu.memref_slice %arg9[%mul3A_30] : memref<320000xf32, #tpu.memory_space<hbm>> -> memref<10000xf32, #tpu.memory_space<hbm>>
      %dma_wait3A_124 = arith.constant 0 : i32
      %dma_wait3A_125 = tpu.memref_slice %arg13[%dma_wait3A_124] : memref<40000xf32, #tpu.memory_space<vmem>> -> memref<10000xf32, #tpu.memory_space<vmem>>
      tpu.wait_dma2 semaphore(%run_scoped3A : memref<!tpu.dma_semaphore, #tpu.memory_space<semaphore_mem>>) src(%dma_wait3A_125 : memref<10000xf32, #tpu.memory_space<vmem>>) dst(%dma_wait3A_123 : memref<10000xf32, #tpu.memory_space<hbm>>)
      tpu.yield
    }) : () -> ()
    %barrier3A = arith.constant 0 : index
    tpu.barrier barrier_id(%barrier3A)
    %mul3A_31 = arith.constant 4 : i32
    %mul3A_32 = arith.muli %mul3A_31, %arg1 : i32
    %add3A_33 = arith.constant 0 : i32
    %add3A_34 = arith.addi %mul3A_32, %add3A_33 : i32
    %mul3A_35 = arith.constant 10000 : i32
    %mul3A_36 = arith.muli %add3A_34, %mul3A_35 : i32
    "tpu.region"() ({
      %run_scoped3A = tpu.sem_alloc : memref<!tpu.dma_semaphore, #tpu.memory_space<semaphore_mem>>
      %dma_start3A_115 = arith.constant 0 : i32
      %dma_start3A_116 = tpu.memref_slice %arg13[%dma_start3A_115] : memref<40000xf32, #tpu.memory_space<vmem>> -> memref<10000xf32, #tpu.memory_space<vmem>>
      %dma_start3A_117 = tpu.memref_slice %arg7[%mul3A_36] : memref<640000xf32, #tpu.memory_space<hbm>> -> memref<10000xf32, #tpu.memory_space<hbm>>
      %dma_start3A_118 = arith.constant 0 : i32
      %dma_start3A_119 = tpu.memref_slice %arg13[%dma_start3A_118] : memref<40000xf32, #tpu.memory_space<vmem>> -> memref<10000xf32, #tpu.memory_space<vmem>>
      %dma_start3A_120 = tpu.memref_slice %arg7[%mul3A_36] : memref<640000xf32, #tpu.memory_space<hbm>> -> memref<10000xf32, #tpu.memory_space<hbm>>
      tpu.enqueue_dma source(%dma_start3A_120 : memref<10000xf32, #tpu.memory_space<hbm>>) target(%dma_start3A_119 : memref<10000xf32, #tpu.memory_space<vmem>>) target_semaphore(%run_scoped3A : memref<!tpu.dma_semaphore, #tpu.memory_space<semaphore_mem>>)
      %dma_wait3A = arith.constant 0 : i32
      %dma_wait3A_121 = tpu.memref_slice %arg13[%dma_wait3A] : memref<40000xf32, #tpu.memory_space<vmem>> -> memref<10000xf32, #tpu.memory_space<vmem>>
      %dma_wait3A_122 = tpu.memref_slice %arg7[%mul3A_36] : memref<640000xf32, #tpu.memory_space<hbm>> -> memref<10000xf32, #tpu.memory_space<hbm>>
      %dma_wait3A_123 = arith.constant 0 : i32
      %dma_wait3A_124 = tpu.memref_slice %arg13[%dma_wait3A_123] : memref<40000xf32, #tpu.memory_space<vmem>> -> memref<10000xf32, #tpu.memory_space<vmem>>
      %dma_wait3A_125 = tpu.memref_slice %arg7[%mul3A_36] : memref<640000xf32, #tpu.memory_space<hbm>> -> memref<10000xf32, #tpu.memory_space<hbm>>
      tpu.wait_dma2 semaphore(%run_scoped3A : memref<!tpu.dma_semaphore, #tpu.memory_space<semaphore_mem>>) src(%dma_wait3A_125 : memref<10000xf32, #tpu.memory_space<hbm>>) dst(%dma_wait3A_124 : memref<10000xf32, #tpu.memory_space<vmem>>)
      tpu.yield
    }) : () -> ()
    %mul3A_37 = arith.constant 4 : i32
    %mul3A_38 = arith.muli %mul3A_37, %arg1 : i32
    %add3A_39 = arith.constant 1 : i32
    %add3A_40 = arith.addi %mul3A_38, %add3A_39 : i32
    %mul3A_41 = arith.constant 10000 : i32
    %mul3A_42 = arith.muli %add3A_40, %mul3A_41 : i32
    "tpu.region"() ({
      %run_scoped3A = tpu.sem_alloc : memref<!tpu.dma_semaphore, #tpu.memory_space<semaphore_mem>>
      %dma_start3A_115 = arith.constant 10000 : i32
      %dma_start3A_116 = tpu.memref_slice %arg13[%dma_start3A_115] : memref<40000xf32, #tpu.memory_space<vmem>> -> memref<10000xf32, #tpu.memory_space<vmem>>
      %dma_start3A_117 = tpu.memref_slice %arg7[%mul3A_42] : memref<640000xf32, #tpu.memory_space<hbm>> -> memref<10000xf32, #tpu.memory_space<hbm>>
      %dma_start3A_118 = arith.constant 10000 : i32
      %dma_start3A_119 = tpu.memref_slice %arg13[%dma_start3A_118] : memref<40000xf32, #tpu.memory_space<vmem>> -> memref<10000xf32, #tpu.memory_space<vmem>>
      %dma_start3A_120 = tpu.memref_slice %arg7[%mul3A_42] : memref<640000xf32, #tpu.memory_space<hbm>> -> memref<10000xf32, #tpu.memory_space<hbm>>
      tpu.enqueue_dma source(%dma_start3A_120 : memref<10000xf32, #tpu.memory_space<hbm>>) target(%dma_start3A_119 : memref<10000xf32, #tpu.memory_space<vmem>>) target_semaphore(%run_scoped3A : memref<!tpu.dma_semaphore, #tpu.memory_space<semaphore_mem>>)
      %dma_wait3A = arith.constant 10000 : i32
      %dma_wait3A_121 = tpu.memref_slice %arg13[%dma_wait3A] : memref<40000xf32, #tpu.memory_space<vmem>> -> memref<10000xf32, #tpu.memory_space<vmem>>
      %dma_wait3A_122 = tpu.memref_slice %arg7[%mul3A_42] : memref<640000xf32, #tpu.memory_space<hbm>> -> memref<10000xf32, #tpu.memory_space<hbm>>
      %dma_wait3A_123 = arith.constant 10000 : i32
      %dma_wait3A_124 = tpu.memref_slice %arg13[%dma_wait3A_123] : memref<40000xf32, #tpu.memory_space<vmem>> -> memref<10000xf32, #tpu.memory_space<vmem>>
      %dma_wait3A_125 = tpu.memref_slice %arg7[%mul3A_42] : memref<640000xf32, #tpu.memory_space<hbm>> -> memref<10000xf32, #tpu.memory_space<hbm>>
      tpu.wait_dma2 semaphore(%run_scoped3A : memref<!tpu.dma_semaphore, #tpu.memory_space<semaphore_mem>>) src(%dma_wait3A_125 : memref<10000xf32, #tpu.memory_space<hbm>>) dst(%dma_wait3A_124 : memref<10000xf32, #tpu.memory_space<vmem>>)
      tpu.yield
    }) : () -> ()
    %mul3A_43 = arith.constant 4 : i32
    %mul3A_44 = arith.muli %mul3A_43, %arg1 : i32
    %add3A_45 = arith.constant 2 : i32
    %add3A_46 = arith.addi %mul3A_44, %add3A_45 : i32
    %mul3A_47 = arith.constant 10000 : i32
    %mul3A_48 = arith.muli %add3A_46, %mul3A_47 : i32
    "tpu.region"() ({
      %run_scoped3A = tpu.sem_alloc : memref<!tpu.dma_semaphore, #tpu.memory_space<semaphore_mem>>
      %dma_start3A_115 = arith.constant 20000 : i32
      %dma_start3A_116 = tpu.memref_slice %arg13[%dma_start3A_115] : memref<40000xf32, #tpu.memory_space<vmem>> -> memref<10000xf32, #tpu.memory_space<vmem>>
      %dma_start3A_117 = tpu.memref_slice %arg7[%mul3A_48] : memref<640000xf32, #tpu.memory_space<hbm>> -> memref<10000xf32, #tpu.memory_space<hbm>>
      %dma_start3A_118 = arith.constant 20000 : i32
      %dma_start3A_119 = tpu.memref_slice %arg13[%dma_start3A_118] : memref<40000xf32, #tpu.memory_space<vmem>> -> memref<10000xf32, #tpu.memory_space<vmem>>
      %dma_start3A_120 = tpu.memref_slice %arg7[%mul3A_48] : memref<640000xf32, #tpu.memory_space<hbm>> -> memref<10000xf32, #tpu.memory_space<hbm>>
      tpu.enqueue_dma source(%dma_start3A_120 : memref<10000xf32, #tpu.memory_space<hbm>>) target(%dma_start3A_119 : memref<10000xf32, #tpu.memory_space<vmem>>) target_semaphore(%run_scoped3A : memref<!tpu.dma_semaphore, #tpu.memory_space<semaphore_mem>>)
      %dma_wait3A = arith.constant 20000 : i32
      %dma_wait3A_121 = tpu.memref_slice %arg13[%dma_wait3A] : memref<40000xf32, #tpu.memory_space<vmem>> -> memref<10000xf32, #tpu.memory_space<vmem>>
      %dma_wait3A_122 = tpu.memref_slice %arg7[%mul3A_48] : memref<640000xf32, #tpu.memory_space<hbm>> -> memref<10000xf32, #tpu.memory_space<hbm>>
      %dma_wait3A_123 = arith.constant 20000 : i32
      %dma_wait3A_124 = tpu.memref_slice %arg13[%dma_wait3A_123] : memref<40000xf32, #tpu.memory_space<vmem>> -> memref<10000xf32, #tpu.memory_space<vmem>>
      %dma_wait3A_125 = tpu.memref_slice %arg7[%mul3A_48] : memref<640000xf32, #tpu.memory_space<hbm>> -> memref<10000xf32, #tpu.memory_space<hbm>>
      tpu.wait_dma2 semaphore(%run_scoped3A : memref<!tpu.dma_semaphore, #tpu.memory_space<semaphore_mem>>) src(%dma_wait3A_125 : memref<10000xf32, #tpu.memory_space<hbm>>) dst(%dma_wait3A_124 : memref<10000xf32, #tpu.memory_space<vmem>>)
      tpu.yield
    }) : () -> ()
    %mul3A_49 = arith.constant 4 : i32
    %mul3A_50 = arith.muli %mul3A_49, %arg1 : i32
    %add3A_51 = arith.constant 3 : i32
    %add3A_52 = arith.addi %mul3A_50, %add3A_51 : i32
    %mul3A_53 = arith.constant 10000 : i32
    %mul3A_54 = arith.muli %add3A_52, %mul3A_53 : i32
    "tpu.region"() ({
      %run_scoped3A = tpu.sem_alloc : memref<!tpu.dma_semaphore, #tpu.memory_space<semaphore_mem>>
      %dma_start3A_115 = arith.constant 30000 : i32
      %dma_start3A_116 = tpu.memref_slice %arg13[%dma_start3A_115] : memref<40000xf32, #tpu.memory_space<vmem>> -> memref<10000xf32, #tpu.memory_space<vmem>>
      %dma_start3A_117 = tpu.memref_slice %arg7[%mul3A_54] : memref<640000xf32, #tpu.memory_space<hbm>> -> memref<10000xf32, #tpu.memory_space<hbm>>
      %dma_start3A_118 = arith.constant 30000 : i32
      %dma_start3A_119 = tpu.memref_slice %arg13[%dma_start3A_118] : memref<40000xf32, #tpu.memory_space<vmem>> -> memref<10000xf32, #tpu.memory_space<vmem>>
      %dma_start3A_120 = tpu.memref_slice %arg7[%mul3A_54] : memref<640000xf32, #tpu.memory_space<hbm>> -> memref<10000xf32, #tpu.memory_space<hbm>>
      tpu.enqueue_dma source(%dma_start3A_120 : memref<10000xf32, #tpu.memory_space<hbm>>) target(%dma_start3A_119 : memref<10000xf32, #tpu.memory_space<vmem>>) target_semaphore(%run_scoped3A : memref<!tpu.dma_semaphore, #tpu.memory_space<semaphore_mem>>)
      %dma_wait3A = arith.constant 30000 : i32
      %dma_wait3A_121 = tpu.memref_slice %arg13[%dma_wait3A] : memref<40000xf32, #tpu.memory_space<vmem>> -> memref<10000xf32, #tpu.memory_space<vmem>>
      %dma_wait3A_122 = tpu.memref_slice %arg7[%mul3A_54] : memref<640000xf32, #tpu.memory_space<hbm>> -> memref<10000xf32, #tpu.memory_space<hbm>>
      %dma_wait3A_123 = arith.constant 30000 : i32
      %dma_wait3A_124 = tpu.memref_slice %arg13[%dma_wait3A_123] : memref<40000xf32, #tpu.memory_space<vmem>> -> memref<10000xf32, #tpu.memory_space<vmem>>
      %dma_wait3A_125 = tpu.memref_slice %arg7[%mul3A_54] : memref<640000xf32, #tpu.memory_space<hbm>> -> memref<10000xf32, #tpu.memory_space<hbm>>
      tpu.wait_dma2 semaphore(%run_scoped3A : memref<!tpu.dma_semaphore, #tpu.memory_space<semaphore_mem>>) src(%dma_wait3A_125 : memref<10000xf32, #tpu.memory_space<hbm>>) dst(%dma_wait3A_124 : memref<10000xf32, #tpu.memory_space<vmem>>)
      tpu.yield
    }) : () -> ()
    %scan3A_55 = arith.constant 0 : i32
    %scan3A_56 = arith.constant 0 : i32
    %scan3A_57 = arith.constant 500 : i32
    %scan3A_58 = arith.addi %scan3A_56, %scan3A_57 : i32
    %scan3A_59 = arith.constant 1 : i32
    %scan3A_60 = scf.for %scan3A_115 = %scan3A_56 to %scan3A_58 step %scan3A_59 iter_args(%scan3A_116 = %scan3A_55) -> (i32)  : i32 {
      %mul3A_117 = arith.constant 5 : i32
      %mul3A_118 = arith.muli %scan3A_115, %mul3A_117 : i32
      %mul3A_119 = arith.constant 16 : i32
      %mul3A_120 = arith.muli %mul3A_118, %mul3A_119 : i32
      %add3A_121 = arith.constant 0 : i32
      %add3A_122 = arith.addi %mul3A_120, %add3A_121 : i32
      %swap3A = arith.index_cast %add3A_122 : i32 to index
      %swap3A_123 = tpu.vector_load %arg14[%swap3A] {strides = array<i32>} : memref<40000xf32, #tpu.memory_space<vmem>>, vector<16xf32>,
      tpu.vector_store %arg14[%swap3A], %broadcast_in_dim3A_1 {strides = array<i32>} : memref<40000xf32, #tpu.memory_space<vmem>>, vector<16xf32>,
      %mul3A_124 = arith.constant 5 : i32
      %mul3A_125 = arith.muli %scan3A_115, %mul3A_124 : i32
      %mul3A_126 = arith.constant 16 : i32
      %mul3A_127 = arith.muli %mul3A_125, %mul3A_126 : i32
      %add3A_128 = arith.constant 16 : i32
      %add3A_129 = arith.addi %mul3A_127, %add3A_128 : i32
      %swap3A_130 = arith.index_cast %add3A_129 : i32 to index
      %swap3A_131 = tpu.vector_load %arg14[%swap3A_130] {strides = array<i32>} : memref<40000xf32, #tpu.memory_space<vmem>>, vector<16xf32>,
      tpu.vector_store %arg14[%swap3A_130], %broadcast_in_dim3A_1 {strides = array<i32>} : memref<40000xf32, #tpu.memory_space<vmem>>, vector<16xf32>,
      %mul3A_132 = arith.constant 5 : i32
      %mul3A_133 = arith.muli %scan3A_115, %mul3A_132 : i32
      %mul3A_134 = arith.constant 16 : i32
      %mul3A_135 = arith.muli %mul3A_133, %mul3A_134 : i32
      %add3A_136 = arith.constant 32 : i32
      %add3A_137 = arith.addi %mul3A_135, %add3A_136 : i32
      %swap3A_138 = arith.index_cast %add3A_137 : i32 to index
      %swap3A_139 = tpu.vector_load %arg14[%swap3A_138] {strides = array<i32>} : memref<40000xf32, #tpu.memory_space<vmem>>, vector<16xf32>,
      tpu.vector_store %arg14[%swap3A_138], %broadcast_in_dim3A_1 {strides = array<i32>} : memref<40000xf32, #tpu.memory_space<vmem>>, vector<16xf32>,
      %mul3A_140 = arith.constant 5 : i32
      %mul3A_141 = arith.muli %scan3A_115, %mul3A_140 : i32
      %mul3A_142 = arith.constant 16 : i32
      %mul3A_143 = arith.muli %mul3A_141, %mul3A_142 : i32
      %add3A_144 = arith.constant 48 : i32
      %add3A_145 = arith.addi %mul3A_143, %add3A_144 : i32
      %swap3A_146 = arith.index_cast %add3A_145 : i32 to index
      %swap3A_147 = tpu.vector_load %arg14[%swap3A_146] {strides = array<i32>} : memref<40000xf32, #tpu.memory_space<vmem>>, vector<16xf32>,
      tpu.vector_store %arg14[%swap3A_146], %broadcast_in_dim3A_1 {strides = array<i32>} : memref<40000xf32, #tpu.memory_space<vmem>>, vector<16xf32>,
      %mul3A_148 = arith.constant 5 : i32
      %mul3A_149 = arith.muli %scan3A_115, %mul3A_148 : i32
      %mul3A_150 = arith.constant 16 : i32
      %mul3A_151 = arith.muli %mul3A_149, %mul3A_150 : i32
      %add3A_152 = arith.constant 64 : i32
      %add3A_153 = arith.addi %mul3A_151, %add3A_152 : i32
      %swap3A_154 = arith.index_cast %add3A_153 : i32 to index
      %swap3A_155 = tpu.vector_load %arg14[%swap3A_154] {strides = array<i32>} : memref<40000xf32, #tpu.memory_space<vmem>>, vector<16xf32>,
      tpu.vector_store %arg14[%swap3A_154], %broadcast_in_dim3A_1 {strides = array<i32>} : memref<40000xf32, #tpu.memory_space<vmem>>, vector<16xf32>,
      %scan3A_156 = arith.constant 0 : i32
      scf.yield %scan3A_156 : i32
    }
    %scan3A_61 = arith.constant 500 : i32
    %mul3A_62 = arith.constant 160000 : i32
    %mul3A_63 = arith.muli %arg0, %mul3A_62 : i32
    %add3A_64 = arith.constant 0 : i32
    %add3A_65 = arith.addi %mul3A_63, %add3A_64 : i32
    %dma_start3A_66 = tpu.memref_slice %arg2[%add3A_65] : memref<320000xi32, #tpu.memory_space<hbm>> -> memref<2000xi32, #tpu.memory_space<hbm>>
    %dma_start3A_67 = tpu.memref_slice %arg2[%add3A_65] : memref<320000xi32, #tpu.memory_space<hbm>> -> memref<2000xi32, #tpu.memory_space<hbm>>
    tpu.enqueue_dma source(%dma_start3A_67 : memref<2000xi32, #tpu.memory_space<hbm>>) target(%arg15 : memref<2000xi32, #tpu.memory_space<vmem>>) target_semaphore(%arg25 : memref<!tpu.dma_semaphore, #tpu.memory_space<semaphore_mem>>)
    %dma_start3A_68 = tpu.memref_slice %arg3[%add3A_65] : memref<320000xi32, #tpu.memory_space<hbm>> -> memref<2000xi32, #tpu.memory_space<hbm>>
    %dma_start3A_69 = tpu.memref_slice %arg3[%add3A_65] : memref<320000xi32, #tpu.memory_space<hbm>> -> memref<2000xi32, #tpu.memory_space<hbm>>
    tpu.enqueue_dma source(%dma_start3A_69 : memref<2000xi32, #tpu.memory_space<hbm>>) target(%arg16 : memref<2000xi32, #tpu.memory_space<vmem>>) target_semaphore(%arg25 : memref<!tpu.dma_semaphore, #tpu.memory_space<semaphore_mem>>)
    %dma_start3A_70 = tpu.memref_slice %arg8[%add3A_65] : memref<320000xf32, #tpu.memory_space<hbm>> -> memref<2000xf32, #tpu.memory_space<hbm>>
    %dma_start3A_71 = tpu.memref_slice %arg8[%add3A_65] : memref<320000xf32, #tpu.memory_space<hbm>> -> memref<2000xf32, #tpu.memory_space<hbm>>
    tpu.enqueue_dma source(%dma_start3A_71 : memref<2000xf32, #tpu.memory_space<hbm>>) target(%arg17 : memref<2000xf32, #tpu.memory_space<vmem>>) target_semaphore(%arg25 : memref<!tpu.dma_semaphore, #tpu.memory_space<semaphore_mem>>)
    %scan3A_72 = arith.constant 0 : i32
    %scan3A_73 = arith.constant 0 : i32
    %scan3A_74 = arith.constant 40 : i32
    %scan3A_75 = arith.addi %scan3A_73, %scan3A_74 : i32
    %scan3A_76 = arith.constant 1 : i32
    %scan3A_77 = scf.for %scan3A_115 = %scan3A_73 to %scan3A_75 step %scan3A_76 iter_args(%scan3A_116 = %scan3A_72) -> (i32)  : i32 {
      %mul3A_117 = arith.constant 2 : i32
      %mul3A_118 = arith.muli %mul3A_117, %scan3A_115 : i32
      %add3A_119 = arith.constant 1 : i32
      %add3A_120 = arith.addi %mul3A_118, %add3A_119 : i32
      %mul3A_121 = arith.constant 160000 : i32
      %mul3A_122 = arith.muli %arg0, %mul3A_121 : i32
      %mul3A_123 = arith.constant 2000 : i32
      %mul3A_124 = arith.muli %add3A_120, %mul3A_123 : i32
      %add3A_125 = arith.addi %mul3A_122, %mul3A_124 : i32
      %dma_start3A_126 = tpu.memref_slice %arg2[%add3A_125] : memref<320000xi32, #tpu.memory_space<hbm>> -> memref<2000xi32, #tpu.memory_space<hbm>>
      %dma_start3A_127 = tpu.memref_slice %arg2[%add3A_125] : memref<320000xi32, #tpu.memory_space<hbm>> -> memref<2000xi32, #tpu.memory_space<hbm>>
      tpu.enqueue_dma source(%dma_start3A_127 : memref<2000xi32, #tpu.memory_space<hbm>>) target(%arg22 : memref<2000xi32, #tpu.memory_space<vmem>>) target_semaphore(%arg25 : memref<!tpu.dma_semaphore, #tpu.memory_space<semaphore_mem>>)
      %dma_start3A_128 = tpu.memref_slice %arg3[%add3A_125] : memref<320000xi32, #tpu.memory_space<hbm>> -> memref<2000xi32, #tpu.memory_space<hbm>>
      %dma_start3A_129 = tpu.memref_slice %arg3[%add3A_125] : memref<320000xi32, #tpu.memory_space<hbm>> -> memref<2000xi32, #tpu.memory_space<hbm>>
      tpu.enqueue_dma source(%dma_start3A_129 : memref<2000xi32, #tpu.memory_space<hbm>>) target(%arg23 : memref<2000xi32, #tpu.memory_space<vmem>>) target_semaphore(%arg25 : memref<!tpu.dma_semaphore, #tpu.memory_space<semaphore_mem>>)
      %dma_start3A_130 = tpu.memref_slice %arg8[%add3A_125] : memref<320000xf32, #tpu.memory_space<hbm>> -> memref<2000xf32, #tpu.memory_space<hbm>>
      %dma_start3A_131 = tpu.memref_slice %arg8[%add3A_125] : memref<320000xf32, #tpu.memory_space<hbm>> -> memref<2000xf32, #tpu.memory_space<hbm>>
      tpu.enqueue_dma source(%dma_start3A_131 : memref<2000xf32, #tpu.memory_space<hbm>>) target(%arg24 : memref<2000xf32, #tpu.memory_space<vmem>>) target_semaphore(%arg25 : memref<!tpu.dma_semaphore, #tpu.memory_space<semaphore_mem>>)
      %mul3A_132 = arith.constant 160000 : i32
      %mul3A_133 = arith.muli %arg0, %mul3A_132 : i32
      %mul3A_134 = arith.constant 2000 : i32
      %mul3A_135 = arith.muli %mul3A_118, %mul3A_134 : i32
      %add3A_136 = arith.addi %mul3A_133, %mul3A_135 : i32
      %dma_wait3A = tpu.memref_slice %arg2[%add3A_136] : memref<320000xi32, #tpu.memory_space<hbm>> -> memref<2000xi32, #tpu.memory_space<hbm>>
      %dma_wait3A_137 = tpu.memref_slice %arg2[%add3A_136] : memref<320000xi32, #tpu.memory_space<hbm>> -> memref<2000xi32, #tpu.memory_space<hbm>>
      tpu.wait_dma2 semaphore(%arg25 : memref<!tpu.dma_semaphore, #tpu.memory_space<semaphore_mem>>) src(%dma_wait3A_137 : memref<2000xi32, #tpu.memory_space<hbm>>) dst(%arg15 : memref<2000xi32, #tpu.memory_space<vmem>>)
      %dma_wait3A_138 = tpu.memref_slice %arg3[%add3A_136] : memref<320000xi32, #tpu.memory_space<hbm>> -> memref<2000xi32, #tpu.memory_space<hbm>>
      %dma_wait3A_139 = tpu.memref_slice %arg3[%add3A_136] : memref<320000xi32, #tpu.memory_space<hbm>> -> memref<2000xi32, #tpu.memory_space<hbm>>
      tpu.wait_dma2 semaphore(%arg25 : memref<!tpu.dma_semaphore, #tpu.memory_space<semaphore_mem>>) src(%dma_wait3A_139 : memref<2000xi32, #tpu.memory_space<hbm>>) dst(%arg16 : memref<2000xi32, #tpu.memory_space<vmem>>)
      %dma_wait3A_140 = tpu.memref_slice %arg8[%add3A_136] : memref<320000xf32, #tpu.memory_space<hbm>> -> memref<2000xf32, #tpu.memory_space<hbm>>
      %dma_wait3A_141 = tpu.memref_slice %arg8[%add3A_136] : memref<320000xf32, #tpu.memory_space<hbm>> -> memref<2000xf32, #tpu.memory_space<hbm>>
      tpu.wait_dma2 semaphore(%arg25 : memref<!tpu.dma_semaphore, #tpu.memory_space<semaphore_mem>>) src(%dma_wait3A_141 : memref<2000xf32, #tpu.memory_space<hbm>>) dst(%arg17 : memref<2000xf32, #tpu.memory_space<vmem>>)
      %scan3A_142 = arith.constant 0 : i32
      %scan3A_143 = arith.constant 0 : i32
      %scan3A_144 = arith.constant 125 : i32
      %scan3A_145 = arith.addi %scan3A_143, %scan3A_144 : i32
      %scan3A_146 = arith.constant 1 : i32
      %scan3A_147 = scf.for %scan3A_174 = %scan3A_143 to %scan3A_145 step %scan3A_146 iter_args(%scan3A_175 = %scan3A_142) -> (i32)  : i32 {
        %mul3A_176 = arith.constant 16 : i32
        %mul3A_177 = arith.muli %scan3A_174, %mul3A_176 : i32
        %get3A = arith.index_cast %mul3A_177 : i32 to index
        %get3A_178 = tpu.vector_load %arg15[%get3A] {strides = array<i32>} : memref<2000xi32, #tpu.memory_space<vmem>>, vector<16xi32>,
        %get3A_179 = arith.index_cast %mul3A_177 : i32 to index
        %get3A_180 = tpu.vector_load %arg16[%get3A_179] {strides = array<i32>} : memref<2000xi32, #tpu.memory_space<vmem>>, vector<16xi32>,
        %get3A_181 = arith.index_cast %mul3A_177 : i32 to index
        %get3A_182 = tpu.vector_load %arg17[%get3A_181] {strides = array<i32>} : memref<2000xf32, #tpu.memory_space<vmem>>, vector<16xf32>,
        %gather3A = tpu.vector_load_idx %arg13[%get3A_178] : memref<40000xf32, #tpu.memory_space<vmem>>[vector<16xi32>], vector<16xf32>,
        %mul3A_183 = arith.mulf %gather3A, %get3A_182 : vector<16xf32>
        tpu.vector_store_idx %arg14[%get3A_180], %mul3A_183 {add = true} : memref<40000xf32, #tpu.memory_space<vmem>>[vector<16xi32>], vector<16xf32>,
        %add3A_184 = arith.constant 10000 : i32
        %add3A_185 = vector.broadcast %add3A_184 : i32 to vector<16xi32>
        %add3A_186 = arith.addi %get3A_178, %add3A_185 : vector<16xi32>
        %add3A_187 = arith.constant 10000 : i32
        %add3A_188 = vector.broadcast %add3A_187 : i32 to vector<16xi32>
        %add3A_189 = arith.addi %get3A_180, %add3A_188 : vector<16xi32>
        %gather3A_190 = tpu.vector_load_idx %arg13[%add3A_186] : memref<40000xf32, #tpu.memory_space<vmem>>[vector<16xi32>], vector<16xf32>,
        %mul3A_191 = arith.mulf %gather3A_190, %get3A_182 : vector<16xf32>
        tpu.vector_store_idx %arg14[%add3A_189], %mul3A_191 {add = true} : memref<40000xf32, #tpu.memory_space<vmem>>[vector<16xi32>], vector<16xf32>,
        %add3A_192 = arith.constant 20000 : i32
        %add3A_193 = vector.broadcast %add3A_192 : i32 to vector<16xi32>
        %add3A_194 = arith.addi %get3A_178, %add3A_193 : vector<16xi32>
        %add3A_195 = arith.constant 20000 : i32
        %add3A_196 = vector.broadcast %add3A_195 : i32 to vector<16xi32>
        %add3A_197 = arith.addi %get3A_180, %add3A_196 : vector<16xi32>
        %gather3A_198 = tpu.vector_load_idx %arg13[%add3A_194] : memref<40000xf32, #tpu.memory_space<vmem>>[vector<16xi32>], vector<16xf32>,
        %mul3A_199 = arith.mulf %gather3A_198, %get3A_182 : vector<16xf32>
        tpu.vector_store_idx %arg14[%add3A_197], %mul3A_199 {add = true} : memref<40000xf32, #tpu.memory_space<vmem>>[vector<16xi32>], vector<16xf32>,
        %add3A_200 = arith.constant 30000 : i32
        %add3A_201 = vector.broadcast %add3A_200 : i32 to vector<16xi32>
        %add3A_202 = arith.addi %get3A_178, %add3A_201 : vector<16xi32>
        %add3A_203 = arith.constant 30000 : i32
        %add3A_204 = vector.broadcast %add3A_203 : i32 to vector<16xi32>
        %add3A_205 = arith.addi %get3A_180, %add3A_204 : vector<16xi32>
        %gather3A_206 = tpu.vector_load_idx %arg13[%add3A_202] : memref<40000xf32, #tpu.memory_space<vmem>>[vector<16xi32>], vector<16xf32>,
        %mul3A_207 = arith.mulf %gather3A_206, %get3A_182 : vector<16xf32>
        tpu.vector_store_idx %arg14[%add3A_205], %mul3A_207 {add = true} : memref<40000xf32, #tpu.memory_space<vmem>>[vector<16xi32>], vector<16xf32>,
        %scan3A_208 = arith.constant 0 : i32
        scf.yield %scan3A_208 : i32
      }
      %scan3A_148 = arith.constant 125 : i32
      %add3A_149 = arith.constant 2 : i32
      %add3A_150 = arith.addi %mul3A_118, %add3A_149 : i32
      %lt3A = arith.constant 80 : i32
      %lt3A_151 = arith.cmpi slt, %add3A_150, %lt3A : i32
      %convert_element_type3A = arith.extui %lt3A_151 : i1 to i32
      %cond3A = arith.constant 0 : i32
      %cond3A_152 = arith.cmpi ne, %convert_element_type3A, %cond3A : i32
      scf.if %cond3A_152 {
        %add3A_174 = arith.constant 2 : i32
        %add3A_175 = arith.addi %mul3A_118, %add3A_174 : i32
        %mul3A_176 = arith.constant 160000 : i32
        %mul3A_177 = arith.muli %arg0, %mul3A_176 : i32
        %mul3A_178 = arith.constant 2000 : i32
        %mul3A_179 = arith.muli %add3A_175, %mul3A_178 : i32
        %add3A_180 = arith.addi %mul3A_177, %mul3A_179 : i32
        %dma_start3A_181 = tpu.memref_slice %arg2[%add3A_180] : memref<320000xi32, #tpu.memory_space<hbm>> -> memref<2000xi32, #tpu.memory_space<hbm>>
        %dma_start3A_182 = tpu.memref_slice %arg2[%add3A_180] : memref<320000xi32, #tpu.memory_space<hbm>> -> memref<2000xi32, #tpu.memory_space<hbm>>
        tpu.enqueue_dma source(%dma_start3A_182 : memref<2000xi32, #tpu.memory_space<hbm>>) target(%arg15 : memref<2000xi32, #tpu.memory_space<vmem>>) target_semaphore(%arg25 : memref<!tpu.dma_semaphore, #tpu.memory_space<semaphore_mem>>)
        %dma_start3A_183 = tpu.memref_slice %arg3[%add3A_180] : memref<320000xi32, #tpu.memory_space<hbm>> -> memref<2000xi32, #tpu.memory_space<hbm>>
        %dma_start3A_184 = tpu.memref_slice %arg3[%add3A_180] : memref<320000xi32, #tpu.memory_space<hbm>> -> memref<2000xi32, #tpu.memory_space<hbm>>
        tpu.enqueue_dma source(%dma_start3A_184 : memref<2000xi32, #tpu.memory_space<hbm>>) target(%arg16 : memref<2000xi32, #tpu.memory_space<vmem>>) target_semaphore(%arg25 : memref<!tpu.dma_semaphore, #tpu.memory_space<semaphore_mem>>)
        %dma_start3A_185 = tpu.memref_slice %arg8[%add3A_180] : memref<320000xf32, #tpu.memory_space<hbm>> -> memref<2000xf32, #tpu.memory_space<hbm>>
        %dma_start3A_186 = tpu.memref_slice %arg8[%add3A_180] : memref<320000xf32, #tpu.memory_space<hbm>> -> memref<2000xf32, #tpu.memory_space<hbm>>
        tpu.enqueue_dma source(%dma_start3A_186 : memref<2000xf32, #tpu.memory_space<hbm>>) target(%arg17 : memref<2000xf32, #tpu.memory_space<vmem>>) target_semaphore(%arg25 : memref<!tpu.dma_semaphore, #tpu.memory_space<semaphore_mem>>)
      } else {
      }
      %add3A_153 = arith.constant 1 : i32
      %add3A_154 = arith.addi %mul3A_118, %add3A_153 : i32
      %mul3A_155 = arith.constant 160000 : i32
      %mul3A_156 = arith.muli %arg0, %mul3A_155 : i32
      %mul3A_157 = arith.constant 2000 : i32
      %mul3A_158 = arith.muli %add3A_154, %mul3A_157 : i32
      %add3A_159 = arith.addi %mul3A_156, %mul3A_158 : i32
      %dma_wait3A_160 = tpu.memref_slice %arg2[%add3A_159] : memref<320000xi32, #tpu.memory_space<hbm>> -> memref<2000xi32, #tpu.memory_space<hbm>>
      %dma_wait3A_161 = tpu.memref_slice %arg2[%add3A_159] : memref<320000xi32, #tpu.memory_space<hbm>> -> memref<2000xi32, #tpu.memory_space<hbm>>
      tpu.wait_dma2 semaphore(%arg25 : memref<!tpu.dma_semaphore, #tpu.memory_space<semaphore_mem>>) src(%dma_wait3A_161 : memref<2000xi32, #tpu.memory_space<hbm>>) dst(%arg22 : memref<2000xi32, #tpu.memory_space<vmem>>)
      %dma_wait3A_162 = tpu.memref_slice %arg3[%add3A_159] : memref<320000xi32, #tpu.memory_space<hbm>> -> memref<2000xi32, #tpu.memory_space<hbm>>
      %dma_wait3A_163 = tpu.memref_slice %arg3[%add3A_159] : memref<320000xi32, #tpu.memory_space<hbm>> -> memref<2000xi32, #tpu.memory_space<hbm>>
      tpu.wait_dma2 semaphore(%arg25 : memref<!tpu.dma_semaphore, #tpu.memory_space<semaphore_mem>>) src(%dma_wait3A_163 : memref<2000xi32, #tpu.memory_space<hbm>>) dst(%arg23 : memref<2000xi32, #tpu.memory_space<vmem>>)
      %dma_wait3A_164 = tpu.memref_slice %arg8[%add3A_159] : memref<320000xf32, #tpu.memory_space<hbm>> -> memref<2000xf32, #tpu.memory_space<hbm>>
      %dma_wait3A_165 = tpu.memref_slice %arg8[%add3A_159] : memref<320000xf32, #tpu.memory_space<hbm>> -> memref<2000xf32, #tpu.memory_space<hbm>>
      tpu.wait_dma2 semaphore(%arg25 : memref<!tpu.dma_semaphore, #tpu.memory_space<semaphore_mem>>) src(%dma_wait3A_165 : memref<2000xf32, #tpu.memory_space<hbm>>) dst(%arg24 : memref<2000xf32, #tpu.memory_space<vmem>>)
      %scan3A_166 = arith.constant 0 : i32
      %scan3A_167 = arith.constant 0 : i32
      %scan3A_168 = arith.constant 125 : i32
      %scan3A_169 = arith.addi %scan3A_167, %scan3A_168 : i32
      %scan3A_170 = arith.constant 1 : i32
      %scan3A_171 = scf.for %scan3A_174 = %scan3A_167 to %scan3A_169 step %scan3A_170 iter_args(%scan3A_175 = %scan3A_166) -> (i32)  : i32 {
        %mul3A_176 = arith.constant 16 : i32
        %mul3A_177 = arith.muli %scan3A_174, %mul3A_176 : i32
        %get3A = arith.index_cast %mul3A_177 : i32 to index
        %get3A_178 = tpu.vector_load %arg22[%get3A] {strides = array<i32>} : memref<2000xi32, #tpu.memory_space<vmem>>, vector<16xi32>,
        %get3A_179 = arith.index_cast %mul3A_177 : i32 to index
        %get3A_180 = tpu.vector_load %arg23[%get3A_179] {strides = array<i32>} : memref<2000xi32, #tpu.memory_space<vmem>>, vector<16xi32>,
        %get3A_181 = arith.index_cast %mul3A_177 : i32 to index
        %get3A_182 = tpu.vector_load %arg24[%get3A_181] {strides = array<i32>} : memref<2000xf32, #tpu.memory_space<vmem>>, vector<16xf32>,
        %gather3A = tpu.vector_load_idx %arg13[%get3A_178] : memref<40000xf32, #tpu.memory_space<vmem>>[vector<16xi32>], vector<16xf32>,
        %mul3A_183 = arith.mulf %gather3A, %get3A_182 : vector<16xf32>
        tpu.vector_store_idx %arg14[%get3A_180], %mul3A_183 {add = true} : memref<40000xf32, #tpu.memory_space<vmem>>[vector<16xi32>], vector<16xf32>,
        %add3A_184 = arith.constant 10000 : i32
        %add3A_185 = vector.broadcast %add3A_184 : i32 to vector<16xi32>
        %add3A_186 = arith.addi %get3A_178, %add3A_185 : vector<16xi32>
        %add3A_187 = arith.constant 10000 : i32
        %add3A_188 = vector.broadcast %add3A_187 : i32 to vector<16xi32>
        %add3A_189 = arith.addi %get3A_180, %add3A_188 : vector<16xi32>
        %gather3A_190 = tpu.vector_load_idx %arg13[%add3A_186] : memref<40000xf32, #tpu.memory_space<vmem>>[vector<16xi32>], vector<16xf32>,
        %mul3A_191 = arith.mulf %gather3A_190, %get3A_182 : vector<16xf32>
        tpu.vector_store_idx %arg14[%add3A_189], %mul3A_191 {add = true} : memref<40000xf32, #tpu.memory_space<vmem>>[vector<16xi32>], vector<16xf32>,
        %add3A_192 = arith.constant 20000 : i32
        %add3A_193 = vector.broadcast %add3A_192 : i32 to vector<16xi32>
        %add3A_194 = arith.addi %get3A_178, %add3A_193 : vector<16xi32>
        %add3A_195 = arith.constant 20000 : i32
        %add3A_196 = vector.broadcast %add3A_195 : i32 to vector<16xi32>
        %add3A_197 = arith.addi %get3A_180, %add3A_196 : vector<16xi32>
        %gather3A_198 = tpu.vector_load_idx %arg13[%add3A_194] : memref<40000xf32, #tpu.memory_space<vmem>>[vector<16xi32>], vector<16xf32>,
        %mul3A_199 = arith.mulf %gather3A_198, %get3A_182 : vector<16xf32>
        tpu.vector_store_idx %arg14[%add3A_197], %mul3A_199 {add = true} : memref<40000xf32, #tpu.memory_space<vmem>>[vector<16xi32>], vector<16xf32>,
        %add3A_200 = arith.constant 30000 : i32
        %add3A_201 = vector.broadcast %add3A_200 : i32 to vector<16xi32>
        %add3A_202 = arith.addi %get3A_178, %add3A_201 : vector<16xi32>
        %add3A_203 = arith.constant 30000 : i32
        %add3A_204 = vector.broadcast %add3A_203 : i32 to vector<16xi32>
        %add3A_205 = arith.addi %get3A_180, %add3A_204 : vector<16xi32>
        %gather3A_206 = tpu.vector_load_idx %arg13[%add3A_202] : memref<40000xf32, #tpu.memory_space<vmem>>[vector<16xi32>], vector<16xf32>,
        %mul3A_207 = arith.mulf %gather3A_206, %get3A_182 : vector<16xf32>
        tpu.vector_store_idx %arg14[%add3A_205], %mul3A_207 {add = true} : memref<40000xf32, #tpu.memory_space<vmem>>[vector<16xi32>], vector<16xf32>,
        %scan3A_208 = arith.constant 0 : i32
        scf.yield %scan3A_208 : i32
      }
      %scan3A_172 = arith.constant 125 : i32
      %scan3A_173 = arith.constant 0 : i32
      scf.yield %scan3A_173 : i32
    }
    %scan3A_78 = arith.constant 40 : i32
    %mul3A_79 = arith.constant 64 : i32
    %mul3A_80 = arith.muli %arg0, %mul3A_79 : i32
    %mul3A_81 = arith.constant 4 : i32
    %mul3A_82 = arith.muli %mul3A_81, %arg1 : i32
    %add3A_83 = arith.addi %mul3A_80, %mul3A_82 : i32
    %add3A_84 = arith.constant 0 : i32
    %add3A_85 = arith.addi %add3A_83, %add3A_84 : i32
    %mul3A_86 = arith.constant 10000 : i32
    %mul3A_87 = arith.muli %add3A_85, %mul3A_86 : i32
    "tpu.region"() ({
      %run_scoped3A = tpu.sem_alloc : memref<!tpu.dma_semaphore, #tpu.memory_space<semaphore_mem>>
      %dma_start3A_115 = arith.constant 0 : i32
      %dma_start3A_116 = tpu.memref_slice %arg14[%dma_start3A_115] : memref<40000xf32, #tpu.memory_space<vmem>> -> memref<10000xf32, #tpu.memory_space<vmem>>
      %dma_start3A_117 = tpu.memref_slice %arg10[%mul3A_87] : memref<1280000xf32, #tpu.memory_space<hbm>> -> memref<10000xf32, #tpu.memory_space<hbm>>
      %dma_start3A_118 = tpu.memref_slice %arg10[%mul3A_87] : memref<1280000xf32, #tpu.memory_space<hbm>> -> memref<10000xf32, #tpu.memory_space<hbm>>
      %dma_start3A_119 = arith.constant 0 : i32
      %dma_start3A_120 = tpu.memref_slice %arg14[%dma_start3A_119] : memref<40000xf32, #tpu.memory_space<vmem>> -> memref<10000xf32, #tpu.memory_space<vmem>>
      tpu.enqueue_dma source(%dma_start3A_120 : memref<10000xf32, #tpu.memory_space<vmem>>) target(%dma_start3A_118 : memref<10000xf32, #tpu.memory_space<hbm>>) target_semaphore(%run_scoped3A : memref<!tpu.dma_semaphore, #tpu.memory_space<semaphore_mem>>)
      %dma_wait3A = arith.constant 0 : i32
      %dma_wait3A_121 = tpu.memref_slice %arg14[%dma_wait3A] : memref<40000xf32, #tpu.memory_space<vmem>> -> memref<10000xf32, #tpu.memory_space<vmem>>
      %dma_wait3A_122 = tpu.memref_slice %arg10[%mul3A_87] : memref<1280000xf32, #tpu.memory_space<hbm>> -> memref<10000xf32, #tpu.memory_space<hbm>>
      %dma_wait3A_123 = tpu.memref_slice %arg10[%mul3A_87] : memref<1280000xf32, #tpu.memory_space<hbm>> -> memref<10000xf32, #tpu.memory_space<hbm>>
      %dma_wait3A_124 = arith.constant 0 : i32
      %dma_wait3A_125 = tpu.memref_slice %arg14[%dma_wait3A_124] : memref<40000xf32, #tpu.memory_space<vmem>> -> memref<10000xf32, #tpu.memory_space<vmem>>
      tpu.wait_dma2 semaphore(%run_scoped3A : memref<!tpu.dma_semaphore, #tpu.memory_space<semaphore_mem>>) src(%dma_wait3A_125 : memref<10000xf32, #tpu.memory_space<vmem>>) dst(%dma_wait3A_123 : memref<10000xf32, #tpu.memory_space<hbm>>)
      tpu.yield
    }) : () -> ()
    %mul3A_88 = arith.constant 64 : i32
    %mul3A_89 = arith.muli %arg0, %mul3A_88 : i32
    %mul3A_90 = arith.constant 4 : i32
    %mul3A_91 = arith.muli %mul3A_90, %arg1 : i32
    %add3A_92 = arith.addi %mul3A_89, %mul3A_91 : i32
    %add3A_93 = arith.constant 1 : i32
    %add3A_94 = arith.addi %add3A_92, %add3A_93 : i32
    %mul3A_95 = arith.constant 10000 : i32
    %mul3A_96 = arith.muli %add3A_94, %mul3A_95 : i32
    "tpu.region"() ({
      %run_scoped3A = tpu.sem_alloc : memref<!tpu.dma_semaphore, #tpu.memory_space<semaphore_mem>>
      %dma_start3A_115 = arith.constant 10000 : i32
      %dma_start3A_116 = tpu.memref_slice %arg14[%dma_start3A_115] : memref<40000xf32, #tpu.memory_space<vmem>> -> memref<10000xf32, #tpu.memory_space<vmem>>
      %dma_start3A_117 = tpu.memref_slice %arg10[%mul3A_96] : memref<1280000xf32, #tpu.memory_space<hbm>> -> memref<10000xf32, #tpu.memory_space<hbm>>
      %dma_start3A_118 = tpu.memref_slice %arg10[%mul3A_96] : memref<1280000xf32, #tpu.memory_space<hbm>> -> memref<10000xf32, #tpu.memory_space<hbm>>
      %dma_start3A_119 = arith.constant 10000 : i32
      %dma_start3A_120 = tpu.memref_slice %arg14[%dma_start3A_119] : memref<40000xf32, #tpu.memory_space<vmem>> -> memref<10000xf32, #tpu.memory_space<vmem>>
      tpu.enqueue_dma source(%dma_start3A_120 : memref<10000xf32, #tpu.memory_space<vmem>>) target(%dma_start3A_118 : memref<10000xf32, #tpu.memory_space<hbm>>) target_semaphore(%run_scoped3A : memref<!tpu.dma_semaphore, #tpu.memory_space<semaphore_mem>>)
      %dma_wait3A = arith.constant 10000 : i32
      %dma_wait3A_121 = tpu.memref_slice %arg14[%dma_wait3A] : memref<40000xf32, #tpu.memory_space<vmem>> -> memref<10000xf32, #tpu.memory_space<vmem>>
      %dma_wait3A_122 = tpu.memref_slice %arg10[%mul3A_96] : memref<1280000xf32, #tpu.memory_space<hbm>> -> memref<10000xf32, #tpu.memory_space<hbm>>
      %dma_wait3A_123 = tpu.memref_slice %arg10[%mul3A_96] : memref<1280000xf32, #tpu.memory_space<hbm>> -> memref<10000xf32, #tpu.memory_space<hbm>>
      %dma_wait3A_124 = arith.constant 10000 : i32
      %dma_wait3A_125 = tpu.memref_slice %arg14[%dma_wait3A_124] : memref<40000xf32, #tpu.memory_space<vmem>> -> memref<10000xf32, #tpu.memory_space<vmem>>
      tpu.wait_dma2 semaphore(%run_scoped3A : memref<!tpu.dma_semaphore, #tpu.memory_space<semaphore_mem>>) src(%dma_wait3A_125 : memref<10000xf32, #tpu.memory_space<vmem>>) dst(%dma_wait3A_123 : memref<10000xf32, #tpu.memory_space<hbm>>)
      tpu.yield
    }) : () -> ()
    %mul3A_97 = arith.constant 64 : i32
    %mul3A_98 = arith.muli %arg0, %mul3A_97 : i32
    %mul3A_99 = arith.constant 4 : i32
    %mul3A_100 = arith.muli %mul3A_99, %arg1 : i32
    %add3A_101 = arith.addi %mul3A_98, %mul3A_100 : i32
    %add3A_102 = arith.constant 2 : i32
    %add3A_103 = arith.addi %add3A_101, %add3A_102 : i32
    %mul3A_104 = arith.constant 10000 : i32
    %mul3A_105 = arith.muli %add3A_103, %mul3A_104 : i32
    "tpu.region"() ({
      %run_scoped3A = tpu.sem_alloc : memref<!tpu.dma_semaphore, #tpu.memory_space<semaphore_mem>>
      %dma_start3A_115 = arith.constant 20000 : i32
      %dma_start3A_116 = tpu.memref_slice %arg14[%dma_start3A_115] : memref<40000xf32, #tpu.memory_space<vmem>> -> memref<10000xf32, #tpu.memory_space<vmem>>
      %dma_start3A_117 = tpu.memref_slice %arg10[%mul3A_105] : memref<1280000xf32, #tpu.memory_space<hbm>> -> memref<10000xf32, #tpu.memory_space<hbm>>
      %dma_start3A_118 = tpu.memref_slice %arg10[%mul3A_105] : memref<1280000xf32, #tpu.memory_space<hbm>> -> memref<10000xf32, #tpu.memory_space<hbm>>
      %dma_start3A_119 = arith.constant 20000 : i32
      %dma_start3A_120 = tpu.memref_slice %arg14[%dma_start3A_119] : memref<40000xf32, #tpu.memory_space<vmem>> -> memref<10000xf32, #tpu.memory_space<vmem>>
      tpu.enqueue_dma source(%dma_start3A_120 : memref<10000xf32, #tpu.memory_space<vmem>>) target(%dma_start3A_118 : memref<10000xf32, #tpu.memory_space<hbm>>) target_semaphore(%run_scoped3A : memref<!tpu.dma_semaphore, #tpu.memory_space<semaphore_mem>>)
      %dma_wait3A = arith.constant 20000 : i32
      %dma_wait3A_121 = tpu.memref_slice %arg14[%dma_wait3A] : memref<40000xf32, #tpu.memory_space<vmem>> -> memref<10000xf32, #tpu.memory_space<vmem>>
      %dma_wait3A_122 = tpu.memref_slice %arg10[%mul3A_105] : memref<1280000xf32, #tpu.memory_space<hbm>> -> memref<10000xf32, #tpu.memory_space<hbm>>
      %dma_wait3A_123 = tpu.memref_slice %arg10[%mul3A_105] : memref<1280000xf32, #tpu.memory_space<hbm>> -> memref<10000xf32, #tpu.memory_space<hbm>>
      %dma_wait3A_124 = arith.constant 20000 : i32
      %dma_wait3A_125 = tpu.memref_slice %arg14[%dma_wait3A_124] : memref<40000xf32, #tpu.memory_space<vmem>> -> memref<10000xf32, #tpu.memory_space<vmem>>
      tpu.wait_dma2 semaphore(%run_scoped3A : memref<!tpu.dma_semaphore, #tpu.memory_space<semaphore_mem>>) src(%dma_wait3A_125 : memref<10000xf32, #tpu.memory_space<vmem>>) dst(%dma_wait3A_123 : memref<10000xf32, #tpu.memory_space<hbm>>)
      tpu.yield
    }) : () -> ()
    %mul3A_106 = arith.constant 64 : i32
    %mul3A_107 = arith.muli %arg0, %mul3A_106 : i32
    %mul3A_108 = arith.constant 4 : i32
    %mul3A_109 = arith.muli %mul3A_108, %arg1 : i32
    %add3A_110 = arith.addi %mul3A_107, %mul3A_109 : i32
    %add3A_111 = arith.constant 3 : i32
    %add3A_112 = arith.addi %add3A_110, %add3A_111 : i32
    %mul3A_113 = arith.constant 10000 : i32
    %mul3A_114 = arith.muli %add3A_112, %mul3A_113 : i32
    "tpu.region"() ({
      %run_scoped3A = tpu.sem_alloc : memref<!tpu.dma_semaphore, #tpu.memory_space<semaphore_mem>>
      %dma_start3A_115 = arith.constant 30000 : i32
      %dma_start3A_116 = tpu.memref_slice %arg14[%dma_start3A_115] : memref<40000xf32, #tpu.memory_space<vmem>> -> memref<10000xf32, #tpu.memory_space<vmem>>
      %dma_start3A_117 = tpu.memref_slice %arg10[%mul3A_114] : memref<1280000xf32, #tpu.memory_space<hbm>> -> memref<10000xf32, #tpu.memory_space<hbm>>
      %dma_start3A_118 = tpu.memref_slice %arg10[%mul3A_114] : memref<1280000xf32, #tpu.memory_space<hbm>> -> memref<10000xf32, #tpu.memory_space<hbm>>
      %dma_start3A_119 = arith.constant 30000 : i32
      %dma_start3A_120 = tpu.memref_slice %arg14[%dma_start3A_119] : memref<40000xf32, #tpu.memory_space<vmem>> -> memref<10000xf32, #tpu.memory_space<vmem>>
      tpu.enqueue_dma source(%dma_start3A_120 : memref<10000xf32, #tpu.memory_space<vmem>>) target(%dma_start3A_118 : memref<10000xf32, #tpu.memory_space<hbm>>) target_semaphore(%run_scoped3A : memref<!tpu.dma_semaphore, #tpu.memory_space<semaphore_mem>>)
      %dma_wait3A = arith.constant 30000 : i32
      %dma_wait3A_121 = tpu.memref_slice %arg14[%dma_wait3A] : memref<40000xf32, #tpu.memory_space<vmem>> -> memref<10000xf32, #tpu.memory_space<vmem>>
      %dma_wait3A_122 = tpu.memref_slice %arg10[%mul3A_114] : memref<1280000xf32, #tpu.memory_space<hbm>> -> memref<10000xf32, #tpu.memory_space<hbm>>
      %dma_wait3A_123 = tpu.memref_slice %arg10[%mul3A_114] : memref<1280000xf32, #tpu.memory_space<hbm>> -> memref<10000xf32, #tpu.memory_space<hbm>>
      %dma_wait3A_124 = arith.constant 30000 : i32
      %dma_wait3A_125 = tpu.memref_slice %arg14[%dma_wait3A_124] : memref<40000xf32, #tpu.memory_space<vmem>> -> memref<10000xf32, #tpu.memory_space<vmem>>
      tpu.wait_dma2 semaphore(%run_scoped3A : memref<!tpu.dma_semaphore, #tpu.memory_space<semaphore_mem>>) src(%dma_wait3A_125 : memref<10000xf32, #tpu.memory_space<vmem>>) dst(%dma_wait3A_123 : memref<10000xf32, #tpu.memory_space<hbm>>)
      tpu.yield
    }) : () -> ()
    return
  }
}

module attributes {stable_mosaic.version = 14 : i64} {
  func.func @_tc_ae_body(%arg0: i32, %arg1: memref<8000x3xf32, #tpu.memory_space<vmem>>, %arg2: memref<64x3xf32, #tpu.memory_space<vmem>>, %arg3: memref<64x1xf32, #tpu.memory_space<vmem>>, %arg4: memref<8000x1xf32, #tpu.memory_space<vmem>>) attributes {dimension_semantics = [#tpu.dimension_semantics<arbitrary>], iteration_bounds = array<i64: 40>, scalar_prefetch = 0 : i64, scratch_operands = 0 : i64, tpu.core_type = #tpu.core_type<tc>, window_params = [{transform_indices = @transform_0, window_bounds = array<i64: 8000, 3>}, {pipeline_mode = #tpu.pipeline_mode<synchronous>, transform_indices = @transform_1, window_bounds = array<i64: 64, 3>}, {pipeline_mode = #tpu.pipeline_mode<synchronous>, transform_indices = @transform_2, window_bounds = array<i64: 64, 1>}, {transform_indices = @transform_3, window_bounds = array<i64: 8000, 1>}]} {
    %get3A = arith.constant 0 : index
    %get3A_0 = arith.constant 0 : index
    %get3A_1 = vector.load %arg1[%get3A, %get3A_0] : memref<8000x3xf32, #tpu.memory_space<vmem>>, vector<8000x3xf32>
    %get3A_2 = arith.constant 0 : index
    %get3A_3 = arith.constant 0 : index
    %get3A_4 = vector.load %arg2[%get3A_2, %get3A_3] : memref<64x3xf32, #tpu.memory_space<vmem>>, vector<64x3xf32>
    %dot_general3A = arith.constant dense<0.000000e+00> : vector<8000x64xf32>
    %dot_general3A_5 = tpu.matmul %get3A_1, %get3A_4, %dot_general3A {dimension_numbers = #tpu.dot_dimension_numbers<[1], [1], [0], [0], [0, 0, 1, 0], [], []>, transpose_lhs_hint = false} : vector<8000x3xf32>, vector<64x3xf32>, vector<8000x64xf32> -> vector<8000x64xf32>
    %get3A_6 = arith.constant 0 : index
    %get3A_7 = arith.constant 0 : index
    %get3A_8 = vector.load %arg3[%get3A_6, %get3A_7] : memref<64x1xf32, #tpu.memory_space<vmem>>, vector<64x1xf32>
    %dot_general3A_9 = arith.constant dense<0.000000e+00> : vector<8000x1xf32>
    %dot_general3A_10 = tpu.matmul %dot_general3A_5, %get3A_8, %dot_general3A_9 {dimension_numbers = #tpu.dot_dimension_numbers<[1], [0], [0], [1], [0, 0, 1, 1], [], []>, transpose_lhs_hint = false} : vector<8000x64xf32>, vector<64x1xf32>, vector<8000x1xf32> -> vector<8000x1xf32>
    %swap3A = arith.constant 0 : index
    %swap3A_11 = arith.constant 0 : index
    %swap3A_12 = vector.load %arg4[%swap3A, %swap3A_11] : memref<8000x1xf32, #tpu.memory_space<vmem>>, vector<8000x1xf32>
    tpu.vector_store %arg4[%swap3A, %swap3A_11], %dot_general3A_10 {strides = array<i32>} : memref<8000x1xf32, #tpu.memory_space<vmem>>, vector<8000x1xf32>,
    return
  }
  func.func @transform_0(%arg0: i32) -> (i32, i32) {
    %c0_i32 = arith.constant 0 : i32
    %c0_i32_0 = arith.constant 0 : i32
    return %arg0, %c0_i32 : i32, i32
  }
  func.func @transform_1(%arg0: i32) -> (i32, i32) {
    %c0_i32 = arith.constant 0 : i32
    %c0_i32_0 = arith.constant 0 : i32
    %c0_i32_1 = arith.constant 0 : i32
    return %c0_i32, %c0_i32_0 : i32, i32
  }
  func.func @transform_2(%arg0: i32) -> (i32, i32) {
    %c0_i32 = arith.constant 0 : i32
    %c0_i32_0 = arith.constant 0 : i32
    %c0_i32_1 = arith.constant 0 : i32
    return %c0_i32, %c0_i32_0 : i32, i32
  }
  func.func @transform_3(%arg0: i32) -> (i32, i32) {
    %c0_i32 = arith.constant 0 : i32
    %c0_i32_0 = arith.constant 0 : i32
    return %arg0, %c0_i32 : i32, i32
  }
}

module attributes {stable_mosaic.version = 14 : i64} {
  func.func @_tc_first_body(%arg0: memref<10000x128xf32, #tpu.memory_space<vmem>>, %arg1: memref<64x128xf32, #tpu.memory_space<vmem>>, %arg2: memref<1x64xf32, #tpu.memory_space<vmem>>, %arg3: memref<1x64xf32, #tpu.memory_space<vmem>>, %arg4: memref<64x10000xf32, #tpu.memory_space<vmem>>, %arg5: memref<1x10000xf32, #tpu.memory_space<vmem>>, %arg6: memref<1x10000xf32, #tpu.memory_space<vmem>>) attributes {dimension_semantics = [], scalar_prefetch = 0 : i64, scratch_operands = 0 : i64, tpu.core_type = #tpu.core_type<tc>} {
    %get3A = arith.constant 0 : index
    %get3A_0 = arith.constant 0 : index
    %get3A_1 = vector.load %arg1[%get3A, %get3A_0] : memref<64x128xf32, #tpu.memory_space<vmem>>, vector<64x128xf32>
    %get3A_2 = arith.constant 0 : index
    %get3A_3 = arith.constant 0 : index
    %get3A_4 = vector.load %arg0[%get3A_2, %get3A_3] : memref<10000x128xf32, #tpu.memory_space<vmem>>, vector<10000x128xf32>
    %dot_general3A = arith.constant dense<0.000000e+00> : vector<64x10000xf32>
    %dot_general3A_5 = tpu.matmul %get3A_1, %get3A_4, %dot_general3A {dimension_numbers = #tpu.dot_dimension_numbers<[1], [1], [0], [0], [0, 0, 1, 0], [], []>, transpose_lhs_hint = false} : vector<64x128xf32>, vector<10000x128xf32>, vector<64x10000xf32> -> vector<64x10000xf32>
    %swap3A = arith.constant 0 : index
    %swap3A_6 = arith.constant 0 : index
    %swap3A_7 = vector.load %arg4[%swap3A, %swap3A_6] : memref<64x10000xf32, #tpu.memory_space<vmem>>, vector<64x10000xf32>
    tpu.vector_store %arg4[%swap3A, %swap3A_6], %dot_general3A_5 {strides = array<i32>} : memref<64x10000xf32, #tpu.memory_space<vmem>>, vector<64x10000xf32>,
    %get3A_8 = arith.constant 0 : index
    %get3A_9 = arith.constant 0 : index
    %get3A_10 = vector.load %arg2[%get3A_8, %get3A_9] : memref<1x64xf32, #tpu.memory_space<vmem>>, vector<1x64xf32>
    %dot_general3A_11 = arith.constant dense<0.000000e+00> : vector<1x10000xf32>
    %dot_general3A_12 = tpu.matmul %get3A_10, %dot_general3A_5, %dot_general3A_11 {dimension_numbers = #tpu.dot_dimension_numbers<[1], [0], [0], [1], [0, 0, 1, 1], [], []>, transpose_lhs_hint = false} : vector<1x64xf32>, vector<64x10000xf32>, vector<1x10000xf32> -> vector<1x10000xf32>
    %swap3A_13 = arith.constant 0 : index
    %swap3A_14 = arith.constant 0 : index
    %swap3A_15 = vector.load %arg5[%swap3A_13, %swap3A_14] : memref<1x10000xf32, #tpu.memory_space<vmem>>, vector<1x10000xf32>
    tpu.vector_store %arg5[%swap3A_13, %swap3A_14], %dot_general3A_12 {strides = array<i32>} : memref<1x10000xf32, #tpu.memory_space<vmem>>, vector<1x10000xf32>,
    %get3A_16 = arith.constant 0 : index
    %get3A_17 = arith.constant 0 : index
    %get3A_18 = vector.load %arg3[%get3A_16, %get3A_17] : memref<1x64xf32, #tpu.memory_space<vmem>>, vector<1x64xf32>
    %dot_general3A_19 = arith.constant dense<0.000000e+00> : vector<1x10000xf32>
    %dot_general3A_20 = tpu.matmul %get3A_18, %dot_general3A_5, %dot_general3A_19 {dimension_numbers = #tpu.dot_dimension_numbers<[1], [0], [0], [1], [0, 0, 1, 1], [], []>, transpose_lhs_hint = false} : vector<1x64xf32>, vector<64x10000xf32>, vector<1x10000xf32> -> vector<1x10000xf32>
    %swap3A_21 = arith.constant 0 : index
    %swap3A_22 = arith.constant 0 : index
    %swap3A_23 = vector.load %arg6[%swap3A_21, %swap3A_22] : memref<1x10000xf32, #tpu.memory_space<vmem>>, vector<1x10000xf32>
    tpu.vector_store %arg6[%swap3A_21, %swap3A_22], %dot_general3A_20 {strides = array<i32>} : memref<1x10000xf32, #tpu.memory_space<vmem>>, vector<1x10000xf32>,
    return
  }
}

module attributes {stable_mosaic.version = 14 : i64} {
  func.func @_tc_mid_body(%arg0: memref<2x64x10000xf32, #tpu.memory_space<vmem>>, %arg1: memref<32x10000xf32, #tpu.memory_space<vmem>>, %arg2: memref<32x4x10000xf32, #tpu.memory_space<vmem>>, %arg3: memref<64x10000xf32, #tpu.memory_space<vmem>>, %arg4: memref<1x10000xf32, #tpu.memory_space<vmem>>, %arg5: memref<1x10000xf32, #tpu.memory_space<vmem>>, %arg6: memref<64x3xf32, #tpu.memory_space<vmem>>, %arg7: memref<1x64xf32, #tpu.memory_space<vmem>>, %arg8: memref<64x1xf32, #tpu.memory_space<vmem>>, %arg9: memref<64x1xf32, #tpu.memory_space<vmem>>, %arg10: memref<64x1xf32, #tpu.memory_space<vmem>>, %arg11: memref<64x64xf32, #tpu.memory_space<vmem>>, %arg12: memref<1x64xf32, #tpu.memory_space<vmem>>, %arg13: memref<1x64xf32, #tpu.memory_space<vmem>>, %arg14: memref<64x10000xf32, #tpu.memory_space<vmem>>, %arg15: memref<1x10000xf32, #tpu.memory_space<vmem>>, %arg16: memref<1x10000xf32, #tpu.memory_space<vmem>>, %arg17: memref<4x10000xf32, #tpu.memory_space<vmem>>) attributes {dimension_semantics = [], scalar_prefetch = 0 : i64, scratch_operands = 0 : i64, tpu.core_type = #tpu.core_type<tc>} {
    %get3A = arith.constant 0 : index
    %get3A_0 = arith.constant 0 : index
    %get3A_1 = arith.constant 0 : index
    %get3A_2 = vector.load %arg2[%get3A, %get3A_0, %get3A_1] : memref<32x4x10000xf32, #tpu.memory_space<vmem>>, vector<32x4x10000xf32>
    %reduce_sum3A = arith.constant dense<0.000000e+00> : vector<4x10000xf32>
    %reduce_sum3A_3 = vector.multi_reduction <add>, %get3A_2, %reduce_sum3A [0] : vector<32x4x10000xf32> to vector<4x10000xf32>
    %slice3A = vector.extract_strided_slice %reduce_sum3A_3 {offsets = [0, 0], sizes = [1, 10000], strides = [1, 1]} : vector<4x10000xf32> to vector<1x10000xf32>
    %max3A = arith.constant 1.000000e+00 : f32
    %max3A_4 = vector.broadcast %max3A : f32 to vector<1x10000xf32>
    %max3A_5 = arith.maximumf %slice3A, %max3A_4 : vector<1x10000xf32>
    %slice3A_6 = vector.extract_strided_slice %reduce_sum3A_3 {offsets = [1, 0], sizes = [3, 10000], strides = [1, 1]} : vector<4x10000xf32> to vector<3x10000xf32>
    %div3A = vector.broadcast %max3A_5 : vector<1x10000xf32> to vector<3x10000xf32>
    %div3A_7 = arith.divf %slice3A_6, %div3A : vector<3x10000xf32>
    %get3A_8 = arith.constant 0 : index
    %get3A_9 = arith.constant 0 : index
    %get3A_10 = vector.load %arg6[%get3A_8, %get3A_9] : memref<64x3xf32, #tpu.memory_space<vmem>>, vector<64x3xf32>
    %dot_general3A = arith.constant dense<0.000000e+00> : vector<64x10000xf32>
    %dot_general3A_11 = tpu.matmul %get3A_10, %div3A_7, %dot_general3A {dimension_numbers = #tpu.dot_dimension_numbers<[1], [0], [0], [1], [0, 0, 1, 1], [], []>, transpose_lhs_hint = false} : vector<64x3xf32>, vector<3x10000xf32>, vector<64x10000xf32> -> vector<64x10000xf32>
    %get3A_12 = arith.constant 0 : index
    %get3A_13 = arith.constant 0 : index
    %get3A_14 = vector.load %arg7[%get3A_12, %get3A_13] : memref<1x64xf32, #tpu.memory_space<vmem>>, vector<1x64xf32>
    %dot_general3A_15 = arith.constant dense<0.000000e+00> : vector<1x10000xf32>
    %dot_general3A_16 = tpu.matmul %get3A_14, %dot_general3A_11, %dot_general3A_15 {dimension_numbers = #tpu.dot_dimension_numbers<[1], [0], [0], [1], [0, 0, 1, 1], [], []>, transpose_lhs_hint = false} : vector<1x64xf32>, vector<64x10000xf32>, vector<1x10000xf32> -> vector<1x10000xf32>
    %get3A_17 = arith.constant 0 : index
    %get3A_18 = arith.constant 0 : index
    %get3A_19 = vector.load %arg4[%get3A_17, %get3A_18] : memref<1x10000xf32, #tpu.memory_space<vmem>>, vector<1x10000xf32>
    %get3A_20 = arith.constant 0 : index
    %get3A_21 = arith.constant 0 : index
    %get3A_22 = vector.load %arg5[%get3A_20, %get3A_21] : memref<1x10000xf32, #tpu.memory_space<vmem>>, vector<1x10000xf32>
    %add3A = arith.addf %get3A_19, %get3A_22 : vector<1x10000xf32>
    %add3A_23 = arith.addf %add3A, %dot_general3A_16 : vector<1x10000xf32>
    %mul3A = arith.constant 2.000000e-01 : f32
    %mul3A_24 = vector.broadcast %mul3A : f32 to vector<1x10000xf32>
    %mul3A_25 = arith.mulf %mul3A_24, %add3A_23 : vector<1x10000xf32>
    %max3A_26 = arith.maximumf %add3A_23, %mul3A_25 : vector<1x10000xf32>
    %exp3A = math.exp %max3A_26 : vector<1x10000xf32>
    %get3A_27 = arith.constant 0 : index
    %get3A_28 = arith.constant 0 : index
    %get3A_29 = vector.load %arg1[%get3A_27, %get3A_28] : memref<32x10000xf32, #tpu.memory_space<vmem>>, vector<32x10000xf32>
    %reduce_sum3A_30 = arith.constant dense<0.000000e+00> : vector<10000xf32>
    %reduce_sum3A_31 = vector.multi_reduction <add>, %get3A_29, %reduce_sum3A_30 [0] : vector<32x10000xf32> to vector<10000xf32>
    %broadcast_in_dim3A = vector.shape_cast %reduce_sum3A_31 : vector<10000xf32> to vector<1x10000xf32>
    %add3A_32 = arith.addf %broadcast_in_dim3A, %exp3A : vector<1x10000xf32>
    %get3A_33 = arith.constant 0 : index
    %get3A_34 = arith.constant 0 : index
    %get3A_35 = arith.constant 0 : index
    %get3A_36 = vector.load %arg0[%get3A_33, %get3A_34, %get3A_35] : memref<2x64x10000xf32, #tpu.memory_space<vmem>>, vector<2x64x10000xf32>
    %slice3A_37 = vector.extract_strided_slice %get3A_36 {offsets = [0, 0, 0], sizes = [1, 64, 10000], strides = [1, 1, 1]} : vector<2x64x10000xf32> to vector<1x64x10000xf32>
    %squeeze3A = vector.shape_cast %slice3A_37 : vector<1x64x10000xf32> to vector<64x10000xf32>
    %slice3A_38 = vector.extract_strided_slice %get3A_36 {offsets = [1, 0, 0], sizes = [1, 64, 10000], strides = [1, 1, 1]} : vector<2x64x10000xf32> to vector<1x64x10000xf32>
    %squeeze3A_39 = vector.shape_cast %slice3A_38 : vector<1x64x10000xf32> to vector<64x10000xf32>
    %add3A_40 = arith.addf %squeeze3A, %squeeze3A_39 : vector<64x10000xf32>
    %get3A_41 = arith.constant 0 : index
    %get3A_42 = arith.constant 0 : index
    %get3A_43 = vector.load %arg3[%get3A_41, %get3A_42] : memref<64x10000xf32, #tpu.memory_space<vmem>>, vector<64x10000xf32>
    %mul3A_44 = vector.broadcast %exp3A : vector<1x10000xf32> to vector<64x10000xf32>
    %mul3A_45 = arith.mulf %mul3A_44, %get3A_43 : vector<64x10000xf32>
    %add3A_46 = arith.addf %add3A_40, %mul3A_45 : vector<64x10000xf32>
    %div3A_47 = vector.broadcast %add3A_32 : vector<1x10000xf32> to vector<64x10000xf32>
    %div3A_48 = arith.divf %add3A_46, %div3A_47 : vector<64x10000xf32>
    %get3A_49 = arith.constant 0 : index
    %get3A_50 = arith.constant 0 : index
    %get3A_51 = vector.load %arg8[%get3A_49, %get3A_50] : memref<64x1xf32, #tpu.memory_space<vmem>>, vector<64x1xf32>
    %add3A_52 = vector.broadcast %get3A_51 : vector<64x1xf32> to vector<64x10000xf32>
    %add3A_53 = arith.addf %div3A_48, %add3A_52 : vector<64x10000xf32>
    %mul3A_54 = arith.constant 0.00999999977 : f32
    %mul3A_55 = vector.broadcast %mul3A_54 : f32 to vector<64x10000xf32>
    %mul3A_56 = arith.mulf %mul3A_55, %add3A_53 : vector<64x10000xf32>
    %max3A_57 = arith.maximumf %add3A_53, %mul3A_56 : vector<64x10000xf32>
    %reduce_sum3A_58 = arith.constant dense<0.000000e+00> : vector<64xf32>
    %reduce_sum3A_59 = vector.multi_reduction <add>, %max3A_57, %reduce_sum3A_58 [1] : vector<64x10000xf32> to vector<64xf32>
    %broadcast_in_dim3A_60 = vector.shape_cast %reduce_sum3A_59 : vector<64xf32> to vector<64x1xf32>
    %div3A_61 = arith.constant 1.000000e+04 : f32
    %div3A_62 = vector.broadcast %div3A_61 : f32 to vector<64x1xf32>
    %div3A_63 = arith.divf %broadcast_in_dim3A_60, %div3A_62 : vector<64x1xf32>
    %sub3A = vector.broadcast %div3A_63 : vector<64x1xf32> to vector<64x10000xf32>
    %sub3A_64 = arith.subf %max3A_57, %sub3A : vector<64x10000xf32>
    %integer_pow3A = arith.mulf %sub3A_64, %sub3A_64 : vector<64x10000xf32>
    %reduce_sum3A_65 = arith.constant dense<0.000000e+00> : vector<64xf32>
    %reduce_sum3A_66 = vector.multi_reduction <add>, %integer_pow3A, %reduce_sum3A_65 [1] : vector<64x10000xf32> to vector<64xf32>
    %broadcast_in_dim3A_67 = vector.shape_cast %reduce_sum3A_66 : vector<64xf32> to vector<64x1xf32>
    %div3A_68 = arith.constant 1.000000e+04 : f32
    %div3A_69 = vector.broadcast %div3A_68 : f32 to vector<64x1xf32>
    %div3A_70 = arith.divf %broadcast_in_dim3A_67, %div3A_69 : vector<64x1xf32>
    %sub3A_71 = vector.broadcast %div3A_63 : vector<64x1xf32> to vector<64x10000xf32>
    %sub3A_72 = arith.subf %max3A_57, %sub3A_71 : vector<64x10000xf32>
    %add3A_73 = arith.constant 9.99999974E-6 : f32
    %add3A_74 = vector.broadcast %add3A_73 : f32 to vector<64x1xf32>
    %add3A_75 = arith.addf %div3A_70, %add3A_74 : vector<64x1xf32>
    %sqrt3A = math.sqrt %add3A_75 : vector<64x1xf32>
    %div3A_76 = vector.broadcast %sqrt3A : vector<64x1xf32> to vector<64x10000xf32>
    %div3A_77 = arith.divf %sub3A_72, %div3A_76 : vector<64x10000xf32>
    %get3A_78 = arith.constant 0 : index
    %get3A_79 = arith.constant 0 : index
    %get3A_80 = vector.load %arg9[%get3A_78, %get3A_79] : memref<64x1xf32, #tpu.memory_space<vmem>>, vector<64x1xf32>
    %mul3A_81 = vector.broadcast %get3A_80 : vector<64x1xf32> to vector<64x10000xf32>
    %mul3A_82 = arith.mulf %div3A_77, %mul3A_81 : vector<64x10000xf32>
    %get3A_83 = arith.constant 0 : index
    %get3A_84 = arith.constant 0 : index
    %get3A_85 = vector.load %arg10[%get3A_83, %get3A_84] : memref<64x1xf32, #tpu.memory_space<vmem>>, vector<64x1xf32>
    %add3A_86 = vector.broadcast %get3A_85 : vector<64x1xf32> to vector<64x10000xf32>
    %add3A_87 = arith.addf %mul3A_82, %add3A_86 : vector<64x10000xf32>
    %slice3A_88 = vector.extract_strided_slice %reduce_sum3A_3 {offsets = [1, 0], sizes = [3, 10000], strides = [1, 1]} : vector<4x10000xf32> to vector<3x10000xf32>
    %concatenate3A = tpu.concatenate %max3A_5, %slice3A_88 in 0 : vector<1x10000xf32>, vector<3x10000xf32> -> vector<4x10000xf32>
    %get3A_89 = arith.constant 0 : index
    %get3A_90 = arith.constant 0 : index
    %get3A_91 = vector.load %arg11[%get3A_89, %get3A_90] : memref<64x64xf32, #tpu.memory_space<vmem>>, vector<64x64xf32>
    %dot_general3A_92 = arith.constant dense<0.000000e+00> : vector<64x10000xf32>
    %dot_general3A_93 = tpu.matmul %get3A_91, %add3A_87, %dot_general3A_92 {dimension_numbers = #tpu.dot_dimension_numbers<[1], [0], [0], [1], [0, 0, 1, 1], [], []>, transpose_lhs_hint = false} : vector<64x64xf32>, vector<64x10000xf32>, vector<64x10000xf32> -> vector<64x10000xf32>
    %swap3A = arith.constant 0 : index
    %swap3A_94 = arith.constant 0 : index
    %swap3A_95 = vector.load %arg14[%swap3A, %swap3A_94] : memref<64x10000xf32, #tpu.memory_space<vmem>>, vector<64x10000xf32>
    tpu.vector_store %arg14[%swap3A, %swap3A_94], %dot_general3A_93 {strides = array<i32>} : memref<64x10000xf32, #tpu.memory_space<vmem>>, vector<64x10000xf32>,
    %get3A_96 = arith.constant 0 : index
    %get3A_97 = arith.constant 0 : index
    %get3A_98 = vector.load %arg12[%get3A_96, %get3A_97] : memref<1x64xf32, #tpu.memory_space<vmem>>, vector<1x64xf32>
    %dot_general3A_99 = arith.constant dense<0.000000e+00> : vector<1x10000xf32>
    %dot_general3A_100 = tpu.matmul %get3A_98, %dot_general3A_93, %dot_general3A_99 {dimension_numbers = #tpu.dot_dimension_numbers<[1], [0], [0], [1], [0, 0, 1, 1], [], []>, transpose_lhs_hint = false} : vector<1x64xf32>, vector<64x10000xf32>, vector<1x10000xf32> -> vector<1x10000xf32>
    %swap3A_101 = arith.constant 0 : index
    %swap3A_102 = arith.constant 0 : index
    %swap3A_103 = vector.load %arg15[%swap3A_101, %swap3A_102] : memref<1x10000xf32, #tpu.memory_space<vmem>>, vector<1x10000xf32>
    tpu.vector_store %arg15[%swap3A_101, %swap3A_102], %dot_general3A_100 {strides = array<i32>} : memref<1x10000xf32, #tpu.memory_space<vmem>>, vector<1x10000xf32>,
    %get3A_104 = arith.constant 0 : index
    %get3A_105 = arith.constant 0 : index
    %get3A_106 = vector.load %arg13[%get3A_104, %get3A_105] : memref<1x64xf32, #tpu.memory_space<vmem>>, vector<1x64xf32>
    %dot_general3A_107 = arith.constant dense<0.000000e+00> : vector<1x10000xf32>
    %dot_general3A_108 = tpu.matmul %get3A_106, %dot_general3A_93, %dot_general3A_107 {dimension_numbers = #tpu.dot_dimension_numbers<[1], [0], [0], [1], [0, 0, 1, 1], [], []>, transpose_lhs_hint = false} : vector<1x64xf32>, vector<64x10000xf32>, vector<1x10000xf32> -> vector<1x10000xf32>
    %swap3A_109 = arith.constant 0 : index
    %swap3A_110 = arith.constant 0 : index
    %swap3A_111 = vector.load %arg16[%swap3A_109, %swap3A_110] : memref<1x10000xf32, #tpu.memory_space<vmem>>, vector<1x10000xf32>
    tpu.vector_store %arg16[%swap3A_109, %swap3A_110], %dot_general3A_108 {strides = array<i32>} : memref<1x10000xf32, #tpu.memory_space<vmem>>, vector<1x10000xf32>,
    %swap3A_112 = arith.constant 0 : index
    %swap3A_113 = arith.constant 0 : index
    %swap3A_114 = vector.load %arg17[%swap3A_112, %swap3A_113] : memref<4x10000xf32, #tpu.memory_space<vmem>>, vector<4x10000xf32>
    tpu.vector_store %arg17[%swap3A_112, %swap3A_113], %concatenate3A {strides = array<i32>} : memref<4x10000xf32, #tpu.memory_space<vmem>>, vector<4x10000xf32>,
    return
  }
}

module attributes {stable_mosaic.version = 14 : i64} {
  func.func @_tc_mid_body(%arg0: memref<2x64x10000xf32, #tpu.memory_space<vmem>>, %arg1: memref<32x10000xf32, #tpu.memory_space<vmem>>, %arg2: memref<4x10000xf32, #tpu.memory_space<vmem>>, %arg3: memref<64x10000xf32, #tpu.memory_space<vmem>>, %arg4: memref<1x10000xf32, #tpu.memory_space<vmem>>, %arg5: memref<1x10000xf32, #tpu.memory_space<vmem>>, %arg6: memref<64x3xf32, #tpu.memory_space<vmem>>, %arg7: memref<1x64xf32, #tpu.memory_space<vmem>>, %arg8: memref<64x1xf32, #tpu.memory_space<vmem>>, %arg9: memref<64x1xf32, #tpu.memory_space<vmem>>, %arg10: memref<64x1xf32, #tpu.memory_space<vmem>>, %arg11: memref<64x64xf32, #tpu.memory_space<vmem>>, %arg12: memref<1x64xf32, #tpu.memory_space<vmem>>, %arg13: memref<1x64xf32, #tpu.memory_space<vmem>>, %arg14: memref<64x10000xf32, #tpu.memory_space<vmem>>, %arg15: memref<1x10000xf32, #tpu.memory_space<vmem>>, %arg16: memref<1x10000xf32, #tpu.memory_space<vmem>>) attributes {dimension_semantics = [], scalar_prefetch = 0 : i64, scratch_operands = 0 : i64, tpu.core_type = #tpu.core_type<tc>} {
    %get3A = arith.constant 0 : index
    %get3A_0 = arith.constant 0 : index
    %get3A_1 = vector.load %arg2[%get3A, %get3A_0] : memref<4x10000xf32, #tpu.memory_space<vmem>>, vector<4x10000xf32>
    %slice3A = vector.extract_strided_slice %get3A_1 {offsets = [0, 0], sizes = [1, 10000], strides = [1, 1]} : vector<4x10000xf32> to vector<1x10000xf32>
    %slice3A_2 = vector.extract_strided_slice %get3A_1 {offsets = [1, 0], sizes = [3, 10000], strides = [1, 1]} : vector<4x10000xf32> to vector<3x10000xf32>
    %div3A = vector.broadcast %slice3A : vector<1x10000xf32> to vector<3x10000xf32>
    %div3A_3 = arith.divf %slice3A_2, %div3A : vector<3x10000xf32>
    %get3A_4 = arith.constant 0 : index
    %get3A_5 = arith.constant 0 : index
    %get3A_6 = vector.load %arg6[%get3A_4, %get3A_5] : memref<64x3xf32, #tpu.memory_space<vmem>>, vector<64x3xf32>
    %dot_general3A = arith.constant dense<0.000000e+00> : vector<64x10000xf32>
    %dot_general3A_7 = tpu.matmul %get3A_6, %div3A_3, %dot_general3A {dimension_numbers = #tpu.dot_dimension_numbers<[1], [0], [0], [1], [0, 0, 1, 1], [], []>, transpose_lhs_hint = false} : vector<64x3xf32>, vector<3x10000xf32>, vector<64x10000xf32> -> vector<64x10000xf32>
    %get3A_8 = arith.constant 0 : index
    %get3A_9 = arith.constant 0 : index
    %get3A_10 = vector.load %arg7[%get3A_8, %get3A_9] : memref<1x64xf32, #tpu.memory_space<vmem>>, vector<1x64xf32>
    %dot_general3A_11 = arith.constant dense<0.000000e+00> : vector<1x10000xf32>
    %dot_general3A_12 = tpu.matmul %get3A_10, %dot_general3A_7, %dot_general3A_11 {dimension_numbers = #tpu.dot_dimension_numbers<[1], [0], [0], [1], [0, 0, 1, 1], [], []>, transpose_lhs_hint = false} : vector<1x64xf32>, vector<64x10000xf32>, vector<1x10000xf32> -> vector<1x10000xf32>
    %get3A_13 = arith.constant 0 : index
    %get3A_14 = arith.constant 0 : index
    %get3A_15 = vector.load %arg4[%get3A_13, %get3A_14] : memref<1x10000xf32, #tpu.memory_space<vmem>>, vector<1x10000xf32>
    %get3A_16 = arith.constant 0 : index
    %get3A_17 = arith.constant 0 : index
    %get3A_18 = vector.load %arg5[%get3A_16, %get3A_17] : memref<1x10000xf32, #tpu.memory_space<vmem>>, vector<1x10000xf32>
    %add3A = arith.addf %get3A_15, %get3A_18 : vector<1x10000xf32>
    %add3A_19 = arith.addf %add3A, %dot_general3A_12 : vector<1x10000xf32>
    %mul3A = arith.constant 2.000000e-01 : f32
    %mul3A_20 = vector.broadcast %mul3A : f32 to vector<1x10000xf32>
    %mul3A_21 = arith.mulf %mul3A_20, %add3A_19 : vector<1x10000xf32>
    %max3A = arith.maximumf %add3A_19, %mul3A_21 : vector<1x10000xf32>
    %exp3A = math.exp %max3A : vector<1x10000xf32>
    %get3A_22 = arith.constant 0 : index
    %get3A_23 = arith.constant 0 : index
    %get3A_24 = vector.load %arg1[%get3A_22, %get3A_23] : memref<32x10000xf32, #tpu.memory_space<vmem>>, vector<32x10000xf32>
    %reduce_sum3A = arith.constant dense<0.000000e+00> : vector<10000xf32>
    %reduce_sum3A_25 = vector.multi_reduction <add>, %get3A_24, %reduce_sum3A [0] : vector<32x10000xf32> to vector<10000xf32>
    %broadcast_in_dim3A = vector.shape_cast %reduce_sum3A_25 : vector<10000xf32> to vector<1x10000xf32>
    %add3A_26 = arith.addf %broadcast_in_dim3A, %exp3A : vector<1x10000xf32>
    %get3A_27 = arith.constant 0 : index
    %get3A_28 = arith.constant 0 : index
    %get3A_29 = arith.constant 0 : index
    %get3A_30 = vector.load %arg0[%get3A_27, %get3A_28, %get3A_29] : memref<2x64x10000xf32, #tpu.memory_space<vmem>>, vector<2x64x10000xf32>
    %slice3A_31 = vector.extract_strided_slice %get3A_30 {offsets = [0, 0, 0], sizes = [1, 64, 10000], strides = [1, 1, 1]} : vector<2x64x10000xf32> to vector<1x64x10000xf32>
    %squeeze3A = vector.shape_cast %slice3A_31 : vector<1x64x10000xf32> to vector<64x10000xf32>
    %slice3A_32 = vector.extract_strided_slice %get3A_30 {offsets = [1, 0, 0], sizes = [1, 64, 10000], strides = [1, 1, 1]} : vector<2x64x10000xf32> to vector<1x64x10000xf32>
    %squeeze3A_33 = vector.shape_cast %slice3A_32 : vector<1x64x10000xf32> to vector<64x10000xf32>
    %add3A_34 = arith.addf %squeeze3A, %squeeze3A_33 : vector<64x10000xf32>
    %get3A_35 = arith.constant 0 : index
    %get3A_36 = arith.constant 0 : index
    %get3A_37 = vector.load %arg3[%get3A_35, %get3A_36] : memref<64x10000xf32, #tpu.memory_space<vmem>>, vector<64x10000xf32>
    %mul3A_38 = vector.broadcast %exp3A : vector<1x10000xf32> to vector<64x10000xf32>
    %mul3A_39 = arith.mulf %mul3A_38, %get3A_37 : vector<64x10000xf32>
    %add3A_40 = arith.addf %add3A_34, %mul3A_39 : vector<64x10000xf32>
    %div3A_41 = vector.broadcast %add3A_26 : vector<1x10000xf32> to vector<64x10000xf32>
    %div3A_42 = arith.divf %add3A_40, %div3A_41 : vector<64x10000xf32>
    %get3A_43 = arith.constant 0 : index
    %get3A_44 = arith.constant 0 : index
    %get3A_45 = vector.load %arg8[%get3A_43, %get3A_44] : memref<64x1xf32, #tpu.memory_space<vmem>>, vector<64x1xf32>
    %add3A_46 = vector.broadcast %get3A_45 : vector<64x1xf32> to vector<64x10000xf32>
    %add3A_47 = arith.addf %div3A_42, %add3A_46 : vector<64x10000xf32>
    %mul3A_48 = arith.constant 0.00999999977 : f32
    %mul3A_49 = vector.broadcast %mul3A_48 : f32 to vector<64x10000xf32>
    %mul3A_50 = arith.mulf %mul3A_49, %add3A_47 : vector<64x10000xf32>
    %max3A_51 = arith.maximumf %add3A_47, %mul3A_50 : vector<64x10000xf32>
    %reduce_sum3A_52 = arith.constant dense<0.000000e+00> : vector<64xf32>
    %reduce_sum3A_53 = vector.multi_reduction <add>, %max3A_51, %reduce_sum3A_52 [1] : vector<64x10000xf32> to vector<64xf32>
    %broadcast_in_dim3A_54 = vector.shape_cast %reduce_sum3A_53 : vector<64xf32> to vector<64x1xf32>
    %div3A_55 = arith.constant 1.000000e+04 : f32
    %div3A_56 = vector.broadcast %div3A_55 : f32 to vector<64x1xf32>
    %div3A_57 = arith.divf %broadcast_in_dim3A_54, %div3A_56 : vector<64x1xf32>
    %sub3A = vector.broadcast %div3A_57 : vector<64x1xf32> to vector<64x10000xf32>
    %sub3A_58 = arith.subf %max3A_51, %sub3A : vector<64x10000xf32>
    %integer_pow3A = arith.mulf %sub3A_58, %sub3A_58 : vector<64x10000xf32>
    %reduce_sum3A_59 = arith.constant dense<0.000000e+00> : vector<64xf32>
    %reduce_sum3A_60 = vector.multi_reduction <add>, %integer_pow3A, %reduce_sum3A_59 [1] : vector<64x10000xf32> to vector<64xf32>
    %broadcast_in_dim3A_61 = vector.shape_cast %reduce_sum3A_60 : vector<64xf32> to vector<64x1xf32>
    %div3A_62 = arith.constant 1.000000e+04 : f32
    %div3A_63 = vector.broadcast %div3A_62 : f32 to vector<64x1xf32>
    %div3A_64 = arith.divf %broadcast_in_dim3A_61, %div3A_63 : vector<64x1xf32>
    %sub3A_65 = vector.broadcast %div3A_57 : vector<64x1xf32> to vector<64x10000xf32>
    %sub3A_66 = arith.subf %max3A_51, %sub3A_65 : vector<64x10000xf32>
    %add3A_67 = arith.constant 9.99999974E-6 : f32
    %add3A_68 = vector.broadcast %add3A_67 : f32 to vector<64x1xf32>
    %add3A_69 = arith.addf %div3A_64, %add3A_68 : vector<64x1xf32>
    %sqrt3A = math.sqrt %add3A_69 : vector<64x1xf32>
    %div3A_70 = vector.broadcast %sqrt3A : vector<64x1xf32> to vector<64x10000xf32>
    %div3A_71 = arith.divf %sub3A_66, %div3A_70 : vector<64x10000xf32>
    %get3A_72 = arith.constant 0 : index
    %get3A_73 = arith.constant 0 : index
    %get3A_74 = vector.load %arg9[%get3A_72, %get3A_73] : memref<64x1xf32, #tpu.memory_space<vmem>>, vector<64x1xf32>
    %mul3A_75 = vector.broadcast %get3A_74 : vector<64x1xf32> to vector<64x10000xf32>
    %mul3A_76 = arith.mulf %div3A_71, %mul3A_75 : vector<64x10000xf32>
    %get3A_77 = arith.constant 0 : index
    %get3A_78 = arith.constant 0 : index
    %get3A_79 = vector.load %arg10[%get3A_77, %get3A_78] : memref<64x1xf32, #tpu.memory_space<vmem>>, vector<64x1xf32>
    %add3A_80 = vector.broadcast %get3A_79 : vector<64x1xf32> to vector<64x10000xf32>
    %add3A_81 = arith.addf %mul3A_76, %add3A_80 : vector<64x10000xf32>
    %get3A_82 = arith.constant 0 : index
    %get3A_83 = arith.constant 0 : index
    %get3A_84 = vector.load %arg11[%get3A_82, %get3A_83] : memref<64x64xf32, #tpu.memory_space<vmem>>, vector<64x64xf32>
    %dot_general3A_85 = arith.constant dense<0.000000e+00> : vector<64x10000xf32>
    %dot_general3A_86 = tpu.matmul %get3A_84, %add3A_81, %dot_general3A_85 {dimension_numbers = #tpu.dot_dimension_numbers<[1], [0], [0], [1], [0, 0, 1, 1], [], []>, transpose_lhs_hint = false} : vector<64x64xf32>, vector<64x10000xf32>, vector<64x10000xf32> -> vector<64x10000xf32>
    %swap3A = arith.constant 0 : index
    %swap3A_87 = arith.constant 0 : index
    %swap3A_88 = vector.load %arg14[%swap3A, %swap3A_87] : memref<64x10000xf32, #tpu.memory_space<vmem>>, vector<64x10000xf32>
    tpu.vector_store %arg14[%swap3A, %swap3A_87], %dot_general3A_86 {strides = array<i32>} : memref<64x10000xf32, #tpu.memory_space<vmem>>, vector<64x10000xf32>,
    %get3A_89 = arith.constant 0 : index
    %get3A_90 = arith.constant 0 : index
    %get3A_91 = vector.load %arg12[%get3A_89, %get3A_90] : memref<1x64xf32, #tpu.memory_space<vmem>>, vector<1x64xf32>
    %dot_general3A_92 = arith.constant dense<0.000000e+00> : vector<1x10000xf32>
    %dot_general3A_93 = tpu.matmul %get3A_91, %dot_general3A_86, %dot_general3A_92 {dimension_numbers = #tpu.dot_dimension_numbers<[1], [0], [0], [1], [0, 0, 1, 1], [], []>, transpose_lhs_hint = false} : vector<1x64xf32>, vector<64x10000xf32>, vector<1x10000xf32> -> vector<1x10000xf32>
    %swap3A_94 = arith.constant 0 : index
    %swap3A_95 = arith.constant 0 : index
    %swap3A_96 = vector.load %arg15[%swap3A_94, %swap3A_95] : memref<1x10000xf32, #tpu.memory_space<vmem>>, vector<1x10000xf32>
    tpu.vector_store %arg15[%swap3A_94, %swap3A_95], %dot_general3A_93 {strides = array<i32>} : memref<1x10000xf32, #tpu.memory_space<vmem>>, vector<1x10000xf32>,
    %get3A_97 = arith.constant 0 : index
    %get3A_98 = arith.constant 0 : index
    %get3A_99 = vector.load %arg13[%get3A_97, %get3A_98] : memref<1x64xf32, #tpu.memory_space<vmem>>, vector<1x64xf32>
    %dot_general3A_100 = arith.constant dense<0.000000e+00> : vector<1x10000xf32>
    %dot_general3A_101 = tpu.matmul %get3A_99, %dot_general3A_86, %dot_general3A_100 {dimension_numbers = #tpu.dot_dimension_numbers<[1], [0], [0], [1], [0, 0, 1, 1], [], []>, transpose_lhs_hint = false} : vector<1x64xf32>, vector<64x10000xf32>, vector<1x10000xf32> -> vector<1x10000xf32>
    %swap3A_102 = arith.constant 0 : index
    %swap3A_103 = arith.constant 0 : index
    %swap3A_104 = vector.load %arg16[%swap3A_102, %swap3A_103] : memref<1x10000xf32, #tpu.memory_space<vmem>>, vector<1x10000xf32>
    tpu.vector_store %arg16[%swap3A_102, %swap3A_103], %dot_general3A_101 {strides = array<i32>} : memref<1x10000xf32, #tpu.memory_space<vmem>>, vector<1x10000xf32>,
    return
  }
}

module attributes {stable_mosaic.version = 14 : i64} {
  func.func @_tc_final_body(%arg0: memref<2x64x10000xf32, #tpu.memory_space<vmem>>, %arg1: memref<32x10000xf32, #tpu.memory_space<vmem>>, %arg2: memref<4x10000xf32, #tpu.memory_space<vmem>>, %arg3: memref<64x10000xf32, #tpu.memory_space<vmem>>, %arg4: memref<1x10000xf32, #tpu.memory_space<vmem>>, %arg5: memref<1x10000xf32, #tpu.memory_space<vmem>>, %arg6: memref<64x3xf32, #tpu.memory_space<vmem>>, %arg7: memref<1x64xf32, #tpu.memory_space<vmem>>, %arg8: memref<64x1xf32, #tpu.memory_space<vmem>>, %arg9: memref<64x1xf32, #tpu.memory_space<vmem>>, %arg10: memref<64x1xf32, #tpu.memory_space<vmem>>, %arg11: memref<10000x64xf32, #tpu.memory_space<vmem>>) attributes {dimension_semantics = [], scalar_prefetch = 0 : i64, scratch_operands = 0 : i64, tpu.core_type = #tpu.core_type<tc>} {
    %get3A = arith.constant 0 : index
    %get3A_0 = arith.constant 0 : index
    %get3A_1 = vector.load %arg2[%get3A, %get3A_0] : memref<4x10000xf32, #tpu.memory_space<vmem>>, vector<4x10000xf32>
    %slice3A = vector.extract_strided_slice %get3A_1 {offsets = [0, 0], sizes = [1, 10000], strides = [1, 1]} : vector<4x10000xf32> to vector<1x10000xf32>
    %slice3A_2 = vector.extract_strided_slice %get3A_1 {offsets = [1, 0], sizes = [3, 10000], strides = [1, 1]} : vector<4x10000xf32> to vector<3x10000xf32>
    %div3A = vector.broadcast %slice3A : vector<1x10000xf32> to vector<3x10000xf32>
    %div3A_3 = arith.divf %slice3A_2, %div3A : vector<3x10000xf32>
    %get3A_4 = arith.constant 0 : index
    %get3A_5 = arith.constant 0 : index
    %get3A_6 = vector.load %arg6[%get3A_4, %get3A_5] : memref<64x3xf32, #tpu.memory_space<vmem>>, vector<64x3xf32>
    %dot_general3A = arith.constant dense<0.000000e+00> : vector<64x10000xf32>
    %dot_general3A_7 = tpu.matmul %get3A_6, %div3A_3, %dot_general3A {dimension_numbers = #tpu.dot_dimension_numbers<[1], [0], [0], [1], [0, 0, 1, 1], [], []>, transpose_lhs_hint = false} : vector<64x3xf32>, vector<3x10000xf32>, vector<64x10000xf32> -> vector<64x10000xf32>
    %get3A_8 = arith.constant 0 : index
    %get3A_9 = arith.constant 0 : index
    %get3A_10 = vector.load %arg7[%get3A_8, %get3A_9] : memref<1x64xf32, #tpu.memory_space<vmem>>, vector<1x64xf32>
    %dot_general3A_11 = arith.constant dense<0.000000e+00> : vector<1x10000xf32>
    %dot_general3A_12 = tpu.matmul %get3A_10, %dot_general3A_7, %dot_general3A_11 {dimension_numbers = #tpu.dot_dimension_numbers<[1], [0], [0], [1], [0, 0, 1, 1], [], []>, transpose_lhs_hint = false} : vector<1x64xf32>, vector<64x10000xf32>, vector<1x10000xf32> -> vector<1x10000xf32>
    %get3A_13 = arith.constant 0 : index
    %get3A_14 = arith.constant 0 : index
    %get3A_15 = vector.load %arg4[%get3A_13, %get3A_14] : memref<1x10000xf32, #tpu.memory_space<vmem>>, vector<1x10000xf32>
    %get3A_16 = arith.constant 0 : index
    %get3A_17 = arith.constant 0 : index
    %get3A_18 = vector.load %arg5[%get3A_16, %get3A_17] : memref<1x10000xf32, #tpu.memory_space<vmem>>, vector<1x10000xf32>
    %add3A = arith.addf %get3A_15, %get3A_18 : vector<1x10000xf32>
    %add3A_19 = arith.addf %add3A, %dot_general3A_12 : vector<1x10000xf32>
    %mul3A = arith.constant 2.000000e-01 : f32
    %mul3A_20 = vector.broadcast %mul3A : f32 to vector<1x10000xf32>
    %mul3A_21 = arith.mulf %mul3A_20, %add3A_19 : vector<1x10000xf32>
    %max3A = arith.maximumf %add3A_19, %mul3A_21 : vector<1x10000xf32>
    %exp3A = math.exp %max3A : vector<1x10000xf32>
    %get3A_22 = arith.constant 0 : index
    %get3A_23 = arith.constant 0 : index
    %get3A_24 = vector.load %arg1[%get3A_22, %get3A_23] : memref<32x10000xf32, #tpu.memory_space<vmem>>, vector<32x10000xf32>
    %reduce_sum3A = arith.constant dense<0.000000e+00> : vector<10000xf32>
    %reduce_sum3A_25 = vector.multi_reduction <add>, %get3A_24, %reduce_sum3A [0] : vector<32x10000xf32> to vector<10000xf32>
    %broadcast_in_dim3A = vector.shape_cast %reduce_sum3A_25 : vector<10000xf32> to vector<1x10000xf32>
    %add3A_26 = arith.addf %broadcast_in_dim3A, %exp3A : vector<1x10000xf32>
    %get3A_27 = arith.constant 0 : index
    %get3A_28 = arith.constant 0 : index
    %get3A_29 = arith.constant 0 : index
    %get3A_30 = vector.load %arg0[%get3A_27, %get3A_28, %get3A_29] : memref<2x64x10000xf32, #tpu.memory_space<vmem>>, vector<2x64x10000xf32>
    %slice3A_31 = vector.extract_strided_slice %get3A_30 {offsets = [0, 0, 0], sizes = [1, 64, 10000], strides = [1, 1, 1]} : vector<2x64x10000xf32> to vector<1x64x10000xf32>
    %squeeze3A = vector.shape_cast %slice3A_31 : vector<1x64x10000xf32> to vector<64x10000xf32>
    %slice3A_32 = vector.extract_strided_slice %get3A_30 {offsets = [1, 0, 0], sizes = [1, 64, 10000], strides = [1, 1, 1]} : vector<2x64x10000xf32> to vector<1x64x10000xf32>
    %squeeze3A_33 = vector.shape_cast %slice3A_32 : vector<1x64x10000xf32> to vector<64x10000xf32>
    %add3A_34 = arith.addf %squeeze3A, %squeeze3A_33 : vector<64x10000xf32>
    %get3A_35 = arith.constant 0 : index
    %get3A_36 = arith.constant 0 : index
    %get3A_37 = vector.load %arg3[%get3A_35, %get3A_36] : memref<64x10000xf32, #tpu.memory_space<vmem>>, vector<64x10000xf32>
    %mul3A_38 = vector.broadcast %exp3A : vector<1x10000xf32> to vector<64x10000xf32>
    %mul3A_39 = arith.mulf %mul3A_38, %get3A_37 : vector<64x10000xf32>
    %add3A_40 = arith.addf %add3A_34, %mul3A_39 : vector<64x10000xf32>
    %div3A_41 = vector.broadcast %add3A_26 : vector<1x10000xf32> to vector<64x10000xf32>
    %div3A_42 = arith.divf %add3A_40, %div3A_41 : vector<64x10000xf32>
    %get3A_43 = arith.constant 0 : index
    %get3A_44 = arith.constant 0 : index
    %get3A_45 = vector.load %arg8[%get3A_43, %get3A_44] : memref<64x1xf32, #tpu.memory_space<vmem>>, vector<64x1xf32>
    %add3A_46 = vector.broadcast %get3A_45 : vector<64x1xf32> to vector<64x10000xf32>
    %add3A_47 = arith.addf %div3A_42, %add3A_46 : vector<64x10000xf32>
    %mul3A_48 = arith.constant 0.00999999977 : f32
    %mul3A_49 = vector.broadcast %mul3A_48 : f32 to vector<64x10000xf32>
    %mul3A_50 = arith.mulf %mul3A_49, %add3A_47 : vector<64x10000xf32>
    %max3A_51 = arith.maximumf %add3A_47, %mul3A_50 : vector<64x10000xf32>
    %reduce_sum3A_52 = arith.constant dense<0.000000e+00> : vector<64xf32>
    %reduce_sum3A_53 = vector.multi_reduction <add>, %max3A_51, %reduce_sum3A_52 [1] : vector<64x10000xf32> to vector<64xf32>
    %broadcast_in_dim3A_54 = vector.shape_cast %reduce_sum3A_53 : vector<64xf32> to vector<64x1xf32>
    %div3A_55 = arith.constant 1.000000e+04 : f32
    %div3A_56 = vector.broadcast %div3A_55 : f32 to vector<64x1xf32>
    %div3A_57 = arith.divf %broadcast_in_dim3A_54, %div3A_56 : vector<64x1xf32>
    %sub3A = vector.broadcast %div3A_57 : vector<64x1xf32> to vector<64x10000xf32>
    %sub3A_58 = arith.subf %max3A_51, %sub3A : vector<64x10000xf32>
    %integer_pow3A = arith.mulf %sub3A_58, %sub3A_58 : vector<64x10000xf32>
    %reduce_sum3A_59 = arith.constant dense<0.000000e+00> : vector<64xf32>
    %reduce_sum3A_60 = vector.multi_reduction <add>, %integer_pow3A, %reduce_sum3A_59 [1] : vector<64x10000xf32> to vector<64xf32>
    %broadcast_in_dim3A_61 = vector.shape_cast %reduce_sum3A_60 : vector<64xf32> to vector<64x1xf32>
    %div3A_62 = arith.constant 1.000000e+04 : f32
    %div3A_63 = vector.broadcast %div3A_62 : f32 to vector<64x1xf32>
    %div3A_64 = arith.divf %broadcast_in_dim3A_61, %div3A_63 : vector<64x1xf32>
    %sub3A_65 = vector.broadcast %div3A_57 : vector<64x1xf32> to vector<64x10000xf32>
    %sub3A_66 = arith.subf %max3A_51, %sub3A_65 : vector<64x10000xf32>
    %add3A_67 = arith.constant 9.99999974E-6 : f32
    %add3A_68 = vector.broadcast %add3A_67 : f32 to vector<64x1xf32>
    %add3A_69 = arith.addf %div3A_64, %add3A_68 : vector<64x1xf32>
    %sqrt3A = math.sqrt %add3A_69 : vector<64x1xf32>
    %div3A_70 = vector.broadcast %sqrt3A : vector<64x1xf32> to vector<64x10000xf32>
    %div3A_71 = arith.divf %sub3A_66, %div3A_70 : vector<64x10000xf32>
    %get3A_72 = arith.constant 0 : index
    %get3A_73 = arith.constant 0 : index
    %get3A_74 = vector.load %arg9[%get3A_72, %get3A_73] : memref<64x1xf32, #tpu.memory_space<vmem>>, vector<64x1xf32>
    %mul3A_75 = vector.broadcast %get3A_74 : vector<64x1xf32> to vector<64x10000xf32>
    %mul3A_76 = arith.mulf %div3A_71, %mul3A_75 : vector<64x10000xf32>
    %get3A_77 = arith.constant 0 : index
    %get3A_78 = arith.constant 0 : index
    %get3A_79 = vector.load %arg10[%get3A_77, %get3A_78] : memref<64x1xf32, #tpu.memory_space<vmem>>, vector<64x1xf32>
    %add3A_80 = vector.broadcast %get3A_79 : vector<64x1xf32> to vector<64x10000xf32>
    %add3A_81 = arith.addf %mul3A_76, %add3A_80 : vector<64x10000xf32>
    %transpose3A = tpu.transpose %add3A_81, [1, 0] : vector<64x10000xf32> -> vector<10000x64xf32>
    %swap3A = arith.constant 0 : index
    %swap3A_82 = arith.constant 0 : index
    %swap3A_83 = vector.load %arg11[%swap3A, %swap3A_82] : memref<10000x64xf32, #tpu.memory_space<vmem>>, vector<10000x64xf32>
    tpu.vector_store %arg11[%swap3A, %swap3A_82], %transpose3A {strides = array<i32>} : memref<10000x64xf32, #tpu.memory_space<vmem>>, vector<10000x64xf32>,
    return
  }
}

</mosaic_0001>

<sc_bundles>
// kernel: kernel.12.cloned.1.call-start
scs
__scs_entry_jumppad:
0x0: {  	(pc) =	sbr.rel $0x88, $3  }
0x1: {  	(tag) =	ssettag $0x0;
	lr =	simm.s32 $0x1  }
0x2: {  	[smem:$0x3F86] =	sst lr;
	_ =	strace $0xD0000000  }
0x3: {  	_ = 	snop  }
0x4: {  	_ = 	snop  }
0x5: {  	_ = 	snop  }
0x6: {  	_ = 	snop  }
0x7: {  	_ = 	snop  }
__scs_overlays_trampoline_lowered:
0x8: {  	[smem:$0x3F95] =	sst s0  }
0x9: {  	[smem:$0x3F96] =	sst s1  }
0xa: {  	[smem:$0x3F97] =	sst s2  }
0xb: {  	[smem:$0x3F98] =	sst s3  }
0xc: {  	[smem:$0x3F99] =	sst s4  }
0xd: {  	[smem:$0x3F9A] =	sst s5  }
0xe: {  	[smem:$0x3F9B] =	sst s6  }
0xf: {  	[smem:$0x3F9C] =	sst s7  }
0x10: {  	[smem:$0x3F9D] =	sst s8  }
0x11: {  	[smem:$0x3F9E] =	sst s9;
	s0 =	simm.s32 @!p0 $0x0  }
0x12: {  	s1 =	sld [smem:$0x3F84];
	s0 =	simm.s32 @p0 $0x1  }
0x13: {  	[smem:$0x3F9F] =	sst s0;
	s0 =	simm.s32 @!p1 $0x0  }
0x14: {  	s2 =	sld [smem:$0x3F83];
	s0 =	simm.s32 @p1 $0x1  }
0x15: {  	[smem:$0x3FA0] =	sst s0;
	s0 =	simm.s32 @!p2 $0x0  }
0x16: {  	s3 =	sld [smem:$0x3FDB];
	s0 =	simm.s32 @p2 $0x1  }
0x17: {  	s4 =	simm.s32 $0x1BF5;
	[smem:$0x3FA2] =	sst s0  }
0x18: {  	s0 =	sld [smem:$0x3F85];
	_ =	swait.ge [sflag:s4], $0x0  }
0x19: {  	s7 =	sld [smem:$0x3F86]  }
0x1a: {  	s8 =	sadd.s32 $0xFFFFE003, lr  }
0x1b: {  	s9 =	sadd.s32 $0xFFFFFEF7, lr;
	s5 =	simm.s32 $0xFFFFFFFF;
	p2 =	slt.u32 s8, $0xFFFFF086  }
0x1c: {  	p1 =	slt.u32 s9, $0xF7A;
	s5 =	simm.s32 @!p2 $0x0  }
0x1d: {  	s5 =	simm.s32 @p1 $0x1;
	p0 =	seq.s32 s7, s2  }
0x1e: {  	s7 =	smul.u32 @!p0 $0xF7A, s2;
	p2 =	seq.s32 @!p0 s5, $0x0  }
0x1f: {  	s9 =	smul.u32 $0xF7A, s1;
	s8 =	simm.s32 @!p0 $0x1BF5;
	p2 =	por !p2, p0  }
0x20: {  	[sflag:s8] =	ssyncset.s32 @!p0 $0xFFFFF086;
	s6 =	sadd.s32 @!p0 s3, s7;
	s7 =	simm.s32 @!p0 $0x108  }
0x21: {  	s3 =	sadd.s32 s3, s9;
	s6 =	sadd.s32 @!p0 $0x88, s6;
	s7 =	simm.s32 @p2 $0x1082  }
0x22: {  	[simem:s7], [sflag:s8] =	dma.local @!p0 [hbm:s6], $0xF7A  }
0x23: {  	s9 =	sor.u32 $0xD0000000, s2;
	s6 =	simm.s32 $0x108;
	_ =	swait.ge @!p0 [sflag:s8], $0x0  }
0x24: {  	s3 =	sadd.s32 $0x88, s3;
	s6 =	simm.s32 @!p1 $0x1082;
	[sflag:s4] =	ssyncset.s32 $0xFFFFF086  }
0x25: {  	[simem:s6], [sflag:s4] =	dma.local [hbm:s3], $0xF7A  }
0x26: {  	[smem:$0x3F86] =	sst s1;
	(tag) =	ssettag s2;
	_ =	strace s9  }
0x27: {  	s1 =	sld [smem:$0x3F96]  }
0x28: {  	s2 =	sld [smem:$0x3F97]  }
0x29: {  	s4 =	sld [smem:$0x3F99]  }
0x2a: {  	p0 =	seq.s32 s5, $0x0;
	s5 =	sld [smem:$0x3F9A]  }
0x2b: {  	s6 =	sld [smem:$0x3F9B]  }
0x2c: {  	s7 =	sld [smem:$0x3F9C]  }
0x2d: {  	s3 =	simm.s32 $0x108;
	s8 =	sld [smem:$0x3F9D]  }
0x2e: {  	s3 =	simm.s32 @!p0 $0x1082;
	s9 =	sld [smem:$0x3F9E]  }
0x2f: {  	lr =	sadd.s32 s0, s3;
	s0 =	sld [smem:$0x3F95]  }
0x30: {  	s3 =	sld [smem:$0x3F98]  }
0x31: {  	[smem:$0x3FA1] =	sst s10  }
0x32: {  	s10 =	sld [smem:$0x3F9F];
	_ =	sdelay $0x3  }
0x33: {  	p0 =	seq.s32 s10, $0x1;
	s10 =	sld [smem:$0x3FA1];
	_ =	sdelay $0x3  }
0x34: {  	[smem:$0x3FA1] =	sst s10  }
0x35: {  	s10 =	sld [smem:$0x3FA0];
	_ =	sdelay $0x3  }
0x36: {  	p1 =	seq.s32 s10, $0x1;
	s10 =	sld [smem:$0x3FA1];
	_ =	sdelay $0x3  }
0x37: {  	[smem:$0x3FA1] =	sst s10  }
0x38: {  	s10 =	sld [smem:$0x3FA2]  }
0x39: {  	_ = 	snop;
	(pc) =	sbr.ind lr, $3  }
0x3a: {  	_ = 	snop  }
0x3b: {  	_ = 	snop  }
0x3c: {  	p2 =	seq.s32 s10, $0x1;
	s10 =	sld [smem:$0x3FA1]  }
0x3d: {  	_ =	shalt  }
0x3e: {  	_ =	shalt  }
0x3f: {  	_ =	shalt  }
0x40: {  	_ =	shalt  }
0x41: {  	_ =	shalt  }
0x42: {  	_ =	shalt  }
0x43: {  	_ =	shalt  }
0x44: {  	_ =	shalt  }
0x45: {  	_ =	shalt  }
0x46: {  	_ =	shalt  }
0x47: {  	_ =	shalt  }
0x48: {  	_ =	shalt  }
0x49: {  	_ =	shalt  }
0x4a: {  	_ =	shalt  }
0x4b: {  	_ =	shalt  }
0x4c: {  	_ =	shalt  }
0x4d: {  	_ =	shalt  }
0x4e: {  	_ =	shalt  }
0x4f: {  	_ =	shalt  }
0x50: {  	_ =	shalt  }
0x51: {  	_ =	shalt  }
0x52: {  	_ =	shalt  }
0x53: {  	_ =	shalt  }
0x54: {  	_ =	shalt  }
0x55: {  	_ =	shalt  }
0x56: {  	_ =	shalt  }
0x57: {  	_ =	shalt  }
0x58: {  	_ =	shalt  }
0x59: {  	_ =	shalt  }
0x5a: {  	_ =	shalt  }
0x5b: {  	_ =	shalt  }
0x5c: {  	_ =	shalt  }
0x5d: {  	_ =	shalt  }
0x5e: {  	_ =	shalt  }
0x5f: {  	_ =	shalt  }
0x60: {  	_ =	shalt  }
0x61: {  	_ =	shalt  }
0x62: {  	_ =	shalt  }
0x63: {  	_ =	shalt  }
0x64: {  	_ =	shalt  }
0x65: {  	_ =	shalt  }
0x66: {  	_ =	shalt  }
0x67: {  	_ =	shalt  }
0x68: {  	_ =	shalt  }
0x69: {  	_ =	shalt  }
0x6a: {  	_ =	shalt  }
0x6b: {  	_ =	shalt  }
0x6c: {  	_ =	shalt  }
0x6d: {  	_ =	shalt  }
0x6e: {  	_ =	shalt  }
0x6f: {  	_ =	shalt  }
0x70: {  	_ =	shalt  }
0x71: {  	_ =	shalt  }
0x72: {  	_ =	shalt  }
0x73: {  	_ =	shalt  }
0x74: {  	_ =	shalt  }
0x75: {  	_ =	shalt  }
0x76: {  	_ =	shalt  }
0x77: {  	_ =	shalt  }
0x78: {  	_ =	shalt  }
0x79: {  	_ =	shalt  }
0x7a: {  	_ =	shalt  }
0x7b: {  	_ =	shalt  }
0x7c: {  	_ =	shalt  }
0x7d: {  	_ =	shalt  }
0x7e: {  	_ =	shalt  }
0x7f: {  	_ =	shalt  }
0x80: {  	_ =	shalt  }
0x81: {  	_ =	shalt  }
0x82: {  	_ =	shalt  }
0x83: {  	_ =	shalt  }
0x84: {  	_ =	shalt  }
0x85: {  	_ =	shalt  }
0x86: {  	_ =	shalt  }
0x87: {  	_ =	shalt  }
.Lfunc_end0:
.L_simem_size_0:
called_computation_lowered:
.L_overlay_start_0:
0x88: {  	s2 =	sld [smem:$0x3FD9]  }
0x89: {  	s3 =	sld [smem:$0x3FFE];
	_ =	sdelay $0x1  }
0x8a: {  	s1 =	srdreg.scid  }
0x8b: {  	s0 =	sand.u32 $0x1, s1  }
0x8c: {  	s16 =	sshll.u32 s0, $0xA;
	s2 =	sadd.s32 s3, s2  }
0x8d: {  	s2 =	sadd.s32 s2, s16  }
0x8e: {  	[smem:$0x3FAD] =	sst s2  }
0x8f: {  	_ = 	snop  }
0x90: {  	(tm) =	ssettm $0x1  }
0x91: {  	s17 =	sld [smem:$0x3FFB];
	_ =	sdelay $0x3  }
0x92: {  	_ =	strace s17  }
0x93: {  	s2 =	sld [smem:$0x3FFC];
	_ =	sdelay $0x3  }
0x94: {  	_ =	strace s2  }
0x95: {  	s2 =	sld [smem:$0x3FFD];
	_ =	sdelay $0x3  }
0x96: {  	_ =	strace s2  }
0x97: {  	_ =	strace $0x8FFFFFFF  }
0x98: {  	s18 =	sld [smem:$0x3FDB];
	_ =	sdelay $0x1  }
0x99: {  	s19 =	simm.s32 $_scs_section_size  }
0x9a: {  	s4 =	simm.s32 $_size__tile_overlayer_lowered;
	s5 =	simm.s32 $_tile_overlayer_lowered  }
0x9b: {  	s22 =	simm.s32 $0x1BFF;
	s21 =	sshll.u32 s5, $0x1;
	s2 =	sadd.s32 s19, s18  }
0x9c: {  	s6 =	simm.s32 $0x0;
	s20 =	sshll.u32 s4, $0x1;
	s4 =	sadd.s32 s21, s2  }
0x9d: {  	[timem:s6], [sflag:s22] =	dma.local [hbm:s4], s20  }
0x9e: {  	_ =	swait.ge [sflag:s22], s20  }
0x9f: {  	s3 =	ssub.s32 $0x0, s20;
	[sflag:s22] =	ssyncset.done $0x0  }
0xa0: {  	[sflag:s22] =	ssyncadd.s32 s3;
	_ =	sdelay $0x1  }
0xa1: {  	s23 =	simm.s32 $0x1B8B  }
0xa2: {  	_ =	swait.ge [sflag:s23], $0x1  }
0xa3: {  	[sflag:s23] =	ssyncset.done $0x0  }
0xa4: {  	s25 =	simm.s32 $0x1B8E;
	s24 =	sld [smem:$0x3FFE];
	[sflag:s23] =	ssyncadd.s32 $0xFFFFFFFF  }
0xa5: {  	s26 =	simm.s32 $execute0_lowered;
	[smem:$0x3FD2] =	sst s25  }
0xa6: {  	s4 =	sshll.u32 s26, $0x1;
	_ =	strace $0x80000046;
	[dreg:$0x1] =	wrdreg $0xFFFFFFFF  }
0xa7: {  	s28 =	simm.s32 $_size_execute0_lowered;
	s2 =	sadd.s32 s2, s4;
	[dreg:$0x0] =	wrdreg $0x0  }
0xa8: {  	s4 =	sshll.u32 s28, $0x1;
	[dreg:$0x2] =	wrdreg s2  }
0xa9: {  	[dreg:$0x3] =	wrdreg s4  }
0xaa: {  	[dreg:$0x4] =	wrdreg $0xC0  }
0xab: {  	_ =	task [dreg:s6], $0x5FFFF  }
0xac: {  	[dreg:$0x1] =	wrdreg $0xFFFFFFFF  }
0xad: {  	[dreg:$0x0] =	wrdreg $0x60  }
0xae: {  	[dreg:$0x2] =	wrdreg s24  }
0xaf: {  	[dreg:$0x3] =	wrdreg $0x9  }
0xb0: {  	_ =	task.clear_ibuf [dreg:s6], $0x4FFFF;
	_ =	strace $0x90000046  }
0xb1: {  	s29 =	simm.s32 $0x9;
	_ =	strace $0x80000048  }
0xb2: {  	_ =	swait.ge [sflag:s29], $0x1  }
0xb3: {  	[sflag:s29] =	ssyncadd.s32 $0xFFFFFFFF  }
0xb4: {  	_ =	strace $0x90000048  }
0xb5: {  	_ =	sfence  }
0xb6: {  	s30 =	sld [smem:$0x0];
	_ =	sdelay $0x2  }
0xb7: {  	s31 =	sshll.u32 s1, $0xD;
	s1 =	sshrl.u32 s1, $0x2  }
0xb8: {  	s3 =	sand.u32 $0x4000, s31;
	s1 =	sadd.s32 s1, s30  }
0xb9: {  	s0 =	sor.u32 s3, s0;
	s1 =	sshll.u32 s1, $0x11  }
0xba: {  	s0 =	sor.u32 s1, s0  }
0xbb: {  	s0 =	sadd.s32 $0x8F2B, s0  }
0xbc: {  	[sflag:s0] =	ssyncadd.remote.s32 $0x1  }
0xbd: {  	_ =	sfence.sel $0xFFFF  }
0xbe: {  	[dreg:$0x0] =	wrdreg $0xFFFFFFFF;
	(pc) =	sbr.abs _section_cstart, $3  }
0xbf: {  	[dreg:$0x1] =	wrdreg $0xFFFFFFFF  }
0xc0: {  	_ =	task.clear_ibuf [dreg:s6], $0x2FFFF;
	_ =	strace $0x9FFFFFFF  }
0xc1: {  	(tm) =	ssettm $0x7FFFFFFF  }
tec
execute0_lowered:
.L_overlay_start_1:
0x0: {  	(tag) =	ssettag $0x1  }
0x1: {  	s0 =	rddreg [dreg:$0x0];
	s1 =	simm.s32 $0x0  }
0x2: {  	[smem:$0x7FF] =	sst s1  }
0x3: {  	s3 =	sadd.s32 $0x50CC00, s0;
	s4 =	sadd.s32 $0x502E00, s0  }
0x4: {  	s2 =	srdreg.scid;
	s5 =	sadd.s32 $0x4EF200, s0;
	s6 =	sadd.s32 $0x4E5400, s0  }
0x5: {  	s20 =	stileid.u32;
	s7 =	sadd.s32 $0x9F8E00, s0;
	s10 =	sadd.s32 $0x517A00, s0  }
0x6: {  	s2 =	sand.u32 $0x1, s2;
	s13 =	sadd.s32 $0x518600, s0;
	s12 =	smul.u32 $0x2710, s20  }
0x7: {  	s11 =	sadd.s32 $0x518000, s0;
	s15 =	sadd.s32 $0x535E00, s0;
	s28 =	smul.u32 $0x1388, s20  }
0x8: {  	s19 =	sshll.u32 s20, $0x2;
	_ =	strace $0x80000047;
	[dreg:$0x2] =	wrdreg s10  }
0x9: {  	s8 =	sshll.u32 s2, $0x4;
	[dreg:$0x3] =	wrdreg s11;
	s14 =	smul.u32 $0x27100, s2  }
0xa: {  	s11 =	sadd.s32 $0x52C000, s0;
	s9 =	sor.u32 s20, s8;
	s20 =	smul.u32 $0x9C40, s20  }
0xb: {  	s16 =	ssub.s32 $0x2, s2;
	s2 =	sshll.u32 s2, $0x6;
	s25 =	smul.u32 $0x4E2, s9  }
0xc: {  	s8 =	sadd.s32 $0x4F9000, s0;
	s18 =	sshrl.u32 s16, $0x1;
	s17 =	smul.u32 $0x1388, s9  }
0xd: {  	s2 =	sor.u32 s19, s2;
	s22 =	sadd.s32 s13, s28;
	s9 =	smul.u32 $0x9C40, s9  }
0xe: {  	s12 =	sadd.s32 s12, s14;
	s16 =	ssub.s32 s16, s18;
	s24 =	smul.u32 $0x2710, s2  }
0xf: {  	[dreg:$0x6] =	wrdreg s22;
	s2 =	smul.u32 $0x4E2, s2;
	s26 =	sshrl.u32 s12, $0x3  }
0x10: {  	s23 =	sshrl.u32 s20, $0x3;
	s10 =	sadd.s32 s25, s0;
	s21 =	sadd.s32 s3, s26  }
0x11: {  	s0 =	sadd.s32 $0x566E00, s0;
	s25 =	sadd.s32 s4, s26;
	[dreg:$0x5] =	wrdreg s21  }
0x12: {  	s9 =	sshrl.u32 s9, $0x3;
	s26 =	sadd.s32 s7, s26;
	[dreg:$0x7] =	wrdreg s25  }
0x13: {  	s28 =	sshrl.u32 s24, $0x3;
	s2 =	sadd.s32 s15, s2;
	[dreg:$0x8] =	wrdreg s26  }
0x14: {  	s17 =	sadd.s32 s0, s17;
	s0 =	sadd.s32 s0, s9;
	[dreg:$0xa] =	wrdreg s2  }
0x15: {  	s9 =	sadd.s32 s13, s23;
	s10 =	sadd.s32 $0x55D000, s10;
	[dreg:$0x4] =	wrdreg s17  }
0x16: {  	s13 =	sadd.s32 s15, s28;
	s28 =	smax.u32 s16, $0x1;
	[dreg:$0x9] =	wrdreg s10  }
0x17: {  	s15 =	sadd.s32 $0x4E2, s0;
	[dreg:$0x17] =	wrdreg s28  }
0x18: {  	s17 =	sadd.s32 $0x9C4, s0;
	[dreg:$0xb] =	wrdreg s15  }
0x19: {  	s0 =	sadd.s32 $0xEA6, s0;
	[dreg:$0xc] =	wrdreg s17  }
0x1a: {  	s29 =	simm.s32 $0x1C800;
	s18 =	sadd.s32 $0x4E2, s9;
	[dreg:$0xd] =	wrdreg s0  }
0x1b: {  	s30 =	sadd.s32 $0x7D0, s14;
	s19 =	sadd.s32 $0x9C4, s9;
	[dreg:$0xe] =	wrdreg s18  }
0x1c: {  	s21 =	sshrl.u32 s14, $0x3;
	s20 =	sadd.s32 $0xEA6, s9;
	[dreg:$0xf] =	wrdreg s19  }
0x1d: {  	s31 =	sadd.s32 $0xFA0, s14;
	s22 =	sadd.s32 s3, s21;
	[dreg:$0x10] =	wrdreg s20  }
0x1e: {  	s14 =	simm.s32 $0x2;
	s23 =	sadd.s32 s4, s21;
	[dreg:$0x11] =	wrdreg s22  }
0x1f: {  	s24 =	sadd.s32 $0x4E2, s13;
	s25 =	sadd.s32 $0x9C4, s13;
	[dreg:$0x12] =	wrdreg s23  }
0x20: {  	s26 =	sadd.s32 $0xEA6, s13;
	s13 =	sadd.s32 $0xFA0, s12;
	[dreg:$0x14] =	wrdreg s24  }
0x21: {  	s9 =	simm.s32 $0x0;
	s0 =	sadd.s32 s11, s21;
	[dreg:$0x15] =	wrdreg s25  }
0x22: {  	[dreg:$0x16] =	wrdreg s26;
	s15 =	simm.s32 $0x2780;
	s18 =	simm.s32 $0x1  }
0x23: {  	s19 =	simm.s32 $0x19800;
	s20 =	simm.s32 $0x3;
	s21 =	simm.s32 $0x1A000  }
0x24: {  	s22 =	simm.s32 $0x1A800;
	s23 =	simm.s32 $0x4F00;
	s24 =	simm.s32 $0xEB80  }
0x25: {  	v0 =	vimm.f32 $0.0e+00;
	v1 =	vimm.f32 $1.000000000e+00;
	s25 =	simm.s32 $0x1B000;
	[dreg:$0x13] =	wrdreg s0;
	s0 =	simm.s32 $0x1D000  }
.LBB2_1:
0x26: {  	[dreg:$0x18] =	wrdreg s9  }
0x27: {  	s2 =	rddreg [dreg:$0x2]  }
0x28: {  	[tilespmem:s1], [sflag:$0x2] =	stream.linear.gather [hbm4b:s2+s1], $0x2780, $0x38;
	[tilespmem:$0x1D800] =	vst v63  }
0x29: {  	_ =	swait.ge [sflag:s14], $0x2780  }
0x2a: {  	[sflag:s14] =	ssyncset.done $0x0  }
0x2b: {  	s28 =	rddreg [dreg:$0x3];
	[sflag:s14] =	ssyncadd.s32 $0xFFFFD880  }
0x2c: {  	[tilespmem:s15], [sflag:$0x2] =	stream.linear.gather [hbm4b:s28+s1], $0x2780, $0x38;
	[tilespmem:$0x1D800] =	vst v63  }
0x2d: {  	_ =	swait.ge [sflag:s14], $0x2780  }
0x2e: {  	[sflag:s14] =	ssyncset.done $0x0  }
0x2f: {  	s9 =	simm.s32 $0x140;
	s2 =	simm.s32 $0x0;
	[sflag:s14] =	ssyncadd.s32 $0xFFFFD880  }
.LBB2_2:
0x30: {  	p0 =	sne.s32 s9, $0x9B00;
	[tilespmem:s2+$0x4F40] =	vst v0;
	s10 =	smov.u32 s9;
	s9 =	sadd.s32 $0x140, s9  }
.Ltmp0:
0x31: {  	[tilespmem:s2+$0x4F30] =	vst v0;
	(pc) =	sbr.rel @p0 .LBB2_2-.Ltmp0, $4  }
0x32: {  	[tilespmem:s2+$0x4F20] =	vst v0  }
0x33: {  	[tilespmem:s2+$0x4F00] =	vst v0  }
0x34: {  	[tilespmem:s2+$0x4F10] =	vst v0  }
0x35: {  	s2 =	sshra.s32 s10, $0x2  }
0x36: {  	[tilespmem:s2+$0x4F40] =	vst v0  }
0x37: {  	[tilespmem:s2+$0x4F30] =	vst v0  }
0x38: {  	[tilespmem:s2+$0x4F20] =	vst v0  }
0x39: {  	[tilespmem:s2+$0x4F00] =	vst v0  }
0x3a: {  	[tilespmem:s2+$0x4F10] =	vst v0;
	s9 =	simm.s32 $0x140;
	s2 =	simm.s32 $0x0  }
.LBB2_4:
0x3b: {  	p0 =	sne.s32 s9, $0x26FC0;
	[tilespmem:s2+$0xEBC0] =	vst v0;
	s10 =	smov.u32 s9;
	s9 =	sadd.s32 $0x140, s9  }
.Ltmp1:
0x3c: {  	[tilespmem:s2+$0xEBB0] =	vst v0;
	(pc) =	sbr.rel @p0 .LBB2_4-.Ltmp1, $4  }
0x3d: {  	[tilespmem:s2+$0xEBA0] =	vst v0  }
0x3e: {  	[tilespmem:s2+$0xEB80] =	vst v0  }
0x3f: {  	[tilespmem:s2+$0xEB90] =	vst v0  }
0x40: {  	s2 =	sshra.s32 s10, $0x2  }
0x41: {  	[tilespmem:s2+$0xEBC0] =	vst v0  }
0x42: {  	[tilespmem:s2+$0xEBB0] =	vst v0  }
0x43: {  	[tilespmem:s2+$0xEBA0] =	vst v0  }
0x44: {  	[tilespmem:s2+$0xEB80] =	vst v0  }
0x45: {  	[tilespmem:s2+$0xEB90] =	vst v0;
	s9 =	simm.s32 $0x0;
	s28 =	rddreg [dreg:$0x5];
	s10 =	simm.s32 $0x18800  }
0x46: {  	[tilespmem:s10], [sflag:$0x1] =	stream.linear.gather [hbm4b:s28+s9], $0x7D0, $0x38;
	[tilespmem:$0x1D800] =	vst v63  }
.Ltmp2:
0x47: {  	_ = 	snop;
	(pc) =	sbr.rel .LBB2_6-.Ltmp2, $4  }
0x48: {  	s16 =	rddreg [dreg:$0x7];
	s17 =	simm.s32 $0x19000  }
0x49: {  	[tilespmem:s17], [sflag:$0x1] =	stream.linear.gather [hbm4b:s16+s9], $0x7D0, $0x38;
	[tilespmem:$0x1D800] =	vst v63  }
0x4a: {  	s26 =	rddreg [dreg:$0x8];
	s28 =	simm.s32 $0x1B800;
	s10 =	simm.s32 $0x0  }
0x4b: {  	[tilespmem:s28], [sflag:$0x1] =	stream.linear.gather [hbm4b:s26+s9], $0x7D0, $0x38;
	[tilespmem:$0x1D800] =	vst v63  }
.LBB2_12:
0x4c: {  	s10 =	sadd.s32 $0x1, s10  }
0x4d: {  	p0 =	sne.s32 s10, $0x3  }
.Ltmp3:
0x4e: {  	_ = 	snop;
	(pc) =	sbr.rel @!p0 .LBB2_13-.Ltmp3, $1  }
0x4f: {  	_ =	sdelay $0x3  }
.LBB2_6:
0x50: {  	s16 =	sshllo.u32 s10, $0x1  }
0x51: {  	p0 =	sgt.u32 s16, $0x4  }
0x52: {  	s2 =	smul.u32 @!p0 $0x7D0, s16;
	_ =	sdelay $0x1  }
0x53: {  	s2 =	sadd.s32 @!p0 s12, s2  }
0x54: {  	s2 =	sshrl.u32 @!p0 s2, $0x3  }
0x55: {  	s26 =	simm.s32 @!p0 $0x0;
	s28 =	simm.s32 @!p0 $0x1C000;
	s17 =	sadd.s32 @!p0 s3, s2  }
0x56: {  	[tilespmem:s28], [sflag:$0x1] =	stream.linear.gather @!p0 [hbm4b:s17+s26], $0x7D0, $0x38;
	[tilespmem:$0x1D800] =	vst v63  }
0x57: {  	s17 =	sadd.s32 @!p0 s4, s2;
	s28 =	simm.s32 @!p0 $0x1C800  }
0x58: {  	[tilespmem:s28], [sflag:$0x1] =	stream.linear.gather @!p0 [hbm4b:s17+s26], $0x7D0, $0x38;
	[tilespmem:$0x1D800] =	vst v63  }
0x59: {  	s2 =	sadd.s32 @!p0 s7, s2;
	s17 =	simm.s32 @!p0 $0x1D000  }
0x5a: {  	[tilespmem:s17], [sflag:$0x1] =	stream.linear.gather @!p0 [hbm4b:s2+s26], $0x7D0, $0x38;
	[tilespmem:$0x1D800] =	vst v63  }
0x5b: {  	_ =	swait.ge [sflag:s18], $0x7D0  }
0x5c: {  	[sflag:s18] =	ssyncset.done $0x0  }
0x5d: {  	[sflag:s18] =	ssyncadd.s32 $0xFFFFF830  }
0x5e: {  	_ =	swait.ge [sflag:s18], $0x7D0  }
0x5f: {  	s26 =	smul.u32 $0xFA0, s10;
	[sflag:s18] =	ssyncset.done $0x0  }
0x60: {  	[sflag:s18] =	ssyncadd.s32 $0xFFFFF830  }
0x61: {  	s17 =	sadd.s32 s12, s26;
	_ =	swait.ge [sflag:s18], $0x7D0  }
0x62: {  	s17 =	sshrl.u32 s17, $0x3;
	[sflag:s18] =	ssyncset.done $0x0  }
0x63: {  	s2 =	sadd.s32 s8, s17;
	[sflag:s18] =	ssyncadd.s32 $0xFFFFF830  }
0x64: {  	[tilespmem:s19], [sflag:$0x3] =	stream.linear.gather [hbm4b:s2+s9], $0x7D0, $0x38;
	[tilespmem:$0x1D800] =	vst v63  }
0x65: {  	_ =	swait.ge [sflag:s20], $0x7D0  }
0x66: {  	[sflag:s20] =	ssyncset.done $0x0  }
0x67: {  	s28 =	sadd.s32 s5, s17;
	[sflag:s20] =	ssyncadd.s32 $0xFFFFF830  }
0x68: {  	[tilespmem:s21], [sflag:$0x3] =	stream.linear.gather [hbm4b:s28+s9], $0x7D0, $0x38;
	[tilespmem:$0x1D800] =	vst v63  }
0x69: {  	_ =	swait.ge [sflag:s20], $0x7D0  }
0x6a: {  	[sflag:s20] =	ssyncset.done $0x0  }
0x6b: {  	s28 =	sadd.s32 s6, s17;
	[sflag:s20] =	ssyncadd.s32 $0xFFFFF830  }
0x6c: {  	[tilespmem:s22], [sflag:$0x3] =	stream.linear.gather [hbm4b:s28+s9], $0x7D0, $0x38;
	[tilespmem:$0x1D800] =	vst v63  }
0x6d: {  	_ =	swait.ge [sflag:s20], $0x7D0  }
0x6e: {  	[sflag:s20] =	ssyncset.done $0x0  }
0x6f: {  	s2 =	simm.s32 $0x0;
	[sflag:s20] =	ssyncadd.s32 $0xFFFFF830  }
.LBB2_7:
0x70: {  	s28 =	sshra.s32 s2, $0x2  }
0x71: {  	v2 =	vld [tilespmem:s28+$0x18800]  }
0x72: {  	v3 =	vld [tilespmem:s28+$0x19000];
	_ =	sdelay $0x6  }
0x73: {  	v2 =	vld.idx.msk [tilespmem:v2+s1+$0x0], $0xffff  }
0x74: {  	v4 =	vld.idx.msk [tilespmem:v3+s15+$0x0], $0xffff;
	_ =	sdelay $0x1  }
0x75: {  	v5 =	vld [tilespmem:s28+$0x1B800];
	_ =	sdelay $0x2  }
0x76: {  	v2 =	vadd.f32 v4, v2;
	_ =	sdelay $0x1  }
0x77: {  	v2 =	vadd.f32 v2, v5;
	_ =	sdelay $0x1  }
0x78: {  	v50 =	vmul.f32 $2.000000030e-01, v2;
	_ =	sdelay $0x1  }
0x79: {  	v2 =	vmax.f32 v2, v50  }
0x7a: {  	v2 =	vmul.f32 $1.442695020e+00, v2;
	_ =	sdelay $0x1  }
0x7b: {  	(erf) = vpow2.f32 v2;
	_ =	sdelay $0x8  }
0x7c: {  	v2 =	vpop (erf)  }
0x7d: {  	[tilespmem:s28+$0x1B000] =	vst v2  }
0x7e: {  	[tilespmem:v3+s23+$0x0] =	vst.idx.add.f32.msk $0xffff, v2  }
0x7f: {  	[tilespmem:v3+s24+$0x0] =	vst.idx.add.f32.msk $0xffff, v1  }
0x80: {  	v2 =	vadd.s32 $0x2710, v3;
	v51 =	vld [tilespmem:s28+$0x19800];
	_ =	sdelay $0x4  }
0x81: {  	[tilespmem:v2+s24+$0x0] =	vst.idx.add.f32.msk $0xffff, v51  }
0x82: {  	v2 =	vadd.s32 $0x4E20, v3;
	v4 =	vld [tilespmem:s28+$0x1A000];
	_ =	sdelay $0x4  }
0x83: {  	[tilespmem:v2+s24+$0x0] =	vst.idx.add.f32.msk $0xffff, v4  }
0x84: {  	v2 =	vadd.s32 $0x7530, v3;
	v3 =	vld [tilespmem:s28+$0x1A800];
	_ =	sdelay $0x4  }
0x85: {  	[tilespmem:v2+s24+$0x0] =	vst.idx.add.f32.msk $0xffff, v3  }
0x86: {  	v2 =	vld [tilespmem:s28+$0x18810]  }
0x87: {  	v3 =	vld [tilespmem:s28+$0x19010];
	_ =	sdelay $0x6  }
0x88: {  	v2 =	vld.idx.msk [tilespmem:v2+s1+$0x0], $0xffff  }
0x89: {  	v4 =	vld.idx.msk [tilespmem:v3+s15+$0x0], $0xffff;
	_ =	sdelay $0x1  }
0x8a: {  	v52 =	vld [tilespmem:s28+$0x1B810];
	_ =	sdelay $0x2  }
0x8b: {  	v2 =	vadd.f32 v4, v2;
	_ =	sdelay $0x1  }
0x8c: {  	v2 =	vadd.f32 v2, v52;
	_ =	sdelay $0x1  }
0x8d: {  	v53 =	vmul.f32 $2.000000030e-01, v2;
	_ =	sdelay $0x1  }
0x8e: {  	v2 =	vmax.f32 v2, v53  }
0x8f: {  	v2 =	vmul.f32 $1.442695020e+00, v2;
	_ =	sdelay $0x1  }
0x90: {  	(erf) = vpow2.f32 v2;
	_ =	sdelay $0x8  }
0x91: {  	v2 =	vpop (erf)  }
0x92: {  	[tilespmem:s28+$0x1B010] =	vst v2  }
0x93: {  	[tilespmem:v3+s23+$0x0] =	vst.idx.add.f32.msk $0xffff, v2  }
0x94: {  	[tilespmem:v3+s24+$0x0] =	vst.idx.add.f32.msk $0xffff, v1  }
0x95: {  	v2 =	vadd.s32 $0x2710, v3;
	v54 =	vld [tilespmem:s28+$0x19810];
	_ =	sdelay $0x4  }
0x96: {  	[tilespmem:v2+s24+$0x0] =	vst.idx.add.f32.msk $0xffff, v54  }
0x97: {  	v2 =	vadd.s32 $0x4E20, v3;
	v4 =	vld [tilespmem:s28+$0x1A010];
	_ =	sdelay $0x4  }
0x98: {  	[tilespmem:v2+s24+$0x0] =	vst.idx.add.f32.msk $0xffff, v4  }
0x99: {  	v2 =	vadd.s32 $0x7530, v3;
	v3 =	vld [tilespmem:s28+$0x1A810];
	_ =	sdelay $0x4  }
0x9a: {  	[tilespmem:v2+s24+$0x0] =	vst.idx.add.f32.msk $0xffff, v3  }
0x9b: {  	v2 =	vld [tilespmem:s28+$0x18820]  }
0x9c: {  	v3 =	vld [tilespmem:s28+$0x19020];
	_ =	sdelay $0x6  }
0x9d: {  	v2 =	vld.idx.msk [tilespmem:v2+s1+$0x0], $0xffff  }
0x9e: {  	v4 =	vld.idx.msk [tilespmem:v3+s15+$0x0], $0xffff;
	_ =	sdelay $0x1  }
0x9f: {  	v55 =	vld [tilespmem:s28+$0x1B820];
	_ =	sdelay $0x2  }
0xa0: {  	v2 =	vadd.f32 v4, v2;
	_ =	sdelay $0x1  }
0xa1: {  	v2 =	vadd.f32 v2, v55;
	_ =	sdelay $0x1  }
0xa2: {  	v56 =	vmul.f32 $2.000000030e-01, v2;
	_ =	sdelay $0x1  }
0xa3: {  	v2 =	vmax.f32 v2, v56  }
0xa4: {  	v2 =	vmul.f32 $1.442695020e+00, v2;
	_ =	sdelay $0x1  }
0xa5: {  	(erf) = vpow2.f32 v2;
	_ =	sdelay $0x8  }
0xa6: {  	v2 =	vpop (erf)  }
0xa7: {  	[tilespmem:s28+$0x1B020] =	vst v2  }
0xa8: {  	[tilespmem:v3+s23+$0x0] =	vst.idx.add.f32.msk $0xffff, v2  }
0xa9: {  	[tilespmem:v3+s24+$0x0] =	vst.idx.add.f32.msk $0xffff, v1  }
0xaa: {  	v2 =	vadd.s32 $0x2710, v3;
	v57 =	vld [tilespmem:s28+$0x19820];
	_ =	sdelay $0x4  }
0xab: {  	[tilespmem:v2+s24+$0x0] =	vst.idx.add.f32.msk $0xffff, v57  }
0xac: {  	v2 =	vadd.s32 $0x4E20, v3;
	v4 =	vld [tilespmem:s28+$0x1A020];
	_ =	sdelay $0x4  }
0xad: {  	[tilespmem:v2+s24+$0x0] =	vst.idx.add.f32.msk $0xffff, v4  }
0xae: {  	v2 =	vadd.s32 $0x7530, v3;
	v3 =	vld [tilespmem:s28+$0x1A820];
	_ =	sdelay $0x4  }
0xaf: {  	[tilespmem:v2+s24+$0x0] =	vst.idx.add.f32.msk $0xffff, v3  }
0xb0: {  	v2 =	vld [tilespmem:s28+$0x18830]  }
0xb1: {  	v3 =	vld [tilespmem:s28+$0x19030];
	_ =	sdelay $0x6  }
0xb2: {  	v2 =	vld.idx.msk [tilespmem:v2+s1+$0x0], $0xffff  }
0xb3: {  	v4 =	vld.idx.msk [tilespmem:v3+s15+$0x0], $0xffff;
	_ =	sdelay $0x1  }
0xb4: {  	v58 =	vld [tilespmem:s28+$0x1B830];
	_ =	sdelay $0x2  }
0xb5: {  	v2 =	vadd.f32 v4, v2;
	_ =	sdelay $0x1  }
0xb6: {  	v2 =	vadd.f32 v2, v58;
	_ =	sdelay $0x1  }
0xb7: {  	v59 =	vmul.f32 $2.000000030e-01, v2;
	_ =	sdelay $0x1  }
0xb8: {  	v2 =	vmax.f32 v2, v59  }
0xb9: {  	v2 =	vmul.f32 $1.442695020e+00, v2;
	_ =	sdelay $0x1  }
0xba: {  	(erf) = vpow2.f32 v2;
	_ =	sdelay $0x8  }
0xbb: {  	v2 =	vpop (erf)  }
0xbc: {  	[tilespmem:s28+$0x1B030] =	vst v2  }
0xbd: {  	[tilespmem:v3+s23+$0x0] =	vst.idx.add.f32.msk $0xffff, v2  }
0xbe: {  	[tilespmem:v3+s24+$0x0] =	vst.idx.add.f32.msk $0xffff, v1  }
0xbf: {  	v2 =	vadd.s32 $0x2710, v3;
	v60 =	vld [tilespmem:s28+$0x19830];
	_ =	sdelay $0x4  }
0xc0: {  	[tilespmem:v2+s24+$0x0] =	vst.idx.add.f32.msk $0xffff, v60  }
0xc1: {  	v2 =	vadd.s32 $0x4E20, v3;
	v4 =	vld [tilespmem:s28+$0x1A030];
	_ =	sdelay $0x4  }
0xc2: {  	[tilespmem:v2+s24+$0x0] =	vst.idx.add.f32.msk $0xffff, v4  }
0xc3: {  	v2 =	vadd.s32 $0x7530, v3;
	v3 =	vld [tilespmem:s28+$0x1A830];
	_ =	sdelay $0x4  }
0xc4: {  	[tilespmem:v2+s24+$0x0] =	vst.idx.add.f32.msk $0xffff, v3  }
0xc5: {  	v2 =	vld [tilespmem:s28+$0x18840]  }
0xc6: {  	v3 =	vld [tilespmem:s28+$0x19040];
	_ =	sdelay $0x6  }
0xc7: {  	v2 =	vld.idx.msk [tilespmem:v2+s1+$0x0], $0xffff  }
0xc8: {  	v4 =	vld.idx.msk [tilespmem:v3+s15+$0x0], $0xffff;
	_ =	sdelay $0x1  }
0xc9: {  	v61 =	vld [tilespmem:s28+$0x1B840];
	_ =	sdelay $0x2  }
0xca: {  	v2 =	vadd.f32 v4, v2;
	_ =	sdelay $0x1  }
0xcb: {  	v2 =	vadd.f32 v2, v61;
	_ =	sdelay $0x1  }
0xcc: {  	v62 =	vmul.f32 $2.000000030e-01, v2;
	_ =	sdelay $0x1  }
0xcd: {  	v2 =	vmax.f32 v2, v62  }
0xce: {  	v2 =	vmul.f32 $1.442695020e+00, v2;
	_ =	sdelay $0x1  }
0xcf: {  	(erf) = vpow2.f32 v2;
	_ =	sdelay $0x8  }
0xd0: {  	v2 =	vpop (erf)  }
0xd1: {  	[tilespmem:s28+$0x1B040] =	vst v2  }
0xd2: {  	[tilespmem:v3+s23+$0x0] =	vst.idx.add.f32.msk $0xffff, v2  }
0xd3: {  	[tilespmem:v3+s24+$0x0] =	vst.idx.add.f32.msk $0xffff, v1  }
0xd4: {  	v2 =	vadd.s32 $0x2710, v3;
	v63 =	vld [tilespmem:s28+$0x19840];
	_ =	sdelay $0x4  }
0xd5: {  	[tilespmem:v2+s24+$0x0] =	vst.idx.add.f32.msk $0xffff, v63  }
0xd6: {  	v2 =	vadd.s32 $0x4E20, v3;
	v4 =	vld [tilespmem:s28+$0x1A040];
	_ =	sdelay $0x4  }
0xd7: {  	[tilespmem:v2+s24+$0x0] =	vst.idx.add.f32.msk $0xffff, v4  }
0xd8: {  	p1 =	sne.s32 s2, $0x1E00;
	v2 =	vadd.s32 $0x7530, v3;
	v3 =	vld [tilespmem:s28+$0x1A840]  }
.Ltmp4:
0xd9: {  	_ = 	snop;
	(pc) =	sbr.rel @p1 .LBB2_7-.Ltmp4, $2  }
0xda: {  	_ =	sdelay $0x2  }
0xdb: {  	s2 =	sadd.s32 $0x140, s2;
	[tilespmem:v2+s24+$0x0] =	vst.idx.add.f32.msk $0xffff, v3  }
0xdc: {  	s2 =	sadd.s32 s11, s17;
	p1 =	seq.s32 s10, $0x2  }
0xdd: {  	[hbm4b:s2+s1] =	stream.linear.scatter [tilespmem:s25], [sflag:$0x3], $0x7D0, $0x38;
	[tilespmem:$0x1D800] =	vst v63  }
0xde: {  	s2 =	sadd.s32 @!p1 s26, s13;
	_ =	swait.ge [sflag:s20], $0x7D0  }
0xdf: {  	s26 =	simm.s32 @!p1 $0x0;
	s2 =	sshrl.u32 @!p1 s2, $0x3;
	[sflag:s20] =	ssyncset.done $0x0  }
0xe0: {  	s28 =	simm.s32 @!p1 $0x18800;
	s17 =	sadd.s32 @!p1 s3, s2;
	[sflag:s20] =	ssyncadd.s32 $0xFFFFF830  }
0xe1: {  	[tilespmem:s28], [sflag:$0x1] =	stream.linear.gather @!p1 [hbm4b:s17+s26], $0x7D0, $0x38;
	[tilespmem:$0x1D800] =	vst v63  }
.Ltmp5:
0xe2: {  	_ = 	snop;
	(pc) =	sbr.rel @p0 .LBB2_12-.Ltmp5, $4  }
0xe3: {  	s17 =	sadd.s32 @!p1 s4, s2;
	s28 =	simm.s32 @!p1 $0x19000  }
0xe4: {  	[tilespmem:s28], [sflag:$0x1] =	stream.linear.gather @!p1 [hbm4b:s17+s26], $0x7D0, $0x38;
	[tilespmem:$0x1D800] =	vst v63  }
0xe5: {  	s2 =	sadd.s32 @!p1 s7, s2;
	s17 =	simm.s32 @!p1 $0x1B800  }
0xe6: {  	[tilespmem:s17], [sflag:$0x1] =	stream.linear.gather @!p1 [hbm4b:s2+s26], $0x7D0, $0x38;
	[tilespmem:$0x1D800] =	vst v63  }
0xe7: {  	_ =	swait.ge [sflag:s18], $0x7D0  }
0xe8: {  	[sflag:s18] =	ssyncset.done $0x0  }
0xe9: {  	[sflag:s18] =	ssyncadd.s32 $0xFFFFF830  }
0xea: {  	_ =	swait.ge [sflag:s18], $0x7D0  }
0xeb: {  	s2 =	smul.u32 $0x7D0, s16;
	[sflag:s18] =	ssyncset.done $0x0  }
0xec: {  	[sflag:s18] =	ssyncadd.s32 $0xFFFFF830  }
0xed: {  	s2 =	sadd.s32 s12, s2;
	_ =	swait.ge [sflag:s18], $0x7D0  }
0xee: {  	s16 =	sshrl.u32 s2, $0x3;
	[sflag:s18] =	ssyncset.done $0x0  }
0xef: {  	s17 =	simm.s32 $0x0;
	s2 =	sadd.s32 s8, s16;
	[sflag:s18] =	ssyncadd.s32 $0xFFFFF830  }
0xf0: {  	[tilespmem:s19], [sflag:$0x3] =	stream.linear.gather [hbm4b:s2+s17], $0x7D0, $0x38;
	[tilespmem:$0x1D800] =	vst v63  }
0xf1: {  	_ =	swait.ge [sflag:s20], $0x7D0  }
0xf2: {  	[sflag:s20] =	ssyncset.done $0x0  }
0xf3: {  	s26 =	sadd.s32 s5, s16;
	[sflag:s20] =	ssyncadd.s32 $0xFFFFF830  }
0xf4: {  	[tilespmem:s21], [sflag:$0x3] =	stream.linear.gather [hbm4b:s26+s17], $0x7D0, $0x38;
	[tilespmem:$0x1D800] =	vst v63  }
0xf5: {  	_ =	swait.ge [sflag:s20], $0x7D0  }
0xf6: {  	[sflag:s20] =	ssyncset.done $0x0  }
0xf7: {  	s28 =	sadd.s32 s6, s16;
	[sflag:s20] =	ssyncadd.s32 $0xFFFFF830  }
0xf8: {  	[tilespmem:s22], [sflag:$0x3] =	stream.linear.gather [hbm4b:s28+s17], $0x7D0, $0x38;
	[tilespmem:$0x1D800] =	vst v63  }
0xf9: {  	_ =	swait.ge [sflag:s20], $0x7D0  }
0xfa: {  	[sflag:s20] =	ssyncset.done $0x0  }
0xfb: {  	[sflag:s20] =	ssyncadd.s32 $0xFFFFF830  }
.LBB2_10:
0xfc: {  	s2 =	sshra.s32 s17, $0x2  }
0xfd: {  	v2 =	vld [tilespmem:s2+$0x1C000]  }
0xfe: {  	v3 =	vld [tilespmem:s2+$0x1C800];
	_ =	sdelay $0x6  }
0xff: {  	v2 =	vld.idx.msk [tilespmem:v2+s1+$0x0], $0xffff  }
0x100: {  	v4 =	vld.idx.msk [tilespmem:v3+s15+$0x0], $0xffff;
	_ =	sdelay $0x1  }
0x101: {  	v5 =	vld [tilespmem:s2+$0x1D000];
	_ =	sdelay $0x2  }
0x102: {  	v2 =	vadd.f32 v4, v2;
	_ =	sdelay $0x1  }
0x103: {  	v2 =	vadd.f32 v2, v5;
	_ =	sdelay $0x1  }
0x104: {  	v50 =	vmul.f32 $2.000000030e-01, v2;
	_ =	sdelay $0x1  }
0x105: {  	v2 =	vmax.f32 v2, v50  }
0x106: {  	v2 =	vmul.f32 $1.442695020e+00, v2;
	_ =	sdelay $0x1  }
0x107: {  	(erf) = vpow2.f32 v2;
	_ =	sdelay $0x8  }
0x108: {  	v2 =	vpop (erf)  }
0x109: {  	[tilespmem:s2+$0x1B000] =	vst v2  }
0x10a: {  	[tilespmem:v3+s23+$0x0] =	vst.idx.add.f32.msk $0xffff, v2  }
0x10b: {  	[tilespmem:v3+s24+$0x0] =	vst.idx.add.f32.msk $0xffff, v1  }
0x10c: {  	v2 =	vadd.s32 $0x2710, v3;
	v51 =	vld [tilespmem:s2+$0x19800];
	_ =	sdelay $0x4  }
0x10d: {  	[tilespmem:v2+s24+$0x0] =	vst.idx.add.f32.msk $0xffff, v51  }
0x10e: {  	v2 =	vadd.s32 $0x4E20, v3;
	v4 =	vld [tilespmem:s2+$0x1A000];
	_ =	sdelay $0x4  }
0x10f: {  	[tilespmem:v2+s24+$0x0] =	vst.idx.add.f32.msk $0xffff, v4  }
0x110: {  	v2 =	vadd.s32 $0x7530, v3;
	v3 =	vld [tilespmem:s2+$0x1A800];
	_ =	sdelay $0x4  }
0x111: {  	[tilespmem:v2+s24+$0x0] =	vst.idx.add.f32.msk $0xffff, v3  }
0x112: {  	v2 =	vld [tilespmem:s2+$0x1C010]  }
0x113: {  	v3 =	vld [tilespmem:s2+$0x1C810];
	_ =	sdelay $0x6  }
0x114: {  	v2 =	vld.idx.msk [tilespmem:v2+s1+$0x0], $0xffff  }
0x115: {  	v4 =	vld.idx.msk [tilespmem:v3+s15+$0x0], $0xffff;
	_ =	sdelay $0x1  }
0x116: {  	v52 =	vld [tilespmem:s2+$0x1D010];
	_ =	sdelay $0x2  }
0x117: {  	v2 =	vadd.f32 v4, v2;
	_ =	sdelay $0x1  }
0x118: {  	v2 =	vadd.f32 v2, v52;
	_ =	sdelay $0x1  }
0x119: {  	v53 =	vmul.f32 $2.000000030e-01, v2;
	_ =	sdelay $0x1  }
0x11a: {  	v2 =	vmax.f32 v2, v53  }
0x11b: {  	v2 =	vmul.f32 $1.442695020e+00, v2;
	_ =	sdelay $0x1  }
0x11c: {  	(erf) = vpow2.f32 v2;
	_ =	sdelay $0x8  }
0x11d: {  	v2 =	vpop (erf)  }
0x11e: {  	[tilespmem:s2+$0x1B010] =	vst v2  }
0x11f: {  	[tilespmem:v3+s23+$0x0] =	vst.idx.add.f32.msk $0xffff, v2  }
0x120: {  	[tilespmem:v3+s24+$0x0] =	vst.idx.add.f32.msk $0xffff, v1  }
0x121: {  	v2 =	vadd.s32 $0x2710, v3;
	v54 =	vld [tilespmem:s2+$0x19810];
	_ =	sdelay $0x4  }
0x122: {  	[tilespmem:v2+s24+$0x0] =	vst.idx.add.f32.msk $0xffff, v54  }
0x123: {  	v2 =	vadd.s32 $0x4E20, v3;
	v4 =	vld [tilespmem:s2+$0x1A010];
	_ =	sdelay $0x4  }
0x124: {  	[tilespmem:v2+s24+$0x0] =	vst.idx.add.f32.msk $0xffff, v4  }
0x125: {  	v2 =	vadd.s32 $0x7530, v3;
	v3 =	vld [tilespmem:s2+$0x1A810];
	_ =	sdelay $0x4  }
0x126: {  	[tilespmem:v2+s24+$0x0] =	vst.idx.add.f32.msk $0xffff, v3  }
0x127: {  	v2 =	vld [tilespmem:s2+$0x1C020]  }
0x128: {  	v3 =	vld [tilespmem:s2+$0x1C820];
	_ =	sdelay $0x6  }
0x129: {  	v2 =	vld.idx.msk [tilespmem:v2+s1+$0x0], $0xffff  }
0x12a: {  	v4 =	vld.idx.msk [tilespmem:v3+s15+$0x0], $0xffff;
	_ =	sdelay $0x1  }
0x12b: {  	v55 =	vld [tilespmem:s2+$0x1D020];
	_ =	sdelay $0x2  }
0x12c: {  	v2 =	vadd.f32 v4, v2;
	_ =	sdelay $0x1  }
0x12d: {  	v2 =	vadd.f32 v2, v55;
	_ =	sdelay $0x1  }
0x12e: {  	v56 =	vmul.f32 $2.000000030e-01, v2;
	_ =	sdelay $0x1  }
0x12f: {  	v2 =	vmax.f32 v2, v56  }
0x130: {  	v2 =	vmul.f32 $1.442695020e+00, v2;
	_ =	sdelay $0x1  }
0x131: {  	(erf) = vpow2.f32 v2;
	_ =	sdelay $0x8  }
0x132: {  	v2 =	vpop (erf)  }
0x133: {  	[tilespmem:s2+$0x1B020] =	vst v2  }
0x134: {  	[tilespmem:v3+s23+$0x0] =	vst.idx.add.f32.msk $0xffff, v2  }
0x135: {  	[tilespmem:v3+s24+$0x0] =	vst.idx.add.f32.msk $0xffff, v1  }
0x136: {  	v2 =	vadd.s32 $0x2710, v3;
	v57 =	vld [tilespmem:s2+$0x19820];
	_ =	sdelay $0x4  }
0x137: {  	[tilespmem:v2+s24+$0x0] =	vst.idx.add.f32.msk $0xffff, v57  }
0x138: {  	v2 =	vadd.s32 $0x4E20, v3;
	v4 =	vld [tilespmem:s2+$0x1A020];
	_ =	sdelay $0x4  }
0x139: {  	[tilespmem:v2+s24+$0x0] =	vst.idx.add.f32.msk $0xffff, v4  }
0x13a: {  	v2 =	vadd.s32 $0x7530, v3;
	v3 =	vld [tilespmem:s2+$0x1A820];
	_ =	sdelay $0x4  }
0x13b: {  	[tilespmem:v2+s24+$0x0] =	vst.idx.add.f32.msk $0xffff, v3  }
0x13c: {  	v2 =	vld [tilespmem:s2+$0x1C030]  }
0x13d: {  	v3 =	vld [tilespmem:s2+$0x1C830];
	_ =	sdelay $0x6  }
0x13e: {  	v2 =	vld.idx.msk [tilespmem:v2+s1+$0x0], $0xffff  }
0x13f: {  	v4 =	vld.idx.msk [tilespmem:v3+s15+$0x0], $0xffff;
	_ =	sdelay $0x1  }
0x140: {  	v58 =	vld [tilespmem:s2+$0x1D030];
	_ =	sdelay $0x2  }
0x141: {  	v2 =	vadd.f32 v4, v2;
	_ =	sdelay $0x1  }
0x142: {  	v2 =	vadd.f32 v2, v58;
	_ =	sdelay $0x1  }
0x143: {  	v59 =	vmul.f32 $2.000000030e-01, v2;
	_ =	sdelay $0x1  }
0x144: {  	v2 =	vmax.f32 v2, v59  }
0x145: {  	v2 =	vmul.f32 $1.442695020e+00, v2;
	_ =	sdelay $0x1  }
0x146: {  	(erf) = vpow2.f32 v2;
	_ =	sdelay $0x8  }
0x147: {  	v2 =	vpop (erf)  }
0x148: {  	[tilespmem:s2+$0x1B030] =	vst v2  }
0x149: {  	[tilespmem:v3+s23+$0x0] =	vst.idx.add.f32.msk $0xffff, v2  }
0x14a: {  	[tilespmem:v3+s24+$0x0] =	vst.idx.add.f32.msk $0xffff, v1  }
0x14b: {  	v2 =	vadd.s32 $0x2710, v3;
	v60 =	vld [tilespmem:s2+$0x19830];
	_ =	sdelay $0x4  }
0x14c: {  	[tilespmem:v2+s24+$0x0] =	vst.idx.add.f32.msk $0xffff, v60  }
0x14d: {  	v2 =	vadd.s32 $0x4E20, v3;
	v4 =	vld [tilespmem:s2+$0x1A030];
	_ =	sdelay $0x4  }
0x14e: {  	[tilespmem:v2+s24+$0x0] =	vst.idx.add.f32.msk $0xffff, v4  }
0x14f: {  	v2 =	vadd.s32 $0x7530, v3;
	v3 =	vld [tilespmem:s2+$0x1A830];
	_ =	sdelay $0x4  }
0x150: {  	[tilespmem:v2+s24+$0x0] =	vst.idx.add.f32.msk $0xffff, v3  }
0x151: {  	v2 =	vld [tilespmem:s2+$0x1C040]  }
0x152: {  	v3 =	vld [tilespmem:s2+$0x1C840];
	_ =	sdelay $0x6  }
0x153: {  	v2 =	vld.idx.msk [tilespmem:v2+s1+$0x0], $0xffff  }
0x154: {  	v4 =	vld.idx.msk [tilespmem:v3+s15+$0x0], $0xffff;
	_ =	sdelay $0x1  }
0x155: {  	v61 =	vld [tilespmem:s2+$0x1D040];
	_ =	sdelay $0x2  }
0x156: {  	v2 =	vadd.f32 v4, v2;
	_ =	sdelay $0x1  }
0x157: {  	v2 =	vadd.f32 v2, v61;
	_ =	sdelay $0x1  }
0x158: {  	v62 =	vmul.f32 $2.000000030e-01, v2;
	_ =	sdelay $0x1  }
0x159: {  	v2 =	vmax.f32 v2, v62  }
0x15a: {  	v2 =	vmul.f32 $1.442695020e+00, v2;
	_ =	sdelay $0x1  }
0x15b: {  	(erf) = vpow2.f32 v2;
	_ =	sdelay $0x8  }
0x15c: {  	v2 =	vpop (erf)  }
0x15d: {  	[tilespmem:s2+$0x1B040] =	vst v2  }
0x15e: {  	[tilespmem:v3+s23+$0x0] =	vst.idx.add.f32.msk $0xffff, v2  }
0x15f: {  	[tilespmem:v3+s24+$0x0] =	vst.idx.add.f32.msk $0xffff, v1  }
0x160: {  	v2 =	vadd.s32 $0x2710, v3;
	v63 =	vld [tilespmem:s2+$0x19840];
	_ =	sdelay $0x4  }
0x161: {  	[tilespmem:v2+s24+$0x0] =	vst.idx.add.f32.msk $0xffff, v63  }
0x162: {  	v2 =	vadd.s32 $0x4E20, v3;
	v4 =	vld [tilespmem:s2+$0x1A040];
	_ =	sdelay $0x4  }
0x163: {  	[tilespmem:v2+s24+$0x0] =	vst.idx.add.f32.msk $0xffff, v4  }
0x164: {  	p0 =	sne.s32 s17, $0x1E00;
	v2 =	vadd.s32 $0x7530, v3;
	v3 =	vld [tilespmem:s2+$0x1A840]  }
.Ltmp6:
0x165: {  	_ = 	snop;
	(pc) =	sbr.rel @p0 .LBB2_10-.Ltmp6, $2  }
0x166: {  	_ =	sdelay $0x2  }
0x167: {  	s17 =	sadd.s32 $0x140, s17;
	[tilespmem:v2+s24+$0x0] =	vst.idx.add.f32.msk $0xffff, v3  }
.Ltmp7:
0x168: {  	s2 =	sadd.s32 s11, s16;
	(pc) =	sbr.rel .LBB2_12-.Ltmp7, $4  }
0x169: {  	[hbm4b:s2+s1] =	stream.linear.scatter [tilespmem:s25], [sflag:$0x2], $0x7D0, $0x38;
	[tilespmem:$0x1D800] =	vst v63  }
0x16a: {  	_ =	swait.ge [sflag:s14], $0x7D0  }
0x16b: {  	[sflag:s14] =	ssyncset.done $0x0  }
0x16c: {  	[sflag:s14] =	ssyncadd.s32 $0xFFFFF830  }
.LBB2_13:
0x16d: {  	s2 =	simm.s32 $0x0;
	s9 =	rddreg [dreg:$0x9]  }
0x16e: {  	[hbm4b:s9+s2] =	stream.linear.scatter [tilespmem:s23], [sflag:$0x2], $0x2710, $0x38;
	[tilespmem:$0x1D800] =	vst v63  }
0x16f: {  	_ =	swait.ge [sflag:s14], $0x2710  }
0x170: {  	[sflag:s14] =	ssyncset.done $0x0  }
0x171: {  	s16 =	rddreg [dreg:$0x4];
	[sflag:s14] =	ssyncadd.s32 $0xFFFFD8F0  }
0x172: {  	[hbm4b:s16+s2] =	stream.linear.scatter [tilespmem:s24], [sflag:$0x2], $0x2710, $0x38;
	[tilespmem:$0x1D800] =	vst v63  }
0x173: {  	_ =	swait.ge [sflag:s14], $0x2710  }
0x174: {  	[sflag:s14] =	ssyncset.done $0x0  }
0x175: {  	s10 =	simm.s32 $0x11290;
	s17 =	rddreg [dreg:$0xb];
	[sflag:s14] =	ssyncadd.s32 $0xFFFFD8F0  }
0x176: {  	[hbm4b:s17+s2] =	stream.linear.scatter [tilespmem:s10], [sflag:$0x2], $0x2710, $0x38;
	[tilespmem:$0x1D800] =	vst v63  }
0x177: {  	_ =	swait.ge [sflag:s14], $0x2710  }
0x178: {  	[sflag:s14] =	ssyncset.done $0x0  }
0x179: {  	s28 =	simm.s32 $0x139A0;
	s26 =	rddreg [dreg:$0xc];
	[sflag:s14] =	ssyncadd.s32 $0xFFFFD8F0  }
0x17a: {  	[hbm4b:s26+s2] =	stream.linear.scatter [tilespmem:s28], [sflag:$0x2], $0x2710, $0x38;
	[tilespmem:$0x1D800] =	vst v63  }
0x17b: {  	_ =	swait.ge [sflag:s14], $0x2710  }
0x17c: {  	[sflag:s14] =	ssyncset.done $0x0  }
0x17d: {  	s16 =	simm.s32 $0x160B0;
	s10 =	rddreg [dreg:$0xd];
	[sflag:s14] =	ssyncadd.s32 $0xFFFFD8F0  }
0x17e: {  	[hbm4b:s10+s2] =	stream.linear.scatter [tilespmem:s16], [sflag:$0x2], $0x2710, $0x38;
	[tilespmem:$0x1D800] =	vst v63  }
0x17f: {  	_ =	swait.ge [sflag:s14], $0x2710  }
0x180: {  	[sflag:s14] =	ssyncset.done $0x0  }
0x181: {  	[sflag:s14] =	ssyncadd.s32 $0xFFFFD8F0  }
0x182: {  	[bflag:$0x0] =	sbarrier.arrive $0xFFFF  }
0x183: {  	s17 =	rddreg [dreg:$0x6]  }
0x184: {  	[tilespmem:s23], [sflag:$0x2] =	stream.linear.gather [hbm4b:s17+s2], $0x2710, $0x38;
	[tilespmem:$0x1D800] =	vst v63  }
0x185: {  	_ =	swait.ge [sflag:s14], $0x2710  }
0x186: {  	[sflag:s14] =	ssyncset.done $0x0  }
0x187: {  	s28 =	simm.s32 $0x7610;
	s26 =	rddreg [dreg:$0xe];
	[sflag:s14] =	ssyncadd.s32 $0xFFFFD8F0  }
0x188: {  	[tilespmem:s28], [sflag:$0x2] =	stream.linear.gather [hbm4b:s26+s2], $0x2710, $0x38;
	[tilespmem:$0x1D800] =	vst v63  }
0x189: {  	_ =	swait.ge [sflag:s14], $0x2710  }
0x18a: {  	[sflag:s14] =	ssyncset.done $0x0  }
0x18b: {  	s17 =	simm.s32 $0x9D20;
	s16 =	rddreg [dreg:$0xf];
	[sflag:s14] =	ssyncadd.s32 $0xFFFFD8F0  }
0x18c: {  	[tilespmem:s17], [sflag:$0x2] =	stream.linear.gather [hbm4b:s16+s2], $0x2710, $0x38;
	[tilespmem:$0x1D800] =	vst v63  }
0x18d: {  	_ =	swait.ge [sflag:s14], $0x2710  }
0x18e: {  	[sflag:s14] =	ssyncset.done $0x0  }
0x18f: {  	s28 =	simm.s32 $0xC430;
	s26 =	rddreg [dreg:$0x10];
	[sflag:s14] =	ssyncadd.s32 $0xFFFFD8F0  }
0x190: {  	[tilespmem:s28], [sflag:$0x2] =	stream.linear.gather [hbm4b:s26+s2], $0x2710, $0x38;
	[tilespmem:$0x1D800] =	vst v63  }
0x191: {  	_ =	swait.ge [sflag:s14], $0x2710  }
0x192: {  	[sflag:s14] =	ssyncset.done $0x0  }
0x193: {  	s9 =	simm.s32 $0x140;
	s2 =	simm.s32 $0x0;
	[sflag:s14] =	ssyncadd.s32 $0xFFFFD8F0  }
.LBB2_14:
0x194: {  	p0 =	sne.s32 s9, $0x26FC0;
	[tilespmem:s2+$0xEBC0] =	vst v0;
	s10 =	smov.u32 s9;
	s9 =	sadd.s32 $0x140, s9  }
.Ltmp8:
0x195: {  	[tilespmem:s2+$0xEBB0] =	vst v0;
	(pc) =	sbr.rel @p0 .LBB2_14-.Ltmp8, $4  }
0x196: {  	[tilespmem:s2+$0xEBA0] =	vst v0  }
0x197: {  	[tilespmem:s2+$0xEB80] =	vst v0  }
0x198: {  	[tilespmem:s2+$0xEB90] =	vst v0  }
0x199: {  	s2 =	sshra.s32 s10, $0x2  }
0x19a: {  	[tilespmem:s2+$0xEBC0] =	vst v0  }
0x19b: {  	[tilespmem:s2+$0xEBB0] =	vst v0  }
0x19c: {  	[tilespmem:s2+$0xEBA0] =	vst v0  }
0x19d: {  	[tilespmem:s2+$0xEB80] =	vst v0  }
0x19e: {  	[tilespmem:s2+$0xEB90] =	vst v0;
	s9 =	simm.s32 $0x0;
	s16 =	rddreg [dreg:$0x11];
	s10 =	simm.s32 $0x18800  }
0x19f: {  	[tilespmem:s10], [sflag:$0x1] =	stream.linear.gather [hbm4b:s16+s9], $0x7D0, $0x38;
	[tilespmem:$0x1D800] =	vst v63  }
0x1a0: {  	s17 =	rddreg [dreg:$0x12];
	s26 =	simm.s32 $0x19000  }
0x1a1: {  	[tilespmem:s26], [sflag:$0x1] =	stream.linear.gather [hbm4b:s17+s9], $0x7D0, $0x38;
	[tilespmem:$0x1D800] =	vst v63  }
0x1a2: {  	s28 =	rddreg [dreg:$0x13];
	s10 =	simm.s32 $0x0  }
0x1a3: {  	[tilespmem:s19], [sflag:$0x1] =	stream.linear.gather [hbm4b:s28+s9], $0x7D0, $0x38;
	[tilespmem:$0x1D800] =	vst v63  }
.LBB2_16:
0x1a4: {  	s2 =	smul.u32 $0xFA0, s10;
	_ =	sdelay $0x1  }
0x1a5: {  	s16 =	sadd.s32 s2, s30  }
0x1a6: {  	s16 =	sshrl.u32 s16, $0x3  }
0x1a7: {  	s26 =	simm.s32 $0x1C000;
	s17 =	sadd.s32 s3, s16  }
0x1a8: {  	[tilespmem:s26], [sflag:$0x1] =	stream.linear.gather [hbm4b:s17+s9], $0x7D0, $0x38;
	[tilespmem:$0x1D800] =	vst v63  }
0x1a9: {  	s28 =	sadd.s32 s4, s16  }
0x1aa: {  	[tilespmem:s29], [sflag:$0x1] =	stream.linear.gather [hbm4b:s28+s9], $0x7D0, $0x38;
	[tilespmem:$0x1D800] =	vst v63  }
0x1ab: {  	s16 =	sadd.s32 s11, s16  }
0x1ac: {  	[tilespmem:s0], [sflag:$0x1] =	stream.linear.gather [hbm4b:s16+s9], $0x7D0, $0x38;
	[tilespmem:$0x1D800] =	vst v63  }
0x1ad: {  	_ =	swait.ge [sflag:s18], $0x7D0  }
0x1ae: {  	[sflag:s18] =	ssyncset.done $0x0  }
0x1af: {  	[sflag:s18] =	ssyncadd.s32 $0xFFFFF830  }
0x1b0: {  	_ =	swait.ge [sflag:s18], $0x7D0  }
0x1b1: {  	[sflag:s18] =	ssyncset.done $0x0  }
0x1b2: {  	[sflag:s18] =	ssyncadd.s32 $0xFFFFF830  }
0x1b3: {  	_ =	swait.ge [sflag:s18], $0x7D0  }
0x1b4: {  	[sflag:s18] =	ssyncset.done $0x0  }
0x1b5: {  	s17 =	simm.s32 $0x0;
	s16 =	simm.s32 $0x40;
	[sflag:s18] =	ssyncadd.s32 $0xFFFFF830  }
.LBB2_17:
0x1b6: {  	p0 =	sne.s32 s16, $0x1F00;
	v2 =	vld [tilespmem:s17+$0x18800]  }
0x1b7: {  	v3 =	vld [tilespmem:s17+$0x19000]  }
0x1b8: {  	v4 =	vld [tilespmem:s17+$0x19800];
	_ =	sdelay $0x5  }
0x1b9: {  	v5 =	vld.idx.msk [tilespmem:v2+s23+$0x0], $0xffff;
	_ =	sdelay $0x3  }
0x1ba: {  	v6 =	vadd.s32 $0x2710, v2;
	_ =	sdelay $0x1  }
0x1bb: {  	v5 =	vmul.f32 v5, v4;
	_ =	sdelay $0x1  }
0x1bc: {  	[tilespmem:v3+s24+$0x0] =	vst.idx.add.f32.msk $0xffff, v5  }
0x1bd: {  	v5 =	vld.idx.msk [tilespmem:v6+s23+$0x0], $0xffff;
	_ =	sdelay $0x2  }
0x1be: {  	v6 =	vadd.s32 $0x2710, v3  }
0x1bf: {  	v7 =	vadd.s32 $0x4E20, v2;
	_ =	sdelay $0x1  }
0x1c0: {  	v5 =	vmul.f32 v5, v4;
	_ =	sdelay $0x1  }
0x1c1: {  	[tilespmem:v6+s24+$0x0] =	vst.idx.add.f32.msk $0xffff, v5  }
0x1c2: {  	v5 =	vld.idx.msk [tilespmem:v7+s23+$0x0], $0xffff;
	_ =	sdelay $0x2  }
0x1c3: {  	v6 =	vadd.s32 $0x4E20, v3  }
0x1c4: {  	v2 =	vadd.s32 $0x7530, v2;
	_ =	sdelay $0x1  }
0x1c5: {  	v5 =	vmul.f32 v5, v4;
	_ =	sdelay $0x1  }
0x1c6: {  	[tilespmem:v6+s24+$0x0] =	vst.idx.add.f32.msk $0xffff, v5  }
0x1c7: {  	v2 =	vld.idx.msk [tilespmem:v2+s23+$0x0], $0xffff;
	_ =	sdelay $0x2  }
0x1c8: {  	v3 =	vadd.s32 $0x7530, v3  }
.Ltmp9:
0x1c9: {  	(pc) =	sbr.rel @p0 .LBB2_17-.Ltmp9, $3  }
0x1ca: {  	_ = 	snop  }
0x1cb: {  	v2 =	vmul.f32 v2, v4;
	_ =	sdelay $0x1  }
0x1cc: {  	s17 =	sshra.s32 s16, $0x2;
	s16 =	sadd.s32 $0x40, s16;
	[tilespmem:v3+s24+$0x0] =	vst.idx.add.f32.msk $0xffff, v2  }
0x1cd: {  	v2 =	vld [tilespmem:s17+$0x18800];
	_ =	sdelay $0x5  }
0x1ce: {  	v3 =	vld [tilespmem:s17+$0x19000]  }
0x1cf: {  	v4 =	vld [tilespmem:s17+$0x19800]  }
0x1d0: {  	v5 =	vld.idx.msk [tilespmem:v2+s23+$0x0], $0xffff;
	_ =	sdelay $0x2  }
0x1d1: {  	v6 =	vadd.s32 $0x2710, v2;
	_ =	sdelay $0x1  }
0x1d2: {  	v5 =	vmul.f32 v5, v4;
	_ =	sdelay $0x1  }
0x1d3: {  	[tilespmem:v3+s24+$0x0] =	vst.idx.add.f32.msk $0xffff, v5  }
0x1d4: {  	v5 =	vld.idx.msk [tilespmem:v6+s23+$0x0], $0xffff;
	_ =	sdelay $0x1  }
0x1d5: {  	v62 =	vadd.s32 $0x2710, v3  }
0x1d6: {  	v7 =	vadd.s32 $0x4E20, v2;
	_ =	sdelay $0x1  }
0x1d7: {  	v5 =	vmul.f32 v5, v4;
	_ =	sdelay $0x1  }
0x1d8: {  	[tilespmem:v62+s24+$0x0] =	vst.idx.add.f32.msk $0xffff, v5  }
0x1d9: {  	v5 =	vld.idx.msk [tilespmem:v7+s23+$0x0], $0xffff;
	_ =	sdelay $0x1  }
0x1da: {  	v63 =	vadd.s32 $0x4E20, v3  }
0x1db: {  	v2 =	vadd.s32 $0x7530, v2;
	_ =	sdelay $0x1  }
0x1dc: {  	v5 =	vmul.f32 v5, v4;
	_ =	sdelay $0x1  }
0x1dd: {  	[tilespmem:v63+s24+$0x0] =	vst.idx.add.f32.msk $0xffff, v5  }
0x1de: {  	v2 =	vld.idx.msk [tilespmem:v2+s23+$0x0], $0xffff;
	_ =	sdelay $0x1  }
0x1df: {  	v3 =	vadd.s32 $0x7530, v3;
	_ =	sdelay $0x1  }
0x1e0: {  	p0 =	seq.s32 s10, $0x27  }
0x1e1: {  	s2 =	sadd.s32 @!p0 s2, s31;
	v2 =	vmul.f32 v2, v4  }
0x1e2: {  	s2 =	sshrl.u32 @!p0 s2, $0x3  }
0x1e3: {  	s17 =	simm.s32 @!p0 $0x0;
	s26 =	simm.s32 @!p0 $0x18800;
	s16 =	sadd.s32 @!p0 s3, s2;
	[tilespmem:v3+s24+$0x0] =	vst.idx.add.f32.msk $0xffff, v2  }
0x1e4: {  	[tilespmem:s26], [sflag:$0x1] =	stream.linear.gather @!p0 [hbm4b:s16+s17], $0x7D0, $0x38;
	[tilespmem:$0x1D800] =	vst v63  }
0x1e5: {  	s16 =	sadd.s32 @!p0 s4, s2;
	s26 =	simm.s32 @!p0 $0x19000  }
0x1e6: {  	[tilespmem:s26], [sflag:$0x1] =	stream.linear.gather @!p0 [hbm4b:s16+s17], $0x7D0, $0x38;
	[tilespmem:$0x1D800] =	vst v63  }
0x1e7: {  	s2 =	sadd.s32 @!p0 s11, s2;
	s16 =	simm.s32 @!p0 $0x19800  }
0x1e8: {  	[tilespmem:s16], [sflag:$0x1] =	stream.linear.gather @!p0 [hbm4b:s2+s17], $0x7D0, $0x38;
	[tilespmem:$0x1D800] =	vst v63  }
0x1e9: {  	_ =	swait.ge [sflag:s18], $0x7D0  }
0x1ea: {  	[sflag:s18] =	ssyncset.done $0x0  }
0x1eb: {  	[sflag:s18] =	ssyncadd.s32 $0xFFFFF830  }
0x1ec: {  	_ =	swait.ge [sflag:s18], $0x7D0  }
0x1ed: {  	[sflag:s18] =	ssyncset.done $0x0  }
0x1ee: {  	[sflag:s18] =	ssyncadd.s32 $0xFFFFF830  }
0x1ef: {  	_ =	swait.ge [sflag:s18], $0x7D0  }
0x1f0: {  	[sflag:s18] =	ssyncset.done $0x0  }
0x1f1: {  	s16 =	simm.s32 $0x0;
	s2 =	simm.s32 $0x40;
	[sflag:s18] =	ssyncadd.s32 $0xFFFFF830  }
.LBB2_19:
0x1f2: {  	p0 =	sne.s32 s2, $0x1F00;
	v2 =	vld [tilespmem:s16+$0x1C000]  }
0x1f3: {  	v3 =	vld [tilespmem:s16+$0x1C800]  }
0x1f4: {  	v4 =	vld [tilespmem:s16+$0x1D000];
	_ =	sdelay $0x5  }
0x1f5: {  	v5 =	vld.idx.msk [tilespmem:v2+s23+$0x0], $0xffff;
	_ =	sdelay $0x3  }
0x1f6: {  	v6 =	vadd.s32 $0x2710, v2;
	_ =	sdelay $0x1  }
0x1f7: {  	v5 =	vmul.f32 v5, v4;
	_ =	sdelay $0x1  }
0x1f8: {  	[tilespmem:v3+s24+$0x0] =	vst.idx.add.f32.msk $0xffff, v5  }
0x1f9: {  	v5 =	vld.idx.msk [tilespmem:v6+s23+$0x0], $0xffff;
	_ =	sdelay $0x2  }
0x1fa: {  	v6 =	vadd.s32 $0x2710, v3  }
0x1fb: {  	v7 =	vadd.s32 $0x4E20, v2;
	_ =	sdelay $0x1  }
0x1fc: {  	v5 =	vmul.f32 v5, v4;
	_ =	sdelay $0x1  }
0x1fd: {  	[tilespmem:v6+s24+$0x0] =	vst.idx.add.f32.msk $0xffff, v5  }
0x1fe: {  	v5 =	vld.idx.msk [tilespmem:v7+s23+$0x0], $0xffff;
	_ =	sdelay $0x2  }
0x1ff: {  	v6 =	vadd.s32 $0x4E20, v3  }
0x200: {  	v2 =	vadd.s32 $0x7530, v2;
	_ =	sdelay $0x1  }
0x201: {  	v5 =	vmul.f32 v5, v4;
	_ =	sdelay $0x1  }
0x202: {  	[tilespmem:v6+s24+$0x0] =	vst.idx.add.f32.msk $0xffff, v5  }
0x203: {  	v2 =	vld.idx.msk [tilespmem:v2+s23+$0x0], $0xffff;
	_ =	sdelay $0x2  }
0x204: {  	v3 =	vadd.s32 $0x7530, v3  }
.Ltmp10:
0x205: {  	(pc) =	sbr.rel @p0 .LBB2_19-.Ltmp10, $3  }
0x206: {  	_ = 	snop  }
0x207: {  	v2 =	vmul.f32 v2, v4;
	_ =	sdelay $0x1  }
0x208: {  	s16 =	sshra.s32 s2, $0x2;
	s2 =	sadd.s32 $0x40, s2;
	[tilespmem:v3+s24+$0x0] =	vst.idx.add.f32.msk $0xffff, v2  }
0x209: {  	v2 =	vld [tilespmem:s16+$0x1C000];
	_ =	sdelay $0x5  }
0x20a: {  	v3 =	vld [tilespmem:s16+$0x1C800]  }
0x20b: {  	v4 =	vld [tilespmem:s16+$0x1D000]  }
0x20c: {  	v5 =	vld.idx.msk [tilespmem:v2+s23+$0x0], $0xffff;
	_ =	sdelay $0x2  }
0x20d: {  	v6 =	vadd.s32 $0x2710, v2;
	_ =	sdelay $0x1  }
0x20e: {  	v5 =	vmul.f32 v5, v4;
	_ =	sdelay $0x1  }
0x20f: {  	[tilespmem:v3+s24+$0x0] =	vst.idx.add.f32.msk $0xffff, v5  }
0x210: {  	v5 =	vld.idx.msk [tilespmem:v6+s23+$0x0], $0xffff;
	_ =	sdelay $0x1  }
0x211: {  	v62 =	vadd.s32 $0x2710, v3  }
0x212: {  	v7 =	vadd.s32 $0x4E20, v2;
	_ =	sdelay $0x1  }
0x213: {  	v5 =	vmul.f32 v5, v4;
	_ =	sdelay $0x1  }
0x214: {  	[tilespmem:v62+s24+$0x0] =	vst.idx.add.f32.msk $0xffff, v5  }
0x215: {  	v5 =	vld.idx.msk [tilespmem:v7+s23+$0x0], $0xffff;
	_ =	sdelay $0x1  }
0x216: {  	v63 =	vadd.s32 $0x4E20, v3  }
0x217: {  	v2 =	vadd.s32 $0x7530, v2;
	_ =	sdelay $0x1  }
0x218: {  	v5 =	vmul.f32 v5, v4;
	_ =	sdelay $0x1  }
0x219: {  	[tilespmem:v63+s24+$0x0] =	vst.idx.add.f32.msk $0xffff, v5  }
0x21a: {  	v2 =	vld.idx.msk [tilespmem:v2+s23+$0x0], $0xffff  }
0x21b: {  	s10 =	sadd.s32 $0x1, s10  }
0x21c: {  	p0 =	sne.s32 s10, $0x28;
	v3 =	vadd.s32 $0x7530, v3  }
.Ltmp11:
0x21d: {  	_ = 	snop;
	(pc) =	sbr.rel @p0 .LBB2_16-.Ltmp11, $3  }
0x21e: {  	_ = 	snop  }
0x21f: {  	v2 =	vmul.f32 v2, v4;
	_ =	sdelay $0x1  }
0x220: {  	[tilespmem:v3+s24+$0x0] =	vst.idx.add.f32.msk $0xffff, v2  }
0x221: {  	s2 =	rddreg [dreg:$0xa]  }
0x222: {  	[hbm4b:s2+s1] =	stream.linear.scatter [tilespmem:s24], [sflag:$0x2], $0x2710, $0x38;
	[tilespmem:$0x1D800] =	vst v63  }
0x223: {  	_ =	swait.ge [sflag:s14], $0x2710  }
0x224: {  	[sflag:s14] =	ssyncset.done $0x0  }
0x225: {  	s9 =	simm.s32 $0x11290;
	s28 =	rddreg [dreg:$0x14];
	[sflag:s14] =	ssyncadd.s32 $0xFFFFD8F0  }
0x226: {  	[hbm4b:s28+s1] =	stream.linear.scatter [tilespmem:s9], [sflag:$0x2], $0x2710, $0x38;
	[tilespmem:$0x1D800] =	vst v63  }
0x227: {  	_ =	swait.ge [sflag:s14], $0x2710  }
0x228: {  	[sflag:s14] =	ssyncset.done $0x0  }
0x229: {  	s10 =	simm.s32 $0x139A0;
	s9 =	rddreg [dreg:$0x15];
	[sflag:s14] =	ssyncadd.s32 $0xFFFFD8F0  }
0x22a: {  	[hbm4b:s9+s1] =	stream.linear.scatter [tilespmem:s10], [sflag:$0x2], $0x2710, $0x38;
	[tilespmem:$0x1D800] =	vst v63  }
0x22b: {  	_ =	swait.ge [sflag:s14], $0x2710  }
0x22c: {  	[sflag:s14] =	ssyncset.done $0x0  }
0x22d: {  	s17 =	simm.s32 $0x160B0;
	s16 =	rddreg [dreg:$0x16];
	[sflag:s14] =	ssyncadd.s32 $0xFFFFD8F0  }
0x22e: {  	[hbm4b:s16+s1] =	stream.linear.scatter [tilespmem:s17], [sflag:$0x2], $0x2710, $0x38;
	[tilespmem:$0x1D800] =	vst v63  }
0x22f: {  	_ =	swait.ge [sflag:s14], $0x2710  }
0x230: {  	s26 =	rddreg [dreg:$0x18]  }
0x231: {  	s28 =	rddreg [dreg:$0x17];
	s9 =	sadd.s32 $0x1, s26  }
0x232: {  	p0 =	sne.s32 s9, s28  }
.Ltmp12:
0x233: {  	_ = 	snop;
	(pc) =	sbr.rel @p0 .LBB2_1-.Ltmp12, $3  }
0x234: {  	_ =	sdelay $0x1  }
0x235: {  	[sflag:s14] =	ssyncset.done $0x0  }
0x236: {  	[sflag:s14] =	ssyncadd.s32 $0xFFFFD8F0  }
0x237: {  	_ =	sfence.sel $0x180000  }
0x238: {  	[bflag:$0x0] =	sbarrier.arrive $0xFFFF  }
0x239: {  	_ =	strace $0x90000047  }
0x23a: {  	s0 =	stileid.u32;
	[bflag:$0x2] =	sbarrier.arrive $0xFFFF  }
0x23b: {  	p0 =	sne.s32 s0, $0x0;
	s0 =	rddreg [dreg:$0x1]  }
0x23c: {  	s0 =	sadd.s32 @!p0 $0x100000, s0  }
0x23d: {  	[sflag:s0] =	ssyncadd.tile.s32 @!p0 $0x1;
	_ =	shalt  }
.Lfunc_end2:
_tile_overlayer_lowered:
.L_overlay_start_2:
0x23e: {  	(tag) =	ssettag $0x2  }
0x23f: {  	s0 =	rddreg [dreg:$0x0];
	s2 =	stileid.u32  }
0x240: {  	s1 =	rddreg [dreg:$0x1];
	p0 =	sne.s32 s2, $0x0  }
0x241: {  	s3 =	rddreg [dreg:$0x2];
	[bflag:$0x3] =	sbarrier.arrive $0xFFFF;
	s2 =	simm.s32 @!p0 $0x1C02  }
0x242: {  	[timem:s3], [sflag:s2] =	dma.local @!p0 [hbm:s0], s1  }
0x243: {  	s0 =	simm.s32 @!p0 $0x2  }
0x244: {  	_ =	swait.ge @!p0 [sflag:s0], s1  }
0x245: {  	s1 =	ssub.s32 @!p0 $0x0, s1;
	[sflag:s0] =	ssyncset.done @!p0 $0x0  }
0x246: {  	[sflag:s0] =	ssyncadd.s32 @!p0 s1  }
0x247: {  	[bflag:$0x3] =	sbarrier.arrive $0xFFFF  }
0x248: {  	_ =	shalt  }

// kernel: kernel.15.cloned.1.call-start
scs
__scs_entry_jumppad:
0x0: {  	(pc) =	sbr.rel $0x88, $3  }
0x1: {  	(tag) =	ssettag $0x0;
	lr =	simm.s32 $0x1  }
0x2: {  	[smem:$0x3F86] =	sst lr;
	_ =	strace $0xD0000000  }
0x3: {  	_ = 	snop  }
0x4: {  	_ = 	snop  }
0x5: {  	_ = 	snop  }
0x6: {  	_ = 	snop  }
0x7: {  	_ = 	snop  }
__scs_overlays_trampoline_lowered:
0x8: {  	[smem:$0x3F95] =	sst s0  }
0x9: {  	[smem:$0x3F96] =	sst s1  }
0xa: {  	[smem:$0x3F97] =	sst s2  }
0xb: {  	[smem:$0x3F98] =	sst s3  }
0xc: {  	[smem:$0x3F99] =	sst s4  }
0xd: {  	[smem:$0x3F9A] =	sst s5  }
0xe: {  	[smem:$0x3F9B] =	sst s6  }
0xf: {  	[smem:$0x3F9C] =	sst s7  }
0x10: {  	[smem:$0x3F9D] =	sst s8  }
0x11: {  	[smem:$0x3F9E] =	sst s9;
	s0 =	simm.s32 @!p0 $0x0  }
0x12: {  	s1 =	sld [smem:$0x3F84];
	s0 =	simm.s32 @p0 $0x1  }
0x13: {  	[smem:$0x3F9F] =	sst s0;
	s0 =	simm.s32 @!p1 $0x0  }
0x14: {  	s2 =	sld [smem:$0x3F83];
	s0 =	simm.s32 @p1 $0x1  }
0x15: {  	[smem:$0x3FA0] =	sst s0;
	s0 =	simm.s32 @!p2 $0x0  }
0x16: {  	s3 =	sld [smem:$0x3FDB];
	s0 =	simm.s32 @p2 $0x1  }
0x17: {  	s4 =	simm.s32 $0x1BF5;
	[smem:$0x3FA2] =	sst s0  }
0x18: {  	s0 =	sld [smem:$0x3F85];
	_ =	swait.ge [sflag:s4], $0x0  }
0x19: {  	s7 =	sld [smem:$0x3F86]  }
0x1a: {  	s8 =	sadd.s32 $0xFFFFE003, lr  }
0x1b: {  	s9 =	sadd.s32 $0xFFFFFEF7, lr;
	s5 =	simm.s32 $0xFFFFFFFF;
	p2 =	slt.u32 s8, $0xFFFFF086  }
0x1c: {  	p1 =	slt.u32 s9, $0xF7A;
	s5 =	simm.s32 @!p2 $0x0  }
0x1d: {  	s5 =	simm.s32 @p1 $0x1;
	p0 =	seq.s32 s7, s2  }
0x1e: {  	s7 =	smul.u32 @!p0 $0xF7A, s2;
	p2 =	seq.s32 @!p0 s5, $0x0  }
0x1f: {  	s9 =	smul.u32 $0xF7A, s1;
	s8 =	simm.s32 @!p0 $0x1BF5;
	p2 =	por !p2, p0  }
0x20: {  	[sflag:s8] =	ssyncset.s32 @!p0 $0xFFFFF086;
	s6 =	sadd.s32 @!p0 s3, s7;
	s7 =	simm.s32 @!p0 $0x108  }
0x21: {  	s3 =	sadd.s32 s3, s9;
	s6 =	sadd.s32 @!p0 $0x88, s6;
	s7 =	simm.s32 @p2 $0x1082  }
0x22: {  	[simem:s7], [sflag:s8] =	dma.local @!p0 [hbm:s6], $0xF7A  }
0x23: {  	s9 =	sor.u32 $0xD0000000, s2;
	s6 =	simm.s32 $0x108;
	_ =	swait.ge @!p0 [sflag:s8], $0x0  }
0x24: {  	s3 =	sadd.s32 $0x88, s3;
	s6 =	simm.s32 @!p1 $0x1082;
	[sflag:s4] =	ssyncset.s32 $0xFFFFF086  }
0x25: {  	[simem:s6], [sflag:s4] =	dma.local [hbm:s3], $0xF7A  }
0x26: {  	[smem:$0x3F86] =	sst s1;
	(tag) =	ssettag s2;
	_ =	strace s9  }
0x27: {  	s1 =	sld [smem:$0x3F96]  }
0x28: {  	s2 =	sld [smem:$0x3F97]  }
0x29: {  	s4 =	sld [smem:$0x3F99]  }
0x2a: {  	p0 =	seq.s32 s5, $0x0;
	s5 =	sld [smem:$0x3F9A]  }
0x2b: {  	s6 =	sld [smem:$0x3F9B]  }
0x2c: {  	s7 =	sld [smem:$0x3F9C]  }
0x2d: {  	s3 =	simm.s32 $0x108;
	s8 =	sld [smem:$0x3F9D]  }
0x2e: {  	s3 =	simm.s32 @!p0 $0x1082;
	s9 =	sld [smem:$0x3F9E]  }
0x2f: {  	lr =	sadd.s32 s0, s3;
	s0 =	sld [smem:$0x3F95]  }
0x30: {  	s3 =	sld [smem:$0x3F98]  }
0x31: {  	[smem:$0x3FA1] =	sst s10  }
0x32: {  	s10 =	sld [smem:$0x3F9F];
	_ =	sdelay $0x3  }
0x33: {  	p0 =	seq.s32 s10, $0x1;
	s10 =	sld [smem:$0x3FA1];
	_ =	sdelay $0x3  }
0x34: {  	[smem:$0x3FA1] =	sst s10  }
0x35: {  	s10 =	sld [smem:$0x3FA0];
	_ =	sdelay $0x3  }
0x36: {  	p1 =	seq.s32 s10, $0x1;
	s10 =	sld [smem:$0x3FA1];
	_ =	sdelay $0x3  }
0x37: {  	[smem:$0x3FA1] =	sst s10  }
0x38: {  	s10 =	sld [smem:$0x3FA2]  }
0x39: {  	_ = 	snop;
	(pc) =	sbr.ind lr, $3  }
0x3a: {  	_ = 	snop  }
0x3b: {  	_ = 	snop  }
0x3c: {  	p2 =	seq.s32 s10, $0x1;
	s10 =	sld [smem:$0x3FA1]  }
0x3d: {  	_ =	shalt  }
0x3e: {  	_ =	shalt  }
0x3f: {  	_ =	shalt  }
0x40: {  	_ =	shalt  }
0x41: {  	_ =	shalt  }
0x42: {  	_ =	shalt  }
0x43: {  	_ =	shalt  }
0x44: {  	_ =	shalt  }
0x45: {  	_ =	shalt  }
0x46: {  	_ =	shalt  }
0x47: {  	_ =	shalt  }
0x48: {  	_ =	shalt  }
0x49: {  	_ =	shalt  }
0x4a: {  	_ =	shalt  }
0x4b: {  	_ =	shalt  }
0x4c: {  	_ =	shalt  }
0x4d: {  	_ =	shalt  }
0x4e: {  	_ =	shalt  }
0x4f: {  	_ =	shalt  }
0x50: {  	_ =	shalt  }
0x51: {  	_ =	shalt  }
0x52: {  	_ =	shalt  }
0x53: {  	_ =	shalt  }
0x54: {  	_ =	shalt  }
0x55: {  	_ =	shalt  }
0x56: {  	_ =	shalt  }
0x57: {  	_ =	shalt  }
0x58: {  	_ =	shalt  }
0x59: {  	_ =	shalt  }
0x5a: {  	_ =	shalt  }
0x5b: {  	_ =	shalt  }
0x5c: {  	_ =	shalt  }
0x5d: {  	_ =	shalt  }
0x5e: {  	_ =	shalt  }
0x5f: {  	_ =	shalt  }
0x60: {  	_ =	shalt  }
0x61: {  	_ =	shalt  }
0x62: {  	_ =	shalt  }
0x63: {  	_ =	shalt  }
0x64: {  	_ =	shalt  }
0x65: {  	_ =	shalt  }
0x66: {  	_ =	shalt  }
0x67: {  	_ =	shalt  }
0x68: {  	_ =	shalt  }
0x69: {  	_ =	shalt  }
0x6a: {  	_ =	shalt  }
0x6b: {  	_ =	shalt  }
0x6c: {  	_ =	shalt  }
0x6d: {  	_ =	shalt  }
0x6e: {  	_ =	shalt  }
0x6f: {  	_ =	shalt  }
0x70: {  	_ =	shalt  }
0x71: {  	_ =	shalt  }
0x72: {  	_ =	shalt  }
0x73: {  	_ =	shalt  }
0x74: {  	_ =	shalt  }
0x75: {  	_ =	shalt  }
0x76: {  	_ =	shalt  }
0x77: {  	_ =	shalt  }
0x78: {  	_ =	shalt  }
0x79: {  	_ =	shalt  }
0x7a: {  	_ =	shalt  }
0x7b: {  	_ =	shalt  }
0x7c: {  	_ =	shalt  }
0x7d: {  	_ =	shalt  }
0x7e: {  	_ =	shalt  }
0x7f: {  	_ =	shalt  }
0x80: {  	_ =	shalt  }
0x81: {  	_ =	shalt  }
0x82: {  	_ =	shalt  }
0x83: {  	_ =	shalt  }
0x84: {  	_ =	shalt  }
0x85: {  	_ =	shalt  }
0x86: {  	_ =	shalt  }
0x87: {  	_ =	shalt  }
.Lfunc_end0:
.L_simem_size_0:
called_computation.1_lowered:
.L_overlay_start_0:
0x88: {  	s2 =	sld [smem:$0x3FD9]  }
0x89: {  	s3 =	sld [smem:$0x3FFE];
	_ =	sdelay $0x1  }
0x8a: {  	s1 =	srdreg.scid  }
0x8b: {  	s0 =	sand.u32 $0x1, s1  }
0x8c: {  	s17 =	sshll.u32 s0, $0xA;
	s2 =	sadd.s32 s3, s2  }
0x8d: {  	s2 =	sadd.s32 s2, s17  }
0x8e: {  	[smem:$0x3FAD] =	sst s2  }
0x8f: {  	_ = 	snop  }
0x90: {  	s2 =	sld [smem:$0x3FD0];
	(tm) =	ssettm $0x1  }
0x91: {  	s18 =	sld [smem:$0x3FFB];
	_ =	sdelay $0x3  }
0x92: {  	_ =	strace s18  }
0x93: {  	s3 =	sld [smem:$0x3FFC];
	_ =	sdelay $0x3  }
0x94: {  	_ =	strace s3  }
0x95: {  	s3 =	sld [smem:$0x3FFD];
	_ =	sdelay $0x3  }
0x96: {  	_ =	strace s3  }
0x97: {  	_ =	strace $0x8FFFFFFF  }
0x98: {  	s19 =	sld [smem:$0x3FDB];
	_ =	sdelay $0x1  }
0x99: {  	s4 =	simm.s32 $_scs_section_size  }
0x9a: {  	s5 =	simm.s32 $_size__tile_overlayer_lowered;
	s6 =	simm.s32 $_tile_overlayer_lowered  }
0x9b: {  	s22 =	simm.s32 $0x1BFF;
	s21 =	sshll.u32 s6, $0x1;
	s3 =	sadd.s32 s4, s19  }
0x9c: {  	s7 =	simm.s32 $0x0;
	s20 =	sshll.u32 s5, $0x1;
	s5 =	sadd.s32 s21, s3  }
0x9d: {  	[timem:s7], [sflag:s22] =	dma.local [hbm:s5], s20  }
0x9e: {  	_ =	swait.ge [sflag:s22], s20  }
0x9f: {  	s4 =	ssub.s32 $0x0, s20;
	[sflag:s22] =	ssyncset.done $0x0  }
0xa0: {  	[sflag:s22] =	ssyncadd.s32 s4;
	_ =	sdelay $0x1  }
0xa1: {  	s23 =	simm.s32 $0x1B8B  }
0xa2: {  	_ =	swait.ge [sflag:s23], $0x1  }
0xa3: {  	[sflag:s23] =	ssyncset.done $0x0  }
0xa4: {  	s25 =	simm.s32 $0x1B8E;
	s24 =	sld [smem:$0x3FFE];
	[sflag:s23] =	ssyncadd.s32 $0xFFFFFFFF  }
0xa5: {  	s26 =	simm.s32 $execute0_lowered;
	[smem:$0x3FD2] =	sst s25  }
0xa6: {  	s5 =	sshll.u32 s26, $0x1;
	_ =	strace $0x80000049;
	[dreg:$0x1] =	wrdreg $0xFFFFFFFF  }
0xa7: {  	s28 =	simm.s32 $_size_execute0_lowered;
	s3 =	sadd.s32 s3, s5;
	[dreg:$0x0] =	wrdreg $0x0  }
0xa8: {  	s5 =	sshll.u32 s28, $0x1;
	[dreg:$0x2] =	wrdreg s3  }
0xa9: {  	[dreg:$0x3] =	wrdreg s5  }
0xaa: {  	[dreg:$0x4] =	wrdreg $0xC0  }
0xab: {  	_ =	task [dreg:s7], $0x5FFFF  }
0xac: {  	[dreg:$0x1] =	wrdreg $0xFFFFFFFF  }
0xad: {  	[dreg:$0x0] =	wrdreg $0x60  }
0xae: {  	[dreg:$0x2] =	wrdreg s24  }
0xaf: {  	[dreg:$0x3] =	wrdreg s2  }
0xb0: {  	[dreg:$0x4] =	wrdreg $0x9  }
0xb1: {  	_ =	task.clear_ibuf [dreg:s7], $0x5FFFF;
	_ =	strace $0x90000049  }
0xb2: {  	s29 =	simm.s32 $0x9;
	_ =	strace $0x8000004B  }
0xb3: {  	_ =	swait.ge [sflag:s29], $0x1  }
0xb4: {  	[sflag:s29] =	ssyncadd.s32 $0xFFFFFFFF  }
0xb5: {  	_ =	strace $0x9000004B  }
0xb6: {  	_ =	sfence  }
0xb7: {  	s30 =	sld [smem:$0x0];
	_ =	sdelay $0x2  }
0xb8: {  	s31 =	sshll.u32 s1, $0xD;
	s1 =	sshrl.u32 s1, $0x2  }
0xb9: {  	s3 =	sand.u32 $0x4000, s31;
	s1 =	sadd.s32 s1, s30  }
0xba: {  	s0 =	sor.u32 s3, s0;
	s1 =	sshll.u32 s1, $0x11  }
0xbb: {  	s0 =	sor.u32 s1, s0  }
0xbc: {  	s0 =	sadd.s32 $0x8F2B, s0  }
0xbd: {  	[sflag:s0] =	ssyncadd.remote.s32 $0x1  }
0xbe: {  	_ =	sfence.sel $0xFFFF  }
0xbf: {  	[dreg:$0x0] =	wrdreg $0xFFFFFFFF;
	(pc) =	sbr.abs _section_cstart, $3  }
0xc0: {  	[dreg:$0x1] =	wrdreg $0xFFFFFFFF  }
0xc1: {  	_ =	task.clear_ibuf [dreg:s7], $0x2FFFF;
	_ =	strace $0x9FFFFFFF  }
0xc2: {  	(tm) =	ssettm $0x7FFFFFFF  }
0xc3: {  	_ =	shalt  }
tec
execute0_lowered:
.L_overlay_start_1:
0x0: {  	(tag) =	ssettag $0x1  }
0x1: {  	s0 =	rddreg [dreg:$0x0]  }
0x2: {  	s2 =	rddreg [dreg:$0x1]  }
0x3: {  	s1 =	simm.s32 $0x0;
	s3 =	srdreg.scid;
	s14 =	stileid.u32  }
0x4: {  	s30 =	simm.s32 $0x2;
	s6 =	sand.u32 $0x1, s3;
	s3 =	sadd.s32 $0x50CC00, s0  }
0x5: {  	s31 =	simm.s32 $0x2780;
	s4 =	sadd.s32 $0x502E00, s0;
	s9 =	smul.u32 $0x2710, s14  }
0x6: {  	[smem:$0x7FF] =	sst s1;
	s8 =	sadd.s32 $0x4E5400, s0;
	s13 =	smul.u32 $0x9C40, s14  }
0x7: {  	s24 =	sadd.s32 $0x4E5A00, s0;
	s16 =	smul.u32 $0x1388, s14;
	s18 =	sshll.u32 s14, $0x2  }
0x8: {  	_ =	strace $0x8000004A;
	s5 =	sshll.u32 s6, $0x4;
	[dreg:$0x3] =	wrdreg s8  }
0x9: {  	s10 =	smul.u32 $0x27100, s6;
	[dreg:$0x4] =	wrdreg s24;
	s8 =	sadd.s32 $0x4E6000, s0  }
0xa: {  	s11 =	ssub.s32 $0x2, s6;
	s6 =	sshll.u32 s6, $0x6;
	s7 =	sor.u32 s14, s5  }
0xb: {  	s5 =	sadd.s32 $0x58E400, s0;
	s12 =	sshrl.u32 s11, $0x1;
	s17 =	sshrl.u32 s13, $0x3  }
0xc: {  	s20 =	sor.u32 s18, s6;
	s13 =	simm.s32 $0x1B800;
	s14 =	simm.s32 $0x1C000  }
0xd: {  	s7 =	smul.u32 $0x4E2, s7;
	s9 =	sadd.s32 s9, s10;
	s11 =	ssub.s32 s11, s12  }
0xe: {  	s22 =	sshrl.u32 s10, $0x3;
	s23 =	smul.u32 $0x2710, s20;
	s25 =	sshrl.u32 s9, $0x3  }
0xf: {  	s24 =	sadd.s32 s3, s22;
	s6 =	sadd.s32 s8, s22;
	s28 =	smax.u32 s11, $0x1  }
0x10: {  	s29 =	sadd.s32 $0xFA0, s9;
	s11 =	simm.s32 $0x3;
	[dreg:$0xd] =	wrdreg s24  }
0x11: {  	s7 =	sadd.s32 s7, s0;
	s15 =	sadd.s32 s3, s25;
	[dreg:$0xf] =	wrdreg s6  }
0x12: {  	s0 =	sadd.s32 $0x516A00, s0;
	s26 =	sadd.s32 s4, s25;
	[dreg:$0x5] =	wrdreg s15  }
0x13: {  	s12 =	sadd.s32 s5, s25;
	s25 =	sadd.s32 s4, s22;
	[dreg:$0x6] =	wrdreg s26  }
0x14: {  	s22 =	sadd.s32 $0x7D0, s10;
	s6 =	simm.s32 $0x1;
	[dreg:$0x7] =	wrdreg s12  }
0x15: {  	s7 =	sadd.s32 $0x4EFE00, s7;
	s12 =	sadd.s32 s2, s17;
	s2 =	sadd.s32 s2, s16  }
0x16: {  	[dreg:$0xe] =	wrdreg s25;
	s26 =	sshrl.u32 s23, $0x3;
	s23 =	sadd.s32 $0xFA0, s10  }
0x17: {  	s10 =	simm.s32 $0x1A000;
	s15 =	simm.s32 $0xEB80;
	[dreg:$0x8] =	wrdreg s7  }
0x18: {  	s16 =	simm.s32 $0x0;
	[dreg:$0x9] =	wrdreg s2;
	s19 =	sadd.s32 $0x4E2, s12  }
0x19: {  	s21 =	sadd.s32 $0x9C4, s12;
	s2 =	smul.u32 $0x4E2, s20;
	[dreg:$0xa] =	wrdreg s19  }
0x1a: {  	s12 =	sadd.s32 $0xEA6, s12;
	s7 =	simm.s32 $0x4F00;
	[dreg:$0xb] =	wrdreg s21  }
0x1b: {  	[dreg:$0xc] =	wrdreg s12;
	s2 =	sadd.s32 s0, s2;
	s0 =	sadd.s32 s0, s26  }
0x1c: {  	s12 =	simm.s32 $0x1B000;
	[dreg:$0x10] =	wrdreg s2;
	s24 =	sadd.s32 $0x4E2, s0  }
0x1d: {  	v0 =	vimm.f32 $0.0e+00;
	s25 =	sadd.s32 $0x9C4, s0;
	s26 =	sadd.s32 $0xEA6, s0;
	s2 =	simm.s32 $0x19000  }
.LBB2_1:
0x1e: {  	s0 =	rddreg [dreg:$0x3]  }
0x1f: {  	[tilespmem:s1], [sflag:$0x2] =	stream.linear.gather [hbm4b:s0+s1], $0x2780, $0x38;
	[tilespmem:$0x1C800] =	vst v63  }
0x20: {  	_ =	swait.ge [sflag:s30], $0x2780  }
0x21: {  	[sflag:s30] =	ssyncset.done $0x0  }
0x22: {  	s21 =	rddreg [dreg:$0x4];
	[sflag:s30] =	ssyncadd.s32 $0xFFFFD880  }
0x23: {  	[tilespmem:s31], [sflag:$0x2] =	stream.linear.gather [hbm4b:s21+s1], $0x2780, $0x38;
	[tilespmem:$0x1C800] =	vst v63  }
0x24: {  	_ =	swait.ge [sflag:s30], $0x2780  }
0x25: {  	[sflag:s30] =	ssyncset.done $0x0  }
0x26: {  	s18 =	simm.s32 $0x140;
	s17 =	simm.s32 $0x0;
	[sflag:s30] =	ssyncadd.s32 $0xFFFFD880  }
.LBB2_2:
0x27: {  	p0 =	sne.s32 s18, $0x9B00;
	[tilespmem:s17+$0x4F40] =	vst v0;
	s19 =	smov.u32 s18;
	s18 =	sadd.s32 $0x140, s18  }
.Ltmp0:
0x28: {  	[tilespmem:s17+$0x4F30] =	vst v0;
	(pc) =	sbr.rel @p0 .LBB2_2-.Ltmp0, $4  }
0x29: {  	[tilespmem:s17+$0x4F20] =	vst v0  }
0x2a: {  	[tilespmem:s17+$0x4F00] =	vst v0  }
0x2b: {  	[tilespmem:s17+$0x4F10] =	vst v0  }
0x2c: {  	s17 =	sshra.s32 s19, $0x2  }
0x2d: {  	[tilespmem:s17+$0x4F40] =	vst v0  }
0x2e: {  	[tilespmem:s17+$0x4F30] =	vst v0  }
0x2f: {  	[tilespmem:s17+$0x4F20] =	vst v0  }
0x30: {  	[tilespmem:s17+$0x4F00] =	vst v0  }
0x31: {  	[tilespmem:s17+$0x4F10] =	vst v0;
	s17 =	simm.s32 $0x0;
	s0 =	rddreg [dreg:$0x5];
	s18 =	simm.s32 $0x18800  }
0x32: {  	[tilespmem:s18], [sflag:$0x1] =	stream.linear.gather [hbm4b:s0+s17], $0x7D0, $0x38;
	[tilespmem:$0x1C800] =	vst v63  }
.Ltmp1:
0x33: {  	_ = 	snop;
	(pc) =	sbr.rel .LBB2_4-.Ltmp1, $4  }
0x34: {  	s19 =	rddreg [dreg:$0x6]  }
0x35: {  	[tilespmem:s2], [sflag:$0x1] =	stream.linear.gather [hbm4b:s19+s17], $0x7D0, $0x38;
	[tilespmem:$0x1C800] =	vst v63  }
0x36: {  	s20 =	rddreg [dreg:$0x7];
	s21 =	simm.s32 $0x1A800  }
0x37: {  	[tilespmem:s21], [sflag:$0x1] =	stream.linear.gather [hbm4b:s20+s17], $0x7D0, $0x38;
	[tilespmem:$0x1C800] =	vst v63  }
.LBB2_10:
0x38: {  	s17 =	sadd.s32 $0x1, s17  }
0x39: {  	p0 =	sne.s32 s17, $0x3  }
.Ltmp2:
0x3a: {  	_ = 	snop;
	(pc) =	sbr.rel @!p0 .LBB2_11-.Ltmp2, $1  }
0x3b: {  	_ =	sdelay $0x3  }
.LBB2_4:
0x3c: {  	s18 =	sshllo.u32 s17, $0x1  }
0x3d: {  	p0 =	sgt.u32 s18, $0x4  }
0x3e: {  	s19 =	smul.u32 @!p0 $0x7D0, s18;
	_ =	sdelay $0x1  }
0x3f: {  	s19 =	sadd.s32 @!p0 s9, s19  }
0x40: {  	s19 =	sshrl.u32 @!p0 s19, $0x3  }
0x41: {  	s21 =	simm.s32 @!p0 $0x0;
	s0 =	simm.s32 @!p0 $0x1B000;
	s20 =	sadd.s32 @!p0 s3, s19  }
0x42: {  	[tilespmem:s0], [sflag:$0x1] =	stream.linear.gather @!p0 [hbm4b:s20+s21], $0x7D0, $0x38;
	[tilespmem:$0x1C800] =	vst v63  }
0x43: {  	s0 =	sadd.s32 @!p0 s4, s19;
	s20 =	simm.s32 @!p0 $0x1B800  }
0x44: {  	[tilespmem:s20], [sflag:$0x1] =	stream.linear.gather @!p0 [hbm4b:s0+s21], $0x7D0, $0x38;
	[tilespmem:$0x1C800] =	vst v63  }
0x45: {  	s0 =	sadd.s32 @!p0 s5, s19;
	s19 =	simm.s32 @!p0 $0x1C000  }
0x46: {  	[tilespmem:s19], [sflag:$0x1] =	stream.linear.gather @!p0 [hbm4b:s0+s21], $0x7D0, $0x38;
	[tilespmem:$0x1C800] =	vst v63  }
0x47: {  	_ =	swait.ge [sflag:s6], $0x7D0  }
0x48: {  	[sflag:s6] =	ssyncset.done $0x0  }
0x49: {  	[sflag:s6] =	ssyncadd.s32 $0xFFFFF830  }
0x4a: {  	_ =	swait.ge [sflag:s6], $0x7D0  }
0x4b: {  	[sflag:s6] =	ssyncset.done $0x0  }
0x4c: {  	[sflag:s6] =	ssyncadd.s32 $0xFFFFF830  }
0x4d: {  	_ =	swait.ge [sflag:s6], $0x7D0  }
0x4e: {  	[sflag:s6] =	ssyncset.done $0x0  }
0x4f: {  	s19 =	simm.s32 $0x0;
	[sflag:s6] =	ssyncadd.s32 $0xFFFFF830  }
.LBB2_5:
0x50: {  	s20 =	sshra.s32 s19, $0x2  }
0x51: {  	v1 =	vld [tilespmem:s20+$0x18800]  }
0x52: {  	v2 =	vld [tilespmem:s20+$0x19000];
	_ =	sdelay $0x6  }
0x53: {  	v1 =	vld.idx.msk [tilespmem:v1+s1+$0x0], $0xffff  }
0x54: {  	v3 =	vld.idx.msk [tilespmem:v2+s31+$0x0], $0xffff;
	_ =	sdelay $0x1  }
0x55: {  	v4 =	vld [tilespmem:s20+$0x1A800];
	_ =	sdelay $0x2  }
0x56: {  	v1 =	vadd.f32 v3, v1;
	_ =	sdelay $0x1  }
0x57: {  	v1 =	vadd.f32 v1, v4;
	_ =	sdelay $0x1  }
0x58: {  	v3 =	vmul.f32 $2.000000030e-01, v1;
	_ =	sdelay $0x1  }
0x59: {  	v1 =	vmax.f32 v1, v3  }
0x5a: {  	v1 =	vmul.f32 $1.442695020e+00, v1;
	_ =	sdelay $0x1  }
0x5b: {  	(erf) = vpow2.f32 v1;
	_ =	sdelay $0x8  }
0x5c: {  	v1 =	vpop (erf)  }
0x5d: {  	[tilespmem:s20+$0x1A000] =	vst v1  }
0x5e: {  	[tilespmem:v2+s7+$0x0] =	vst.idx.add.f32.msk $0xffff, v1  }
0x5f: {  	v1 =	vld [tilespmem:s20+$0x18810]  }
0x60: {  	v2 =	vld [tilespmem:s20+$0x19010];
	_ =	sdelay $0x6  }
0x61: {  	v1 =	vld.idx.msk [tilespmem:v1+s1+$0x0], $0xffff  }
0x62: {  	v3 =	vld.idx.msk [tilespmem:v2+s31+$0x0], $0xffff;
	_ =	sdelay $0x1  }
0x63: {  	v60 =	vld [tilespmem:s20+$0x1A810];
	_ =	sdelay $0x2  }
0x64: {  	v1 =	vadd.f32 v3, v1;
	_ =	sdelay $0x1  }
0x65: {  	v1 =	vadd.f32 v1, v60;
	_ =	sdelay $0x1  }
0x66: {  	v3 =	vmul.f32 $2.000000030e-01, v1;
	_ =	sdelay $0x1  }
0x67: {  	v1 =	vmax.f32 v1, v3  }
0x68: {  	v1 =	vmul.f32 $1.442695020e+00, v1;
	_ =	sdelay $0x1  }
0x69: {  	(erf) = vpow2.f32 v1;
	_ =	sdelay $0x8  }
0x6a: {  	v1 =	vpop (erf)  }
0x6b: {  	[tilespmem:s20+$0x1A010] =	vst v1  }
0x6c: {  	[tilespmem:v2+s7+$0x0] =	vst.idx.add.f32.msk $0xffff, v1  }
0x6d: {  	v1 =	vld [tilespmem:s20+$0x18820]  }
0x6e: {  	v2 =	vld [tilespmem:s20+$0x19020];
	_ =	sdelay $0x6  }
0x6f: {  	v1 =	vld.idx.msk [tilespmem:v1+s1+$0x0], $0xffff  }
0x70: {  	v3 =	vld.idx.msk [tilespmem:v2+s31+$0x0], $0xffff;
	_ =	sdelay $0x1  }
0x71: {  	v61 =	vld [tilespmem:s20+$0x1A820];
	_ =	sdelay $0x2  }
0x72: {  	v1 =	vadd.f32 v3, v1;
	_ =	sdelay $0x1  }
0x73: {  	v1 =	vadd.f32 v1, v61;
	_ =	sdelay $0x1  }
0x74: {  	v3 =	vmul.f32 $2.000000030e-01, v1;
	_ =	sdelay $0x1  }
0x75: {  	v1 =	vmax.f32 v1, v3  }
0x76: {  	v1 =	vmul.f32 $1.442695020e+00, v1;
	_ =	sdelay $0x1  }
0x77: {  	(erf) = vpow2.f32 v1;
	_ =	sdelay $0x8  }
0x78: {  	v1 =	vpop (erf)  }
0x79: {  	[tilespmem:s20+$0x1A020] =	vst v1  }
0x7a: {  	[tilespmem:v2+s7+$0x0] =	vst.idx.add.f32.msk $0xffff, v1  }
0x7b: {  	v1 =	vld [tilespmem:s20+$0x18830]  }
0x7c: {  	v2 =	vld [tilespmem:s20+$0x19030];
	_ =	sdelay $0x6  }
0x7d: {  	v1 =	vld.idx.msk [tilespmem:v1+s1+$0x0], $0xffff  }
0x7e: {  	v3 =	vld.idx.msk [tilespmem:v2+s31+$0x0], $0xffff;
	_ =	sdelay $0x1  }
0x7f: {  	v62 =	vld [tilespmem:s20+$0x1A830];
	_ =	sdelay $0x2  }
0x80: {  	v1 =	vadd.f32 v3, v1;
	_ =	sdelay $0x1  }
0x81: {  	v1 =	vadd.f32 v1, v62;
	_ =	sdelay $0x1  }
0x82: {  	v3 =	vmul.f32 $2.000000030e-01, v1;
	_ =	sdelay $0x1  }
0x83: {  	v1 =	vmax.f32 v1, v3  }
0x84: {  	v1 =	vmul.f32 $1.442695020e+00, v1;
	_ =	sdelay $0x1  }
0x85: {  	(erf) = vpow2.f32 v1;
	_ =	sdelay $0x8  }
0x86: {  	v1 =	vpop (erf)  }
0x87: {  	[tilespmem:s20+$0x1A030] =	vst v1  }
0x88: {  	[tilespmem:v2+s7+$0x0] =	vst.idx.add.f32.msk $0xffff, v1  }
0x89: {  	v1 =	vld [tilespmem:s20+$0x18840]  }
0x8a: {  	v2 =	vld [tilespmem:s20+$0x19040];
	_ =	sdelay $0x6  }
0x8b: {  	v1 =	vld.idx.msk [tilespmem:v1+s1+$0x0], $0xffff  }
0x8c: {  	v3 =	vld.idx.msk [tilespmem:v2+s31+$0x0], $0xffff;
	_ =	sdelay $0x1  }
0x8d: {  	v63 =	vld [tilespmem:s20+$0x1A840];
	_ =	sdelay $0x2  }
0x8e: {  	v1 =	vadd.f32 v3, v1;
	_ =	sdelay $0x1  }
0x8f: {  	v1 =	vadd.f32 v1, v63;
	_ =	sdelay $0x1  }
0x90: {  	v3 =	vmul.f32 $2.000000030e-01, v1;
	_ =	sdelay $0x1  }
0x91: {  	v1 =	vmax.f32 v1, v3  }
0x92: {  	v1 =	vmul.f32 $1.442695020e+00, v1;
	_ =	sdelay $0x1  }
0x93: {  	(erf) = vpow2.f32 v1;
	_ =	sdelay $0x5  }
0x94: {  	p1 =	sne.s32 s19, $0x1E00  }
.Ltmp3:
0x95: {  	_ = 	snop;
	(pc) =	sbr.rel @p1 .LBB2_5-.Ltmp3, $4  }
0x96: {  	_ = 	snop  }
0x97: {  	v1 =	vpop (erf)  }
0x98: {  	[tilespmem:s20+$0x1A040] =	vst v1  }
0x99: {  	s19 =	sadd.s32 $0x140, s19;
	[tilespmem:v2+s7+$0x0] =	vst.idx.add.f32.msk $0xffff, v1  }
0x9a: {  	s0 =	smul.u32 $0xFA0, s17;
	_ =	sdelay $0x1  }
0x9b: {  	s19 =	sadd.s32 s9, s0  }
0x9c: {  	s19 =	sshrl.u32 s19, $0x3  }
0x9d: {  	p1 =	seq.s32 s17, $0x2;
	s19 =	sadd.s32 s8, s19  }
0x9e: {  	[hbm4b:s19+s1] =	stream.linear.scatter [tilespmem:s10], [sflag:$0x3], $0x7D0, $0x38;
	[tilespmem:$0x1C800] =	vst v63  }
0x9f: {  	s0 =	sadd.s32 @!p1 s0, s29;
	_ =	swait.ge [sflag:s11], $0x7D0  }
0xa0: {  	s20 =	simm.s32 @!p1 $0x0;
	s0 =	sshrl.u32 @!p1 s0, $0x3;
	[sflag:s11] =	ssyncset.done $0x0  }
0xa1: {  	s21 =	simm.s32 @!p1 $0x18800;
	s19 =	sadd.s32 @!p1 s3, s0;
	[sflag:s11] =	ssyncadd.s32 $0xFFFFF830  }
0xa2: {  	[tilespmem:s21], [sflag:$0x1] =	stream.linear.gather @!p1 [hbm4b:s19+s20], $0x7D0, $0x38;
	[tilespmem:$0x1C800] =	vst v63  }
.Ltmp4:
0xa3: {  	_ = 	snop;
	(pc) =	sbr.rel @p0 .LBB2_10-.Ltmp4, $4  }
0xa4: {  	s19 =	sadd.s32 @!p1 s4, s0;
	s21 =	simm.s32 @!p1 $0x19000  }
0xa5: {  	[tilespmem:s21], [sflag:$0x1] =	stream.linear.gather @!p1 [hbm4b:s19+s20], $0x7D0, $0x38;
	[tilespmem:$0x1C800] =	vst v63  }
0xa6: {  	s0 =	sadd.s32 @!p1 s5, s0;
	s19 =	simm.s32 @!p1 $0x1A800  }
0xa7: {  	[tilespmem:s19], [sflag:$0x1] =	stream.linear.gather @!p1 [hbm4b:s0+s20], $0x7D0, $0x38;
	[tilespmem:$0x1C800] =	vst v63  }
0xa8: {  	_ =	swait.ge [sflag:s6], $0x7D0  }
0xa9: {  	[sflag:s6] =	ssyncset.done $0x0  }
0xaa: {  	[sflag:s6] =	ssyncadd.s32 $0xFFFFF830  }
0xab: {  	_ =	swait.ge [sflag:s6], $0x7D0  }
0xac: {  	[sflag:s6] =	ssyncset.done $0x0  }
0xad: {  	[sflag:s6] =	ssyncadd.s32 $0xFFFFF830  }
0xae: {  	_ =	swait.ge [sflag:s6], $0x7D0  }
0xaf: {  	[sflag:s6] =	ssyncset.done $0x0  }
0xb0: {  	s19 =	simm.s32 $0x0;
	[sflag:s6] =	ssyncadd.s32 $0xFFFFF830  }
.LBB2_8:
0xb1: {  	s20 =	sshra.s32 s19, $0x2  }
0xb2: {  	v1 =	vld [tilespmem:s20+$0x1B000]  }
0xb3: {  	v2 =	vld [tilespmem:s20+$0x1B800];
	_ =	sdelay $0x6  }
0xb4: {  	v1 =	vld.idx.msk [tilespmem:v1+s1+$0x0], $0xffff  }
0xb5: {  	v3 =	vld.idx.msk [tilespmem:v2+s31+$0x0], $0xffff;
	_ =	sdelay $0x1  }
0xb6: {  	v4 =	vld [tilespmem:s20+$0x1C000];
	_ =	sdelay $0x2  }
0xb7: {  	v1 =	vadd.f32 v3, v1;
	_ =	sdelay $0x1  }
0xb8: {  	v1 =	vadd.f32 v1, v4;
	_ =	sdelay $0x1  }
0xb9: {  	v3 =	vmul.f32 $2.000000030e-01, v1;
	_ =	sdelay $0x1  }
0xba: {  	v1 =	vmax.f32 v1, v3  }
0xbb: {  	v1 =	vmul.f32 $1.442695020e+00, v1;
	_ =	sdelay $0x1  }
0xbc: {  	(erf) = vpow2.f32 v1;
	_ =	sdelay $0x8  }
0xbd: {  	v1 =	vpop (erf)  }
0xbe: {  	[tilespmem:s20+$0x1A000] =	vst v1  }
0xbf: {  	[tilespmem:v2+s7+$0x0] =	vst.idx.add.f32.msk $0xffff, v1  }
0xc0: {  	v1 =	vld [tilespmem:s20+$0x1B010]  }
0xc1: {  	v2 =	vld [tilespmem:s20+$0x1B810];
	_ =	sdelay $0x6  }
0xc2: {  	v1 =	vld.idx.msk [tilespmem:v1+s1+$0x0], $0xffff  }
0xc3: {  	v3 =	vld.idx.msk [tilespmem:v2+s31+$0x0], $0xffff;
	_ =	sdelay $0x1  }
0xc4: {  	v60 =	vld [tilespmem:s20+$0x1C010];
	_ =	sdelay $0x2  }
0xc5: {  	v1 =	vadd.f32 v3, v1;
	_ =	sdelay $0x1  }
0xc6: {  	v1 =	vadd.f32 v1, v60;
	_ =	sdelay $0x1  }
0xc7: {  	v3 =	vmul.f32 $2.000000030e-01, v1;
	_ =	sdelay $0x1  }
0xc8: {  	v1 =	vmax.f32 v1, v3  }
0xc9: {  	v1 =	vmul.f32 $1.442695020e+00, v1;
	_ =	sdelay $0x1  }
0xca: {  	(erf) = vpow2.f32 v1;
	_ =	sdelay $0x8  }
0xcb: {  	v1 =	vpop (erf)  }
0xcc: {  	[tilespmem:s20+$0x1A010] =	vst v1  }
0xcd: {  	[tilespmem:v2+s7+$0x0] =	vst.idx.add.f32.msk $0xffff, v1  }
0xce: {  	v1 =	vld [tilespmem:s20+$0x1B020]  }
0xcf: {  	v2 =	vld [tilespmem:s20+$0x1B820];
	_ =	sdelay $0x6  }
0xd0: {  	v1 =	vld.idx.msk [tilespmem:v1+s1+$0x0], $0xffff  }
0xd1: {  	v3 =	vld.idx.msk [tilespmem:v2+s31+$0x0], $0xffff;
	_ =	sdelay $0x1  }
0xd2: {  	v61 =	vld [tilespmem:s20+$0x1C020];
	_ =	sdelay $0x2  }
0xd3: {  	v1 =	vadd.f32 v3, v1;
	_ =	sdelay $0x1  }
0xd4: {  	v1 =	vadd.f32 v1, v61;
	_ =	sdelay $0x1  }
0xd5: {  	v3 =	vmul.f32 $2.000000030e-01, v1;
	_ =	sdelay $0x1  }
0xd6: {  	v1 =	vmax.f32 v1, v3  }
0xd7: {  	v1 =	vmul.f32 $1.442695020e+00, v1;
	_ =	sdelay $0x1  }
0xd8: {  	(erf) = vpow2.f32 v1;
	_ =	sdelay $0x8  }
0xd9: {  	v1 =	vpop (erf)  }
0xda: {  	[tilespmem:s20+$0x1A020] =	vst v1  }
0xdb: {  	[tilespmem:v2+s7+$0x0] =	vst.idx.add.f32.msk $0xffff, v1  }
0xdc: {  	v1 =	vld [tilespmem:s20+$0x1B030]  }
0xdd: {  	v2 =	vld [tilespmem:s20+$0x1B830];
	_ =	sdelay $0x6  }
0xde: {  	v1 =	vld.idx.msk [tilespmem:v1+s1+$0x0], $0xffff  }
0xdf: {  	v3 =	vld.idx.msk [tilespmem:v2+s31+$0x0], $0xffff;
	_ =	sdelay $0x1  }
0xe0: {  	v62 =	vld [tilespmem:s20+$0x1C030];
	_ =	sdelay $0x2  }
0xe1: {  	v1 =	vadd.f32 v3, v1;
	_ =	sdelay $0x1  }
0xe2: {  	v1 =	vadd.f32 v1, v62;
	_ =	sdelay $0x1  }
0xe3: {  	v3 =	vmul.f32 $2.000000030e-01, v1;
	_ =	sdelay $0x1  }
0xe4: {  	v1 =	vmax.f32 v1, v3  }
0xe5: {  	v1 =	vmul.f32 $1.442695020e+00, v1;
	_ =	sdelay $0x1  }
0xe6: {  	(erf) = vpow2.f32 v1;
	_ =	sdelay $0x8  }
0xe7: {  	v1 =	vpop (erf)  }
0xe8: {  	[tilespmem:s20+$0x1A030] =	vst v1  }
0xe9: {  	[tilespmem:v2+s7+$0x0] =	vst.idx.add.f32.msk $0xffff, v1  }
0xea: {  	v1 =	vld [tilespmem:s20+$0x1B040]  }
0xeb: {  	v2 =	vld [tilespmem:s20+$0x1B840];
	_ =	sdelay $0x6  }
0xec: {  	v1 =	vld.idx.msk [tilespmem:v1+s1+$0x0], $0xffff  }
0xed: {  	v3 =	vld.idx.msk [tilespmem:v2+s31+$0x0], $0xffff;
	_ =	sdelay $0x1  }
0xee: {  	v63 =	vld [tilespmem:s20+$0x1C040];
	_ =	sdelay $0x2  }
0xef: {  	v1 =	vadd.f32 v3, v1;
	_ =	sdelay $0x1  }
0xf0: {  	v1 =	vadd.f32 v1, v63;
	_ =	sdelay $0x1  }
0xf1: {  	v3 =	vmul.f32 $2.000000030e-01, v1;
	_ =	sdelay $0x1  }
0xf2: {  	v1 =	vmax.f32 v1, v3  }
0xf3: {  	v1 =	vmul.f32 $1.442695020e+00, v1;
	_ =	sdelay $0x1  }
0xf4: {  	(erf) = vpow2.f32 v1;
	_ =	sdelay $0x5  }
0xf5: {  	p0 =	sne.s32 s19, $0x1E00  }
.Ltmp5:
0xf6: {  	_ = 	snop;
	(pc) =	sbr.rel @p0 .LBB2_8-.Ltmp5, $4  }
0xf7: {  	_ = 	snop  }
0xf8: {  	v1 =	vpop (erf)  }
0xf9: {  	[tilespmem:s20+$0x1A040] =	vst v1  }
0xfa: {  	s19 =	sadd.s32 $0x140, s19;
	[tilespmem:v2+s7+$0x0] =	vst.idx.add.f32.msk $0xffff, v1  }
0xfb: {  	s0 =	smul.u32 $0x7D0, s18;
	_ =	sdelay $0x1  }
0xfc: {  	s0 =	sadd.s32 s9, s0  }
0xfd: {  	s0 =	sshrl.u32 s0, $0x3  }
.Ltmp6:
0xfe: {  	s0 =	sadd.s32 s8, s0;
	(pc) =	sbr.rel .LBB2_10-.Ltmp6, $4  }
0xff: {  	[hbm4b:s0+s1] =	stream.linear.scatter [tilespmem:s10], [sflag:$0x2], $0x7D0, $0x38;
	[tilespmem:$0x1C800] =	vst v63  }
0x100: {  	_ =	swait.ge [sflag:s30], $0x7D0  }
0x101: {  	[sflag:s30] =	ssyncset.done $0x0  }
0x102: {  	[sflag:s30] =	ssyncadd.s32 $0xFFFFF830  }
.LBB2_11:
0x103: {  	s0 =	simm.s32 $0x0;
	s17 =	rddreg [dreg:$0x8]  }
0x104: {  	[hbm4b:s17+s0] =	stream.linear.scatter [tilespmem:s7], [sflag:$0x2], $0x2710, $0x38;
	[tilespmem:$0x1C800] =	vst v63  }
0x105: {  	_ =	swait.ge [sflag:s30], $0x2710  }
0x106: {  	[sflag:s30] =	ssyncset.done $0x0  }
0x107: {  	[sflag:s30] =	ssyncadd.s32 $0xFFFFD8F0  }
0x108: {  	[bflag:$0x0] =	sbarrier.arrive $0xFFFF  }
0x109: {  	s20 =	rddreg [dreg:$0x9]  }
0x10a: {  	[tilespmem:s7], [sflag:$0x2] =	stream.linear.gather [hbm4b:s20+s0], $0x2710, $0x38;
	[tilespmem:$0x1C800] =	vst v63  }
0x10b: {  	_ =	swait.ge [sflag:s30], $0x2710  }
0x10c: {  	[sflag:s30] =	ssyncset.done $0x0  }
0x10d: {  	s18 =	simm.s32 $0x7610;
	s21 =	rddreg [dreg:$0xa];
	[sflag:s30] =	ssyncadd.s32 $0xFFFFD8F0  }
0x10e: {  	[tilespmem:s18], [sflag:$0x2] =	stream.linear.gather [hbm4b:s21+s0], $0x2710, $0x38;
	[tilespmem:$0x1C800] =	vst v63  }
0x10f: {  	_ =	swait.ge [sflag:s30], $0x2710  }
0x110: {  	[sflag:s30] =	ssyncset.done $0x0  }
0x111: {  	s19 =	simm.s32 $0x9D20;
	s18 =	rddreg [dreg:$0xb];
	[sflag:s30] =	ssyncadd.s32 $0xFFFFD8F0  }
0x112: {  	[tilespmem:s19], [sflag:$0x2] =	stream.linear.gather [hbm4b:s18+s0], $0x2710, $0x38;
	[tilespmem:$0x1C800] =	vst v63  }
0x113: {  	_ =	swait.ge [sflag:s30], $0x2710  }
0x114: {  	[sflag:s30] =	ssyncset.done $0x0  }
0x115: {  	s21 =	simm.s32 $0xC430;
	s20 =	rddreg [dreg:$0xc];
	[sflag:s30] =	ssyncadd.s32 $0xFFFFD8F0  }
0x116: {  	[tilespmem:s21], [sflag:$0x2] =	stream.linear.gather [hbm4b:s20+s0], $0x2710, $0x38;
	[tilespmem:$0x1C800] =	vst v63  }
0x117: {  	_ =	swait.ge [sflag:s30], $0x2710  }
0x118: {  	[sflag:s30] =	ssyncset.done $0x0  }
0x119: {  	s17 =	simm.s32 $0x0;
	s18 =	simm.s32 $0x140;
	[sflag:s30] =	ssyncadd.s32 $0xFFFFD8F0  }
.LBB2_12:
0x11a: {  	p0 =	sne.s32 s18, $0x26FC0;
	[tilespmem:s17+$0xEBC0] =	vst v0;
	s0 =	smov.u32 s18;
	s18 =	sadd.s32 $0x140, s18  }
.Ltmp7:
0x11b: {  	[tilespmem:s17+$0xEBB0] =	vst v0;
	(pc) =	sbr.rel @p0 .LBB2_12-.Ltmp7, $4  }
0x11c: {  	[tilespmem:s17+$0xEBA0] =	vst v0  }
0x11d: {  	[tilespmem:s17+$0xEB80] =	vst v0  }
0x11e: {  	[tilespmem:s17+$0xEB90] =	vst v0  }
0x11f: {  	s17 =	sshra.s32 s0, $0x2  }
0x120: {  	[tilespmem:s17+$0xEBC0] =	vst v0  }
0x121: {  	[tilespmem:s17+$0xEBB0] =	vst v0  }
0x122: {  	[tilespmem:s17+$0xEBA0] =	vst v0  }
0x123: {  	[tilespmem:s17+$0xEB80] =	vst v0  }
0x124: {  	[tilespmem:s17+$0xEB90] =	vst v0;
	s17 =	simm.s32 $0x0;
	s0 =	rddreg [dreg:$0xd];
	s18 =	simm.s32 $0x18800  }
0x125: {  	[tilespmem:s18], [sflag:$0x1] =	stream.linear.gather [hbm4b:s0+s17], $0x7D0, $0x38;
	[tilespmem:$0x1C800] =	vst v63  }
0x126: {  	s19 =	rddreg [dreg:$0xe]  }
0x127: {  	[tilespmem:s2], [sflag:$0x1] =	stream.linear.gather [hbm4b:s19+s17], $0x7D0, $0x38;
	[tilespmem:$0x1C800] =	vst v63  }
0x128: {  	s20 =	rddreg [dreg:$0xf];
	s21 =	simm.s32 $0x19800;
	s18 =	simm.s32 $0x0  }
0x129: {  	[tilespmem:s21], [sflag:$0x1] =	stream.linear.gather [hbm4b:s20+s17], $0x7D0, $0x38;
	[tilespmem:$0x1C800] =	vst v63  }
.LBB2_14:
0x12a: {  	s19 =	smul.u32 $0xFA0, s18;
	_ =	sdelay $0x1  }
0x12b: {  	s0 =	sadd.s32 s19, s22  }
0x12c: {  	s0 =	sshrl.u32 s0, $0x3  }
0x12d: {  	s20 =	sadd.s32 s3, s0  }
0x12e: {  	[tilespmem:s12], [sflag:$0x1] =	stream.linear.gather [hbm4b:s20+s17], $0x7D0, $0x38;
	[tilespmem:$0x1C800] =	vst v63  }
0x12f: {  	s21 =	sadd.s32 s4, s0  }
0x130: {  	[tilespmem:s13], [sflag:$0x1] =	stream.linear.gather [hbm4b:s21+s17], $0x7D0, $0x38;
	[tilespmem:$0x1C800] =	vst v63  }
0x131: {  	s0 =	sadd.s32 s8, s0  }
0x132: {  	[tilespmem:s14], [sflag:$0x1] =	stream.linear.gather [hbm4b:s0+s17], $0x7D0, $0x38;
	[tilespmem:$0x1C800] =	vst v63  }
0x133: {  	_ =	swait.ge [sflag:s6], $0x7D0  }
0x134: {  	[sflag:s6] =	ssyncset.done $0x0  }
0x135: {  	[sflag:s6] =	ssyncadd.s32 $0xFFFFF830  }
0x136: {  	_ =	swait.ge [sflag:s6], $0x7D0  }
0x137: {  	[sflag:s6] =	ssyncset.done $0x0  }
0x138: {  	[sflag:s6] =	ssyncadd.s32 $0xFFFFF830  }
0x139: {  	_ =	swait.ge [sflag:s6], $0x7D0  }
0x13a: {  	[sflag:s6] =	ssyncset.done $0x0  }
0x13b: {  	s20 =	simm.s32 $0x40;
	s21 =	simm.s32 $0x0;
	[sflag:s6] =	ssyncadd.s32 $0xFFFFF830  }
.LBB2_15:
0x13c: {  	p0 =	sne.s32 s20, $0x1F00;
	v1 =	vld [tilespmem:s21+$0x18800]  }
0x13d: {  	v2 =	vld [tilespmem:s21+$0x19000]  }
0x13e: {  	v3 =	vld [tilespmem:s21+$0x19800];
	_ =	sdelay $0x5  }
0x13f: {  	v4 =	vld.idx.msk [tilespmem:v1+s7+$0x0], $0xffff;
	_ =	sdelay $0x3  }
0x140: {  	v5 =	vadd.s32 $0x2710, v1;
	_ =	sdelay $0x1  }
0x141: {  	v4 =	vmul.f32 v4, v3;
	_ =	sdelay $0x1  }
0x142: {  	[tilespmem:v2+s15+$0x0] =	vst.idx.add.f32.msk $0xffff, v4  }
0x143: {  	v4 =	vld.idx.msk [tilespmem:v5+s7+$0x0], $0xffff;
	_ =	sdelay $0x2  }
0x144: {  	v5 =	vadd.s32 $0x2710, v2  }
0x145: {  	v6 =	vadd.s32 $0x4E20, v1;
	_ =	sdelay $0x1  }
0x146: {  	v4 =	vmul.f32 v4, v3;
	_ =	sdelay $0x1  }
0x147: {  	[tilespmem:v5+s15+$0x0] =	vst.idx.add.f32.msk $0xffff, v4  }
0x148: {  	v4 =	vld.idx.msk [tilespmem:v6+s7+$0x0], $0xffff;
	_ =	sdelay $0x2  }
0x149: {  	v5 =	vadd.s32 $0x4E20, v2  }
0x14a: {  	v1 =	vadd.s32 $0x7530, v1;
	_ =	sdelay $0x1  }
0x14b: {  	v4 =	vmul.f32 v4, v3;
	_ =	sdelay $0x1  }
0x14c: {  	[tilespmem:v5+s15+$0x0] =	vst.idx.add.f32.msk $0xffff, v4  }
0x14d: {  	v1 =	vld.idx.msk [tilespmem:v1+s7+$0x0], $0xffff;
	_ =	sdelay $0x2  }
0x14e: {  	v2 =	vadd.s32 $0x7530, v2  }
.Ltmp8:
0x14f: {  	(pc) =	sbr.rel @p0 .LBB2_15-.Ltmp8, $3  }
0x150: {  	_ = 	snop  }
0x151: {  	v1 =	vmul.f32 v1, v3;
	_ =	sdelay $0x1  }
0x152: {  	s21 =	sshra.s32 s20, $0x2;
	s20 =	sadd.s32 $0x40, s20;
	[tilespmem:v2+s15+$0x0] =	vst.idx.add.f32.msk $0xffff, v1  }
0x153: {  	v1 =	vld [tilespmem:s21+$0x18800];
	_ =	sdelay $0x5  }
0x154: {  	v2 =	vld [tilespmem:s21+$0x19000]  }
0x155: {  	v3 =	vld [tilespmem:s21+$0x19800]  }
0x156: {  	v4 =	vld.idx.msk [tilespmem:v1+s7+$0x0], $0xffff;
	_ =	sdelay $0x2  }
0x157: {  	v5 =	vadd.s32 $0x2710, v1;
	_ =	sdelay $0x1  }
0x158: {  	v4 =	vmul.f32 v4, v3;
	_ =	sdelay $0x1  }
0x159: {  	[tilespmem:v2+s15+$0x0] =	vst.idx.add.f32.msk $0xffff, v4  }
0x15a: {  	v4 =	vld.idx.msk [tilespmem:v5+s7+$0x0], $0xffff;
	_ =	sdelay $0x1  }
0x15b: {  	v62 =	vadd.s32 $0x2710, v2  }
0x15c: {  	v6 =	vadd.s32 $0x4E20, v1;
	_ =	sdelay $0x1  }
0x15d: {  	v4 =	vmul.f32 v4, v3;
	_ =	sdelay $0x1  }
0x15e: {  	[tilespmem:v62+s15+$0x0] =	vst.idx.add.f32.msk $0xffff, v4  }
0x15f: {  	v4 =	vld.idx.msk [tilespmem:v6+s7+$0x0], $0xffff;
	_ =	sdelay $0x1  }
0x160: {  	v63 =	vadd.s32 $0x4E20, v2  }
0x161: {  	v1 =	vadd.s32 $0x7530, v1;
	_ =	sdelay $0x1  }
0x162: {  	v4 =	vmul.f32 v4, v3;
	_ =	sdelay $0x1  }
0x163: {  	[tilespmem:v63+s15+$0x0] =	vst.idx.add.f32.msk $0xffff, v4  }
0x164: {  	v1 =	vld.idx.msk [tilespmem:v1+s7+$0x0], $0xffff;
	_ =	sdelay $0x1  }
0x165: {  	v2 =	vadd.s32 $0x7530, v2;
	_ =	sdelay $0x1  }
0x166: {  	p0 =	seq.s32 s18, $0x27  }
0x167: {  	s0 =	sadd.s32 @!p0 s19, s23;
	v1 =	vmul.f32 v1, v3  }
0x168: {  	s0 =	sshrl.u32 @!p0 s0, $0x3  }
0x169: {  	s20 =	simm.s32 @!p0 $0x0;
	s21 =	simm.s32 @!p0 $0x18800;
	s19 =	sadd.s32 @!p0 s3, s0;
	[tilespmem:v2+s15+$0x0] =	vst.idx.add.f32.msk $0xffff, v1  }
0x16a: {  	[tilespmem:s21], [sflag:$0x1] =	stream.linear.gather @!p0 [hbm4b:s19+s20], $0x7D0, $0x38;
	[tilespmem:$0x1C800] =	vst v63  }
0x16b: {  	s19 =	sadd.s32 @!p0 s4, s0;
	s21 =	simm.s32 @!p0 $0x19000  }
0x16c: {  	[tilespmem:s21], [sflag:$0x1] =	stream.linear.gather @!p0 [hbm4b:s19+s20], $0x7D0, $0x38;
	[tilespmem:$0x1C800] =	vst v63  }
0x16d: {  	s0 =	sadd.s32 @!p0 s8, s0;
	s19 =	simm.s32 @!p0 $0x19800  }
0x16e: {  	[tilespmem:s19], [sflag:$0x1] =	stream.linear.gather @!p0 [hbm4b:s0+s20], $0x7D0, $0x38;
	[tilespmem:$0x1C800] =	vst v63  }
0x16f: {  	_ =	swait.ge [sflag:s6], $0x7D0  }
0x170: {  	[sflag:s6] =	ssyncset.done $0x0  }
0x171: {  	[sflag:s6] =	ssyncadd.s32 $0xFFFFF830  }
0x172: {  	_ =	swait.ge [sflag:s6], $0x7D0  }
0x173: {  	[sflag:s6] =	ssyncset.done $0x0  }
0x174: {  	[sflag:s6] =	ssyncadd.s32 $0xFFFFF830  }
0x175: {  	_ =	swait.ge [sflag:s6], $0x7D0  }
0x176: {  	[sflag:s6] =	ssyncset.done $0x0  }
0x177: {  	s20 =	simm.s32 $0x0;
	s19 =	simm.s32 $0x40;
	[sflag:s6] =	ssyncadd.s32 $0xFFFFF830  }
.LBB2_17:
0x178: {  	p0 =	sne.s32 s19, $0x1F00;
	v1 =	vld [tilespmem:s20+$0x1B000]  }
0x179: {  	v2 =	vld [tilespmem:s20+$0x1B800]  }
0x17a: {  	v3 =	vld [tilespmem:s20+$0x1C000];
	_ =	sdelay $0x5  }
0x17b: {  	v4 =	vld.idx.msk [tilespmem:v1+s7+$0x0], $0xffff;
	_ =	sdelay $0x3  }
0x17c: {  	v5 =	vadd.s32 $0x2710, v1;
	_ =	sdelay $0x1  }
0x17d: {  	v4 =	vmul.f32 v4, v3;
	_ =	sdelay $0x1  }
0x17e: {  	[tilespmem:v2+s15+$0x0] =	vst.idx.add.f32.msk $0xffff, v4  }
0x17f: {  	v4 =	vld.idx.msk [tilespmem:v5+s7+$0x0], $0xffff;
	_ =	sdelay $0x2  }
0x180: {  	v5 =	vadd.s32 $0x2710, v2  }
0x181: {  	v6 =	vadd.s32 $0x4E20, v1;
	_ =	sdelay $0x1  }
0x182: {  	v4 =	vmul.f32 v4, v3;
	_ =	sdelay $0x1  }
0x183: {  	[tilespmem:v5+s15+$0x0] =	vst.idx.add.f32.msk $0xffff, v4  }
0x184: {  	v4 =	vld.idx.msk [tilespmem:v6+s7+$0x0], $0xffff;
	_ =	sdelay $0x2  }
0x185: {  	v5 =	vadd.s32 $0x4E20, v2  }
0x186: {  	v1 =	vadd.s32 $0x7530, v1;
	_ =	sdelay $0x1  }
0x187: {  	v4 =	vmul.f32 v4, v3;
	_ =	sdelay $0x1  }
0x188: {  	[tilespmem:v5+s15+$0x0] =	vst.idx.add.f32.msk $0xffff, v4  }
0x189: {  	v1 =	vld.idx.msk [tilespmem:v1+s7+$0x0], $0xffff;
	_ =	sdelay $0x2  }
0x18a: {  	v2 =	vadd.s32 $0x7530, v2  }
.Ltmp9:
0x18b: {  	(pc) =	sbr.rel @p0 .LBB2_17-.Ltmp9, $3  }
0x18c: {  	_ = 	snop  }
0x18d: {  	v1 =	vmul.f32 v1, v3;
	_ =	sdelay $0x1  }
0x18e: {  	s20 =	sshra.s32 s19, $0x2;
	s19 =	sadd.s32 $0x40, s19;
	[tilespmem:v2+s15+$0x0] =	vst.idx.add.f32.msk $0xffff, v1  }
0x18f: {  	v1 =	vld [tilespmem:s20+$0x1B000];
	_ =	sdelay $0x5  }
0x190: {  	v2 =	vld [tilespmem:s20+$0x1B800]  }
0x191: {  	v3 =	vld [tilespmem:s20+$0x1C000]  }
0x192: {  	v4 =	vld.idx.msk [tilespmem:v1+s7+$0x0], $0xffff;
	_ =	sdelay $0x2  }
0x193: {  	v5 =	vadd.s32 $0x2710, v1;
	_ =	sdelay $0x1  }
0x194: {  	v4 =	vmul.f32 v4, v3;
	_ =	sdelay $0x1  }
0x195: {  	[tilespmem:v2+s15+$0x0] =	vst.idx.add.f32.msk $0xffff, v4  }
0x196: {  	v4 =	vld.idx.msk [tilespmem:v5+s7+$0x0], $0xffff;
	_ =	sdelay $0x1  }
0x197: {  	v62 =	vadd.s32 $0x2710, v2  }
0x198: {  	v6 =	vadd.s32 $0x4E20, v1;
	_ =	sdelay $0x1  }
0x199: {  	v4 =	vmul.f32 v4, v3;
	_ =	sdelay $0x1  }
0x19a: {  	[tilespmem:v62+s15+$0x0] =	vst.idx.add.f32.msk $0xffff, v4  }
0x19b: {  	v4 =	vld.idx.msk [tilespmem:v6+s7+$0x0], $0xffff;
	_ =	sdelay $0x1  }
0x19c: {  	v63 =	vadd.s32 $0x4E20, v2  }
0x19d: {  	v1 =	vadd.s32 $0x7530, v1;
	_ =	sdelay $0x1  }
0x19e: {  	v4 =	vmul.f32 v4, v3;
	_ =	sdelay $0x1  }
0x19f: {  	[tilespmem:v63+s15+$0x0] =	vst.idx.add.f32.msk $0xffff, v4  }
0x1a0: {  	v1 =	vld.idx.msk [tilespmem:v1+s7+$0x0], $0xffff  }
0x1a1: {  	s18 =	sadd.s32 $0x1, s18  }
0x1a2: {  	p0 =	sne.s32 s18, $0x28;
	v2 =	vadd.s32 $0x7530, v2  }
.Ltmp10:
0x1a3: {  	_ = 	snop;
	(pc) =	sbr.rel @p0 .LBB2_14-.Ltmp10, $3  }
0x1a4: {  	_ = 	snop  }
0x1a5: {  	v1 =	vmul.f32 v1, v3;
	_ =	sdelay $0x1  }
0x1a6: {  	[tilespmem:v2+s15+$0x0] =	vst.idx.add.f32.msk $0xffff, v1  }
0x1a7: {  	s0 =	rddreg [dreg:$0x10]  }
0x1a8: {  	[hbm4b:s0+s1] =	stream.linear.scatter [tilespmem:s15], [sflag:$0x2], $0x2710, $0x38;
	[tilespmem:$0x1C800] =	vst v63  }
0x1a9: {  	_ =	swait.ge [sflag:s30], $0x2710  }
0x1aa: {  	[sflag:s30] =	ssyncset.done $0x0  }
0x1ab: {  	s19 =	simm.s32 $0x11290;
	[sflag:s30] =	ssyncadd.s32 $0xFFFFD8F0  }
0x1ac: {  	[hbm4b:s24+s1] =	stream.linear.scatter [tilespmem:s19], [sflag:$0x2], $0x2710, $0x38;
	[tilespmem:$0x1C800] =	vst v63  }
0x1ad: {  	_ =	swait.ge [sflag:s30], $0x2710  }
0x1ae: {  	[sflag:s30] =	ssyncset.done $0x0  }
0x1af: {  	s20 =	simm.s32 $0x139A0;
	[sflag:s30] =	ssyncadd.s32 $0xFFFFD8F0  }
0x1b0: {  	[hbm4b:s25+s1] =	stream.linear.scatter [tilespmem:s20], [sflag:$0x2], $0x2710, $0x38;
	[tilespmem:$0x1C800] =	vst v63  }
0x1b1: {  	s16 =	sadd.s32 $0x1, s16;
	_ =	swait.ge [sflag:s30], $0x2710  }
0x1b2: {  	p0 =	sne.s32 s16, s28;
	[sflag:s30] =	ssyncset.done $0x0  }
.Ltmp11:
0x1b3: {  	s21 =	simm.s32 $0x160B0;
	[sflag:s30] =	ssyncadd.s32 $0xFFFFD8F0;
	(pc) =	sbr.rel @p0 .LBB2_1-.Ltmp11, $4  }
0x1b4: {  	[hbm4b:s26+s1] =	stream.linear.scatter [tilespmem:s21], [sflag:$0x2], $0x2710, $0x38;
	[tilespmem:$0x1C800] =	vst v63  }
0x1b5: {  	_ =	swait.ge [sflag:s30], $0x2710  }
0x1b6: {  	[sflag:s30] =	ssyncset.done $0x0  }
0x1b7: {  	[sflag:s30] =	ssyncadd.s32 $0xFFFFD8F0  }
0x1b8: {  	_ =	sfence.sel $0x180000  }
0x1b9: {  	[bflag:$0x0] =	sbarrier.arrive $0xFFFF  }
0x1ba: {  	_ =	strace $0x9000004A  }
0x1bb: {  	s0 =	stileid.u32;
	[bflag:$0x2] =	sbarrier.arrive $0xFFFF  }
0x1bc: {  	p0 =	sne.s32 s0, $0x0;
	s0 =	rddreg [dreg:$0x2]  }
0x1bd: {  	s0 =	sadd.s32 @!p0 $0x100000, s0  }
0x1be: {  	[sflag:s0] =	ssyncadd.tile.s32 @!p0 $0x1;
	_ =	shalt  }
.Lfunc_end2:
_tile_overlayer_lowered:
.L_overlay_start_2:
0x1bf: {  	(tag) =	ssettag $0x2  }
0x1c0: {  	s0 =	rddreg [dreg:$0x0];
	s2 =	stileid.u32  }
0x1c1: {  	s1 =	rddreg [dreg:$0x1];
	p0 =	sne.s32 s2, $0x0  }
0x1c2: {  	s3 =	rddreg [dreg:$0x2];
	[bflag:$0x3] =	sbarrier.arrive $0xFFFF;
	s2 =	simm.s32 @!p0 $0x1C02  }
0x1c3: {  	[timem:s3], [sflag:s2] =	dma.local @!p0 [hbm:s0], s1  }
0x1c4: {  	s0 =	simm.s32 @!p0 $0x2  }
0x1c5: {  	_ =	swait.ge @!p0 [sflag:s0], s1  }
0x1c6: {  	s1 =	ssub.s32 @!p0 $0x0, s1;
	[sflag:s0] =	ssyncset.done @!p0 $0x0  }
0x1c7: {  	[sflag:s0] =	ssyncadd.s32 @!p0 s1  }
0x1c8: {  	[bflag:$0x3] =	sbarrier.arrive $0xFFFF  }
0x1c9: {  	_ =	shalt  }

// kernel: kernel.18.cloned.1.call-start
scs
__scs_entry_jumppad:
0x0: {  	(pc) =	sbr.rel $0x88, $3  }
0x1: {  	(tag) =	ssettag $0x0;
	lr =	simm.s32 $0x1  }
0x2: {  	[smem:$0x3F86] =	sst lr;
	_ =	strace $0xD0000000  }
0x3: {  	_ = 	snop  }
0x4: {  	_ = 	snop  }
0x5: {  	_ = 	snop  }
0x6: {  	_ = 	snop  }
0x7: {  	_ = 	snop  }
__scs_overlays_trampoline_lowered:
0x8: {  	[smem:$0x3F95] =	sst s0  }
0x9: {  	[smem:$0x3F96] =	sst s1  }
0xa: {  	[smem:$0x3F97] =	sst s2  }
0xb: {  	[smem:$0x3F98] =	sst s3  }
0xc: {  	[smem:$0x3F99] =	sst s4  }
0xd: {  	[smem:$0x3F9A] =	sst s5  }
0xe: {  	[smem:$0x3F9B] =	sst s6  }
0xf: {  	[smem:$0x3F9C] =	sst s7  }
0x10: {  	[smem:$0x3F9D] =	sst s8  }
0x11: {  	[smem:$0x3F9E] =	sst s9;
	s0 =	simm.s32 @!p0 $0x0  }
0x12: {  	s1 =	sld [smem:$0x3F84];
	s0 =	simm.s32 @p0 $0x1  }
0x13: {  	[smem:$0x3F9F] =	sst s0;
	s0 =	simm.s32 @!p1 $0x0  }
0x14: {  	s2 =	sld [smem:$0x3F83];
	s0 =	simm.s32 @p1 $0x1  }
0x15: {  	[smem:$0x3FA0] =	sst s0;
	s0 =	simm.s32 @!p2 $0x0  }
0x16: {  	s3 =	sld [smem:$0x3FDB];
	s0 =	simm.s32 @p2 $0x1  }
0x17: {  	s4 =	simm.s32 $0x1BF5;
	[smem:$0x3FA2] =	sst s0  }
0x18: {  	s0 =	sld [smem:$0x3F85];
	_ =	swait.ge [sflag:s4], $0x0  }
0x19: {  	s7 =	sld [smem:$0x3F86]  }
0x1a: {  	s8 =	sadd.s32 $0xFFFFE003, lr  }
0x1b: {  	s9 =	sadd.s32 $0xFFFFFEF7, lr;
	s5 =	simm.s32 $0xFFFFFFFF;
	p2 =	slt.u32 s8, $0xFFFFF086  }
0x1c: {  	p1 =	slt.u32 s9, $0xF7A;
	s5 =	simm.s32 @!p2 $0x0  }
0x1d: {  	s5 =	simm.s32 @p1 $0x1;
	p0 =	seq.s32 s7, s2  }
0x1e: {  	s7 =	smul.u32 @!p0 $0xF7A, s2;
	p2 =	seq.s32 @!p0 s5, $0x0  }
0x1f: {  	s9 =	smul.u32 $0xF7A, s1;
	s8 =	simm.s32 @!p0 $0x1BF5;
	p2 =	por !p2, p0  }
0x20: {  	[sflag:s8] =	ssyncset.s32 @!p0 $0xFFFFF086;
	s6 =	sadd.s32 @!p0 s3, s7;
	s7 =	simm.s32 @!p0 $0x108  }
0x21: {  	s3 =	sadd.s32 s3, s9;
	s6 =	sadd.s32 @!p0 $0x88, s6;
	s7 =	simm.s32 @p2 $0x1082  }
0x22: {  	[simem:s7], [sflag:s8] =	dma.local @!p0 [hbm:s6], $0xF7A  }
0x23: {  	s9 =	sor.u32 $0xD0000000, s2;
	s6 =	simm.s32 $0x108;
	_ =	swait.ge @!p0 [sflag:s8], $0x0  }
0x24: {  	s3 =	sadd.s32 $0x88, s3;
	s6 =	simm.s32 @!p1 $0x1082;
	[sflag:s4] =	ssyncset.s32 $0xFFFFF086  }
0x25: {  	[simem:s6], [sflag:s4] =	dma.local [hbm:s3], $0xF7A  }
0x26: {  	[smem:$0x3F86] =	sst s1;
	(tag) =	ssettag s2;
	_ =	strace s9  }
0x27: {  	s1 =	sld [smem:$0x3F96]  }
0x28: {  	s2 =	sld [smem:$0x3F97]  }
0x29: {  	s4 =	sld [smem:$0x3F99]  }
0x2a: {  	p0 =	seq.s32 s5, $0x0;
	s5 =	sld [smem:$0x3F9A]  }
0x2b: {  	s6 =	sld [smem:$0x3F9B]  }
0x2c: {  	s7 =	sld [smem:$0x3F9C]  }
0x2d: {  	s3 =	simm.s32 $0x108;
	s8 =	sld [smem:$0x3F9D]  }
0x2e: {  	s3 =	simm.s32 @!p0 $0x1082;
	s9 =	sld [smem:$0x3F9E]  }
0x2f: {  	lr =	sadd.s32 s0, s3;
	s0 =	sld [smem:$0x3F95]  }
0x30: {  	s3 =	sld [smem:$0x3F98]  }
0x31: {  	[smem:$0x3FA1] =	sst s10  }
0x32: {  	s10 =	sld [smem:$0x3F9F];
	_ =	sdelay $0x3  }
0x33: {  	p0 =	seq.s32 s10, $0x1;
	s10 =	sld [smem:$0x3FA1];
	_ =	sdelay $0x3  }
0x34: {  	[smem:$0x3FA1] =	sst s10  }
0x35: {  	s10 =	sld [smem:$0x3FA0];
	_ =	sdelay $0x3  }
0x36: {  	p1 =	seq.s32 s10, $0x1;
	s10 =	sld [smem:$0x3FA1];
	_ =	sdelay $0x3  }
0x37: {  	[smem:$0x3FA1] =	sst s10  }
0x38: {  	s10 =	sld [smem:$0x3FA2]  }
0x39: {  	_ = 	snop;
	(pc) =	sbr.ind lr, $3  }
0x3a: {  	_ = 	snop  }
0x3b: {  	_ = 	snop  }
0x3c: {  	p2 =	seq.s32 s10, $0x1;
	s10 =	sld [smem:$0x3FA1]  }
0x3d: {  	_ =	shalt  }
0x3e: {  	_ =	shalt  }
0x3f: {  	_ =	shalt  }
0x40: {  	_ =	shalt  }
0x41: {  	_ =	shalt  }
0x42: {  	_ =	shalt  }
0x43: {  	_ =	shalt  }
0x44: {  	_ =	shalt  }
0x45: {  	_ =	shalt  }
0x46: {  	_ =	shalt  }
0x47: {  	_ =	shalt  }
0x48: {  	_ =	shalt  }
0x49: {  	_ =	shalt  }
0x4a: {  	_ =	shalt  }
0x4b: {  	_ =	shalt  }
0x4c: {  	_ =	shalt  }
0x4d: {  	_ =	shalt  }
0x4e: {  	_ =	shalt  }
0x4f: {  	_ =	shalt  }
0x50: {  	_ =	shalt  }
0x51: {  	_ =	shalt  }
0x52: {  	_ =	shalt  }
0x53: {  	_ =	shalt  }
0x54: {  	_ =	shalt  }
0x55: {  	_ =	shalt  }
0x56: {  	_ =	shalt  }
0x57: {  	_ =	shalt  }
0x58: {  	_ =	shalt  }
0x59: {  	_ =	shalt  }
0x5a: {  	_ =	shalt  }
0x5b: {  	_ =	shalt  }
0x5c: {  	_ =	shalt  }
0x5d: {  	_ =	shalt  }
0x5e: {  	_ =	shalt  }
0x5f: {  	_ =	shalt  }
0x60: {  	_ =	shalt  }
0x61: {  	_ =	shalt  }
0x62: {  	_ =	shalt  }
0x63: {  	_ =	shalt  }
0x64: {  	_ =	shalt  }
0x65: {  	_ =	shalt  }
0x66: {  	_ =	shalt  }
0x67: {  	_ =	shalt  }
0x68: {  	_ =	shalt  }
0x69: {  	_ =	shalt  }
0x6a: {  	_ =	shalt  }
0x6b: {  	_ =	shalt  }
0x6c: {  	_ =	shalt  }
0x6d: {  	_ =	shalt  }
0x6e: {  	_ =	shalt  }
0x6f: {  	_ =	shalt  }
0x70: {  	_ =	shalt  }
0x71: {  	_ =	shalt  }
0x72: {  	_ =	shalt  }
0x73: {  	_ =	shalt  }
0x74: {  	_ =	shalt  }
0x75: {  	_ =	shalt  }
0x76: {  	_ =	shalt  }
0x77: {  	_ =	shalt  }
0x78: {  	_ =	shalt  }
0x79: {  	_ =	shalt  }
0x7a: {  	_ =	shalt  }
0x7b: {  	_ =	shalt  }
0x7c: {  	_ =	shalt  }
0x7d: {  	_ =	shalt  }
0x7e: {  	_ =	shalt  }
0x7f: {  	_ =	shalt  }
0x80: {  	_ =	shalt  }
0x81: {  	_ =	shalt  }
0x82: {  	_ =	shalt  }
0x83: {  	_ =	shalt  }
0x84: {  	_ =	shalt  }
0x85: {  	_ =	shalt  }
0x86: {  	_ =	shalt  }
0x87: {  	_ =	shalt  }
.Lfunc_end0:
.L_simem_size_0:
called_computation.2_lowered:
.L_overlay_start_0:
0x88: {  	s2 =	sld [smem:$0x3FD9]  }
0x89: {  	s3 =	sld [smem:$0x3FFE];
	_ =	sdelay $0x1  }
0x8a: {  	s1 =	srdreg.scid  }
0x8b: {  	s0 =	sand.u32 $0x1, s1  }
0x8c: {  	s17 =	sshll.u32 s0, $0xA;
	s2 =	sadd.s32 s3, s2  }
0x8d: {  	s2 =	sadd.s32 s2, s17  }
0x8e: {  	[smem:$0x3FAD] =	sst s2  }
0x8f: {  	_ = 	snop  }
0x90: {  	s2 =	sld [smem:$0x3FD0];
	(tm) =	ssettm $0x1  }
0x91: {  	s18 =	sld [smem:$0x3FFB];
	_ =	sdelay $0x3  }
0x92: {  	_ =	strace s18  }
0x93: {  	s3 =	sld [smem:$0x3FFC];
	_ =	sdelay $0x3  }
0x94: {  	_ =	strace s3  }
0x95: {  	s3 =	sld [smem:$0x3FFD];
	_ =	sdelay $0x3  }
0x96: {  	_ =	strace s3  }
0x97: {  	_ =	strace $0x8FFFFFFF  }
0x98: {  	s19 =	sld [smem:$0x3FDB];
	_ =	sdelay $0x1  }
0x99: {  	s4 =	simm.s32 $_scs_section_size  }
0x9a: {  	s5 =	simm.s32 $_size__tile_overlayer_lowered;
	s6 =	simm.s32 $_tile_overlayer_lowered  }
0x9b: {  	s22 =	simm.s32 $0x1BFF;
	s21 =	sshll.u32 s6, $0x1;
	s3 =	sadd.s32 s4, s19  }
0x9c: {  	s7 =	simm.s32 $0x0;
	s20 =	sshll.u32 s5, $0x1;
	s5 =	sadd.s32 s21, s3  }
0x9d: {  	[timem:s7], [sflag:s22] =	dma.local [hbm:s5], s20  }
0x9e: {  	_ =	swait.ge [sflag:s22], s20  }
0x9f: {  	s4 =	ssub.s32 $0x0, s20;
	[sflag:s22] =	ssyncset.done $0x0  }
0xa0: {  	[sflag:s22] =	ssyncadd.s32 s4;
	_ =	sdelay $0x1  }
0xa1: {  	s23 =	simm.s32 $0x1B8B  }
0xa2: {  	_ =	swait.ge [sflag:s23], $0x1  }
0xa3: {  	[sflag:s23] =	ssyncset.done $0x0  }
0xa4: {  	s25 =	simm.s32 $0x1B8E;
	s24 =	sld [smem:$0x3FFE];
	[sflag:s23] =	ssyncadd.s32 $0xFFFFFFFF  }
0xa5: {  	s26 =	simm.s32 $execute0_lowered;
	[smem:$0x3FD2] =	sst s25  }
0xa6: {  	s5 =	sshll.u32 s26, $0x1;
	_ =	strace $0x8000004C;
	[dreg:$0x1] =	wrdreg $0xFFFFFFFF  }
0xa7: {  	s28 =	simm.s32 $_size_execute0_lowered;
	s3 =	sadd.s32 s3, s5;
	[dreg:$0x0] =	wrdreg $0x0  }
0xa8: {  	s5 =	sshll.u32 s28, $0x1;
	[dreg:$0x2] =	wrdreg s3  }
0xa9: {  	[dreg:$0x3] =	wrdreg s5  }
0xaa: {  	[dreg:$0x4] =	wrdreg $0xC0  }
0xab: {  	_ =	task [dreg:s7], $0x5FFFF  }
0xac: {  	[dreg:$0x1] =	wrdreg $0xFFFFFFFF  }
0xad: {  	[dreg:$0x0] =	wrdreg $0x60  }
0xae: {  	[dreg:$0x2] =	wrdreg s24  }
0xaf: {  	[dreg:$0x3] =	wrdreg s2  }
0xb0: {  	[dreg:$0x4] =	wrdreg $0x9  }
0xb1: {  	_ =	task.clear_ibuf [dreg:s7], $0x5FFFF;
	_ =	strace $0x9000004C  }
0xb2: {  	s29 =	simm.s32 $0x9;
	_ =	strace $0x8000004E  }
0xb3: {  	_ =	swait.ge [sflag:s29], $0x1  }
0xb4: {  	[sflag:s29] =	ssyncadd.s32 $0xFFFFFFFF  }
0xb5: {  	_ =	strace $0x9000004E  }
0xb6: {  	_ =	sfence  }
0xb7: {  	s30 =	sld [smem:$0x0];
	_ =	sdelay $0x2  }
0xb8: {  	s31 =	sshll.u32 s1, $0xD;
	s1 =	sshrl.u32 s1, $0x2  }
0xb9: {  	s3 =	sand.u32 $0x4000, s31;
	s1 =	sadd.s32 s1, s30  }
0xba: {  	s0 =	sor.u32 s3, s0;
	s1 =	sshll.u32 s1, $0x11  }
0xbb: {  	s0 =	sor.u32 s1, s0  }
0xbc: {  	s0 =	sadd.s32 $0x8F2B, s0  }
0xbd: {  	[sflag:s0] =	ssyncadd.remote.s32 $0x1  }
0xbe: {  	_ =	sfence.sel $0xFFFF  }
0xbf: {  	[dreg:$0x0] =	wrdreg $0xFFFFFFFF;
	(pc) =	sbr.abs _section_cstart, $3  }
0xc0: {  	[dreg:$0x1] =	wrdreg $0xFFFFFFFF  }
0xc1: {  	_ =	task.clear_ibuf [dreg:s7], $0x2FFFF;
	_ =	strace $0x9FFFFFFF  }
0xc2: {  	(tm) =	ssettm $0x7FFFFFFF  }
0xc3: {  	_ =	shalt  }
tec
execute0_lowered:
.L_overlay_start_1:
0x0: {  	(tag) =	ssettag $0x1  }
0x1: {  	s0 =	rddreg [dreg:$0x0]  }
0x2: {  	s1 =	rddreg [dreg:$0x1]  }
0x3: {  	s3 =	srdreg.scid;
	s2 =	simm.s32 $0x0;
	s14 =	stileid.u32  }
0x4: {  	s30 =	simm.s32 $0x2;
	s31 =	simm.s32 $0x2780;
	s6 =	sand.u32 $0x1, s3  }
0x5: {  	[smem:$0x7FF] =	sst s2;
	s3 =	sadd.s32 $0x50CC00, s0;
	s9 =	smul.u32 $0x2710, s14  }
0x6: {  	s8 =	sadd.s32 $0x516A00, s0;
	s24 =	sadd.s32 $0x517000, s0;
	s13 =	smul.u32 $0x9C40, s14  }
0x7: {  	s16 =	smul.u32 $0x1388, s14;
	s18 =	sshll.u32 s14, $0x2;
	s4 =	sshll.u32 s6, $0x4  }
0x8: {  	_ =	strace $0x8000004D;
	s10 =	smul.u32 $0x27100, s6;
	[dreg:$0x3] =	wrdreg s8  }
0x9: {  	[dreg:$0x4] =	wrdreg s24;
	s8 =	sadd.s32 $0x517600, s0;
	s11 =	ssub.s32 $0x2, s6  }
0xa: {  	s6 =	sshll.u32 s6, $0x6;
	s5 =	sor.u32 s14, s4;
	s4 =	sadd.s32 $0x502E00, s0  }
0xb: {  	s12 =	sshrl.u32 s11, $0x1;
	s17 =	sshrl.u32 s13, $0x3;
	s20 =	sor.u32 s18, s6  }
0xc: {  	s13 =	simm.s32 $0x1B800;
	s14 =	simm.s32 $0x1C000;
	s7 =	smul.u32 $0x4E2, s5  }
0xd: {  	s5 =	sadd.s32 $0x53DC00, s0;
	s9 =	sadd.s32 s9, s10;
	s11 =	ssub.s32 s11, s12  }
0xe: {  	s22 =	sshrl.u32 s10, $0x3;
	s23 =	smul.u32 $0x2710, s20;
	s25 =	sshrl.u32 s9, $0x3  }
0xf: {  	s24 =	sadd.s32 s3, s22;
	s6 =	sadd.s32 s8, s22;
	s28 =	smax.u32 s11, $0x1  }
0x10: {  	s29 =	sadd.s32 $0xFA0, s9;
	s11 =	simm.s32 $0x3;
	[dreg:$0xd] =	wrdreg s24  }
0x11: {  	s7 =	sadd.s32 s7, s0;
	s15 =	sadd.s32 s3, s25;
	[dreg:$0xf] =	wrdreg s6  }
0x12: {  	s0 =	sadd.s32 $0x3400, s0;
	s26 =	sadd.s32 s4, s25;
	[dreg:$0x5] =	wrdreg s15  }
0x13: {  	s12 =	sadd.s32 s5, s25;
	s25 =	sadd.s32 s4, s22;
	[dreg:$0x6] =	wrdreg s26  }
0x14: {  	s22 =	sadd.s32 $0x7D0, s10;
	s6 =	simm.s32 $0x1;
	[dreg:$0x7] =	wrdreg s12  }
0x15: {  	s7 =	sadd.s32 $0x521400, s7;
	s12 =	sadd.s32 s1, s17;
	s1 =	sadd.s32 s1, s16  }
0x16: {  	[dreg:$0xe] =	wrdreg s25;
	s26 =	sshrl.u32 s23, $0x3;
	s23 =	sadd.s32 $0xFA0, s10  }
0x17: {  	s10 =	simm.s32 $0x1A000;
	s15 =	simm.s32 $0xEB80;
	[dreg:$0x8] =	wrdreg s7  }
0x18: {  	s16 =	simm.s32 $0x0;
	[dreg:$0x9] =	wrdreg s1;
	s19 =	sadd.s32 $0x4E2, s12  }
0x19: {  	s21 =	sadd.s32 $0x9C4, s12;
	s1 =	smul.u32 $0x4E2, s20;
	[dreg:$0xa] =	wrdreg s19  }
0x1a: {  	s12 =	sadd.s32 $0xEA6, s12;
	s7 =	simm.s32 $0x4F00;
	[dreg:$0xb] =	wrdreg s21  }
0x1b: {  	[dreg:$0xc] =	wrdreg s12;
	s1 =	sadd.s32 s0, s1;
	s0 =	sadd.s32 s0, s26  }
0x1c: {  	s12 =	simm.s32 $0x1B000;
	[dreg:$0x10] =	wrdreg s1;
	s24 =	sadd.s32 $0x4E2, s0  }
0x1d: {  	v0 =	vimm.f32 $0.0e+00;
	s25 =	sadd.s32 $0x9C4, s0;
	s26 =	sadd.s32 $0xEA6, s0;
	s1 =	simm.s32 $0x19000  }
.LBB2_1:
0x1e: {  	s0 =	rddreg [dreg:$0x3]  }
0x1f: {  	[tilespmem:s2], [sflag:$0x2] =	stream.linear.gather [hbm4b:s0+s2], $0x2780, $0x38;
	[tilespmem:$0x1C800] =	vst v63  }
0x20: {  	_ =	swait.ge [sflag:s30], $0x2780  }
0x21: {  	[sflag:s30] =	ssyncset.done $0x0  }
0x22: {  	s21 =	rddreg [dreg:$0x4];
	[sflag:s30] =	ssyncadd.s32 $0xFFFFD880  }
0x23: {  	[tilespmem:s31], [sflag:$0x2] =	stream.linear.gather [hbm4b:s21+s2], $0x2780, $0x38;
	[tilespmem:$0x1C800] =	vst v63  }
0x24: {  	_ =	swait.ge [sflag:s30], $0x2780  }
0x25: {  	[sflag:s30] =	ssyncset.done $0x0  }
0x26: {  	s18 =	simm.s32 $0x140;
	s17 =	simm.s32 $0x0;
	[sflag:s30] =	ssyncadd.s32 $0xFFFFD880  }
.LBB2_2:
0x27: {  	p0 =	sne.s32 s18, $0x9B00;
	[tilespmem:s17+$0x4F40] =	vst v0;
	s19 =	smov.u32 s18;
	s18 =	sadd.s32 $0x140, s18  }
.Ltmp0:
0x28: {  	[tilespmem:s17+$0x4F30] =	vst v0;
	(pc) =	sbr.rel @p0 .LBB2_2-.Ltmp0, $4  }
0x29: {  	[tilespmem:s17+$0x4F20] =	vst v0  }
0x2a: {  	[tilespmem:s17+$0x4F00] =	vst v0  }
0x2b: {  	[tilespmem:s17+$0x4F10] =	vst v0  }
0x2c: {  	s17 =	sshra.s32 s19, $0x2  }
0x2d: {  	[tilespmem:s17+$0x4F40] =	vst v0  }
0x2e: {  	[tilespmem:s17+$0x4F30] =	vst v0  }
0x2f: {  	[tilespmem:s17+$0x4F20] =	vst v0  }
0x30: {  	[tilespmem:s17+$0x4F00] =	vst v0  }
0x31: {  	[tilespmem:s17+$0x4F10] =	vst v0;
	s17 =	simm.s32 $0x0;
	s0 =	rddreg [dreg:$0x5];
	s18 =	simm.s32 $0x18800  }
0x32: {  	[tilespmem:s18], [sflag:$0x1] =	stream.linear.gather [hbm4b:s0+s17], $0x7D0, $0x38;
	[tilespmem:$0x1C800] =	vst v63  }
.Ltmp1:
0x33: {  	_ = 	snop;
	(pc) =	sbr.rel .LBB2_4-.Ltmp1, $4  }
0x34: {  	s19 =	rddreg [dreg:$0x6]  }
0x35: {  	[tilespmem:s1], [sflag:$0x1] =	stream.linear.gather [hbm4b:s19+s17], $0x7D0, $0x38;
	[tilespmem:$0x1C800] =	vst v63  }
0x36: {  	s20 =	rddreg [dreg:$0x7];
	s21 =	simm.s32 $0x1A800  }
0x37: {  	[tilespmem:s21], [sflag:$0x1] =	stream.linear.gather [hbm4b:s20+s17], $0x7D0, $0x38;
	[tilespmem:$0x1C800] =	vst v63  }
.LBB2_10:
0x38: {  	s17 =	sadd.s32 $0x1, s17  }
0x39: {  	p0 =	sne.s32 s17, $0x3  }
.Ltmp2:
0x3a: {  	_ = 	snop;
	(pc) =	sbr.rel @!p0 .LBB2_11-.Ltmp2, $1  }
0x3b: {  	_ =	sdelay $0x3  }
.LBB2_4:
0x3c: {  	s18 =	sshllo.u32 s17, $0x1  }
0x3d: {  	p0 =	sgt.u32 s18, $0x4  }
0x3e: {  	s19 =	smul.u32 @!p0 $0x7D0, s18;
	_ =	sdelay $0x1  }
0x3f: {  	s19 =	sadd.s32 @!p0 s9, s19  }
0x40: {  	s19 =	sshrl.u32 @!p0 s19, $0x3  }
0x41: {  	s21 =	simm.s32 @!p0 $0x0;
	s0 =	simm.s32 @!p0 $0x1B000;
	s20 =	sadd.s32 @!p0 s3, s19  }
0x42: {  	[tilespmem:s0], [sflag:$0x1] =	stream.linear.gather @!p0 [hbm4b:s20+s21], $0x7D0, $0x38;
	[tilespmem:$0x1C800] =	vst v63  }
0x43: {  	s0 =	sadd.s32 @!p0 s4, s19;
	s20 =	simm.s32 @!p0 $0x1B800  }
0x44: {  	[tilespmem:s20], [sflag:$0x1] =	stream.linear.gather @!p0 [hbm4b:s0+s21], $0x7D0, $0x38;
	[tilespmem:$0x1C800] =	vst v63  }
0x45: {  	s0 =	sadd.s32 @!p0 s5, s19;
	s19 =	simm.s32 @!p0 $0x1C000  }
0x46: {  	[tilespmem:s19], [sflag:$0x1] =	stream.linear.gather @!p0 [hbm4b:s0+s21], $0x7D0, $0x38;
	[tilespmem:$0x1C800] =	vst v63  }
0x47: {  	_ =	swait.ge [sflag:s6], $0x7D0  }
0x48: {  	[sflag:s6] =	ssyncset.done $0x0  }
0x49: {  	[sflag:s6] =	ssyncadd.s32 $0xFFFFF830  }
0x4a: {  	_ =	swait.ge [sflag:s6], $0x7D0  }
0x4b: {  	[sflag:s6] =	ssyncset.done $0x0  }
0x4c: {  	[sflag:s6] =	ssyncadd.s32 $0xFFFFF830  }
0x4d: {  	_ =	swait.ge [sflag:s6], $0x7D0  }
0x4e: {  	[sflag:s6] =	ssyncset.done $0x0  }
0x4f: {  	s19 =	simm.s32 $0x0;
	[sflag:s6] =	ssyncadd.s32 $0xFFFFF830  }
.LBB2_5:
0x50: {  	s20 =	sshra.s32 s19, $0x2  }
0x51: {  	v1 =	vld [tilespmem:s20+$0x18800]  }
0x52: {  	v2 =	vld [tilespmem:s20+$0x19000];
	_ =	sdelay $0x6  }
0x53: {  	v1 =	vld.idx.msk [tilespmem:v1+s2+$0x0], $0xffff  }
0x54: {  	v3 =	vld.idx.msk [tilespmem:v2+s31+$0x0], $0xffff;
	_ =	sdelay $0x1  }
0x55: {  	v4 =	vld [tilespmem:s20+$0x1A800];
	_ =	sdelay $0x2  }
0x56: {  	v1 =	vadd.f32 v3, v1;
	_ =	sdelay $0x1  }
0x57: {  	v1 =	vadd.f32 v1, v4;
	_ =	sdelay $0x1  }
0x58: {  	v3 =	vmul.f32 $2.000000030e-01, v1;
	_ =	sdelay $0x1  }
0x59: {  	v1 =	vmax.f32 v1, v3  }
0x5a: {  	v1 =	vmul.f32 $1.442695020e+00, v1;
	_ =	sdelay $0x1  }
0x5b: {  	(erf) = vpow2.f32 v1;
	_ =	sdelay $0x8  }
0x5c: {  	v1 =	vpop (erf)  }
0x5d: {  	[tilespmem:s20+$0x1A000] =	vst v1  }
0x5e: {  	[tilespmem:v2+s7+$0x0] =	vst.idx.add.f32.msk $0xffff, v1  }
0x5f: {  	v1 =	vld [tilespmem:s20+$0x18810]  }
0x60: {  	v2 =	vld [tilespmem:s20+$0x19010];
	_ =	sdelay $0x6  }
0x61: {  	v1 =	vld.idx.msk [tilespmem:v1+s2+$0x0], $0xffff  }
0x62: {  	v3 =	vld.idx.msk [tilespmem:v2+s31+$0x0], $0xffff;
	_ =	sdelay $0x1  }
0x63: {  	v60 =	vld [tilespmem:s20+$0x1A810];
	_ =	sdelay $0x2  }
0x64: {  	v1 =	vadd.f32 v3, v1;
	_ =	sdelay $0x1  }
0x65: {  	v1 =	vadd.f32 v1, v60;
	_ =	sdelay $0x1  }
0x66: {  	v3 =	vmul.f32 $2.000000030e-01, v1;
	_ =	sdelay $0x1  }
0x67: {  	v1 =	vmax.f32 v1, v3  }
0x68: {  	v1 =	vmul.f32 $1.442695020e+00, v1;
	_ =	sdelay $0x1  }
0x69: {  	(erf) = vpow2.f32 v1;
	_ =	sdelay $0x8  }
0x6a: {  	v1 =	vpop (erf)  }
0x6b: {  	[tilespmem:s20+$0x1A010] =	vst v1  }
0x6c: {  	[tilespmem:v2+s7+$0x0] =	vst.idx.add.f32.msk $0xffff, v1  }
0x6d: {  	v1 =	vld [tilespmem:s20+$0x18820]  }
0x6e: {  	v2 =	vld [tilespmem:s20+$0x19020];
	_ =	sdelay $0x6  }
0x6f: {  	v1 =	vld.idx.msk [tilespmem:v1+s2+$0x0], $0xffff  }
0x70: {  	v3 =	vld.idx.msk [tilespmem:v2+s31+$0x0], $0xffff;
	_ =	sdelay $0x1  }
0x71: {  	v61 =	vld [tilespmem:s20+$0x1A820];
	_ =	sdelay $0x2  }
0x72: {  	v1 =	vadd.f32 v3, v1;
	_ =	sdelay $0x1  }
0x73: {  	v1 =	vadd.f32 v1, v61;
	_ =	sdelay $0x1  }
0x74: {  	v3 =	vmul.f32 $2.000000030e-01, v1;
	_ =	sdelay $0x1  }
0x75: {  	v1 =	vmax.f32 v1, v3  }
0x76: {  	v1 =	vmul.f32 $1.442695020e+00, v1;
	_ =	sdelay $0x1  }
0x77: {  	(erf) = vpow2.f32 v1;
	_ =	sdelay $0x8  }
0x78: {  	v1 =	vpop (erf)  }
0x79: {  	[tilespmem:s20+$0x1A020] =	vst v1  }
0x7a: {  	[tilespmem:v2+s7+$0x0] =	vst.idx.add.f32.msk $0xffff, v1  }
0x7b: {  	v1 =	vld [tilespmem:s20+$0x18830]  }
0x7c: {  	v2 =	vld [tilespmem:s20+$0x19030];
	_ =	sdelay $0x6  }
0x7d: {  	v1 =	vld.idx.msk [tilespmem:v1+s2+$0x0], $0xffff  }
0x7e: {  	v3 =	vld.idx.msk [tilespmem:v2+s31+$0x0], $0xffff;
	_ =	sdelay $0x1  }
0x7f: {  	v62 =	vld [tilespmem:s20+$0x1A830];
	_ =	sdelay $0x2  }
0x80: {  	v1 =	vadd.f32 v3, v1;
	_ =	sdelay $0x1  }
0x81: {  	v1 =	vadd.f32 v1, v62;
	_ =	sdelay $0x1  }
0x82: {  	v3 =	vmul.f32 $2.000000030e-01, v1;
	_ =	sdelay $0x1  }
0x83: {  	v1 =	vmax.f32 v1, v3  }
0x84: {  	v1 =	vmul.f32 $1.442695020e+00, v1;
	_ =	sdelay $0x1  }
0x85: {  	(erf) = vpow2.f32 v1;
	_ =	sdelay $0x8  }
0x86: {  	v1 =	vpop (erf)  }
0x87: {  	[tilespmem:s20+$0x1A030] =	vst v1  }
0x88: {  	[tilespmem:v2+s7+$0x0] =	vst.idx.add.f32.msk $0xffff, v1  }
0x89: {  	v1 =	vld [tilespmem:s20+$0x18840]  }
0x8a: {  	v2 =	vld [tilespmem:s20+$0x19040];
	_ =	sdelay $0x6  }
0x8b: {  	v1 =	vld.idx.msk [tilespmem:v1+s2+$0x0], $0xffff  }
0x8c: {  	v3 =	vld.idx.msk [tilespmem:v2+s31+$0x0], $0xffff;
	_ =	sdelay $0x1  }
0x8d: {  	v63 =	vld [tilespmem:s20+$0x1A840];
	_ =	sdelay $0x2  }
0x8e: {  	v1 =	vadd.f32 v3, v1;
	_ =	sdelay $0x1  }
0x8f: {  	v1 =	vadd.f32 v1, v63;
	_ =	sdelay $0x1  }
0x90: {  	v3 =	vmul.f32 $2.000000030e-01, v1;
	_ =	sdelay $0x1  }
0x91: {  	v1 =	vmax.f32 v1, v3  }
0x92: {  	v1 =	vmul.f32 $1.442695020e+00, v1;
	_ =	sdelay $0x1  }
0x93: {  	(erf) = vpow2.f32 v1;
	_ =	sdelay $0x5  }
0x94: {  	p1 =	sne.s32 s19, $0x1E00  }
.Ltmp3:
0x95: {  	_ = 	snop;
	(pc) =	sbr.rel @p1 .LBB2_5-.Ltmp3, $4  }
0x96: {  	_ = 	snop  }
0x97: {  	v1 =	vpop (erf)  }
0x98: {  	[tilespmem:s20+$0x1A040] =	vst v1  }
0x99: {  	s19 =	sadd.s32 $0x140, s19;
	[tilespmem:v2+s7+$0x0] =	vst.idx.add.f32.msk $0xffff, v1  }
0x9a: {  	s0 =	smul.u32 $0xFA0, s17;
	_ =	sdelay $0x1  }
0x9b: {  	s19 =	sadd.s32 s9, s0  }
0x9c: {  	s19 =	sshrl.u32 s19, $0x3  }
0x9d: {  	p1 =	seq.s32 s17, $0x2;
	s19 =	sadd.s32 s8, s19  }
0x9e: {  	[hbm4b:s19+s2] =	stream.linear.scatter [tilespmem:s10], [sflag:$0x3], $0x7D0, $0x38;
	[tilespmem:$0x1C800] =	vst v63  }
0x9f: {  	s0 =	sadd.s32 @!p1 s0, s29;
	_ =	swait.ge [sflag:s11], $0x7D0  }
0xa0: {  	s20 =	simm.s32 @!p1 $0x0;
	s0 =	sshrl.u32 @!p1 s0, $0x3;
	[sflag:s11] =	ssyncset.done $0x0  }
0xa1: {  	s21 =	simm.s32 @!p1 $0x18800;
	s19 =	sadd.s32 @!p1 s3, s0;
	[sflag:s11] =	ssyncadd.s32 $0xFFFFF830  }
0xa2: {  	[tilespmem:s21], [sflag:$0x1] =	stream.linear.gather @!p1 [hbm4b:s19+s20], $0x7D0, $0x38;
	[tilespmem:$0x1C800] =	vst v63  }
.Ltmp4:
0xa3: {  	_ = 	snop;
	(pc) =	sbr.rel @p0 .LBB2_10-.Ltmp4, $4  }
0xa4: {  	s19 =	sadd.s32 @!p1 s4, s0;
	s21 =	simm.s32 @!p1 $0x19000  }
0xa5: {  	[tilespmem:s21], [sflag:$0x1] =	stream.linear.gather @!p1 [hbm4b:s19+s20], $0x7D0, $0x38;
	[tilespmem:$0x1C800] =	vst v63  }
0xa6: {  	s0 =	sadd.s32 @!p1 s5, s0;
	s19 =	simm.s32 @!p1 $0x1A800  }
0xa7: {  	[tilespmem:s19], [sflag:$0x1] =	stream.linear.gather @!p1 [hbm4b:s0+s20], $0x7D0, $0x38;
	[tilespmem:$0x1C800] =	vst v63  }
0xa8: {  	_ =	swait.ge [sflag:s6], $0x7D0  }
0xa9: {  	[sflag:s6] =	ssyncset.done $0x0  }
0xaa: {  	[sflag:s6] =	ssyncadd.s32 $0xFFFFF830  }
0xab: {  	_ =	swait.ge [sflag:s6], $0x7D0  }
0xac: {  	[sflag:s6] =	ssyncset.done $0x0  }
0xad: {  	[sflag:s6] =	ssyncadd.s32 $0xFFFFF830  }
0xae: {  	_ =	swait.ge [sflag:s6], $0x7D0  }
0xaf: {  	[sflag:s6] =	ssyncset.done $0x0  }
0xb0: {  	s19 =	simm.s32 $0x0;
	[sflag:s6] =	ssyncadd.s32 $0xFFFFF830  }
.LBB2_8:
0xb1: {  	s20 =	sshra.s32 s19, $0x2  }
0xb2: {  	v1 =	vld [tilespmem:s20+$0x1B000]  }
0xb3: {  	v2 =	vld [tilespmem:s20+$0x1B800];
	_ =	sdelay $0x6  }
0xb4: {  	v1 =	vld.idx.msk [tilespmem:v1+s2+$0x0], $0xffff  }
0xb5: {  	v3 =	vld.idx.msk [tilespmem:v2+s31+$0x0], $0xffff;
	_ =	sdelay $0x1  }
0xb6: {  	v4 =	vld [tilespmem:s20+$0x1C000];
	_ =	sdelay $0x2  }
0xb7: {  	v1 =	vadd.f32 v3, v1;
	_ =	sdelay $0x1  }
0xb8: {  	v1 =	vadd.f32 v1, v4;
	_ =	sdelay $0x1  }
0xb9: {  	v3 =	vmul.f32 $2.000000030e-01, v1;
	_ =	sdelay $0x1  }
0xba: {  	v1 =	vmax.f32 v1, v3  }
0xbb: {  	v1 =	vmul.f32 $1.442695020e+00, v1;
	_ =	sdelay $0x1  }
0xbc: {  	(erf) = vpow2.f32 v1;
	_ =	sdelay $0x8  }
0xbd: {  	v1 =	vpop (erf)  }
0xbe: {  	[tilespmem:s20+$0x1A000] =	vst v1  }
0xbf: {  	[tilespmem:v2+s7+$0x0] =	vst.idx.add.f32.msk $0xffff, v1  }
0xc0: {  	v1 =	vld [tilespmem:s20+$0x1B010]  }
0xc1: {  	v2 =	vld [tilespmem:s20+$0x1B810];
	_ =	sdelay $0x6  }
0xc2: {  	v1 =	vld.idx.msk [tilespmem:v1+s2+$0x0], $0xffff  }
0xc3: {  	v3 =	vld.idx.msk [tilespmem:v2+s31+$0x0], $0xffff;
	_ =	sdelay $0x1  }
0xc4: {  	v60 =	vld [tilespmem:s20+$0x1C010];
	_ =	sdelay $0x2  }
0xc5: {  	v1 =	vadd.f32 v3, v1;
	_ =	sdelay $0x1  }
0xc6: {  	v1 =	vadd.f32 v1, v60;
	_ =	sdelay $0x1  }
0xc7: {  	v3 =	vmul.f32 $2.000000030e-01, v1;
	_ =	sdelay $0x1  }
0xc8: {  	v1 =	vmax.f32 v1, v3  }
0xc9: {  	v1 =	vmul.f32 $1.442695020e+00, v1;
	_ =	sdelay $0x1  }
0xca: {  	(erf) = vpow2.f32 v1;
	_ =	sdelay $0x8  }
0xcb: {  	v1 =	vpop (erf)  }
0xcc: {  	[tilespmem:s20+$0x1A010] =	vst v1  }
0xcd: {  	[tilespmem:v2+s7+$0x0] =	vst.idx.add.f32.msk $0xffff, v1  }
0xce: {  	v1 =	vld [tilespmem:s20+$0x1B020]  }
0xcf: {  	v2 =	vld [tilespmem:s20+$0x1B820];
	_ =	sdelay $0x6  }
0xd0: {  	v1 =	vld.idx.msk [tilespmem:v1+s2+$0x0], $0xffff  }
0xd1: {  	v3 =	vld.idx.msk [tilespmem:v2+s31+$0x0], $0xffff;
	_ =	sdelay $0x1  }
0xd2: {  	v61 =	vld [tilespmem:s20+$0x1C020];
	_ =	sdelay $0x2  }
0xd3: {  	v1 =	vadd.f32 v3, v1;
	_ =	sdelay $0x1  }
0xd4: {  	v1 =	vadd.f32 v1, v61;
	_ =	sdelay $0x1  }
0xd5: {  	v3 =	vmul.f32 $2.000000030e-01, v1;
	_ =	sdelay $0x1  }
0xd6: {  	v1 =	vmax.f32 v1, v3  }
0xd7: {  	v1 =	vmul.f32 $1.442695020e+00, v1;
	_ =	sdelay $0x1  }
0xd8: {  	(erf) = vpow2.f32 v1;
	_ =	sdelay $0x8  }
0xd9: {  	v1 =	vpop (erf)  }
0xda: {  	[tilespmem:s20+$0x1A020] =	vst v1  }
0xdb: {  	[tilespmem:v2+s7+$0x0] =	vst.idx.add.f32.msk $0xffff, v1  }
0xdc: {  	v1 =	vld [tilespmem:s20+$0x1B030]  }
0xdd: {  	v2 =	vld [tilespmem:s20+$0x1B830];
	_ =	sdelay $0x6  }
0xde: {  	v1 =	vld.idx.msk [tilespmem:v1+s2+$0x0], $0xffff  }
0xdf: {  	v3 =	vld.idx.msk [tilespmem:v2+s31+$0x0], $0xffff;
	_ =	sdelay $0x1  }
0xe0: {  	v62 =	vld [tilespmem:s20+$0x1C030];
	_ =	sdelay $0x2  }
0xe1: {  	v1 =	vadd.f32 v3, v1;
	_ =	sdelay $0x1  }
0xe2: {  	v1 =	vadd.f32 v1, v62;
	_ =	sdelay $0x1  }
0xe3: {  	v3 =	vmul.f32 $2.000000030e-01, v1;
	_ =	sdelay $0x1  }
0xe4: {  	v1 =	vmax.f32 v1, v3  }
0xe5: {  	v1 =	vmul.f32 $1.442695020e+00, v1;
	_ =	sdelay $0x1  }
0xe6: {  	(erf) = vpow2.f32 v1;
	_ =	sdelay $0x8  }
0xe7: {  	v1 =	vpop (erf)  }
0xe8: {  	[tilespmem:s20+$0x1A030] =	vst v1  }
0xe9: {  	[tilespmem:v2+s7+$0x0] =	vst.idx.add.f32.msk $0xffff, v1  }
0xea: {  	v1 =	vld [tilespmem:s20+$0x1B040]  }
0xeb: {  	v2 =	vld [tilespmem:s20+$0x1B840];
	_ =	sdelay $0x6  }
0xec: {  	v1 =	vld.idx.msk [tilespmem:v1+s2+$0x0], $0xffff  }
0xed: {  	v3 =	vld.idx.msk [tilespmem:v2+s31+$0x0], $0xffff;
	_ =	sdelay $0x1  }
0xee: {  	v63 =	vld [tilespmem:s20+$0x1C040];
	_ =	sdelay $0x2  }
0xef: {  	v1 =	vadd.f32 v3, v1;
	_ =	sdelay $0x1  }
0xf0: {  	v1 =	vadd.f32 v1, v63;
	_ =	sdelay $0x1  }
0xf1: {  	v3 =	vmul.f32 $2.000000030e-01, v1;
	_ =	sdelay $0x1  }
0xf2: {  	v1 =	vmax.f32 v1, v3  }
0xf3: {  	v1 =	vmul.f32 $1.442695020e+00, v1;
	_ =	sdelay $0x1  }
0xf4: {  	(erf) = vpow2.f32 v1;
	_ =	sdelay $0x5  }
0xf5: {  	p0 =	sne.s32 s19, $0x1E00  }
.Ltmp5:
0xf6: {  	_ = 	snop;
	(pc) =	sbr.rel @p0 .LBB2_8-.Ltmp5, $4  }
0xf7: {  	_ = 	snop  }
0xf8: {  	v1 =	vpop (erf)  }
0xf9: {  	[tilespmem:s20+$0x1A040] =	vst v1  }
0xfa: {  	s19 =	sadd.s32 $0x140, s19;
	[tilespmem:v2+s7+$0x0] =	vst.idx.add.f32.msk $0xffff, v1  }
0xfb: {  	s0 =	smul.u32 $0x7D0, s18;
	_ =	sdelay $0x1  }
0xfc: {  	s0 =	sadd.s32 s9, s0  }
0xfd: {  	s0 =	sshrl.u32 s0, $0x3  }
.Ltmp6:
0xfe: {  	s0 =	sadd.s32 s8, s0;
	(pc) =	sbr.rel .LBB2_10-.Ltmp6, $4  }
0xff: {  	[hbm4b:s0+s2] =	stream.linear.scatter [tilespmem:s10], [sflag:$0x2], $0x7D0, $0x38;
	[tilespmem:$0x1C800] =	vst v63  }
0x100: {  	_ =	swait.ge [sflag:s30], $0x7D0  }
0x101: {  	[sflag:s30] =	ssyncset.done $0x0  }
0x102: {  	[sflag:s30] =	ssyncadd.s32 $0xFFFFF830  }
.LBB2_11:
0x103: {  	s0 =	simm.s32 $0x0;
	s17 =	rddreg [dreg:$0x8]  }
0x104: {  	[hbm4b:s17+s0] =	stream.linear.scatter [tilespmem:s7], [sflag:$0x2], $0x2710, $0x38;
	[tilespmem:$0x1C800] =	vst v63  }
0x105: {  	_ =	swait.ge [sflag:s30], $0x2710  }
0x106: {  	[sflag:s30] =	ssyncset.done $0x0  }
0x107: {  	[sflag:s30] =	ssyncadd.s32 $0xFFFFD8F0  }
0x108: {  	[bflag:$0x0] =	sbarrier.arrive $0xFFFF  }
0x109: {  	s20 =	rddreg [dreg:$0x9]  }
0x10a: {  	[tilespmem:s7], [sflag:$0x2] =	stream.linear.gather [hbm4b:s20+s0], $0x2710, $0x38;
	[tilespmem:$0x1C800] =	vst v63  }
0x10b: {  	_ =	swait.ge [sflag:s30], $0x2710  }
0x10c: {  	[sflag:s30] =	ssyncset.done $0x0  }
0x10d: {  	s18 =	simm.s32 $0x7610;
	s21 =	rddreg [dreg:$0xa];
	[sflag:s30] =	ssyncadd.s32 $0xFFFFD8F0  }
0x10e: {  	[tilespmem:s18], [sflag:$0x2] =	stream.linear.gather [hbm4b:s21+s0], $0x2710, $0x38;
	[tilespmem:$0x1C800] =	vst v63  }
0x10f: {  	_ =	swait.ge [sflag:s30], $0x2710  }
0x110: {  	[sflag:s30] =	ssyncset.done $0x0  }
0x111: {  	s19 =	simm.s32 $0x9D20;
	s18 =	rddreg [dreg:$0xb];
	[sflag:s30] =	ssyncadd.s32 $0xFFFFD8F0  }
0x112: {  	[tilespmem:s19], [sflag:$0x2] =	stream.linear.gather [hbm4b:s18+s0], $0x2710, $0x38;
	[tilespmem:$0x1C800] =	vst v63  }
0x113: {  	_ =	swait.ge [sflag:s30], $0x2710  }
0x114: {  	[sflag:s30] =	ssyncset.done $0x0  }
0x115: {  	s21 =	simm.s32 $0xC430;
	s20 =	rddreg [dreg:$0xc];
	[sflag:s30] =	ssyncadd.s32 $0xFFFFD8F0  }
0x116: {  	[tilespmem:s21], [sflag:$0x2] =	stream.linear.gather [hbm4b:s20+s0], $0x2710, $0x38;
	[tilespmem:$0x1C800] =	vst v63  }
0x117: {  	_ =	swait.ge [sflag:s30], $0x2710  }
0x118: {  	[sflag:s30] =	ssyncset.done $0x0  }
0x119: {  	s17 =	simm.s32 $0x0;
	s18 =	simm.s32 $0x140;
	[sflag:s30] =	ssyncadd.s32 $0xFFFFD8F0  }
.LBB2_12:
0x11a: {  	p0 =	sne.s32 s18, $0x26FC0;
	[tilespmem:s17+$0xEBC0] =	vst v0;
	s0 =	smov.u32 s18;
	s18 =	sadd.s32 $0x140, s18  }
.Ltmp7:
0x11b: {  	[tilespmem:s17+$0xEBB0] =	vst v0;
	(pc) =	sbr.rel @p0 .LBB2_12-.Ltmp7, $4  }
0x11c: {  	[tilespmem:s17+$0xEBA0] =	vst v0  }
0x11d: {  	[tilespmem:s17+$0xEB80] =	vst v0  }
0x11e: {  	[tilespmem:s17+$0xEB90] =	vst v0  }
0x11f: {  	s17 =	sshra.s32 s0, $0x2  }
0x120: {  	[tilespmem:s17+$0xEBC0] =	vst v0  }
0x121: {  	[tilespmem:s17+$0xEBB0] =	vst v0  }
0x122: {  	[tilespmem:s17+$0xEBA0] =	vst v0  }
0x123: {  	[tilespmem:s17+$0xEB80] =	vst v0  }
0x124: {  	[tilespmem:s17+$0xEB90] =	vst v0;
	s17 =	simm.s32 $0x0;
	s0 =	rddreg [dreg:$0xd];
	s18 =	simm.s32 $0x18800  }
0x125: {  	[tilespmem:s18], [sflag:$0x1] =	stream.linear.gather [hbm4b:s0+s17], $0x7D0, $0x38;
	[tilespmem:$0x1C800] =	vst v63  }
0x126: {  	s19 =	rddreg [dreg:$0xe]  }
0x127: {  	[tilespmem:s1], [sflag:$0x1] =	stream.linear.gather [hbm4b:s19+s17], $0x7D0, $0x38;
	[tilespmem:$0x1C800] =	vst v63  }
0x128: {  	s20 =	rddreg [dreg:$0xf];
	s21 =	simm.s32 $0x19800;
	s18 =	simm.s32 $0x0  }
0x129: {  	[tilespmem:s21], [sflag:$0x1] =	stream.linear.gather [hbm4b:s20+s17], $0x7D0, $0x38;
	[tilespmem:$0x1C800] =	vst v63  }
.LBB2_14:
0x12a: {  	s19 =	smul.u32 $0xFA0, s18;
	_ =	sdelay $0x1  }
0x12b: {  	s0 =	sadd.s32 s19, s22  }
0x12c: {  	s0 =	sshrl.u32 s0, $0x3  }
0x12d: {  	s20 =	sadd.s32 s3, s0  }
0x12e: {  	[tilespmem:s12], [sflag:$0x1] =	stream.linear.gather [hbm4b:s20+s17], $0x7D0, $0x38;
	[tilespmem:$0x1C800] =	vst v63  }
0x12f: {  	s21 =	sadd.s32 s4, s0  }
0x130: {  	[tilespmem:s13], [sflag:$0x1] =	stream.linear.gather [hbm4b:s21+s17], $0x7D0, $0x38;
	[tilespmem:$0x1C800] =	vst v63  }
0x131: {  	s0 =	sadd.s32 s8, s0  }
0x132: {  	[tilespmem:s14], [sflag:$0x1] =	stream.linear.gather [hbm4b:s0+s17], $0x7D0, $0x38;
	[tilespmem:$0x1C800] =	vst v63  }
0x133: {  	_ =	swait.ge [sflag:s6], $0x7D0  }
0x134: {  	[sflag:s6] =	ssyncset.done $0x0  }
0x135: {  	[sflag:s6] =	ssyncadd.s32 $0xFFFFF830  }
0x136: {  	_ =	swait.ge [sflag:s6], $0x7D0  }
0x137: {  	[sflag:s6] =	ssyncset.done $0x0  }
0x138: {  	[sflag:s6] =	ssyncadd.s32 $0xFFFFF830  }
0x139: {  	_ =	swait.ge [sflag:s6], $0x7D0  }
0x13a: {  	[sflag:s6] =	ssyncset.done $0x0  }
0x13b: {  	s20 =	simm.s32 $0x40;
	s21 =	simm.s32 $0x0;
	[sflag:s6] =	ssyncadd.s32 $0xFFFFF830  }
.LBB2_15:
0x13c: {  	p0 =	sne.s32 s20, $0x1F00;
	v1 =	vld [tilespmem:s21+$0x18800]  }
0x13d: {  	v2 =	vld [tilespmem:s21+$0x19000]  }
0x13e: {  	v3 =	vld [tilespmem:s21+$0x19800];
	_ =	sdelay $0x5  }
0x13f: {  	v4 =	vld.idx.msk [tilespmem:v1+s7+$0x0], $0xffff;
	_ =	sdelay $0x3  }
0x140: {  	v5 =	vadd.s32 $0x2710, v1;
	_ =	sdelay $0x1  }
0x141: {  	v4 =	vmul.f32 v4, v3;
	_ =	sdelay $0x1  }
0x142: {  	[tilespmem:v2+s15+$0x0] =	vst.idx.add.f32.msk $0xffff, v4  }
0x143: {  	v4 =	vld.idx.msk [tilespmem:v5+s7+$0x0], $0xffff;
	_ =	sdelay $0x2  }
0x144: {  	v5 =	vadd.s32 $0x2710, v2  }
0x145: {  	v6 =	vadd.s32 $0x4E20, v1;
	_ =	sdelay $0x1  }
0x146: {  	v4 =	vmul.f32 v4, v3;
	_ =	sdelay $0x1  }
0x147: {  	[tilespmem:v5+s15+$0x0] =	vst.idx.add.f32.msk $0xffff, v4  }
0x148: {  	v4 =	vld.idx.msk [tilespmem:v6+s7+$0x0], $0xffff;
	_ =	sdelay $0x2  }
0x149: {  	v5 =	vadd.s32 $0x4E20, v2  }
0x14a: {  	v1 =	vadd.s32 $0x7530, v1;
	_ =	sdelay $0x1  }
0x14b: {  	v4 =	vmul.f32 v4, v3;
	_ =	sdelay $0x1  }
0x14c: {  	[tilespmem:v5+s15+$0x0] =	vst.idx.add.f32.msk $0xffff, v4  }
0x14d: {  	v1 =	vld.idx.msk [tilespmem:v1+s7+$0x0], $0xffff;
	_ =	sdelay $0x2  }
0x14e: {  	v2 =	vadd.s32 $0x7530, v2  }
.Ltmp8:
0x14f: {  	(pc) =	sbr.rel @p0 .LBB2_15-.Ltmp8, $3  }
0x150: {  	_ = 	snop  }
0x151: {  	v1 =	vmul.f32 v1, v3;
	_ =	sdelay $0x1  }
0x152: {  	s21 =	sshra.s32 s20, $0x2;
	s20 =	sadd.s32 $0x40, s20;
	[tilespmem:v2+s15+$0x0] =	vst.idx.add.f32.msk $0xffff, v1  }
0x153: {  	v1 =	vld [tilespmem:s21+$0x18800];
	_ =	sdelay $0x5  }
0x154: {  	v2 =	vld [tilespmem:s21+$0x19000]  }
0x155: {  	v3 =	vld [tilespmem:s21+$0x19800]  }
0x156: {  	v4 =	vld.idx.msk [tilespmem:v1+s7+$0x0], $0xffff;
	_ =	sdelay $0x2  }
0x157: {  	v5 =	vadd.s32 $0x2710, v1;
	_ =	sdelay $0x1  }
0x158: {  	v4 =	vmul.f32 v4, v3;
	_ =	sdelay $0x1  }
0x159: {  	[tilespmem:v2+s15+$0x0] =	vst.idx.add.f32.msk $0xffff, v4  }
0x15a: {  	v4 =	vld.idx.msk [tilespmem:v5+s7+$0x0], $0xffff;
	_ =	sdelay $0x1  }
0x15b: {  	v62 =	vadd.s32 $0x2710, v2  }
0x15c: {  	v6 =	vadd.s32 $0x4E20, v1;
	_ =	sdelay $0x1  }
0x15d: {  	v4 =	vmul.f32 v4, v3;
	_ =	sdelay $0x1  }
0x15e: {  	[tilespmem:v62+s15+$0x0] =	vst.idx.add.f32.msk $0xffff, v4  }
0x15f: {  	v4 =	vld.idx.msk [tilespmem:v6+s7+$0x0], $0xffff;
	_ =	sdelay $0x1  }
0x160: {  	v63 =	vadd.s32 $0x4E20, v2  }
0x161: {  	v1 =	vadd.s32 $0x7530, v1;
	_ =	sdelay $0x1  }
0x162: {  	v4 =	vmul.f32 v4, v3;
	_ =	sdelay $0x1  }
0x163: {  	[tilespmem:v63+s15+$0x0] =	vst.idx.add.f32.msk $0xffff, v4  }
0x164: {  	v1 =	vld.idx.msk [tilespmem:v1+s7+$0x0], $0xffff;
	_ =	sdelay $0x1  }
0x165: {  	v2 =	vadd.s32 $0x7530, v2;
	_ =	sdelay $0x1  }
0x166: {  	p0 =	seq.s32 s18, $0x27  }
0x167: {  	s0 =	sadd.s32 @!p0 s19, s23;
	v1 =	vmul.f32 v1, v3  }
0x168: {  	s0 =	sshrl.u32 @!p0 s0, $0x3  }
0x169: {  	s20 =	simm.s32 @!p0 $0x0;
	s21 =	simm.s32 @!p0 $0x18800;
	s19 =	sadd.s32 @!p0 s3, s0;
	[tilespmem:v2+s15+$0x0] =	vst.idx.add.f32.msk $0xffff, v1  }
0x16a: {  	[tilespmem:s21], [sflag:$0x1] =	stream.linear.gather @!p0 [hbm4b:s19+s20], $0x7D0, $0x38;
	[tilespmem:$0x1C800] =	vst v63  }
0x16b: {  	s19 =	sadd.s32 @!p0 s4, s0;
	s21 =	simm.s32 @!p0 $0x19000  }
0x16c: {  	[tilespmem:s21], [sflag:$0x1] =	stream.linear.gather @!p0 [hbm4b:s19+s20], $0x7D0, $0x38;
	[tilespmem:$0x1C800] =	vst v63  }
0x16d: {  	s0 =	sadd.s32 @!p0 s8, s0;
	s19 =	simm.s32 @!p0 $0x19800  }
0x16e: {  	[tilespmem:s19], [sflag:$0x1] =	stream.linear.gather @!p0 [hbm4b:s0+s20], $0x7D0, $0x38;
	[tilespmem:$0x1C800] =	vst v63  }
0x16f: {  	_ =	swait.ge [sflag:s6], $0x7D0  }
0x170: {  	[sflag:s6] =	ssyncset.done $0x0  }
0x171: {  	[sflag:s6] =	ssyncadd.s32 $0xFFFFF830  }
0x172: {  	_ =	swait.ge [sflag:s6], $0x7D0  }
0x173: {  	[sflag:s6] =	ssyncset.done $0x0  }
0x174: {  	[sflag:s6] =	ssyncadd.s32 $0xFFFFF830  }
0x175: {  	_ =	swait.ge [sflag:s6], $0x7D0  }
0x176: {  	[sflag:s6] =	ssyncset.done $0x0  }
0x177: {  	s20 =	simm.s32 $0x0;
	s19 =	simm.s32 $0x40;
	[sflag:s6] =	ssyncadd.s32 $0xFFFFF830  }
.LBB2_17:
0x178: {  	p0 =	sne.s32 s19, $0x1F00;
	v1 =	vld [tilespmem:s20+$0x1B000]  }
0x179: {  	v2 =	vld [tilespmem:s20+$0x1B800]  }
0x17a: {  	v3 =	vld [tilespmem:s20+$0x1C000];
	_ =	sdelay $0x5  }
0x17b: {  	v4 =	vld.idx.msk [tilespmem:v1+s7+$0x0], $0xffff;
	_ =	sdelay $0x3  }
0x17c: {  	v5 =	vadd.s32 $0x2710, v1;
	_ =	sdelay $0x1  }
0x17d: {  	v4 =	vmul.f32 v4, v3;
	_ =	sdelay $0x1  }
0x17e: {  	[tilespmem:v2+s15+$0x0] =	vst.idx.add.f32.msk $0xffff, v4  }
0x17f: {  	v4 =	vld.idx.msk [tilespmem:v5+s7+$0x0], $0xffff;
	_ =	sdelay $0x2  }
0x180: {  	v5 =	vadd.s32 $0x2710, v2  }
0x181: {  	v6 =	vadd.s32 $0x4E20, v1;
	_ =	sdelay $0x1  }
0x182: {  	v4 =	vmul.f32 v4, v3;
	_ =	sdelay $0x1  }
0x183: {  	[tilespmem:v5+s15+$0x0] =	vst.idx.add.f32.msk $0xffff, v4  }
0x184: {  	v4 =	vld.idx.msk [tilespmem:v6+s7+$0x0], $0xffff;
	_ =	sdelay $0x2  }
0x185: {  	v5 =	vadd.s32 $0x4E20, v2  }
0x186: {  	v1 =	vadd.s32 $0x7530, v1;
	_ =	sdelay $0x1  }
0x187: {  	v4 =	vmul.f32 v4, v3;
	_ =	sdelay $0x1  }
0x188: {  	[tilespmem:v5+s15+$0x0] =	vst.idx.add.f32.msk $0xffff, v4  }
0x189: {  	v1 =	vld.idx.msk [tilespmem:v1+s7+$0x0], $0xffff;
	_ =	sdelay $0x2  }
0x18a: {  	v2 =	vadd.s32 $0x7530, v2  }
.Ltmp9:
0x18b: {  	(pc) =	sbr.rel @p0 .LBB2_17-.Ltmp9, $3  }
0x18c: {  	_ = 	snop  }
0x18d: {  	v1 =	vmul.f32 v1, v3;
	_ =	sdelay $0x1  }
0x18e: {  	s20 =	sshra.s32 s19, $0x2;
	s19 =	sadd.s32 $0x40, s19;
	[tilespmem:v2+s15+$0x0] =	vst.idx.add.f32.msk $0xffff, v1  }
0x18f: {  	v1 =	vld [tilespmem:s20+$0x1B000];
	_ =	sdelay $0x5  }
0x190: {  	v2 =	vld [tilespmem:s20+$0x1B800]  }
0x191: {  	v3 =	vld [tilespmem:s20+$0x1C000]  }
0x192: {  	v4 =	vld.idx.msk [tilespmem:v1+s7+$0x0], $0xffff;
	_ =	sdelay $0x2  }
0x193: {  	v5 =	vadd.s32 $0x2710, v1;
	_ =	sdelay $0x1  }
0x194: {  	v4 =	vmul.f32 v4, v3;
	_ =	sdelay $0x1  }
0x195: {  	[tilespmem:v2+s15+$0x0] =	vst.idx.add.f32.msk $0xffff, v4  }
0x196: {  	v4 =	vld.idx.msk [tilespmem:v5+s7+$0x0], $0xffff;
	_ =	sdelay $0x1  }
0x197: {  	v62 =	vadd.s32 $0x2710, v2  }
0x198: {  	v6 =	vadd.s32 $0x4E20, v1;
	_ =	sdelay $0x1  }
0x199: {  	v4 =	vmul.f32 v4, v3;
	_ =	sdelay $0x1  }
0x19a: {  	[tilespmem:v62+s15+$0x0] =	vst.idx.add.f32.msk $0xffff, v4  }
0x19b: {  	v4 =	vld.idx.msk [tilespmem:v6+s7+$0x0], $0xffff;
	_ =	sdelay $0x1  }
0x19c: {  	v63 =	vadd.s32 $0x4E20, v2  }
0x19d: {  	v1 =	vadd.s32 $0x7530, v1;
	_ =	sdelay $0x1  }
0x19e: {  	v4 =	vmul.f32 v4, v3;
	_ =	sdelay $0x1  }
0x19f: {  	[tilespmem:v63+s15+$0x0] =	vst.idx.add.f32.msk $0xffff, v4  }
0x1a0: {  	v1 =	vld.idx.msk [tilespmem:v1+s7+$0x0], $0xffff  }
0x1a1: {  	s18 =	sadd.s32 $0x1, s18  }
0x1a2: {  	p0 =	sne.s32 s18, $0x28;
	v2 =	vadd.s32 $0x7530, v2  }
.Ltmp10:
0x1a3: {  	_ = 	snop;
	(pc) =	sbr.rel @p0 .LBB2_14-.Ltmp10, $3  }
0x1a4: {  	_ = 	snop  }
0x1a5: {  	v1 =	vmul.f32 v1, v3;
	_ =	sdelay $0x1  }
0x1a6: {  	[tilespmem:v2+s15+$0x0] =	vst.idx.add.f32.msk $0xffff, v1  }
0x1a7: {  	s0 =	rddreg [dreg:$0x10]  }
0x1a8: {  	[hbm4b:s0+s2] =	stream.linear.scatter [tilespmem:s15], [sflag:$0x2], $0x2710, $0x38;
	[tilespmem:$0x1C800] =	vst v63  }
0x1a9: {  	_ =	swait.ge [sflag:s30], $0x2710  }
0x1aa: {  	[sflag:s30] =	ssyncset.done $0x0  }
0x1ab: {  	s19 =	simm.s32 $0x11290;
	[sflag:s30] =	ssyncadd.s32 $0xFFFFD8F0  }
0x1ac: {  	[hbm4b:s24+s2] =	stream.linear.scatter [tilespmem:s19], [sflag:$0x2], $0x2710, $0x38;
	[tilespmem:$0x1C800] =	vst v63  }
0x1ad: {  	_ =	swait.ge [sflag:s30], $0x2710  }
0x1ae: {  	[sflag:s30] =	ssyncset.done $0x0  }
0x1af: {  	s20 =	simm.s32 $0x139A0;
	[sflag:s30] =	ssyncadd.s32 $0xFFFFD8F0  }
0x1b0: {  	[hbm4b:s25+s2] =	stream.linear.scatter [tilespmem:s20], [sflag:$0x2], $0x2710, $0x38;
	[tilespmem:$0x1C800] =	vst v63  }
0x1b1: {  	s16 =	sadd.s32 $0x1, s16;
	_ =	swait.ge [sflag:s30], $0x2710  }
0x1b2: {  	p0 =	sne.s32 s16, s28;
	[sflag:s30] =	ssyncset.done $0x0  }
.Ltmp11:
0x1b3: {  	s21 =	simm.s32 $0x160B0;
	[sflag:s30] =	ssyncadd.s32 $0xFFFFD8F0;
	(pc) =	sbr.rel @p0 .LBB2_1-.Ltmp11, $4  }
0x1b4: {  	[hbm4b:s26+s2] =	stream.linear.scatter [tilespmem:s21], [sflag:$0x2], $0x2710, $0x38;
	[tilespmem:$0x1C800] =	vst v63  }
0x1b5: {  	_ =	swait.ge [sflag:s30], $0x2710  }
0x1b6: {  	[sflag:s30] =	ssyncset.done $0x0  }
0x1b7: {  	[sflag:s30] =	ssyncadd.s32 $0xFFFFD8F0  }
0x1b8: {  	_ =	sfence.sel $0x180000  }
0x1b9: {  	[bflag:$0x0] =	sbarrier.arrive $0xFFFF  }
0x1ba: {  	_ =	strace $0x9000004D  }
0x1bb: {  	s0 =	stileid.u32;
	[bflag:$0x2] =	sbarrier.arrive $0xFFFF  }
0x1bc: {  	p0 =	sne.s32 s0, $0x0;
	s0 =	rddreg [dreg:$0x2]  }
0x1bd: {  	s0 =	sadd.s32 @!p0 $0x100000, s0  }
0x1be: {  	[sflag:s0] =	ssyncadd.tile.s32 @!p0 $0x1;
	_ =	shalt  }
.Lfunc_end2:
_tile_overlayer_lowered:
.L_overlay_start_2:
0x1bf: {  	(tag) =	ssettag $0x2  }
0x1c0: {  	s0 =	rddreg [dreg:$0x0];
	s2 =	stileid.u32  }
0x1c1: {  	s1 =	rddreg [dreg:$0x1];
	p0 =	sne.s32 s2, $0x0  }
0x1c2: {  	s3 =	rddreg [dreg:$0x2];
	[bflag:$0x3] =	sbarrier.arrive $0xFFFF;
	s2 =	simm.s32 @!p0 $0x1C02  }
0x1c3: {  	[timem:s3], [sflag:s2] =	dma.local @!p0 [hbm:s0], s1  }
0x1c4: {  	s0 =	simm.s32 @!p0 $0x2  }
0x1c5: {  	_ =	swait.ge @!p0 [sflag:s0], s1  }
0x1c6: {  	s1 =	ssub.s32 @!p0 $0x0, s1;
	[sflag:s0] =	ssyncset.done @!p0 $0x0  }
0x1c7: {  	[sflag:s0] =	ssyncadd.s32 @!p0 s1  }
0x1c8: {  	[bflag:$0x3] =	sbarrier.arrive $0xFFFF  }
0x1c9: {  	_ =	shalt  }

</sc_bundles>
